<compile_context>
chip_gen: v7x
topology: tpu7x:2x2x1
jax: 0.10.2.dev20260603
libtpu: 0.0.44.dev20260713+nightly
codegen_flags: <defaults>
</compile_context>

<pallas_src>
import jax
import jax.numpy as jnp
from jax import lax
from jax.experimental import pallas as pl
from jax.experimental.pallas import tpu as pltpu
from jax.experimental.pallas import tpu_sc as plsc

N = 10000
D = 128
E = 320000
NC = 2
NS = 16
NW = NC * NS
K = 128
CH = 80
EP = NW * K * CH
NP = 10240
RPT = NP // NS
BR = 512
NB = NP // BR

_mesh = plsc.VectorSubcoreMesh(
    core_axis_name="c", subcore_axis_name="s", num_cores=NC, num_subcores=NS
)


def _deg_body(dst_hbm, out_hbm, ones_v, idx_v, zer_v, acc_sh):
    c = lax.axis_index("c")
    s = lax.axis_index("s")
    w = c * NS + s
    for i in range(K // 16):
        ones_v[pl.ds(i * 16, 16)] = jnp.full((16,), 1.0, jnp.float32)
    for i in range(RPT // 16):
        zer_v[pl.ds(i * 16, 16)] = jnp.zeros((16,), jnp.float32)
    r0 = s * RPT
    pltpu.sync_copy(zer_v, acc_sh.at[pl.ds(r0, RPT)])
    pltpu.sync_copy(dst_hbm.at[w], idx_v)
    plsc.subcore_barrier()
    def body(ch, carry):
        pltpu.sync_copy(ones_v, acc_sh.at[idx_v.at[ch]], add=True)
        return carry
    lax.fori_loop(0, CH, body, 0)
    plsc.subcore_barrier()
    pltpu.sync_copy(acc_sh.at[pl.ds(r0, RPT)], out_hbm.at[pl.ds(c * NP + r0, RPT)])


_deg = pl.kernel(
    _deg_body,
    out_type=jax.ShapeDtypeStruct((NC * NP,), jnp.float32),
    mesh=_mesh,
    scratch_types=[
        pltpu.VMEM((K,), jnp.float32),
        pltpu.VMEM((CH, K), jnp.int32),
        pltpu.VMEM((RPT,), jnp.float32),
        pltpu.VMEM_SHARED((NP,), jnp.float32),
    ],
)


def _spmm_body(g_hbm, src_hbm, dst_hbm, zeros_hbm, out_hbm,
               src0, src1, dstb0, dstb1, rows0, rows1, acc_sh,
               semis0, semis1, semid0, semid1, semg0, semg1,
               sem_s0, sem_s1):
    c = lax.axis_index("c")
    s = lax.axis_index("s")
    w = c * NS + s
    r0 = s * RPT
    @pl.when(c == 0)
    def _():
        pltpu.sync_copy(g_hbm.at[pl.ds(r0, RPT)], acc_sh.at[pl.ds(r0, RPT)])
    @pl.when(c != 0)
    def _():
        pltpu.sync_copy(zeros_hbm.at[pl.ds(r0, RPT)], acc_sh.at[pl.ds(r0, RPT)])
    plsc.subcore_barrier()

    def srcload(ch, buf, sem):
        pltpu.async_copy(src_hbm.at[w, ch], buf, sem)

    def srcwait(ch, buf, sem):
        pltpu.make_async_copy(src_hbm.at[w, ch], buf, sem).wait()

    def dstload(ch, buf, sem):
        pltpu.async_copy(dst_hbm.at[w, pl.ds(2 * ch, 2)], buf, sem)

    def dstwait(ch, buf, sem):
        pltpu.make_async_copy(dst_hbm.at[w, pl.ds(2 * ch, 2)], buf,
                              sem).wait()

    def gather(buf_idx, buf, sem):
        pltpu.async_copy(g_hbm.at[buf_idx], buf, sem)

    def gatherwait(buf_idx, buf, sem):
        pltpu.make_async_copy(g_hbm.at[buf_idx], buf, sem).wait()

    srcload(0, src0, semis0)
    dstload(0, dstb0, semid0)
    srcload(1, src1, semis1)
    dstload(1, dstb1, semid1)
    srcwait(0, src0, semis0)
    gather(src0, rows0, semg0)
    srcwait(1, src1, semis1)
    gather(src1, rows1, semg1)

    def half(ch, sbuf, dbuf, rows_b, semis_b, semid_b, semg_b):
        gatherwait(sbuf, rows_b, semg_b)
        @pl.when(ch + 2 < CH)
        def _():
            srcload(ch + 2, sbuf, semis_b)
        dstwait(ch, dbuf, semid_b)
        c0 = pltpu.async_copy(rows_b.at[pl.ds(0, K // 2)],
                              acc_sh.at[dbuf.at[0]], sem_s0, add=True)
        c1 = pltpu.async_copy(rows_b.at[pl.ds(K // 2, K // 2)],
                              acc_sh.at[dbuf.at[1]], sem_s1, add=True)
        c0.wait()
        c1.wait()
        @pl.when(ch + 2 < CH)
        def _():
            dstload(ch + 2, dbuf, semid_b)
            srcwait(ch + 2, sbuf, semis_b)
            gather(sbuf, rows_b, semg_b)

    def body(i, carry):
        ch0 = 2 * i
        half(ch0, src0, dstb0, rows0, semis0, semid0, semg0)
        half(ch0 + 1, src1, dstb1, rows1, semis1, semid1, semg1)
        return carry

    lax.fori_loop(0, CH // 2, body, 0)
    plsc.subcore_barrier()
    pltpu.sync_copy(acc_sh.at[pl.ds(r0, RPT)],
                    out_hbm.at[pl.ds(c * NP + r0, RPT)])


_spmm = pl.kernel(
    _spmm_body,
    out_type=jax.ShapeDtypeStruct((NC * NP, D), jnp.float32),
    mesh=_mesh,
    scratch_types=[
        pltpu.VMEM((K,), jnp.int32),
        pltpu.VMEM((K,), jnp.int32),
        pltpu.VMEM((2, K // 2), jnp.int32),
        pltpu.VMEM((2, K // 2), jnp.int32),
        pltpu.VMEM((K, D), jnp.float32),
        pltpu.VMEM((K, D), jnp.float32),
        pltpu.VMEM_SHARED((NP, D), jnp.float32),
        pltpu.SemaphoreType.DMA,
        pltpu.SemaphoreType.DMA,
        pltpu.SemaphoreType.DMA,
        pltpu.SemaphoreType.DMA,
        pltpu.SemaphoreType.DMA,
        pltpu.SemaphoreType.DMA,
        pltpu.SemaphoreType.DMA,
        pltpu.SemaphoreType.DMA,
    ],
)


def _dots_body(h_hbm, src_hbm, dst_hbm, out_hbm,
               src_v, dst_v, hs0, hd0, hs1, hd1, hs2, hd2,
               res0, res1, res2, tb_v,
               semg0, semg1, semg2, semr0, semr1, semr2):
    c = lax.axis_index("c")
    s = lax.axis_index("s")
    w = c * NS + s
    pltpu.sync_copy(src_hbm.at[w], src_v)
    pltpu.sync_copy(dst_hbm.at[w], dst_v)
    lanes = lax.iota(jnp.int32, 16)
    bufs = ((hs0, hd0, semg0), (hs1, hd1, semg1), (hs2, hd2, semg2))
    res_bufs = (res0, res1, res2)
    semr = (semr0, semr1, semr2)

    def gathers(ch, b):
        hs, hd, sem = bufs[b]
        pltpu.async_copy(h_hbm.at[src_v.at[ch]], hs, sem)
        pltpu.async_copy(h_hbm.at[dst_v.at[ch]], hd, sem)

    def wait(ch, b):
        hs, hd, sem = bufs[b]
        pltpu.make_async_copy(h_hbm.at[src_v.at[ch]], hs, sem).wait()
        pltpu.make_async_copy(h_hbm.at[dst_v.at[ch]], hd, sem).wait()

    addr_base = lanes * 16

    def dots(ch, b):
        hs, hd, _ = bufs[b]
        res = res_bufs[b]
        @plsc.parallel_loop(0, K // 16, 1, unroll=1)
        def group(g):
            @plsc.parallel_loop(0, 16, 1, unroll=4)
            def _(u):
                e = g * 16 + u
                acc0 = hs[e, pl.ds(0, 16)] * hd[e, pl.ds(0, 16)]
                acc1 = hs[e, pl.ds(16, 16)] * hd[e, pl.ds(16, 16)]
                for k in range(2, D // 16, 2):
                    acc0 = acc0 + hs[e, pl.ds(k * 16, 16)] * hd[e, pl.ds(k * 16, 16)]
                    acc1 = acc1 + hs[e, pl.ds((k + 1) * 16, 16)] * hd[e, pl.ds((k + 1) * 16, 16)]
                tb_v[pl.ds(g * 256 + u * 16, 16)] = acc0 + acc1
            base = g * 256 + addr_base
            tot0 = plsc.load_gather(tb_v, [base])
            tot1 = plsc.load_gather(tb_v, [base + 1])
            for j in range(2, 16, 2):
                tot0 = tot0 + plsc.load_gather(tb_v, [base + j])
                tot1 = tot1 + plsc.load_gather(tb_v, [base + (j + 1)])
            res[pl.ds(g * 16, 16)] = tot0 + tot1

    def res_out(ch, b):
        pltpu.async_copy(res_bufs[b], out_hbm.at[w, pl.ds(ch * K, K)],
                         semr[b])

    def res_wait(ch, b):
        pltpu.make_async_copy(res_bufs[b],
                              out_hbm.at[w, pl.ds(ch * K, K)],
                              semr[b]).wait()

    gathers(0, 0)
    gathers(1, 1)
    gathers(2, 2)

    def step(ch, b):
        wait(ch, b)
        if isinstance(ch, int):
            if ch >= 3:
                res_wait(ch - 3, b)
            dots(ch, b)
            res_out(ch, b)
            if ch + 3 < CH:
                gathers(ch + 3, b)
        else:
            @pl.when(ch >= 3)
            def _():
                res_wait(ch - 3, b)
            dots(ch, b)
            res_out(ch, b)
            @pl.when(ch + 3 < CH)
            def _():
                gathers(ch + 3, b)

    def body(i, carry):
        ch0 = 3 * i
        step(ch0, 0)
        step(ch0 + 1, 1)
        step(ch0 + 2, 2)
        return carry

    lax.fori_loop(0, CH // 3, body, 0)
    for ch in range(CH - CH % 3, CH):
        step(ch, ch % 3)
    for ch in range(CH - 3, CH):
        res_wait(ch, ch % 3)


_dots = pl.kernel(
    _dots_body,
    out_type=jax.ShapeDtypeStruct((NW, CH * K), jnp.float32),
    mesh=_mesh,
    compiler_params=pltpu.CompilerParams(needs_layout_passes=False),
    scratch_types=[
        pltpu.VMEM((CH, K), jnp.int32),
        pltpu.VMEM((CH, K), jnp.int32),
        pltpu.VMEM((K, D), jnp.float32),
        pltpu.VMEM((K, D), jnp.float32),
        pltpu.VMEM((K, D), jnp.float32),
        pltpu.VMEM((K, D), jnp.float32),
        pltpu.VMEM((K, D), jnp.float32),
        pltpu.VMEM((K, D), jnp.float32),
        pltpu.VMEM((K,), jnp.float32),
        pltpu.VMEM((K,), jnp.float32),
        pltpu.VMEM((K,), jnp.float32),
        pltpu.VMEM((2048,), jnp.float32),
        pltpu.SemaphoreType.DMA,
        pltpu.SemaphoreType.DMA,
        pltpu.SemaphoreType.DMA,
        pltpu.SemaphoreType.DMA,
        pltpu.SemaphoreType.DMA,
        pltpu.SemaphoreType.DMA,
    ],
)


def _tc1_body(x_ref, w_ref, degp_ref, g_ref, dis_ref):
    deg = degp_ref[0] + degp_ref[1] + 1.0
    dis = lax.rsqrt(deg)
    h = jnp.dot(x_ref[...], w_ref[...], preferred_element_type=jnp.float32)
    g_ref[...] = h * dis
    dis_ref[...] = dis


_tc1 = pl.pallas_call(
    _tc1_body,
    grid=(NB,),
    in_specs=[
        pl.BlockSpec((BR, D), lambda i: (i, 0)),
        pl.BlockSpec((D, D), lambda i: (0, 0)),
        pl.BlockSpec((2, BR, 1), lambda i: (0, i, 0)),
    ],
    out_specs=[
        pl.BlockSpec((BR, D), lambda i: (i, 0)),
        pl.BlockSpec((BR, 1), lambda i: (i, 0)),
    ],
    out_shape=[
        jax.ShapeDtypeStruct((NP, D), jnp.float32),
        jax.ShapeDtypeStruct((NP, 1), jnp.float32),
    ],
)


def _tc2_body(s_ref, dis_ref, b1_ref, w2_ref, g2_ref):
    agg = s_ref[0] + s_ref[1]
    a1 = jnp.maximum(dis_ref[...] * agg + b1_ref[...], 0.0)
    g2_ref[...] = jnp.dot(a1, w2_ref[...],
                          preferred_element_type=jnp.float32) * dis_ref[...]


_tc2 = pl.pallas_call(
    _tc2_body,
    grid=(NB,),
    in_specs=[
        pl.BlockSpec((2, BR, D), lambda i: (0, i, 0)),
        pl.BlockSpec((BR, 1), lambda i: (i, 0)),
        pl.BlockSpec((1, D), lambda i: (0, 0)),
        pl.BlockSpec((D, D), lambda i: (0, 0)),
    ],
    out_specs=pl.BlockSpec((BR, D), lambda i: (i, 0)),
    out_shape=jax.ShapeDtypeStruct((NP, D), jnp.float32),
)


def _tc3_body(s_ref, dis_ref, b2_ref, h2_ref):
    h2_ref[...] = dis_ref[...] * (s_ref[0] + s_ref[1]) + b2_ref[...]


_tc3 = pl.pallas_call(
    _tc3_body,
    grid=(NB,),
    in_specs=[
        pl.BlockSpec((2, BR, D), lambda i: (0, i, 0)),
        pl.BlockSpec((BR, 1), lambda i: (i, 0)),
        pl.BlockSpec((1, D), lambda i: (0, 0)),
    ],
    out_specs=pl.BlockSpec((BR, D), lambda i: (i, 0)),
    out_shape=jax.ShapeDtypeStruct((NP, D), jnp.float32),
)


def kernel(x, edge_index, W1, b1, W2, b2):
    src = edge_index[0]
    dst = edge_index[1]
    padi = (N + (jnp.arange(EP - E, dtype=jnp.int32) % (NP - N)))
    srcp = jnp.concatenate([src, padi]).reshape(NW, CH, K)
    dstp = jnp.concatenate([dst, padi]).reshape(NW, CH, K)
    dstp2 = dstp.reshape(NW, 2 * CH, K // 2)
    xp = jnp.pad(x, ((0, NP - N), (0, 0)))
    zeros_nd = jnp.zeros((NP, D), jnp.float32)

    degp = _deg(dstp).reshape(NC, NP, 1)
    g1, dis = _tc1(xp, W1, degp)
    s1 = _spmm(g1, srcp, dstp2, zeros_nd).reshape(NC, NP, D)
    g2 = _tc2(s1, dis, b1.reshape(1, D), W2)
    s2 = _spmm(g2, srcp, dstp2, zeros_nd).reshape(NC, NP, D)
    h2 = _tc3(s2, dis, b2.reshape(1, D))
    logits = _dots(h2, srcp, dstp)
    return logits.reshape(EP)[:E]

# --- scband reference (transcript-rebuilt; emitter-appended) ---
"""Pipeline reference for scband-policy-38147899523171 (READ-ONLY COPY).

The authoritative reference and input builder live on the scoring server;
editing this copy changes nothing except your own understanding.
"""

import jax, jax.numpy as jnp
import numpy as np

N_NODES = 10000
D_IN = 128
D_HID = 128
D_OUT = 128
N_EDGES = 320000


def setup_inputs(seed: int = 0) -> dict:
    key = jax.random.key(seed)
    k1, k2, k3, k4 = jax.random.split(key, 4)
    x = jax.random.normal(k1, (N_NODES, D_IN), dtype=jnp.float32)
    edge_index = jax.random.randint(k2, (2, N_EDGES), 0, N_NODES, dtype=jnp.int32)
    # GCNConv layer 1 params (glorot-style init for weight, zeros for bias)
    W1 = jax.random.normal(k3, (D_IN, D_HID), dtype=jnp.float32) * (1.0 / np.sqrt(D_IN))
    b1 = jnp.zeros((D_HID,), dtype=jnp.float32)
    # GCNConv layer 2 params
    W2 = jax.random.normal(k4, (D_HID, D_OUT), dtype=jnp.float32) * (1.0 / np.sqrt(D_HID))
    b2 = jnp.zeros((D_OUT,), dtype=jnp.float32)
    return {"x": x, "edge_index": edge_index, "W1": W1, "b1": b1, "W2": W2, "b2": b2}


def gcn_conv(x, edge_index, W, b, num_nodes):
    # Faithful PyG GCNConv: linear transform, add self-loops, symmetric normalization,
    # sum aggregation at dst, then bias.
    src, dst = edge_index[0], edge_index[1]
    loop = jnp.arange(num_nodes, dtype=src.dtype)
    src_sl = jnp.concatenate([src, loop])
    dst_sl = jnp.concatenate([dst, loop])
    deg = jnp.zeros((num_nodes,), dtype=x.dtype).at[dst_sl].add(1.0)
    deg_inv_sqrt = jnp.where(deg > 0, deg ** -0.5, 0.0)
    norm = deg_inv_sqrt[src_sl] * deg_inv_sqrt[dst_sl]
    h = x @ W
    msgs = h[src_sl] * norm[:, None]
    out = jnp.zeros((num_nodes, W.shape[1]), dtype=x.dtype).at[dst_sl].add(msgs)
    return out + b


def reference(x, edge_index, W1, b1, W2, b2):
    num_nodes = x.shape[0]
    h = gcn_conv(x, edge_index, W1, b1, num_nodes)
    h = jax.nn.relu(h)
    h = gcn_conv(h, edge_index, W2, b2, num_nodes)
    src, dst = edge_index[0], edge_index[1]
    logits = jnp.sum(h[src] * h[dst], axis=-1)
    return logits

if __name__ == "__main__":
    import jax
    _d = setup_inputs()
    print(jax.jit(kernel)(*tuple(_d.values())))

</pallas_src>

<mosaic_0001>
#map = affine_map<(d0, d1) -> (0, 0)>
#map1 = affine_map<(d0, d1) -> (0, 0, 0)>
module attributes {stable_mosaic.version = 14 : i64} {
  func.func @_dots_body(%arg0: i32, %arg1: i32, %arg2: memref<10240x128xf32, #tpu.memory_space<hbm>>, %arg3: memref<32x80x128xi32, #tpu.memory_space<hbm>>, %arg4: memref<32x80x128xi32, #tpu.memory_space<hbm>>, %arg5: memref<32x10240xf32, #tpu.memory_space<hbm>>, %arg6: memref<80x128xi32, #tpu.memory_space<vmem>>, %arg7: memref<80x128xi32, #tpu.memory_space<vmem>>, %arg8: memref<128x128xf32, #tpu.memory_space<vmem>>, %arg9: memref<128x128xf32, #tpu.memory_space<vmem>>, %arg10: memref<128x128xf32, #tpu.memory_space<vmem>>, %arg11: memref<128x128xf32, #tpu.memory_space<vmem>>, %arg12: memref<128x128xf32, #tpu.memory_space<vmem>>, %arg13: memref<128x128xf32, #tpu.memory_space<vmem>>, %arg14: memref<128xf32, #tpu.memory_space<vmem>>, %arg15: memref<128xf32, #tpu.memory_space<vmem>>, %arg16: memref<128xf32, #tpu.memory_space<vmem>>, %arg17: memref<2048xf32, #tpu.memory_space<vmem>>, %arg18: memref<!tpu.dma_semaphore, #tpu.memory_space<semaphore_mem>>, %arg19: memref<!tpu.dma_semaphore, #tpu.memory_space<semaphore_mem>>, %arg20: memref<!tpu.dma_semaphore, #tpu.memory_space<semaphore_mem>>, %arg21: memref<!tpu.dma_semaphore, #tpu.memory_space<semaphore_mem>>, %arg22: memref<!tpu.dma_semaphore, #tpu.memory_space<semaphore_mem>>, %arg23: memref<!tpu.dma_semaphore, #tpu.memory_space<semaphore_mem>>) attributes {dimension_semantics = [#tpu.dimension_semantics<core_parallel>, #tpu.dimension_semantics<subcore_parallel>], iteration_bounds = array<i64: 2, 16>, scalar_prefetch = 0 : i64, scratch_operands = 18 : i64, tpu.core_type = #tpu.core_type<sc_vector_subcore>, window_params = [{transform_indices = #map}, {transform_indices = #map1}, {transform_indices = #map1}, {transform_indices = #map}]} {
    %mul3A = arith.constant 16 : i32
    %mul3A_0 = arith.muli %arg0, %mul3A : i32
    %add3A = arith.addi %mul3A_0, %arg1 : i32
    "tpu.region"() ({
      %run_scoped3A = tpu.sem_alloc : memref<!tpu.dma_semaphore, #tpu.memory_space<semaphore_mem>>
      %dma_start3A_124 = arith.constant 0 : i32
      %dma_start3A_125 = arith.constant 0 : i32
      %dma_start3A_126 = tpu.memref_slice %arg3[%add3A, %dma_start3A_124, %dma_start3A_125] : memref<32x80x128xi32, #tpu.memory_space<hbm>> -> memref<1x80x128xi32, #tpu.memory_space<hbm>>
      %dma_start3A_127 = tpu.memref_squeeze %dma_start3A_126 : memref<1x80x128xi32, #tpu.memory_space<hbm>> -> memref<80x128xi32, #tpu.memory_space<hbm>>
      %dma_start3A_128 = arith.constant 0 : i32
      %dma_start3A_129 = arith.constant 0 : i32
      %dma_start3A_130 = tpu.memref_slice %arg3[%add3A, %dma_start3A_128, %dma_start3A_129] : memref<32x80x128xi32, #tpu.memory_space<hbm>> -> memref<1x80x128xi32, #tpu.memory_space<hbm>>
      %dma_start3A_131 = tpu.memref_squeeze %dma_start3A_130 : memref<1x80x128xi32, #tpu.memory_space<hbm>> -> memref<80x128xi32, #tpu.memory_space<hbm>>
      tpu.enqueue_dma source(%dma_start3A_131 : memref<80x128xi32, #tpu.memory_space<hbm>>) target(%arg6 : memref<80x128xi32, #tpu.memory_space<vmem>>) target_semaphore(%run_scoped3A : memref<!tpu.dma_semaphore, #tpu.memory_space<semaphore_mem>>)
      %dma_wait3A_132 = arith.constant 0 : i32
      %dma_wait3A_133 = arith.constant 0 : i32
      %dma_wait3A_134 = tpu.memref_slice %arg3[%add3A, %dma_wait3A_132, %dma_wait3A_133] : memref<32x80x128xi32, #tpu.memory_space<hbm>> -> memref<1x80x128xi32, #tpu.memory_space<hbm>>
      %dma_wait3A_135 = tpu.memref_squeeze %dma_wait3A_134 : memref<1x80x128xi32, #tpu.memory_space<hbm>> -> memref<80x128xi32, #tpu.memory_space<hbm>>
      %dma_wait3A_136 = arith.constant 0 : i32
      %dma_wait3A_137 = arith.constant 0 : i32
      %dma_wait3A_138 = tpu.memref_slice %arg3[%add3A, %dma_wait3A_136, %dma_wait3A_137] : memref<32x80x128xi32, #tpu.memory_space<hbm>> -> memref<1x80x128xi32, #tpu.memory_space<hbm>>
      %dma_wait3A_139 = tpu.memref_squeeze %dma_wait3A_138 : memref<1x80x128xi32, #tpu.memory_space<hbm>> -> memref<80x128xi32, #tpu.memory_space<hbm>>
      tpu.wait_dma2 semaphore(%run_scoped3A : memref<!tpu.dma_semaphore, #tpu.memory_space<semaphore_mem>>) src(%dma_wait3A_139 : memref<80x128xi32, #tpu.memory_space<hbm>>) dst(%arg6 : memref<80x128xi32, #tpu.memory_space<vmem>>)
      tpu.yield
    }) : () -> ()
    "tpu.region"() ({
      %run_scoped3A = tpu.sem_alloc : memref<!tpu.dma_semaphore, #tpu.memory_space<semaphore_mem>>
      %dma_start3A_124 = arith.constant 0 : i32
      %dma_start3A_125 = arith.constant 0 : i32
      %dma_start3A_126 = tpu.memref_slice %arg4[%add3A, %dma_start3A_124, %dma_start3A_125] : memref<32x80x128xi32, #tpu.memory_space<hbm>> -> memref<1x80x128xi32, #tpu.memory_space<hbm>>
      %dma_start3A_127 = tpu.memref_squeeze %dma_start3A_126 : memref<1x80x128xi32, #tpu.memory_space<hbm>> -> memref<80x128xi32, #tpu.memory_space<hbm>>
      %dma_start3A_128 = arith.constant 0 : i32
      %dma_start3A_129 = arith.constant 0 : i32
      %dma_start3A_130 = tpu.memref_slice %arg4[%add3A, %dma_start3A_128, %dma_start3A_129] : memref<32x80x128xi32, #tpu.memory_space<hbm>> -> memref<1x80x128xi32, #tpu.memory_space<hbm>>
      %dma_start3A_131 = tpu.memref_squeeze %dma_start3A_130 : memref<1x80x128xi32, #tpu.memory_space<hbm>> -> memref<80x128xi32, #tpu.memory_space<hbm>>
      tpu.enqueue_dma source(%dma_start3A_131 : memref<80x128xi32, #tpu.memory_space<hbm>>) target(%arg7 : memref<80x128xi32, #tpu.memory_space<vmem>>) target_semaphore(%run_scoped3A : memref<!tpu.dma_semaphore, #tpu.memory_space<semaphore_mem>>)
      %dma_wait3A_132 = arith.constant 0 : i32
      %dma_wait3A_133 = arith.constant 0 : i32
      %dma_wait3A_134 = tpu.memref_slice %arg4[%add3A, %dma_wait3A_132, %dma_wait3A_133] : memref<32x80x128xi32, #tpu.memory_space<hbm>> -> memref<1x80x128xi32, #tpu.memory_space<hbm>>
      %dma_wait3A_135 = tpu.memref_squeeze %dma_wait3A_134 : memref<1x80x128xi32, #tpu.memory_space<hbm>> -> memref<80x128xi32, #tpu.memory_space<hbm>>
      %dma_wait3A_136 = arith.constant 0 : i32
      %dma_wait3A_137 = arith.constant 0 : i32
      %dma_wait3A_138 = tpu.memref_slice %arg4[%add3A, %dma_wait3A_136, %dma_wait3A_137] : memref<32x80x128xi32, #tpu.memory_space<hbm>> -> memref<1x80x128xi32, #tpu.memory_space<hbm>>
      %dma_wait3A_139 = tpu.memref_squeeze %dma_wait3A_138 : memref<1x80x128xi32, #tpu.memory_space<hbm>> -> memref<80x128xi32, #tpu.memory_space<hbm>>
      tpu.wait_dma2 semaphore(%run_scoped3A : memref<!tpu.dma_semaphore, #tpu.memory_space<semaphore_mem>>) src(%dma_wait3A_139 : memref<80x128xi32, #tpu.memory_space<hbm>>) dst(%arg7 : memref<80x128xi32, #tpu.memory_space<vmem>>)
      tpu.yield
    }) : () -> ()
    %iota3A = tpu.iota {dimensions = array<i32: 0>} : vector<16xi32>
    %mul3A_1 = arith.constant 16 : i32
    %mul3A_2 = vector.broadcast %mul3A_1 : i32 to vector<16xi32>
    %mul3A_3 = arith.muli %iota3A, %mul3A_2 : vector<16xi32>
    %dma_start3A = arith.constant 0 : i32
    %dma_start3A_4 = arith.constant 0 : i32
    %dma_start3A_5 = tpu.memref_slice %arg6[%dma_start3A, %dma_start3A_4] : memref<80x128xi32, #tpu.memory_space<vmem>> -> memref<1x128xi32, #tpu.memory_space<vmem>>
    %dma_start3A_6 = tpu.memref_squeeze %dma_start3A_5 : memref<1x128xi32, #tpu.memory_space<vmem>> -> memref<128xi32, #tpu.memory_space<vmem>>
    %dma_start3A_7 = arith.constant 0 : i32
    %dma_start3A_8 = arith.constant 0 : i32
    %dma_start3A_9 = tpu.memref_slice %arg2[%dma_start3A_7, %dma_start3A_8] : memref<10240x128xf32, #tpu.memory_space<hbm>> -> memref<10240x128xf32, #tpu.memory_space<hbm>>
    tpu.enqueue_indirect_dma source(%dma_start3A_9 : memref<10240x128xf32, #tpu.memory_space<hbm>>) target(%arg8 : memref<128x128xf32, #tpu.memory_space<vmem>>) offsets(%dma_start3A_6 : memref<128xi32, #tpu.memory_space<vmem>>) semaphore(%arg18 : memref<!tpu.dma_semaphore, #tpu.memory_space<semaphore_mem>>)
    %dma_start3A_10 = arith.constant 0 : i32
    %dma_start3A_11 = arith.constant 0 : i32
    %dma_start3A_12 = tpu.memref_slice %arg7[%dma_start3A_10, %dma_start3A_11] : memref<80x128xi32, #tpu.memory_space<vmem>> -> memref<1x128xi32, #tpu.memory_space<vmem>>
    %dma_start3A_13 = tpu.memref_squeeze %dma_start3A_12 : memref<1x128xi32, #tpu.memory_space<vmem>> -> memref<128xi32, #tpu.memory_space<vmem>>
    %dma_start3A_14 = arith.constant 0 : i32
    %dma_start3A_15 = arith.constant 0 : i32
    %dma_start3A_16 = tpu.memref_slice %arg2[%dma_start3A_14, %dma_start3A_15] : memref<10240x128xf32, #tpu.memory_space<hbm>> -> memref<10240x128xf32, #tpu.memory_space<hbm>>
    tpu.enqueue_indirect_dma source(%dma_start3A_16 : memref<10240x128xf32, #tpu.memory_space<hbm>>) target(%arg9 : memref<128x128xf32, #tpu.memory_space<vmem>>) offsets(%dma_start3A_13 : memref<128xi32, #tpu.memory_space<vmem>>) semaphore(%arg18 : memref<!tpu.dma_semaphore, #tpu.memory_space<semaphore_mem>>)
    %dma_start3A_17 = arith.constant 1 : i32
    %dma_start3A_18 = arith.constant 0 : i32
    %dma_start3A_19 = tpu.memref_slice %arg6[%dma_start3A_17, %dma_start3A_18] : memref<80x128xi32, #tpu.memory_space<vmem>> -> memref<1x128xi32, #tpu.memory_space<vmem>>
    %dma_start3A_20 = tpu.memref_squeeze %dma_start3A_19 : memref<1x128xi32, #tpu.memory_space<vmem>> -> memref<128xi32, #tpu.memory_space<vmem>>
    %dma_start3A_21 = arith.constant 0 : i32
    %dma_start3A_22 = arith.constant 0 : i32
    %dma_start3A_23 = tpu.memref_slice %arg2[%dma_start3A_21, %dma_start3A_22] : memref<10240x128xf32, #tpu.memory_space<hbm>> -> memref<10240x128xf32, #tpu.memory_space<hbm>>
    tpu.enqueue_indirect_dma source(%dma_start3A_23 : memref<10240x128xf32, #tpu.memory_space<hbm>>) target(%arg10 : memref<128x128xf32, #tpu.memory_space<vmem>>) offsets(%dma_start3A_20 : memref<128xi32, #tpu.memory_space<vmem>>) semaphore(%arg19 : memref<!tpu.dma_semaphore, #tpu.memory_space<semaphore_mem>>)
    %dma_start3A_24 = arith.constant 1 : i32
    %dma_start3A_25 = arith.constant 0 : i32
    %dma_start3A_26 = tpu.memref_slice %arg7[%dma_start3A_24, %dma_start3A_25] : memref<80x128xi32, #tpu.memory_space<vmem>> -> memref<1x128xi32, #tpu.memory_space<vmem>>
    %dma_start3A_27 = tpu.memref_squeeze %dma_start3A_26 : memref<1x128xi32, #tpu.memory_space<vmem>> -> memref<128xi32, #tpu.memory_space<vmem>>
    %dma_start3A_28 = arith.constant 0 : i32
    %dma_start3A_29 = arith.constant 0 : i32
    %dma_start3A_30 = tpu.memref_slice %arg2[%dma_start3A_28, %dma_start3A_29] : memref<10240x128xf32, #tpu.memory_space<hbm>> -> memref<10240x128xf32, #tpu.memory_space<hbm>>
    tpu.enqueue_indirect_dma source(%dma_start3A_30 : memref<10240x128xf32, #tpu.memory_space<hbm>>) target(%arg11 : memref<128x128xf32, #tpu.memory_space<vmem>>) offsets(%dma_start3A_27 : memref<128xi32, #tpu.memory_space<vmem>>) semaphore(%arg19 : memref<!tpu.dma_semaphore, #tpu.memory_space<semaphore_mem>>)
    %dma_start3A_31 = arith.constant 2 : i32
    %dma_start3A_32 = arith.constant 0 : i32
    %dma_start3A_33 = tpu.memref_slice %arg6[%dma_start3A_31, %dma_start3A_32] : memref<80x128xi32, #tpu.memory_space<vmem>> -> memref<1x128xi32, #tpu.memory_space<vmem>>
    %dma_start3A_34 = tpu.memref_squeeze %dma_start3A_33 : memref<1x128xi32, #tpu.memory_space<vmem>> -> memref<128xi32, #tpu.memory_space<vmem>>
    %dma_start3A_35 = arith.constant 0 : i32
    %dma_start3A_36 = arith.constant 0 : i32
    %dma_start3A_37 = tpu.memref_slice %arg2[%dma_start3A_35, %dma_start3A_36] : memref<10240x128xf32, #tpu.memory_space<hbm>> -> memref<10240x128xf32, #tpu.memory_space<hbm>>
    tpu.enqueue_indirect_dma source(%dma_start3A_37 : memref<10240x128xf32, #tpu.memory_space<hbm>>) target(%arg12 : memref<128x128xf32, #tpu.memory_space<vmem>>) offsets(%dma_start3A_34 : memref<128xi32, #tpu.memory_space<vmem>>) semaphore(%arg20 : memref<!tpu.dma_semaphore, #tpu.memory_space<semaphore_mem>>)
    %dma_start3A_38 = arith.constant 2 : i32
    %dma_start3A_39 = arith.constant 0 : i32
    %dma_start3A_40 = tpu.memref_slice %arg7[%dma_start3A_38, %dma_start3A_39] : memref<80x128xi32, #tpu.memory_space<vmem>> -> memref<1x128xi32, #tpu.memory_space<vmem>>
    %dma_start3A_41 = tpu.memref_squeeze %dma_start3A_40 : memref<1x128xi32, #tpu.memory_space<vmem>> -> memref<128xi32, #tpu.memory_space<vmem>>
    %dma_start3A_42 = arith.constant 0 : i32
    %dma_start3A_43 = arith.constant 0 : i32
    %dma_start3A_44 = tpu.memref_slice %arg2[%dma_start3A_42, %dma_start3A_43] : memref<10240x128xf32, #tpu.memory_space<hbm>> -> memref<10240x128xf32, #tpu.memory_space<hbm>>
    tpu.enqueue_indirect_dma source(%dma_start3A_44 : memref<10240x128xf32, #tpu.memory_space<hbm>>) target(%arg13 : memref<128x128xf32, #tpu.memory_space<vmem>>) offsets(%dma_start3A_41 : memref<128xi32, #tpu.memory_space<vmem>>) semaphore(%arg20 : memref<!tpu.dma_semaphore, #tpu.memory_space<semaphore_mem>>)
    %scan3A = arith.constant 0 : i32
    %scan3A_45 = arith.constant 0 : i32
    %scan3A_46 = arith.constant 26 : i32
    %scan3A_47 = arith.addi %scan3A_45, %scan3A_46 : i32
    %scan3A_48 = arith.constant 1 : i32
    scf.for %scan3A_124 = %scan3A_45 to %scan3A_47 step %scan3A_48  : i32 {
      %mul3A_125 = arith.constant 3 : i32
      %mul3A_126 = arith.muli %mul3A_125, %scan3A_124 : i32
      %dma_wait3A_127 = arith.constant 0 : i32
      %dma_wait3A_128 = tpu.memref_slice %arg6[%mul3A_126, %dma_wait3A_127] : memref<80x128xi32, #tpu.memory_space<vmem>> -> memref<1x128xi32, #tpu.memory_space<vmem>>
      %dma_wait3A_129 = tpu.memref_squeeze %dma_wait3A_128 : memref<1x128xi32, #tpu.memory_space<vmem>> -> memref<128xi32, #tpu.memory_space<vmem>>
      %dma_wait3A_130 = arith.constant 0 : i32
      %dma_wait3A_131 = arith.constant 0 : i32
      %dma_wait3A_132 = tpu.memref_slice %arg2[%dma_wait3A_130, %dma_wait3A_131] : memref<10240x128xf32, #tpu.memory_space<hbm>> -> memref<10240x128xf32, #tpu.memory_space<hbm>>
      tpu.wait_indirect_dma semaphore(%arg18 : memref<!tpu.dma_semaphore, #tpu.memory_space<semaphore_mem>>) src(%dma_wait3A_132 : memref<10240x128xf32, #tpu.memory_space<hbm>>) dst(%arg8 : memref<128x128xf32, #tpu.memory_space<vmem>>)
      %dma_wait3A_133 = arith.constant 0 : i32
      %dma_wait3A_134 = tpu.memref_slice %arg7[%mul3A_126, %dma_wait3A_133] : memref<80x128xi32, #tpu.memory_space<vmem>> -> memref<1x128xi32, #tpu.memory_space<vmem>>
      %dma_wait3A_135 = tpu.memref_squeeze %dma_wait3A_134 : memref<1x128xi32, #tpu.memory_space<vmem>> -> memref<128xi32, #tpu.memory_space<vmem>>
      %dma_wait3A_136 = arith.constant 0 : i32
      %dma_wait3A_137 = arith.constant 0 : i32
      %dma_wait3A_138 = tpu.memref_slice %arg2[%dma_wait3A_136, %dma_wait3A_137] : memref<10240x128xf32, #tpu.memory_space<hbm>> -> memref<10240x128xf32, #tpu.memory_space<hbm>>
      tpu.wait_indirect_dma semaphore(%arg18 : memref<!tpu.dma_semaphore, #tpu.memory_space<semaphore_mem>>) src(%dma_wait3A_138 : memref<10240x128xf32, #tpu.memory_space<hbm>>) dst(%arg9 : memref<128x128xf32, #tpu.memory_space<vmem>>)
      %ge3A = arith.constant 3 : i32
      %ge3A_139 = arith.cmpi sge, %mul3A_126, %ge3A : i32
      %convert_element_type3A = arith.extui %ge3A_139 : i1 to i32
      %cond3A = arith.constant 0 : i32
      %cond3A_140 = arith.cmpi ne, %convert_element_type3A, %cond3A : i32
      scf.if %cond3A_140 {
        %sub3A = arith.constant 3 : i32
        %sub3A_226 = arith.subi %mul3A_126, %sub3A : i32
        %mul3A_227 = arith.constant 128 : i32
        %mul3A_228 = arith.muli %sub3A_226, %mul3A_227 : i32
        %dma_wait3A_229 = tpu.memref_slice %arg5[%add3A, %mul3A_228] : memref<32x10240xf32, #tpu.memory_space<hbm>> -> memref<1x128xf32, #tpu.memory_space<hbm>>
        %dma_wait3A_230 = tpu.memref_squeeze %dma_wait3A_229 : memref<1x128xf32, #tpu.memory_space<hbm>> -> memref<128xf32, #tpu.memory_space<hbm>>
        %dma_wait3A_231 = tpu.memref_slice %arg5[%add3A, %mul3A_228] : memref<32x10240xf32, #tpu.memory_space<hbm>> -> memref<1x128xf32, #tpu.memory_space<hbm>>
        %dma_wait3A_232 = tpu.memref_squeeze %dma_wait3A_231 : memref<1x128xf32, #tpu.memory_space<hbm>> -> memref<128xf32, #tpu.memory_space<hbm>>
        tpu.wait_dma2 semaphore(%arg21 : memref<!tpu.dma_semaphore, #tpu.memory_space<semaphore_mem>>) src(%arg14 : memref<128xf32, #tpu.memory_space<vmem>>) dst(%dma_wait3A_232 : memref<128xf32, #tpu.memory_space<hbm>>)
      } else {
      }
      %parallel_loop3A_141 = arith.constant 0 : i32
      %parallel_loop3A_142 = arith.constant 8 : i32
      %parallel_loop3A_143 = arith.constant 1 : i32
      scf.for %parallel_loop3A_226 = %parallel_loop3A_141 to %parallel_loop3A_142 step %parallel_loop3A_143  : i32 {
        %parallel_loop3A_227 = arith.constant 0 : i32
        %parallel_loop3A_228 = arith.constant 16 : i32
        %parallel_loop3A_229 = arith.constant 1 : i32
        scf.for %parallel_loop3A_314 = %parallel_loop3A_227 to %parallel_loop3A_228 step %parallel_loop3A_229  : i32 {
          %parallel_loop3A_315 = arith.constant 16 : i32
          %parallel_loop3A_316 = arith.muli %parallel_loop3A_226, %parallel_loop3A_315 : i32
          %parallel_loop3A_317 = arith.addi %parallel_loop3A_316, %parallel_loop3A_314 : i32
          %parallel_loop3A_318 = arith.index_cast %parallel_loop3A_317 : i32 to index
          %parallel_loop3A_319 = arith.constant 0 : index
          %parallel_loop3A_320 = tpu.vector_load %arg8[%parallel_loop3A_318, %parallel_loop3A_319] {strides = array<i32>} : memref<128x128xf32, #tpu.memory_space<vmem>>, vector<16xf32>,
          %parallel_loop3A_321 = arith.index_cast %parallel_loop3A_317 : i32 to index
          %parallel_loop3A_322 = arith.constant 0 : index
          %parallel_loop3A_323 = tpu.vector_load %arg9[%parallel_loop3A_321, %parallel_loop3A_322] {strides = array<i32>} : memref<128x128xf32, #tpu.memory_space<vmem>>, vector<16xf32>,
          %parallel_loop3A_324 = arith.mulf %parallel_loop3A_320, %parallel_loop3A_323 : vector<16xf32>
          %parallel_loop3A_325 = arith.index_cast %parallel_loop3A_317 : i32 to index
          %parallel_loop3A_326 = arith.constant 16 : index
          %parallel_loop3A_327 = tpu.vector_load %arg8[%parallel_loop3A_325, %parallel_loop3A_326] {strides = array<i32>} : memref<128x128xf32, #tpu.memory_space<vmem>>, vector<16xf32>,
          %parallel_loop3A_328 = arith.index_cast %parallel_loop3A_317 : i32 to index
          %parallel_loop3A_329 = arith.constant 16 : index
          %parallel_loop3A_330 = tpu.vector_load %arg9[%parallel_loop3A_328, %parallel_loop3A_329] {strides = array<i32>} : memref<128x128xf32, #tpu.memory_space<vmem>>, vector<16xf32>,
          %parallel_loop3A_331 = arith.mulf %parallel_loop3A_327, %parallel_loop3A_330 : vector<16xf32>
          %parallel_loop3A_332 = arith.index_cast %parallel_loop3A_317 : i32 to index
          %parallel_loop3A_333 = arith.constant 32 : index
          %parallel_loop3A_334 = tpu.vector_load %arg8[%parallel_loop3A_332, %parallel_loop3A_333] {strides = array<i32>} : memref<128x128xf32, #tpu.memory_space<vmem>>, vector<16xf32>,
          %parallel_loop3A_335 = arith.index_cast %parallel_loop3A_317 : i32 to index
          %parallel_loop3A_336 = arith.constant 32 : index
          %parallel_loop3A_337 = tpu.vector_load %arg9[%parallel_loop3A_335, %parallel_loop3A_336] {strides = array<i32>} : memref<128x128xf32, #tpu.memory_space<vmem>>, vector<16xf32>,
          %parallel_loop3A_338 = arith.mulf %parallel_loop3A_334, %parallel_loop3A_337 : vector<16xf32>
          %parallel_loop3A_339 = arith.addf %parallel_loop3A_324, %parallel_loop3A_338 : vector<16xf32>
          %parallel_loop3A_340 = arith.index_cast %parallel_loop3A_317 : i32 to index
          %parallel_loop3A_341 = arith.constant 48 : index
          %parallel_loop3A_342 = tpu.vector_load %arg8[%parallel_loop3A_340, %parallel_loop3A_341] {strides = array<i32>} : memref<128x128xf32, #tpu.memory_space<vmem>>, vector<16xf32>,
          %parallel_loop3A_343 = arith.index_cast %parallel_loop3A_317 : i32 to index
          %parallel_loop3A_344 = arith.constant 48 : index
          %parallel_loop3A_345 = tpu.vector_load %arg9[%parallel_loop3A_343, %parallel_loop3A_344] {strides = array<i32>} : memref<128x128xf32, #tpu.memory_space<vmem>>, vector<16xf32>,
          %parallel_loop3A_346 = arith.mulf %parallel_loop3A_342, %parallel_loop3A_345 : vector<16xf32>
          %parallel_loop3A_347 = arith.addf %parallel_loop3A_331, %parallel_loop3A_346 : vector<16xf32>
          %parallel_loop3A_348 = arith.index_cast %parallel_loop3A_317 : i32 to index
          %parallel_loop3A_349 = arith.constant 64 : index
          %parallel_loop3A_350 = tpu.vector_load %arg8[%parallel_loop3A_348, %parallel_loop3A_349] {strides = array<i32>} : memref<128x128xf32, #tpu.memory_space<vmem>>, vector<16xf32>,
          %parallel_loop3A_351 = arith.index_cast %parallel_loop3A_317 : i32 to index
          %parallel_loop3A_352 = arith.constant 64 : index
          %parallel_loop3A_353 = tpu.vector_load %arg9[%parallel_loop3A_351, %parallel_loop3A_352] {strides = array<i32>} : memref<128x128xf32, #tpu.memory_space<vmem>>, vector<16xf32>,
          %parallel_loop3A_354 = arith.mulf %parallel_loop3A_350, %parallel_loop3A_353 : vector<16xf32>
          %parallel_loop3A_355 = arith.addf %parallel_loop3A_339, %parallel_loop3A_354 : vector<16xf32>
          %parallel_loop3A_356 = arith.index_cast %parallel_loop3A_317 : i32 to index
          %parallel_loop3A_357 = arith.constant 80 : index
          %parallel_loop3A_358 = tpu.vector_load %arg8[%parallel_loop3A_356, %parallel_loop3A_357] {strides = array<i32>} : memref<128x128xf32, #tpu.memory_space<vmem>>, vector<16xf32>,
          %parallel_loop3A_359 = arith.index_cast %parallel_loop3A_317 : i32 to index
          %parallel_loop3A_360 = arith.constant 80 : index
          %parallel_loop3A_361 = tpu.vector_load %arg9[%parallel_loop3A_359, %parallel_loop3A_360] {strides = array<i32>} : memref<128x128xf32, #tpu.memory_space<vmem>>, vector<16xf32>,
          %parallel_loop3A_362 = arith.mulf %parallel_loop3A_358, %parallel_loop3A_361 : vector<16xf32>
          %parallel_loop3A_363 = arith.addf %parallel_loop3A_347, %parallel_loop3A_362 : vector<16xf32>
          %parallel_loop3A_364 = arith.index_cast %parallel_loop3A_317 : i32 to index
          %parallel_loop3A_365 = arith.constant 96 : index
          %parallel_loop3A_366 = tpu.vector_load %arg8[%parallel_loop3A_364, %parallel_loop3A_365] {strides = array<i32>} : memref<128x128xf32, #tpu.memory_space<vmem>>, vector<16xf32>,
          %parallel_loop3A_367 = arith.index_cast %parallel_loop3A_317 : i32 to index
          %parallel_loop3A_368 = arith.constant 96 : index
          %parallel_loop3A_369 = tpu.vector_load %arg9[%parallel_loop3A_367, %parallel_loop3A_368] {strides = array<i32>} : memref<128x128xf32, #tpu.memory_space<vmem>>, vector<16xf32>,
          %parallel_loop3A_370 = arith.mulf %parallel_loop3A_366, %parallel_loop3A_369 : vector<16xf32>
          %parallel_loop3A_371 = arith.addf %parallel_loop3A_355, %parallel_loop3A_370 : vector<16xf32>
          %parallel_loop3A_372 = arith.index_cast %parallel_loop3A_317 : i32 to index
          %parallel_loop3A_373 = arith.constant 112 : index
          %parallel_loop3A_374 = tpu.vector_load %arg8[%parallel_loop3A_372, %parallel_loop3A_373] {strides = array<i32>} : memref<128x128xf32, #tpu.memory_space<vmem>>, vector<16xf32>,
          %parallel_loop3A_375 = arith.index_cast %parallel_loop3A_317 : i32 to index
          %parallel_loop3A_376 = arith.constant 112 : index
          %parallel_loop3A_377 = tpu.vector_load %arg9[%parallel_loop3A_375, %parallel_loop3A_376] {strides = array<i32>} : memref<128x128xf32, #tpu.memory_space<vmem>>, vector<16xf32>,
          %parallel_loop3A_378 = arith.mulf %parallel_loop3A_374, %parallel_loop3A_377 : vector<16xf32>
          %parallel_loop3A_379 = arith.addf %parallel_loop3A_363, %parallel_loop3A_378 : vector<16xf32>
          %parallel_loop3A_380 = arith.addf %parallel_loop3A_371, %parallel_loop3A_379 : vector<16xf32>
          %parallel_loop3A_381 = arith.constant 256 : i32
          %parallel_loop3A_382 = arith.muli %parallel_loop3A_226, %parallel_loop3A_381 : i32
          %parallel_loop3A_383 = arith.constant 16 : i32
          %parallel_loop3A_384 = arith.muli %parallel_loop3A_314, %parallel_loop3A_383 : i32
          %parallel_loop3A_385 = arith.addi %parallel_loop3A_382, %parallel_loop3A_384 : i32
          %parallel_loop3A_386 = arith.index_cast %parallel_loop3A_385 : i32 to index
          %parallel_loop3A_387 = tpu.vector_load %arg17[%parallel_loop3A_386] {strides = array<i32>} : memref<2048xf32, #tpu.memory_space<vmem>>, vector<16xf32>,
          tpu.vector_store %arg17[%parallel_loop3A_386], %parallel_loop3A_380 {strides = array<i32>} : memref<2048xf32, #tpu.memory_space<vmem>>, vector<16xf32>,
        } {sc.loop_unroll_factor = 4 : i64, sc.parallel_access}
        %parallel_loop3A_230 = arith.constant 256 : i32
        %parallel_loop3A_231 = arith.muli %parallel_loop3A_226, %parallel_loop3A_230 : i32
        %parallel_loop3A_232 = vector.broadcast %parallel_loop3A_231 : i32 to vector<16xi32>
        %parallel_loop3A_233 = arith.addi %parallel_loop3A_232, %mul3A_3 : vector<16xi32>
        %parallel_loop3A_234 = tpu.vector_load_idx %arg17[%parallel_loop3A_233] : memref<2048xf32, #tpu.memory_space<vmem>>[vector<16xi32>], vector<16xf32>,
        %parallel_loop3A_235 = arith.constant 1 : i32
        %parallel_loop3A_236 = vector.broadcast %parallel_loop3A_235 : i32 to vector<16xi32>
        %parallel_loop3A_237 = arith.addi %parallel_loop3A_233, %parallel_loop3A_236 : vector<16xi32>
        %parallel_loop3A_238 = tpu.vector_load_idx %arg17[%parallel_loop3A_237] : memref<2048xf32, #tpu.memory_space<vmem>>[vector<16xi32>], vector<16xf32>,
        %parallel_loop3A_239 = arith.constant 2 : i32
        %parallel_loop3A_240 = vector.broadcast %parallel_loop3A_239 : i32 to vector<16xi32>
        %parallel_loop3A_241 = arith.addi %parallel_loop3A_233, %parallel_loop3A_240 : vector<16xi32>
        %parallel_loop3A_242 = tpu.vector_load_idx %arg17[%parallel_loop3A_241] : memref<2048xf32, #tpu.memory_space<vmem>>[vector<16xi32>], vector<16xf32>,
        %parallel_loop3A_243 = arith.addf %parallel_loop3A_234, %parallel_loop3A_242 : vector<16xf32>
        %parallel_loop3A_244 = arith.constant 3 : i32
        %parallel_loop3A_245 = vector.broadcast %parallel_loop3A_244 : i32 to vector<16xi32>
        %parallel_loop3A_246 = arith.addi %parallel_loop3A_233, %parallel_loop3A_245 : vector<16xi32>
        %parallel_loop3A_247 = tpu.vector_load_idx %arg17[%parallel_loop3A_246] : memref<2048xf32, #tpu.memory_space<vmem>>[vector<16xi32>], vector<16xf32>,
        %parallel_loop3A_248 = arith.addf %parallel_loop3A_238, %parallel_loop3A_247 : vector<16xf32>
        %parallel_loop3A_249 = arith.constant 4 : i32
        %parallel_loop3A_250 = vector.broadcast %parallel_loop3A_249 : i32 to vector<16xi32>
        %parallel_loop3A_251 = arith.addi %parallel_loop3A_233, %parallel_loop3A_250 : vector<16xi32>
        %parallel_loop3A_252 = tpu.vector_load_idx %arg17[%parallel_loop3A_251] : memref<2048xf32, #tpu.memory_space<vmem>>[vector<16xi32>], vector<16xf32>,
        %parallel_loop3A_253 = arith.addf %parallel_loop3A_243, %parallel_loop3A_252 : vector<16xf32>
        %parallel_loop3A_254 = arith.constant 5 : i32
        %parallel_loop3A_255 = vector.broadcast %parallel_loop3A_254 : i32 to vector<16xi32>
        %parallel_loop3A_256 = arith.addi %parallel_loop3A_233, %parallel_loop3A_255 : vector<16xi32>
        %parallel_loop3A_257 = tpu.vector_load_idx %arg17[%parallel_loop3A_256] : memref<2048xf32, #tpu.memory_space<vmem>>[vector<16xi32>], vector<16xf32>,
        %parallel_loop3A_258 = arith.addf %parallel_loop3A_248, %parallel_loop3A_257 : vector<16xf32>
        %parallel_loop3A_259 = arith.constant 6 : i32
        %parallel_loop3A_260 = vector.broadcast %parallel_loop3A_259 : i32 to vector<16xi32>
        %parallel_loop3A_261 = arith.addi %parallel_loop3A_233, %parallel_loop3A_260 : vector<16xi32>
        %parallel_loop3A_262 = tpu.vector_load_idx %arg17[%parallel_loop3A_261] : memref<2048xf32, #tpu.memory_space<vmem>>[vector<16xi32>], vector<16xf32>,
        %parallel_loop3A_263 = arith.addf %parallel_loop3A_253, %parallel_loop3A_262 : vector<16xf32>
        %parallel_loop3A_264 = arith.constant 7 : i32
        %parallel_loop3A_265 = vector.broadcast %parallel_loop3A_264 : i32 to vector<16xi32>
        %parallel_loop3A_266 = arith.addi %parallel_loop3A_233, %parallel_loop3A_265 : vector<16xi32>
        %parallel_loop3A_267 = tpu.vector_load_idx %arg17[%parallel_loop3A_266] : memref<2048xf32, #tpu.memory_space<vmem>>[vector<16xi32>], vector<16xf32>,
        %parallel_loop3A_268 = arith.addf %parallel_loop3A_258, %parallel_loop3A_267 : vector<16xf32>
        %parallel_loop3A_269 = arith.constant 8 : i32
        %parallel_loop3A_270 = vector.broadcast %parallel_loop3A_269 : i32 to vector<16xi32>
        %parallel_loop3A_271 = arith.addi %parallel_loop3A_233, %parallel_loop3A_270 : vector<16xi32>
        %parallel_loop3A_272 = tpu.vector_load_idx %arg17[%parallel_loop3A_271] : memref<2048xf32, #tpu.memory_space<vmem>>[vector<16xi32>], vector<16xf32>,
        %parallel_loop3A_273 = arith.addf %parallel_loop3A_263, %parallel_loop3A_272 : vector<16xf32>
        %parallel_loop3A_274 = arith.constant 9 : i32
        %parallel_loop3A_275 = vector.broadcast %parallel_loop3A_274 : i32 to vector<16xi32>
        %parallel_loop3A_276 = arith.addi %parallel_loop3A_233, %parallel_loop3A_275 : vector<16xi32>
        %parallel_loop3A_277 = tpu.vector_load_idx %arg17[%parallel_loop3A_276] : memref<2048xf32, #tpu.memory_space<vmem>>[vector<16xi32>], vector<16xf32>,
        %parallel_loop3A_278 = arith.addf %parallel_loop3A_268, %parallel_loop3A_277 : vector<16xf32>
        %parallel_loop3A_279 = arith.constant 10 : i32
        %parallel_loop3A_280 = vector.broadcast %parallel_loop3A_279 : i32 to vector<16xi32>
        %parallel_loop3A_281 = arith.addi %parallel_loop3A_233, %parallel_loop3A_280 : vector<16xi32>
        %parallel_loop3A_282 = tpu.vector_load_idx %arg17[%parallel_loop3A_281] : memref<2048xf32, #tpu.memory_space<vmem>>[vector<16xi32>], vector<16xf32>,
        %parallel_loop3A_283 = arith.addf %parallel_loop3A_273, %parallel_loop3A_282 : vector<16xf32>
        %parallel_loop3A_284 = arith.constant 11 : i32
        %parallel_loop3A_285 = vector.broadcast %parallel_loop3A_284 : i32 to vector<16xi32>
        %parallel_loop3A_286 = arith.addi %parallel_loop3A_233, %parallel_loop3A_285 : vector<16xi32>
        %parallel_loop3A_287 = tpu.vector_load_idx %arg17[%parallel_loop3A_286] : memref<2048xf32, #tpu.memory_space<vmem>>[vector<16xi32>], vector<16xf32>,
        %parallel_loop3A_288 = arith.addf %parallel_loop3A_278, %parallel_loop3A_287 : vector<16xf32>
        %parallel_loop3A_289 = arith.constant 12 : i32
        %parallel_loop3A_290 = vector.broadcast %parallel_loop3A_289 : i32 to vector<16xi32>
        %parallel_loop3A_291 = arith.addi %parallel_loop3A_233, %parallel_loop3A_290 : vector<16xi32>
        %parallel_loop3A_292 = tpu.vector_load_idx %arg17[%parallel_loop3A_291] : memref<2048xf32, #tpu.memory_space<vmem>>[vector<16xi32>], vector<16xf32>,
        %parallel_loop3A_293 = arith.addf %parallel_loop3A_283, %parallel_loop3A_292 : vector<16xf32>
        %parallel_loop3A_294 = arith.constant 13 : i32
        %parallel_loop3A_295 = vector.broadcast %parallel_loop3A_294 : i32 to vector<16xi32>
        %parallel_loop3A_296 = arith.addi %parallel_loop3A_233, %parallel_loop3A_295 : vector<16xi32>
        %parallel_loop3A_297 = tpu.vector_load_idx %arg17[%parallel_loop3A_296] : memref<2048xf32, #tpu.memory_space<vmem>>[vector<16xi32>], vector<16xf32>,
        %parallel_loop3A_298 = arith.addf %parallel_loop3A_288, %parallel_loop3A_297 : vector<16xf32>
        %parallel_loop3A_299 = arith.constant 14 : i32
        %parallel_loop3A_300 = vector.broadcast %parallel_loop3A_299 : i32 to vector<16xi32>
        %parallel_loop3A_301 = arith.addi %parallel_loop3A_233, %parallel_loop3A_300 : vector<16xi32>
        %parallel_loop3A_302 = tpu.vector_load_idx %arg17[%parallel_loop3A_301] : memref<2048xf32, #tpu.memory_space<vmem>>[vector<16xi32>], vector<16xf32>,
        %parallel_loop3A_303 = arith.addf %parallel_loop3A_293, %parallel_loop3A_302 : vector<16xf32>
        %parallel_loop3A_304 = arith.constant 15 : i32
        %parallel_loop3A_305 = vector.broadcast %parallel_loop3A_304 : i32 to vector<16xi32>
        %parallel_loop3A_306 = arith.addi %parallel_loop3A_233, %parallel_loop3A_305 : vector<16xi32>
        %parallel_loop3A_307 = tpu.vector_load_idx %arg17[%parallel_loop3A_306] : memref<2048xf32, #tpu.memory_space<vmem>>[vector<16xi32>], vector<16xf32>,
        %parallel_loop3A_308 = arith.addf %parallel_loop3A_298, %parallel_loop3A_307 : vector<16xf32>
        %parallel_loop3A_309 = arith.addf %parallel_loop3A_303, %parallel_loop3A_308 : vector<16xf32>
        %parallel_loop3A_310 = arith.constant 16 : i32
        %parallel_loop3A_311 = arith.muli %parallel_loop3A_226, %parallel_loop3A_310 : i32
        %parallel_loop3A_312 = arith.index_cast %parallel_loop3A_311 : i32 to index
        %parallel_loop3A_313 = tpu.vector_load %arg14[%parallel_loop3A_312] {strides = array<i32>} : memref<128xf32, #tpu.memory_space<vmem>>, vector<16xf32>,
        tpu.vector_store %arg14[%parallel_loop3A_312], %parallel_loop3A_309 {strides = array<i32>} : memref<128xf32, #tpu.memory_space<vmem>>, vector<16xf32>,
      } {sc.loop_unroll_factor = 1 : i64, sc.parallel_access}
      %mul3A_144 = arith.constant 128 : i32
      %mul3A_145 = arith.muli %mul3A_126, %mul3A_144 : i32
      %dma_start3A_146 = tpu.memref_slice %arg5[%add3A, %mul3A_145] : memref<32x10240xf32, #tpu.memory_space<hbm>> -> memref<1x128xf32, #tpu.memory_space<hbm>>
      %dma_start3A_147 = tpu.memref_squeeze %dma_start3A_146 : memref<1x128xf32, #tpu.memory_space<hbm>> -> memref<128xf32, #tpu.memory_space<hbm>>
      %dma_start3A_148 = tpu.memref_slice %arg5[%add3A, %mul3A_145] : memref<32x10240xf32, #tpu.memory_space<hbm>> -> memref<1x128xf32, #tpu.memory_space<hbm>>
      %dma_start3A_149 = tpu.memref_squeeze %dma_start3A_148 : memref<1x128xf32, #tpu.memory_space<hbm>> -> memref<128xf32, #tpu.memory_space<hbm>>
      tpu.enqueue_dma source(%arg14 : memref<128xf32, #tpu.memory_space<vmem>>) target(%dma_start3A_149 : memref<128xf32, #tpu.memory_space<hbm>>) target_semaphore(%arg21 : memref<!tpu.dma_semaphore, #tpu.memory_space<semaphore_mem>>)
      %add3A_150 = arith.constant 3 : i32
      %add3A_151 = arith.addi %mul3A_126, %add3A_150 : i32
      %lt3A = arith.constant 80 : i32
      %lt3A_152 = arith.cmpi slt, %add3A_151, %lt3A : i32
      %convert_element_type3A_153 = arith.extui %lt3A_152 : i1 to i32
      %cond3A_154 = arith.constant 0 : i32
      %cond3A_155 = arith.cmpi ne, %convert_element_type3A_153, %cond3A_154 : i32
      scf.if %cond3A_155 {
        %add3A_226 = arith.constant 3 : i32
        %add3A_227 = arith.addi %mul3A_126, %add3A_226 : i32
        %dma_start3A_228 = arith.constant 0 : i32
        %dma_start3A_229 = tpu.memref_slice %arg6[%add3A_227, %dma_start3A_228] : memref<80x128xi32, #tpu.memory_space<vmem>> -> memref<1x128xi32, #tpu.memory_space<vmem>>
        %dma_start3A_230 = tpu.memref_squeeze %dma_start3A_229 : memref<1x128xi32, #tpu.memory_space<vmem>> -> memref<128xi32, #tpu.memory_space<vmem>>
        %dma_start3A_231 = arith.constant 0 : i32
        %dma_start3A_232 = arith.constant 0 : i32
        %dma_start3A_233 = tpu.memref_slice %arg2[%dma_start3A_231, %dma_start3A_232] : memref<10240x128xf32, #tpu.memory_space<hbm>> -> memref<10240x128xf32, #tpu.memory_space<hbm>>
        tpu.enqueue_indirect_dma source(%dma_start3A_233 : memref<10240x128xf32, #tpu.memory_space<hbm>>) target(%arg8 : memref<128x128xf32, #tpu.memory_space<vmem>>) offsets(%dma_start3A_230 : memref<128xi32, #tpu.memory_space<vmem>>) semaphore(%arg18 : memref<!tpu.dma_semaphore, #tpu.memory_space<semaphore_mem>>)
        %dma_start3A_234 = arith.constant 0 : i32
        %dma_start3A_235 = tpu.memref_slice %arg7[%add3A_227, %dma_start3A_234] : memref<80x128xi32, #tpu.memory_space<vmem>> -> memref<1x128xi32, #tpu.memory_space<vmem>>
        %dma_start3A_236 = tpu.memref_squeeze %dma_start3A_235 : memref<1x128xi32, #tpu.memory_space<vmem>> -> memref<128xi32, #tpu.memory_space<vmem>>
        %dma_start3A_237 = arith.constant 0 : i32
        %dma_start3A_238 = arith.constant 0 : i32
        %dma_start3A_239 = tpu.memref_slice %arg2[%dma_start3A_237, %dma_start3A_238] : memref<10240x128xf32, #tpu.memory_space<hbm>> -> memref<10240x128xf32, #tpu.memory_space<hbm>>
        tpu.enqueue_indirect_dma source(%dma_start3A_239 : memref<10240x128xf32, #tpu.memory_space<hbm>>) target(%arg9 : memref<128x128xf32, #tpu.memory_space<vmem>>) offsets(%dma_start3A_236 : memref<128xi32, #tpu.memory_space<vmem>>) semaphore(%arg18 : memref<!tpu.dma_semaphore, #tpu.memory_space<semaphore_mem>>)
      } else {
      }
      %add3A_156 = arith.constant 1 : i32
      %add3A_157 = arith.addi %mul3A_126, %add3A_156 : i32
      %dma_wait3A_158 = arith.constant 0 : i32
      %dma_wait3A_159 = tpu.memref_slice %arg6[%add3A_157, %dma_wait3A_158] : memref<80x128xi32, #tpu.memory_space<vmem>> -> memref<1x128xi32, #tpu.memory_space<vmem>>
      %dma_wait3A_160 = tpu.memref_squeeze %dma_wait3A_159 : memref<1x128xi32, #tpu.memory_space<vmem>> -> memref<128xi32, #tpu.memory_space<vmem>>
      %dma_wait3A_161 = arith.constant 0 : i32
      %dma_wait3A_162 = arith.constant 0 : i32
      %dma_wait3A_163 = tpu.memref_slice %arg2[%dma_wait3A_161, %dma_wait3A_162] : memref<10240x128xf32, #tpu.memory_space<hbm>> -> memref<10240x128xf32, #tpu.memory_space<hbm>>
      tpu.wait_indirect_dma semaphore(%arg19 : memref<!tpu.dma_semaphore, #tpu.memory_space<semaphore_mem>>) src(%dma_wait3A_163 : memref<10240x128xf32, #tpu.memory_space<hbm>>) dst(%arg10 : memref<128x128xf32, #tpu.memory_space<vmem>>)
      %dma_wait3A_164 = arith.constant 0 : i32
      %dma_wait3A_165 = tpu.memref_slice %arg7[%add3A_157, %dma_wait3A_164] : memref<80x128xi32, #tpu.memory_space<vmem>> -> memref<1x128xi32, #tpu.memory_space<vmem>>
      %dma_wait3A_166 = tpu.memref_squeeze %dma_wait3A_165 : memref<1x128xi32, #tpu.memory_space<vmem>> -> memref<128xi32, #tpu.memory_space<vmem>>
      %dma_wait3A_167 = arith.constant 0 : i32
      %dma_wait3A_168 = arith.constant 0 : i32
      %dma_wait3A_169 = tpu.memref_slice %arg2[%dma_wait3A_167, %dma_wait3A_168] : memref<10240x128xf32, #tpu.memory_space<hbm>> -> memref<10240x128xf32, #tpu.memory_space<hbm>>
      tpu.wait_indirect_dma semaphore(%arg19 : memref<!tpu.dma_semaphore, #tpu.memory_space<semaphore_mem>>) src(%dma_wait3A_169 : memref<10240x128xf32, #tpu.memory_space<hbm>>) dst(%arg11 : memref<128x128xf32, #tpu.memory_space<vmem>>)
      %ge3A_170 = arith.constant 3 : i32
      %ge3A_171 = arith.cmpi sge, %add3A_157, %ge3A_170 : i32
      %convert_element_type3A_172 = arith.extui %ge3A_171 : i1 to i32
      %cond3A_173 = arith.constant 0 : i32
      %cond3A_174 = arith.cmpi ne, %convert_element_type3A_172, %cond3A_173 : i32
      scf.if %cond3A_174 {
        %sub3A = arith.constant 3 : i32
        %sub3A_226 = arith.subi %add3A_157, %sub3A : i32
        %mul3A_227 = arith.constant 128 : i32
        %mul3A_228 = arith.muli %sub3A_226, %mul3A_227 : i32
        %dma_wait3A_229 = tpu.memref_slice %arg5[%add3A, %mul3A_228] : memref<32x10240xf32, #tpu.memory_space<hbm>> -> memref<1x128xf32, #tpu.memory_space<hbm>>
        %dma_wait3A_230 = tpu.memref_squeeze %dma_wait3A_229 : memref<1x128xf32, #tpu.memory_space<hbm>> -> memref<128xf32, #tpu.memory_space<hbm>>
        %dma_wait3A_231 = tpu.memref_slice %arg5[%add3A, %mul3A_228] : memref<32x10240xf32, #tpu.memory_space<hbm>> -> memref<1x128xf32, #tpu.memory_space<hbm>>
        %dma_wait3A_232 = tpu.memref_squeeze %dma_wait3A_231 : memref<1x128xf32, #tpu.memory_space<hbm>> -> memref<128xf32, #tpu.memory_space<hbm>>
        tpu.wait_dma2 semaphore(%arg22 : memref<!tpu.dma_semaphore, #tpu.memory_space<semaphore_mem>>) src(%arg15 : memref<128xf32, #tpu.memory_space<vmem>>) dst(%dma_wait3A_232 : memref<128xf32, #tpu.memory_space<hbm>>)
      } else {
      }
      %parallel_loop3A_175 = arith.constant 0 : i32
      %parallel_loop3A_176 = arith.constant 8 : i32
      %parallel_loop3A_177 = arith.constant 1 : i32
      scf.for %parallel_loop3A_226 = %parallel_loop3A_175 to %parallel_loop3A_176 step %parallel_loop3A_177  : i32 {
        %parallel_loop3A_227 = arith.constant 0 : i32
        %parallel_loop3A_228 = arith.constant 16 : i32
        %parallel_loop3A_229 = arith.constant 1 : i32
        scf.for %parallel_loop3A_314 = %parallel_loop3A_227 to %parallel_loop3A_228 step %parallel_loop3A_229  : i32 {
          %parallel_loop3A_315 = arith.constant 16 : i32
          %parallel_loop3A_316 = arith.muli %parallel_loop3A_226, %parallel_loop3A_315 : i32
          %parallel_loop3A_317 = arith.addi %parallel_loop3A_316, %parallel_loop3A_314 : i32
          %parallel_loop3A_318 = arith.index_cast %parallel_loop3A_317 : i32 to index
          %parallel_loop3A_319 = arith.constant 0 : index
          %parallel_loop3A_320 = tpu.vector_load %arg10[%parallel_loop3A_318, %parallel_loop3A_319] {strides = array<i32>} : memref<128x128xf32, #tpu.memory_space<vmem>>, vector<16xf32>,
          %parallel_loop3A_321 = arith.index_cast %parallel_loop3A_317 : i32 to index
          %parallel_loop3A_322 = arith.constant 0 : index
          %parallel_loop3A_323 = tpu.vector_load %arg11[%parallel_loop3A_321, %parallel_loop3A_322] {strides = array<i32>} : memref<128x128xf32, #tpu.memory_space<vmem>>, vector<16xf32>,
          %parallel_loop3A_324 = arith.mulf %parallel_loop3A_320, %parallel_loop3A_323 : vector<16xf32>
          %parallel_loop3A_325 = arith.index_cast %parallel_loop3A_317 : i32 to index
          %parallel_loop3A_326 = arith.constant 16 : index
          %parallel_loop3A_327 = tpu.vector_load %arg10[%parallel_loop3A_325, %parallel_loop3A_326] {strides = array<i32>} : memref<128x128xf32, #tpu.memory_space<vmem>>, vector<16xf32>,
          %parallel_loop3A_328 = arith.index_cast %parallel_loop3A_317 : i32 to index
          %parallel_loop3A_329 = arith.constant 16 : index
          %parallel_loop3A_330 = tpu.vector_load %arg11[%parallel_loop3A_328, %parallel_loop3A_329] {strides = array<i32>} : memref<128x128xf32, #tpu.memory_space<vmem>>, vector<16xf32>,
          %parallel_loop3A_331 = arith.mulf %parallel_loop3A_327, %parallel_loop3A_330 : vector<16xf32>
          %parallel_loop3A_332 = arith.index_cast %parallel_loop3A_317 : i32 to index
          %parallel_loop3A_333 = arith.constant 32 : index
          %parallel_loop3A_334 = tpu.vector_load %arg10[%parallel_loop3A_332, %parallel_loop3A_333] {strides = array<i32>} : memref<128x128xf32, #tpu.memory_space<vmem>>, vector<16xf32>,
          %parallel_loop3A_335 = arith.index_cast %parallel_loop3A_317 : i32 to index
          %parallel_loop3A_336 = arith.constant 32 : index
          %parallel_loop3A_337 = tpu.vector_load %arg11[%parallel_loop3A_335, %parallel_loop3A_336] {strides = array<i32>} : memref<128x128xf32, #tpu.memory_space<vmem>>, vector<16xf32>,
          %parallel_loop3A_338 = arith.mulf %parallel_loop3A_334, %parallel_loop3A_337 : vector<16xf32>
          %parallel_loop3A_339 = arith.addf %parallel_loop3A_324, %parallel_loop3A_338 : vector<16xf32>
          %parallel_loop3A_340 = arith.index_cast %parallel_loop3A_317 : i32 to index
          %parallel_loop3A_341 = arith.constant 48 : index
          %parallel_loop3A_342 = tpu.vector_load %arg10[%parallel_loop3A_340, %parallel_loop3A_341] {strides = array<i32>} : memref<128x128xf32, #tpu.memory_space<vmem>>, vector<16xf32>,
          %parallel_loop3A_343 = arith.index_cast %parallel_loop3A_317 : i32 to index
          %parallel_loop3A_344 = arith.constant 48 : index
          %parallel_loop3A_345 = tpu.vector_load %arg11[%parallel_loop3A_343, %parallel_loop3A_344] {strides = array<i32>} : memref<128x128xf32, #tpu.memory_space<vmem>>, vector<16xf32>,
          %parallel_loop3A_346 = arith.mulf %parallel_loop3A_342, %parallel_loop3A_345 : vector<16xf32>
          %parallel_loop3A_347 = arith.addf %parallel_loop3A_331, %parallel_loop3A_346 : vector<16xf32>
          %parallel_loop3A_348 = arith.index_cast %parallel_loop3A_317 : i32 to index
          %parallel_loop3A_349 = arith.constant 64 : index
          %parallel_loop3A_350 = tpu.vector_load %arg10[%parallel_loop3A_348, %parallel_loop3A_349] {strides = array<i32>} : memref<128x128xf32, #tpu.memory_space<vmem>>, vector<16xf32>,
          %parallel_loop3A_351 = arith.index_cast %parallel_loop3A_317 : i32 to index
          %parallel_loop3A_352 = arith.constant 64 : index
          %parallel_loop3A_353 = tpu.vector_load %arg11[%parallel_loop3A_351, %parallel_loop3A_352] {strides = array<i32>} : memref<128x128xf32, #tpu.memory_space<vmem>>, vector<16xf32>,
          %parallel_loop3A_354 = arith.mulf %parallel_loop3A_350, %parallel_loop3A_353 : vector<16xf32>
          %parallel_loop3A_355 = arith.addf %parallel_loop3A_339, %parallel_loop3A_354 : vector<16xf32>
          %parallel_loop3A_356 = arith.index_cast %parallel_loop3A_317 : i32 to index
          %parallel_loop3A_357 = arith.constant 80 : index
          %parallel_loop3A_358 = tpu.vector_load %arg10[%parallel_loop3A_356, %parallel_loop3A_357] {strides = array<i32>} : memref<128x128xf32, #tpu.memory_space<vmem>>, vector<16xf32>,
          %parallel_loop3A_359 = arith.index_cast %parallel_loop3A_317 : i32 to index
          %parallel_loop3A_360 = arith.constant 80 : index
          %parallel_loop3A_361 = tpu.vector_load %arg11[%parallel_loop3A_359, %parallel_loop3A_360] {strides = array<i32>} : memref<128x128xf32, #tpu.memory_space<vmem>>, vector<16xf32>,
          %parallel_loop3A_362 = arith.mulf %parallel_loop3A_358, %parallel_loop3A_361 : vector<16xf32>
          %parallel_loop3A_363 = arith.addf %parallel_loop3A_347, %parallel_loop3A_362 : vector<16xf32>
          %parallel_loop3A_364 = arith.index_cast %parallel_loop3A_317 : i32 to index
          %parallel_loop3A_365 = arith.constant 96 : index
          %parallel_loop3A_366 = tpu.vector_load %arg10[%parallel_loop3A_364, %parallel_loop3A_365] {strides = array<i32>} : memref<128x128xf32, #tpu.memory_space<vmem>>, vector<16xf32>,
          %parallel_loop3A_367 = arith.index_cast %parallel_loop3A_317 : i32 to index
          %parallel_loop3A_368 = arith.constant 96 : index
          %parallel_loop3A_369 = tpu.vector_load %arg11[%parallel_loop3A_367, %parallel_loop3A_368] {strides = array<i32>} : memref<128x128xf32, #tpu.memory_space<vmem>>, vector<16xf32>,
          %parallel_loop3A_370 = arith.mulf %parallel_loop3A_366, %parallel_loop3A_369 : vector<16xf32>
          %parallel_loop3A_371 = arith.addf %parallel_loop3A_355, %parallel_loop3A_370 : vector<16xf32>
          %parallel_loop3A_372 = arith.index_cast %parallel_loop3A_317 : i32 to index
          %parallel_loop3A_373 = arith.constant 112 : index
          %parallel_loop3A_374 = tpu.vector_load %arg10[%parallel_loop3A_372, %parallel_loop3A_373] {strides = array<i32>} : memref<128x128xf32, #tpu.memory_space<vmem>>, vector<16xf32>,
          %parallel_loop3A_375 = arith.index_cast %parallel_loop3A_317 : i32 to index
          %parallel_loop3A_376 = arith.constant 112 : index
          %parallel_loop3A_377 = tpu.vector_load %arg11[%parallel_loop3A_375, %parallel_loop3A_376] {strides = array<i32>} : memref<128x128xf32, #tpu.memory_space<vmem>>, vector<16xf32>,
          %parallel_loop3A_378 = arith.mulf %parallel_loop3A_374, %parallel_loop3A_377 : vector<16xf32>
          %parallel_loop3A_379 = arith.addf %parallel_loop3A_363, %parallel_loop3A_378 : vector<16xf32>
          %parallel_loop3A_380 = arith.addf %parallel_loop3A_371, %parallel_loop3A_379 : vector<16xf32>
          %parallel_loop3A_381 = arith.constant 256 : i32
          %parallel_loop3A_382 = arith.muli %parallel_loop3A_226, %parallel_loop3A_381 : i32
          %parallel_loop3A_383 = arith.constant 16 : i32
          %parallel_loop3A_384 = arith.muli %parallel_loop3A_314, %parallel_loop3A_383 : i32
          %parallel_loop3A_385 = arith.addi %parallel_loop3A_382, %parallel_loop3A_384 : i32
          %parallel_loop3A_386 = arith.index_cast %parallel_loop3A_385 : i32 to index
          %parallel_loop3A_387 = tpu.vector_load %arg17[%parallel_loop3A_386] {strides = array<i32>} : memref<2048xf32, #tpu.memory_space<vmem>>, vector<16xf32>,
          tpu.vector_store %arg17[%parallel_loop3A_386], %parallel_loop3A_380 {strides = array<i32>} : memref<2048xf32, #tpu.memory_space<vmem>>, vector<16xf32>,
        } {sc.loop_unroll_factor = 4 : i64, sc.parallel_access}
        %parallel_loop3A_230 = arith.constant 256 : i32
        %parallel_loop3A_231 = arith.muli %parallel_loop3A_226, %parallel_loop3A_230 : i32
        %parallel_loop3A_232 = vector.broadcast %parallel_loop3A_231 : i32 to vector<16xi32>
        %parallel_loop3A_233 = arith.addi %parallel_loop3A_232, %mul3A_3 : vector<16xi32>
        %parallel_loop3A_234 = tpu.vector_load_idx %arg17[%parallel_loop3A_233] : memref<2048xf32, #tpu.memory_space<vmem>>[vector<16xi32>], vector<16xf32>,
        %parallel_loop3A_235 = arith.constant 1 : i32
        %parallel_loop3A_236 = vector.broadcast %parallel_loop3A_235 : i32 to vector<16xi32>
        %parallel_loop3A_237 = arith.addi %parallel_loop3A_233, %parallel_loop3A_236 : vector<16xi32>
        %parallel_loop3A_238 = tpu.vector_load_idx %arg17[%parallel_loop3A_237] : memref<2048xf32, #tpu.memory_space<vmem>>[vector<16xi32>], vector<16xf32>,
        %parallel_loop3A_239 = arith.constant 2 : i32
        %parallel_loop3A_240 = vector.broadcast %parallel_loop3A_239 : i32 to vector<16xi32>
        %parallel_loop3A_241 = arith.addi %parallel_loop3A_233, %parallel_loop3A_240 : vector<16xi32>
        %parallel_loop3A_242 = tpu.vector_load_idx %arg17[%parallel_loop3A_241] : memref<2048xf32, #tpu.memory_space<vmem>>[vector<16xi32>], vector<16xf32>,
        %parallel_loop3A_243 = arith.addf %parallel_loop3A_234, %parallel_loop3A_242 : vector<16xf32>
        %parallel_loop3A_244 = arith.constant 3 : i32
        %parallel_loop3A_245 = vector.broadcast %parallel_loop3A_244 : i32 to vector<16xi32>
        %parallel_loop3A_246 = arith.addi %parallel_loop3A_233, %parallel_loop3A_245 : vector<16xi32>
        %parallel_loop3A_247 = tpu.vector_load_idx %arg17[%parallel_loop3A_246] : memref<2048xf32, #tpu.memory_space<vmem>>[vector<16xi32>], vector<16xf32>,
        %parallel_loop3A_248 = arith.addf %parallel_loop3A_238, %parallel_loop3A_247 : vector<16xf32>
        %parallel_loop3A_249 = arith.constant 4 : i32
        %parallel_loop3A_250 = vector.broadcast %parallel_loop3A_249 : i32 to vector<16xi32>
        %parallel_loop3A_251 = arith.addi %parallel_loop3A_233, %parallel_loop3A_250 : vector<16xi32>
        %parallel_loop3A_252 = tpu.vector_load_idx %arg17[%parallel_loop3A_251] : memref<2048xf32, #tpu.memory_space<vmem>>[vector<16xi32>], vector<16xf32>,
        %parallel_loop3A_253 = arith.addf %parallel_loop3A_243, %parallel_loop3A_252 : vector<16xf32>
        %parallel_loop3A_254 = arith.constant 5 : i32
        %parallel_loop3A_255 = vector.broadcast %parallel_loop3A_254 : i32 to vector<16xi32>
        %parallel_loop3A_256 = arith.addi %parallel_loop3A_233, %parallel_loop3A_255 : vector<16xi32>
        %parallel_loop3A_257 = tpu.vector_load_idx %arg17[%parallel_loop3A_256] : memref<2048xf32, #tpu.memory_space<vmem>>[vector<16xi32>], vector<16xf32>,
        %parallel_loop3A_258 = arith.addf %parallel_loop3A_248, %parallel_loop3A_257 : vector<16xf32>
        %parallel_loop3A_259 = arith.constant 6 : i32
        %parallel_loop3A_260 = vector.broadcast %parallel_loop3A_259 : i32 to vector<16xi32>
        %parallel_loop3A_261 = arith.addi %parallel_loop3A_233, %parallel_loop3A_260 : vector<16xi32>
        %parallel_loop3A_262 = tpu.vector_load_idx %arg17[%parallel_loop3A_261] : memref<2048xf32, #tpu.memory_space<vmem>>[vector<16xi32>], vector<16xf32>,
        %parallel_loop3A_263 = arith.addf %parallel_loop3A_253, %parallel_loop3A_262 : vector<16xf32>
        %parallel_loop3A_264 = arith.constant 7 : i32
        %parallel_loop3A_265 = vector.broadcast %parallel_loop3A_264 : i32 to vector<16xi32>
        %parallel_loop3A_266 = arith.addi %parallel_loop3A_233, %parallel_loop3A_265 : vector<16xi32>
        %parallel_loop3A_267 = tpu.vector_load_idx %arg17[%parallel_loop3A_266] : memref<2048xf32, #tpu.memory_space<vmem>>[vector<16xi32>], vector<16xf32>,
        %parallel_loop3A_268 = arith.addf %parallel_loop3A_258, %parallel_loop3A_267 : vector<16xf32>
        %parallel_loop3A_269 = arith.constant 8 : i32
        %parallel_loop3A_270 = vector.broadcast %parallel_loop3A_269 : i32 to vector<16xi32>
        %parallel_loop3A_271 = arith.addi %parallel_loop3A_233, %parallel_loop3A_270 : vector<16xi32>
        %parallel_loop3A_272 = tpu.vector_load_idx %arg17[%parallel_loop3A_271] : memref<2048xf32, #tpu.memory_space<vmem>>[vector<16xi32>], vector<16xf32>,
        %parallel_loop3A_273 = arith.addf %parallel_loop3A_263, %parallel_loop3A_272 : vector<16xf32>
        %parallel_loop3A_274 = arith.constant 9 : i32
        %parallel_loop3A_275 = vector.broadcast %parallel_loop3A_274 : i32 to vector<16xi32>
        %parallel_loop3A_276 = arith.addi %parallel_loop3A_233, %parallel_loop3A_275 : vector<16xi32>
        %parallel_loop3A_277 = tpu.vector_load_idx %arg17[%parallel_loop3A_276] : memref<2048xf32, #tpu.memory_space<vmem>>[vector<16xi32>], vector<16xf32>,
        %parallel_loop3A_278 = arith.addf %parallel_loop3A_268, %parallel_loop3A_277 : vector<16xf32>
        %parallel_loop3A_279 = arith.constant 10 : i32
        %parallel_loop3A_280 = vector.broadcast %parallel_loop3A_279 : i32 to vector<16xi32>
        %parallel_loop3A_281 = arith.addi %parallel_loop3A_233, %parallel_loop3A_280 : vector<16xi32>
        %parallel_loop3A_282 = tpu.vector_load_idx %arg17[%parallel_loop3A_281] : memref<2048xf32, #tpu.memory_space<vmem>>[vector<16xi32>], vector<16xf32>,
        %parallel_loop3A_283 = arith.addf %parallel_loop3A_273, %parallel_loop3A_282 : vector<16xf32>
        %parallel_loop3A_284 = arith.constant 11 : i32
        %parallel_loop3A_285 = vector.broadcast %parallel_loop3A_284 : i32 to vector<16xi32>
        %parallel_loop3A_286 = arith.addi %parallel_loop3A_233, %parallel_loop3A_285 : vector<16xi32>
        %parallel_loop3A_287 = tpu.vector_load_idx %arg17[%parallel_loop3A_286] : memref<2048xf32, #tpu.memory_space<vmem>>[vector<16xi32>], vector<16xf32>,
        %parallel_loop3A_288 = arith.addf %parallel_loop3A_278, %parallel_loop3A_287 : vector<16xf32>
        %parallel_loop3A_289 = arith.constant 12 : i32
        %parallel_loop3A_290 = vector.broadcast %parallel_loop3A_289 : i32 to vector<16xi32>
        %parallel_loop3A_291 = arith.addi %parallel_loop3A_233, %parallel_loop3A_290 : vector<16xi32>
        %parallel_loop3A_292 = tpu.vector_load_idx %arg17[%parallel_loop3A_291] : memref<2048xf32, #tpu.memory_space<vmem>>[vector<16xi32>], vector<16xf32>,
        %parallel_loop3A_293 = arith.addf %parallel_loop3A_283, %parallel_loop3A_292 : vector<16xf32>
        %parallel_loop3A_294 = arith.constant 13 : i32
        %parallel_loop3A_295 = vector.broadcast %parallel_loop3A_294 : i32 to vector<16xi32>
        %parallel_loop3A_296 = arith.addi %parallel_loop3A_233, %parallel_loop3A_295 : vector<16xi32>
        %parallel_loop3A_297 = tpu.vector_load_idx %arg17[%parallel_loop3A_296] : memref<2048xf32, #tpu.memory_space<vmem>>[vector<16xi32>], vector<16xf32>,
        %parallel_loop3A_298 = arith.addf %parallel_loop3A_288, %parallel_loop3A_297 : vector<16xf32>
        %parallel_loop3A_299 = arith.constant 14 : i32
        %parallel_loop3A_300 = vector.broadcast %parallel_loop3A_299 : i32 to vector<16xi32>
        %parallel_loop3A_301 = arith.addi %parallel_loop3A_233, %parallel_loop3A_300 : vector<16xi32>
        %parallel_loop3A_302 = tpu.vector_load_idx %arg17[%parallel_loop3A_301] : memref<2048xf32, #tpu.memory_space<vmem>>[vector<16xi32>], vector<16xf32>,
        %parallel_loop3A_303 = arith.addf %parallel_loop3A_293, %parallel_loop3A_302 : vector<16xf32>
        %parallel_loop3A_304 = arith.constant 15 : i32
        %parallel_loop3A_305 = vector.broadcast %parallel_loop3A_304 : i32 to vector<16xi32>
        %parallel_loop3A_306 = arith.addi %parallel_loop3A_233, %parallel_loop3A_305 : vector<16xi32>
        %parallel_loop3A_307 = tpu.vector_load_idx %arg17[%parallel_loop3A_306] : memref<2048xf32, #tpu.memory_space<vmem>>[vector<16xi32>], vector<16xf32>,
        %parallel_loop3A_308 = arith.addf %parallel_loop3A_298, %parallel_loop3A_307 : vector<16xf32>
        %parallel_loop3A_309 = arith.addf %parallel_loop3A_303, %parallel_loop3A_308 : vector<16xf32>
        %parallel_loop3A_310 = arith.constant 16 : i32
        %parallel_loop3A_311 = arith.muli %parallel_loop3A_226, %parallel_loop3A_310 : i32
        %parallel_loop3A_312 = arith.index_cast %parallel_loop3A_311 : i32 to index
        %parallel_loop3A_313 = tpu.vector_load %arg15[%parallel_loop3A_312] {strides = array<i32>} : memref<128xf32, #tpu.memory_space<vmem>>, vector<16xf32>,
        tpu.vector_store %arg15[%parallel_loop3A_312], %parallel_loop3A_309 {strides = array<i32>} : memref<128xf32, #tpu.memory_space<vmem>>, vector<16xf32>,
      } {sc.loop_unroll_factor = 1 : i64, sc.parallel_access}
      %mul3A_178 = arith.constant 128 : i32
      %mul3A_179 = arith.muli %add3A_157, %mul3A_178 : i32
      %dma_start3A_180 = tpu.memref_slice %arg5[%add3A, %mul3A_179] : memref<32x10240xf32, #tpu.memory_space<hbm>> -> memref<1x128xf32, #tpu.memory_space<hbm>>
      %dma_start3A_181 = tpu.memref_squeeze %dma_start3A_180 : memref<1x128xf32, #tpu.memory_space<hbm>> -> memref<128xf32, #tpu.memory_space<hbm>>
      %dma_start3A_182 = tpu.memref_slice %arg5[%add3A, %mul3A_179] : memref<32x10240xf32, #tpu.memory_space<hbm>> -> memref<1x128xf32, #tpu.memory_space<hbm>>
      %dma_start3A_183 = tpu.memref_squeeze %dma_start3A_182 : memref<1x128xf32, #tpu.memory_space<hbm>> -> memref<128xf32, #tpu.memory_space<hbm>>
      tpu.enqueue_dma source(%arg15 : memref<128xf32, #tpu.memory_space<vmem>>) target(%dma_start3A_183 : memref<128xf32, #tpu.memory_space<hbm>>) target_semaphore(%arg22 : memref<!tpu.dma_semaphore, #tpu.memory_space<semaphore_mem>>)
      %add3A_184 = arith.constant 3 : i32
      %add3A_185 = arith.addi %add3A_157, %add3A_184 : i32
      %lt3A_186 = arith.constant 80 : i32
      %lt3A_187 = arith.cmpi slt, %add3A_185, %lt3A_186 : i32
      %convert_element_type3A_188 = arith.extui %lt3A_187 : i1 to i32
      %cond3A_189 = arith.constant 0 : i32
      %cond3A_190 = arith.cmpi ne, %convert_element_type3A_188, %cond3A_189 : i32
      scf.if %cond3A_190 {
        %add3A_226 = arith.constant 3 : i32
        %add3A_227 = arith.addi %add3A_157, %add3A_226 : i32
        %dma_start3A_228 = arith.constant 0 : i32
        %dma_start3A_229 = tpu.memref_slice %arg6[%add3A_227, %dma_start3A_228] : memref<80x128xi32, #tpu.memory_space<vmem>> -> memref<1x128xi32, #tpu.memory_space<vmem>>
        %dma_start3A_230 = tpu.memref_squeeze %dma_start3A_229 : memref<1x128xi32, #tpu.memory_space<vmem>> -> memref<128xi32, #tpu.memory_space<vmem>>
        %dma_start3A_231 = arith.constant 0 : i32
        %dma_start3A_232 = arith.constant 0 : i32
        %dma_start3A_233 = tpu.memref_slice %arg2[%dma_start3A_231, %dma_start3A_232] : memref<10240x128xf32, #tpu.memory_space<hbm>> -> memref<10240x128xf32, #tpu.memory_space<hbm>>
        tpu.enqueue_indirect_dma source(%dma_start3A_233 : memref<10240x128xf32, #tpu.memory_space<hbm>>) target(%arg10 : memref<128x128xf32, #tpu.memory_space<vmem>>) offsets(%dma_start3A_230 : memref<128xi32, #tpu.memory_space<vmem>>) semaphore(%arg19 : memref<!tpu.dma_semaphore, #tpu.memory_space<semaphore_mem>>)
        %dma_start3A_234 = arith.constant 0 : i32
        %dma_start3A_235 = tpu.memref_slice %arg7[%add3A_227, %dma_start3A_234] : memref<80x128xi32, #tpu.memory_space<vmem>> -> memref<1x128xi32, #tpu.memory_space<vmem>>
        %dma_start3A_236 = tpu.memref_squeeze %dma_start3A_235 : memref<1x128xi32, #tpu.memory_space<vmem>> -> memref<128xi32, #tpu.memory_space<vmem>>
        %dma_start3A_237 = arith.constant 0 : i32
        %dma_start3A_238 = arith.constant 0 : i32
        %dma_start3A_239 = tpu.memref_slice %arg2[%dma_start3A_237, %dma_start3A_238] : memref<10240x128xf32, #tpu.memory_space<hbm>> -> memref<10240x128xf32, #tpu.memory_space<hbm>>
        tpu.enqueue_indirect_dma source(%dma_start3A_239 : memref<10240x128xf32, #tpu.memory_space<hbm>>) target(%arg11 : memref<128x128xf32, #tpu.memory_space<vmem>>) offsets(%dma_start3A_236 : memref<128xi32, #tpu.memory_space<vmem>>) semaphore(%arg19 : memref<!tpu.dma_semaphore, #tpu.memory_space<semaphore_mem>>)
      } else {
      }
      %add3A_191 = arith.constant 2 : i32
      %add3A_192 = arith.addi %mul3A_126, %add3A_191 : i32
      %dma_wait3A_193 = arith.constant 0 : i32
      %dma_wait3A_194 = tpu.memref_slice %arg6[%add3A_192, %dma_wait3A_193] : memref<80x128xi32, #tpu.memory_space<vmem>> -> memref<1x128xi32, #tpu.memory_space<vmem>>
      %dma_wait3A_195 = tpu.memref_squeeze %dma_wait3A_194 : memref<1x128xi32, #tpu.memory_space<vmem>> -> memref<128xi32, #tpu.memory_space<vmem>>
      %dma_wait3A_196 = arith.constant 0 : i32
      %dma_wait3A_197 = arith.constant 0 : i32
      %dma_wait3A_198 = tpu.memref_slice %arg2[%dma_wait3A_196, %dma_wait3A_197] : memref<10240x128xf32, #tpu.memory_space<hbm>> -> memref<10240x128xf32, #tpu.memory_space<hbm>>
      tpu.wait_indirect_dma semaphore(%arg20 : memref<!tpu.dma_semaphore, #tpu.memory_space<semaphore_mem>>) src(%dma_wait3A_198 : memref<10240x128xf32, #tpu.memory_space<hbm>>) dst(%arg12 : memref<128x128xf32, #tpu.memory_space<vmem>>)
      %dma_wait3A_199 = arith.constant 0 : i32
      %dma_wait3A_200 = tpu.memref_slice %arg7[%add3A_192, %dma_wait3A_199] : memref<80x128xi32, #tpu.memory_space<vmem>> -> memref<1x128xi32, #tpu.memory_space<vmem>>
      %dma_wait3A_201 = tpu.memref_squeeze %dma_wait3A_200 : memref<1x128xi32, #tpu.memory_space<vmem>> -> memref<128xi32, #tpu.memory_space<vmem>>
      %dma_wait3A_202 = arith.constant 0 : i32
      %dma_wait3A_203 = arith.constant 0 : i32
      %dma_wait3A_204 = tpu.memref_slice %arg2[%dma_wait3A_202, %dma_wait3A_203] : memref<10240x128xf32, #tpu.memory_space<hbm>> -> memref<10240x128xf32, #tpu.memory_space<hbm>>
      tpu.wait_indirect_dma semaphore(%arg20 : memref<!tpu.dma_semaphore, #tpu.memory_space<semaphore_mem>>) src(%dma_wait3A_204 : memref<10240x128xf32, #tpu.memory_space<hbm>>) dst(%arg13 : memref<128x128xf32, #tpu.memory_space<vmem>>)
      %ge3A_205 = arith.constant 3 : i32
      %ge3A_206 = arith.cmpi sge, %add3A_192, %ge3A_205 : i32
      %convert_element_type3A_207 = arith.extui %ge3A_206 : i1 to i32
      %cond3A_208 = arith.constant 0 : i32
      %cond3A_209 = arith.cmpi ne, %convert_element_type3A_207, %cond3A_208 : i32
      scf.if %cond3A_209 {
        %sub3A = arith.constant 3 : i32
        %sub3A_226 = arith.subi %add3A_192, %sub3A : i32
        %mul3A_227 = arith.constant 128 : i32
        %mul3A_228 = arith.muli %sub3A_226, %mul3A_227 : i32
        %dma_wait3A_229 = tpu.memref_slice %arg5[%add3A, %mul3A_228] : memref<32x10240xf32, #tpu.memory_space<hbm>> -> memref<1x128xf32, #tpu.memory_space<hbm>>
        %dma_wait3A_230 = tpu.memref_squeeze %dma_wait3A_229 : memref<1x128xf32, #tpu.memory_space<hbm>> -> memref<128xf32, #tpu.memory_space<hbm>>
        %dma_wait3A_231 = tpu.memref_slice %arg5[%add3A, %mul3A_228] : memref<32x10240xf32, #tpu.memory_space<hbm>> -> memref<1x128xf32, #tpu.memory_space<hbm>>
        %dma_wait3A_232 = tpu.memref_squeeze %dma_wait3A_231 : memref<1x128xf32, #tpu.memory_space<hbm>> -> memref<128xf32, #tpu.memory_space<hbm>>
        tpu.wait_dma2 semaphore(%arg23 : memref<!tpu.dma_semaphore, #tpu.memory_space<semaphore_mem>>) src(%arg16 : memref<128xf32, #tpu.memory_space<vmem>>) dst(%dma_wait3A_232 : memref<128xf32, #tpu.memory_space<hbm>>)
      } else {
      }
      %parallel_loop3A_210 = arith.constant 0 : i32
      %parallel_loop3A_211 = arith.constant 8 : i32
      %parallel_loop3A_212 = arith.constant 1 : i32
      scf.for %parallel_loop3A_226 = %parallel_loop3A_210 to %parallel_loop3A_211 step %parallel_loop3A_212  : i32 {
        %parallel_loop3A_227 = arith.constant 0 : i32
        %parallel_loop3A_228 = arith.constant 16 : i32
        %parallel_loop3A_229 = arith.constant 1 : i32
        scf.for %parallel_loop3A_314 = %parallel_loop3A_227 to %parallel_loop3A_228 step %parallel_loop3A_229  : i32 {
          %parallel_loop3A_315 = arith.constant 16 : i32
          %parallel_loop3A_316 = arith.muli %parallel_loop3A_226, %parallel_loop3A_315 : i32
          %parallel_loop3A_317 = arith.addi %parallel_loop3A_316, %parallel_loop3A_314 : i32
          %parallel_loop3A_318 = arith.index_cast %parallel_loop3A_317 : i32 to index
          %parallel_loop3A_319 = arith.constant 0 : index
          %parallel_loop3A_320 = tpu.vector_load %arg12[%parallel_loop3A_318, %parallel_loop3A_319] {strides = array<i32>} : memref<128x128xf32, #tpu.memory_space<vmem>>, vector<16xf32>,
          %parallel_loop3A_321 = arith.index_cast %parallel_loop3A_317 : i32 to index
          %parallel_loop3A_322 = arith.constant 0 : index
          %parallel_loop3A_323 = tpu.vector_load %arg13[%parallel_loop3A_321, %parallel_loop3A_322] {strides = array<i32>} : memref<128x128xf32, #tpu.memory_space<vmem>>, vector<16xf32>,
          %parallel_loop3A_324 = arith.mulf %parallel_loop3A_320, %parallel_loop3A_323 : vector<16xf32>
          %parallel_loop3A_325 = arith.index_cast %parallel_loop3A_317 : i32 to index
          %parallel_loop3A_326 = arith.constant 16 : index
          %parallel_loop3A_327 = tpu.vector_load %arg12[%parallel_loop3A_325, %parallel_loop3A_326] {strides = array<i32>} : memref<128x128xf32, #tpu.memory_space<vmem>>, vector<16xf32>,
          %parallel_loop3A_328 = arith.index_cast %parallel_loop3A_317 : i32 to index
          %parallel_loop3A_329 = arith.constant 16 : index
          %parallel_loop3A_330 = tpu.vector_load %arg13[%parallel_loop3A_328, %parallel_loop3A_329] {strides = array<i32>} : memref<128x128xf32, #tpu.memory_space<vmem>>, vector<16xf32>,
          %parallel_loop3A_331 = arith.mulf %parallel_loop3A_327, %parallel_loop3A_330 : vector<16xf32>
          %parallel_loop3A_332 = arith.index_cast %parallel_loop3A_317 : i32 to index
          %parallel_loop3A_333 = arith.constant 32 : index
          %parallel_loop3A_334 = tpu.vector_load %arg12[%parallel_loop3A_332, %parallel_loop3A_333] {strides = array<i32>} : memref<128x128xf32, #tpu.memory_space<vmem>>, vector<16xf32>,
          %parallel_loop3A_335 = arith.index_cast %parallel_loop3A_317 : i32 to index
          %parallel_loop3A_336 = arith.constant 32 : index
          %parallel_loop3A_337 = tpu.vector_load %arg13[%parallel_loop3A_335, %parallel_loop3A_336] {strides = array<i32>} : memref<128x128xf32, #tpu.memory_space<vmem>>, vector<16xf32>,
          %parallel_loop3A_338 = arith.mulf %parallel_loop3A_334, %parallel_loop3A_337 : vector<16xf32>
          %parallel_loop3A_339 = arith.addf %parallel_loop3A_324, %parallel_loop3A_338 : vector<16xf32>
          %parallel_loop3A_340 = arith.index_cast %parallel_loop3A_317 : i32 to index
          %parallel_loop3A_341 = arith.constant 48 : index
          %parallel_loop3A_342 = tpu.vector_load %arg12[%parallel_loop3A_340, %parallel_loop3A_341] {strides = array<i32>} : memref<128x128xf32, #tpu.memory_space<vmem>>, vector<16xf32>,
          %parallel_loop3A_343 = arith.index_cast %parallel_loop3A_317 : i32 to index
          %parallel_loop3A_344 = arith.constant 48 : index
          %parallel_loop3A_345 = tpu.vector_load %arg13[%parallel_loop3A_343, %parallel_loop3A_344] {strides = array<i32>} : memref<128x128xf32, #tpu.memory_space<vmem>>, vector<16xf32>,
          %parallel_loop3A_346 = arith.mulf %parallel_loop3A_342, %parallel_loop3A_345 : vector<16xf32>
          %parallel_loop3A_347 = arith.addf %parallel_loop3A_331, %parallel_loop3A_346 : vector<16xf32>
          %parallel_loop3A_348 = arith.index_cast %parallel_loop3A_317 : i32 to index
          %parallel_loop3A_349 = arith.constant 64 : index
          %parallel_loop3A_350 = tpu.vector_load %arg12[%parallel_loop3A_348, %parallel_loop3A_349] {strides = array<i32>} : memref<128x128xf32, #tpu.memory_space<vmem>>, vector<16xf32>,
          %parallel_loop3A_351 = arith.index_cast %parallel_loop3A_317 : i32 to index
          %parallel_loop3A_352 = arith.constant 64 : index
          %parallel_loop3A_353 = tpu.vector_load %arg13[%parallel_loop3A_351, %parallel_loop3A_352] {strides = array<i32>} : memref<128x128xf32, #tpu.memory_space<vmem>>, vector<16xf32>,
          %parallel_loop3A_354 = arith.mulf %parallel_loop3A_350, %parallel_loop3A_353 : vector<16xf32>
          %parallel_loop3A_355 = arith.addf %parallel_loop3A_339, %parallel_loop3A_354 : vector<16xf32>
          %parallel_loop3A_356 = arith.index_cast %parallel_loop3A_317 : i32 to index
          %parallel_loop3A_357 = arith.constant 80 : index
          %parallel_loop3A_358 = tpu.vector_load %arg12[%parallel_loop3A_356, %parallel_loop3A_357] {strides = array<i32>} : memref<128x128xf32, #tpu.memory_space<vmem>>, vector<16xf32>,
          %parallel_loop3A_359 = arith.index_cast %parallel_loop3A_317 : i32 to index
          %parallel_loop3A_360 = arith.constant 80 : index
          %parallel_loop3A_361 = tpu.vector_load %arg13[%parallel_loop3A_359, %parallel_loop3A_360] {strides = array<i32>} : memref<128x128xf32, #tpu.memory_space<vmem>>, vector<16xf32>,
          %parallel_loop3A_362 = arith.mulf %parallel_loop3A_358, %parallel_loop3A_361 : vector<16xf32>
          %parallel_loop3A_363 = arith.addf %parallel_loop3A_347, %parallel_loop3A_362 : vector<16xf32>
          %parallel_loop3A_364 = arith.index_cast %parallel_loop3A_317 : i32 to index
          %parallel_loop3A_365 = arith.constant 96 : index
          %parallel_loop3A_366 = tpu.vector_load %arg12[%parallel_loop3A_364, %parallel_loop3A_365] {strides = array<i32>} : memref<128x128xf32, #tpu.memory_space<vmem>>, vector<16xf32>,
          %parallel_loop3A_367 = arith.index_cast %parallel_loop3A_317 : i32 to index
          %parallel_loop3A_368 = arith.constant 96 : index
          %parallel_loop3A_369 = tpu.vector_load %arg13[%parallel_loop3A_367, %parallel_loop3A_368] {strides = array<i32>} : memref<128x128xf32, #tpu.memory_space<vmem>>, vector<16xf32>,
          %parallel_loop3A_370 = arith.mulf %parallel_loop3A_366, %parallel_loop3A_369 : vector<16xf32>
          %parallel_loop3A_371 = arith.addf %parallel_loop3A_355, %parallel_loop3A_370 : vector<16xf32>
          %parallel_loop3A_372 = arith.index_cast %parallel_loop3A_317 : i32 to index
          %parallel_loop3A_373 = arith.constant 112 : index
          %parallel_loop3A_374 = tpu.vector_load %arg12[%parallel_loop3A_372, %parallel_loop3A_373] {strides = array<i32>} : memref<128x128xf32, #tpu.memory_space<vmem>>, vector<16xf32>,
          %parallel_loop3A_375 = arith.index_cast %parallel_loop3A_317 : i32 to index
          %parallel_loop3A_376 = arith.constant 112 : index
          %parallel_loop3A_377 = tpu.vector_load %arg13[%parallel_loop3A_375, %parallel_loop3A_376] {strides = array<i32>} : memref<128x128xf32, #tpu.memory_space<vmem>>, vector<16xf32>,
          %parallel_loop3A_378 = arith.mulf %parallel_loop3A_374, %parallel_loop3A_377 : vector<16xf32>
          %parallel_loop3A_379 = arith.addf %parallel_loop3A_363, %parallel_loop3A_378 : vector<16xf32>
          %parallel_loop3A_380 = arith.addf %parallel_loop3A_371, %parallel_loop3A_379 : vector<16xf32>
          %parallel_loop3A_381 = arith.constant 256 : i32
          %parallel_loop3A_382 = arith.muli %parallel_loop3A_226, %parallel_loop3A_381 : i32
          %parallel_loop3A_383 = arith.constant 16 : i32
          %parallel_loop3A_384 = arith.muli %parallel_loop3A_314, %parallel_loop3A_383 : i32
          %parallel_loop3A_385 = arith.addi %parallel_loop3A_382, %parallel_loop3A_384 : i32
          %parallel_loop3A_386 = arith.index_cast %parallel_loop3A_385 : i32 to index
          %parallel_loop3A_387 = tpu.vector_load %arg17[%parallel_loop3A_386] {strides = array<i32>} : memref<2048xf32, #tpu.memory_space<vmem>>, vector<16xf32>,
          tpu.vector_store %arg17[%parallel_loop3A_386], %parallel_loop3A_380 {strides = array<i32>} : memref<2048xf32, #tpu.memory_space<vmem>>, vector<16xf32>,
        } {sc.loop_unroll_factor = 4 : i64, sc.parallel_access}
        %parallel_loop3A_230 = arith.constant 256 : i32
        %parallel_loop3A_231 = arith.muli %parallel_loop3A_226, %parallel_loop3A_230 : i32
        %parallel_loop3A_232 = vector.broadcast %parallel_loop3A_231 : i32 to vector<16xi32>
        %parallel_loop3A_233 = arith.addi %parallel_loop3A_232, %mul3A_3 : vector<16xi32>
        %parallel_loop3A_234 = tpu.vector_load_idx %arg17[%parallel_loop3A_233] : memref<2048xf32, #tpu.memory_space<vmem>>[vector<16xi32>], vector<16xf32>,
        %parallel_loop3A_235 = arith.constant 1 : i32
        %parallel_loop3A_236 = vector.broadcast %parallel_loop3A_235 : i32 to vector<16xi32>
        %parallel_loop3A_237 = arith.addi %parallel_loop3A_233, %parallel_loop3A_236 : vector<16xi32>
        %parallel_loop3A_238 = tpu.vector_load_idx %arg17[%parallel_loop3A_237] : memref<2048xf32, #tpu.memory_space<vmem>>[vector<16xi32>], vector<16xf32>,
        %parallel_loop3A_239 = arith.constant 2 : i32
        %parallel_loop3A_240 = vector.broadcast %parallel_loop3A_239 : i32 to vector<16xi32>
        %parallel_loop3A_241 = arith.addi %parallel_loop3A_233, %parallel_loop3A_240 : vector<16xi32>
        %parallel_loop3A_242 = tpu.vector_load_idx %arg17[%parallel_loop3A_241] : memref<2048xf32, #tpu.memory_space<vmem>>[vector<16xi32>], vector<16xf32>,
        %parallel_loop3A_243 = arith.addf %parallel_loop3A_234, %parallel_loop3A_242 : vector<16xf32>
        %parallel_loop3A_244 = arith.constant 3 : i32
        %parallel_loop3A_245 = vector.broadcast %parallel_loop3A_244 : i32 to vector<16xi32>
        %parallel_loop3A_246 = arith.addi %parallel_loop3A_233, %parallel_loop3A_245 : vector<16xi32>
        %parallel_loop3A_247 = tpu.vector_load_idx %arg17[%parallel_loop3A_246] : memref<2048xf32, #tpu.memory_space<vmem>>[vector<16xi32>], vector<16xf32>,
        %parallel_loop3A_248 = arith.addf %parallel_loop3A_238, %parallel_loop3A_247 : vector<16xf32>
        %parallel_loop3A_249 = arith.constant 4 : i32
        %parallel_loop3A_250 = vector.broadcast %parallel_loop3A_249 : i32 to vector<16xi32>
        %parallel_loop3A_251 = arith.addi %parallel_loop3A_233, %parallel_loop3A_250 : vector<16xi32>
        %parallel_loop3A_252 = tpu.vector_load_idx %arg17[%parallel_loop3A_251] : memref<2048xf32, #tpu.memory_space<vmem>>[vector<16xi32>], vector<16xf32>,
        %parallel_loop3A_253 = arith.addf %parallel_loop3A_243, %parallel_loop3A_252 : vector<16xf32>
        %parallel_loop3A_254 = arith.constant 5 : i32
        %parallel_loop3A_255 = vector.broadcast %parallel_loop3A_254 : i32 to vector<16xi32>
        %parallel_loop3A_256 = arith.addi %parallel_loop3A_233, %parallel_loop3A_255 : vector<16xi32>
        %parallel_loop3A_257 = tpu.vector_load_idx %arg17[%parallel_loop3A_256] : memref<2048xf32, #tpu.memory_space<vmem>>[vector<16xi32>], vector<16xf32>,
        %parallel_loop3A_258 = arith.addf %parallel_loop3A_248, %parallel_loop3A_257 : vector<16xf32>
        %parallel_loop3A_259 = arith.constant 6 : i32
        %parallel_loop3A_260 = vector.broadcast %parallel_loop3A_259 : i32 to vector<16xi32>
        %parallel_loop3A_261 = arith.addi %parallel_loop3A_233, %parallel_loop3A_260 : vector<16xi32>
        %parallel_loop3A_262 = tpu.vector_load_idx %arg17[%parallel_loop3A_261] : memref<2048xf32, #tpu.memory_space<vmem>>[vector<16xi32>], vector<16xf32>,
        %parallel_loop3A_263 = arith.addf %parallel_loop3A_253, %parallel_loop3A_262 : vector<16xf32>
        %parallel_loop3A_264 = arith.constant 7 : i32
        %parallel_loop3A_265 = vector.broadcast %parallel_loop3A_264 : i32 to vector<16xi32>
        %parallel_loop3A_266 = arith.addi %parallel_loop3A_233, %parallel_loop3A_265 : vector<16xi32>
        %parallel_loop3A_267 = tpu.vector_load_idx %arg17[%parallel_loop3A_266] : memref<2048xf32, #tpu.memory_space<vmem>>[vector<16xi32>], vector<16xf32>,
        %parallel_loop3A_268 = arith.addf %parallel_loop3A_258, %parallel_loop3A_267 : vector<16xf32>
        %parallel_loop3A_269 = arith.constant 8 : i32
        %parallel_loop3A_270 = vector.broadcast %parallel_loop3A_269 : i32 to vector<16xi32>
        %parallel_loop3A_271 = arith.addi %parallel_loop3A_233, %parallel_loop3A_270 : vector<16xi32>
        %parallel_loop3A_272 = tpu.vector_load_idx %arg17[%parallel_loop3A_271] : memref<2048xf32, #tpu.memory_space<vmem>>[vector<16xi32>], vector<16xf32>,
        %parallel_loop3A_273 = arith.addf %parallel_loop3A_263, %parallel_loop3A_272 : vector<16xf32>
        %parallel_loop3A_274 = arith.constant 9 : i32
        %parallel_loop3A_275 = vector.broadcast %parallel_loop3A_274 : i32 to vector<16xi32>
        %parallel_loop3A_276 = arith.addi %parallel_loop3A_233, %parallel_loop3A_275 : vector<16xi32>
        %parallel_loop3A_277 = tpu.vector_load_idx %arg17[%parallel_loop3A_276] : memref<2048xf32, #tpu.memory_space<vmem>>[vector<16xi32>], vector<16xf32>,
        %parallel_loop3A_278 = arith.addf %parallel_loop3A_268, %parallel_loop3A_277 : vector<16xf32>
        %parallel_loop3A_279 = arith.constant 10 : i32
        %parallel_loop3A_280 = vector.broadcast %parallel_loop3A_279 : i32 to vector<16xi32>
        %parallel_loop3A_281 = arith.addi %parallel_loop3A_233, %parallel_loop3A_280 : vector<16xi32>
        %parallel_loop3A_282 = tpu.vector_load_idx %arg17[%parallel_loop3A_281] : memref<2048xf32, #tpu.memory_space<vmem>>[vector<16xi32>], vector<16xf32>,
        %parallel_loop3A_283 = arith.addf %parallel_loop3A_273, %parallel_loop3A_282 : vector<16xf32>
        %parallel_loop3A_284 = arith.constant 11 : i32
        %parallel_loop3A_285 = vector.broadcast %parallel_loop3A_284 : i32 to vector<16xi32>
        %parallel_loop3A_286 = arith.addi %parallel_loop3A_233, %parallel_loop3A_285 : vector<16xi32>
        %parallel_loop3A_287 = tpu.vector_load_idx %arg17[%parallel_loop3A_286] : memref<2048xf32, #tpu.memory_space<vmem>>[vector<16xi32>], vector<16xf32>,
        %parallel_loop3A_288 = arith.addf %parallel_loop3A_278, %parallel_loop3A_287 : vector<16xf32>
        %parallel_loop3A_289 = arith.constant 12 : i32
        %parallel_loop3A_290 = vector.broadcast %parallel_loop3A_289 : i32 to vector<16xi32>
        %parallel_loop3A_291 = arith.addi %parallel_loop3A_233, %parallel_loop3A_290 : vector<16xi32>
        %parallel_loop3A_292 = tpu.vector_load_idx %arg17[%parallel_loop3A_291] : memref<2048xf32, #tpu.memory_space<vmem>>[vector<16xi32>], vector<16xf32>,
        %parallel_loop3A_293 = arith.addf %parallel_loop3A_283, %parallel_loop3A_292 : vector<16xf32>
        %parallel_loop3A_294 = arith.constant 13 : i32
        %parallel_loop3A_295 = vector.broadcast %parallel_loop3A_294 : i32 to vector<16xi32>
        %parallel_loop3A_296 = arith.addi %parallel_loop3A_233, %parallel_loop3A_295 : vector<16xi32>
        %parallel_loop3A_297 = tpu.vector_load_idx %arg17[%parallel_loop3A_296] : memref<2048xf32, #tpu.memory_space<vmem>>[vector<16xi32>], vector<16xf32>,
        %parallel_loop3A_298 = arith.addf %parallel_loop3A_288, %parallel_loop3A_297 : vector<16xf32>
        %parallel_loop3A_299 = arith.constant 14 : i32
        %parallel_loop3A_300 = vector.broadcast %parallel_loop3A_299 : i32 to vector<16xi32>
        %parallel_loop3A_301 = arith.addi %parallel_loop3A_233, %parallel_loop3A_300 : vector<16xi32>
        %parallel_loop3A_302 = tpu.vector_load_idx %arg17[%parallel_loop3A_301] : memref<2048xf32, #tpu.memory_space<vmem>>[vector<16xi32>], vector<16xf32>,
        %parallel_loop3A_303 = arith.addf %parallel_loop3A_293, %parallel_loop3A_302 : vector<16xf32>
        %parallel_loop3A_304 = arith.constant 15 : i32
        %parallel_loop3A_305 = vector.broadcast %parallel_loop3A_304 : i32 to vector<16xi32>
        %parallel_loop3A_306 = arith.addi %parallel_loop3A_233, %parallel_loop3A_305 : vector<16xi32>
        %parallel_loop3A_307 = tpu.vector_load_idx %arg17[%parallel_loop3A_306] : memref<2048xf32, #tpu.memory_space<vmem>>[vector<16xi32>], vector<16xf32>,
        %parallel_loop3A_308 = arith.addf %parallel_loop3A_298, %parallel_loop3A_307 : vector<16xf32>
        %parallel_loop3A_309 = arith.addf %parallel_loop3A_303, %parallel_loop3A_308 : vector<16xf32>
        %parallel_loop3A_310 = arith.constant 16 : i32
        %parallel_loop3A_311 = arith.muli %parallel_loop3A_226, %parallel_loop3A_310 : i32
        %parallel_loop3A_312 = arith.index_cast %parallel_loop3A_311 : i32 to index
        %parallel_loop3A_313 = tpu.vector_load %arg16[%parallel_loop3A_312] {strides = array<i32>} : memref<128xf32, #tpu.memory_space<vmem>>, vector<16xf32>,
        tpu.vector_store %arg16[%parallel_loop3A_312], %parallel_loop3A_309 {strides = array<i32>} : memref<128xf32, #tpu.memory_space<vmem>>, vector<16xf32>,
      } {sc.loop_unroll_factor = 1 : i64, sc.parallel_access}
      %mul3A_213 = arith.constant 128 : i32
      %mul3A_214 = arith.muli %add3A_192, %mul3A_213 : i32
      %dma_start3A_215 = tpu.memref_slice %arg5[%add3A, %mul3A_214] : memref<32x10240xf32, #tpu.memory_space<hbm>> -> memref<1x128xf32, #tpu.memory_space<hbm>>
      %dma_start3A_216 = tpu.memref_squeeze %dma_start3A_215 : memref<1x128xf32, #tpu.memory_space<hbm>> -> memref<128xf32, #tpu.memory_space<hbm>>
      %dma_start3A_217 = tpu.memref_slice %arg5[%add3A, %mul3A_214] : memref<32x10240xf32, #tpu.memory_space<hbm>> -> memref<1x128xf32, #tpu.memory_space<hbm>>
      %dma_start3A_218 = tpu.memref_squeeze %dma_start3A_217 : memref<1x128xf32, #tpu.memory_space<hbm>> -> memref<128xf32, #tpu.memory_space<hbm>>
      tpu.enqueue_dma source(%arg16 : memref<128xf32, #tpu.memory_space<vmem>>) target(%dma_start3A_218 : memref<128xf32, #tpu.memory_space<hbm>>) target_semaphore(%arg23 : memref<!tpu.dma_semaphore, #tpu.memory_space<semaphore_mem>>)
      %add3A_219 = arith.constant 3 : i32
      %add3A_220 = arith.addi %add3A_192, %add3A_219 : i32
      %lt3A_221 = arith.constant 80 : i32
      %lt3A_222 = arith.cmpi slt, %add3A_220, %lt3A_221 : i32
      %convert_element_type3A_223 = arith.extui %lt3A_222 : i1 to i32
      %cond3A_224 = arith.constant 0 : i32
      %cond3A_225 = arith.cmpi ne, %convert_element_type3A_223, %cond3A_224 : i32
      scf.if %cond3A_225 {
        %add3A_226 = arith.constant 3 : i32
        %add3A_227 = arith.addi %add3A_192, %add3A_226 : i32
        %dma_start3A_228 = arith.constant 0 : i32
        %dma_start3A_229 = tpu.memref_slice %arg6[%add3A_227, %dma_start3A_228] : memref<80x128xi32, #tpu.memory_space<vmem>> -> memref<1x128xi32, #tpu.memory_space<vmem>>
        %dma_start3A_230 = tpu.memref_squeeze %dma_start3A_229 : memref<1x128xi32, #tpu.memory_space<vmem>> -> memref<128xi32, #tpu.memory_space<vmem>>
        %dma_start3A_231 = arith.constant 0 : i32
        %dma_start3A_232 = arith.constant 0 : i32
        %dma_start3A_233 = tpu.memref_slice %arg2[%dma_start3A_231, %dma_start3A_232] : memref<10240x128xf32, #tpu.memory_space<hbm>> -> memref<10240x128xf32, #tpu.memory_space<hbm>>
        tpu.enqueue_indirect_dma source(%dma_start3A_233 : memref<10240x128xf32, #tpu.memory_space<hbm>>) target(%arg12 : memref<128x128xf32, #tpu.memory_space<vmem>>) offsets(%dma_start3A_230 : memref<128xi32, #tpu.memory_space<vmem>>) semaphore(%arg20 : memref<!tpu.dma_semaphore, #tpu.memory_space<semaphore_mem>>)
        %dma_start3A_234 = arith.constant 0 : i32
        %dma_start3A_235 = tpu.memref_slice %arg7[%add3A_227, %dma_start3A_234] : memref<80x128xi32, #tpu.memory_space<vmem>> -> memref<1x128xi32, #tpu.memory_space<vmem>>
        %dma_start3A_236 = tpu.memref_squeeze %dma_start3A_235 : memref<1x128xi32, #tpu.memory_space<vmem>> -> memref<128xi32, #tpu.memory_space<vmem>>
        %dma_start3A_237 = arith.constant 0 : i32
        %dma_start3A_238 = arith.constant 0 : i32
        %dma_start3A_239 = tpu.memref_slice %arg2[%dma_start3A_237, %dma_start3A_238] : memref<10240x128xf32, #tpu.memory_space<hbm>> -> memref<10240x128xf32, #tpu.memory_space<hbm>>
        tpu.enqueue_indirect_dma source(%dma_start3A_239 : memref<10240x128xf32, #tpu.memory_space<hbm>>) target(%arg13 : memref<128x128xf32, #tpu.memory_space<vmem>>) offsets(%dma_start3A_236 : memref<128xi32, #tpu.memory_space<vmem>>) semaphore(%arg20 : memref<!tpu.dma_semaphore, #tpu.memory_space<semaphore_mem>>)
      } else {
      }
    }
    %scan3A_49 = arith.constant 26 : i32
    %dma_wait3A = arith.constant 78 : i32
    %dma_wait3A_50 = arith.constant 0 : i32
    %dma_wait3A_51 = tpu.memref_slice %arg6[%dma_wait3A, %dma_wait3A_50] : memref<80x128xi32, #tpu.memory_space<vmem>> -> memref<1x128xi32, #tpu.memory_space<vmem>>
    %dma_wait3A_52 = tpu.memref_squeeze %dma_wait3A_51 : memref<1x128xi32, #tpu.memory_space<vmem>> -> memref<128xi32, #tpu.memory_space<vmem>>
    %dma_wait3A_53 = arith.constant 0 : i32
    %dma_wait3A_54 = arith.constant 0 : i32
    %dma_wait3A_55 = tpu.memref_slice %arg2[%dma_wait3A_53, %dma_wait3A_54] : memref<10240x128xf32, #tpu.memory_space<hbm>> -> memref<10240x128xf32, #tpu.memory_space<hbm>>
    tpu.wait_indirect_dma semaphore(%arg18 : memref<!tpu.dma_semaphore, #tpu.memory_space<semaphore_mem>>) src(%dma_wait3A_55 : memref<10240x128xf32, #tpu.memory_space<hbm>>) dst(%arg8 : memref<128x128xf32, #tpu.memory_space<vmem>>)
    %dma_wait3A_56 = arith.constant 78 : i32
    %dma_wait3A_57 = arith.constant 0 : i32
    %dma_wait3A_58 = tpu.memref_slice %arg7[%dma_wait3A_56, %dma_wait3A_57] : memref<80x128xi32, #tpu.memory_space<vmem>> -> memref<1x128xi32, #tpu.memory_space<vmem>>
    %dma_wait3A_59 = tpu.memref_squeeze %dma_wait3A_58 : memref<1x128xi32, #tpu.memory_space<vmem>> -> memref<128xi32, #tpu.memory_space<vmem>>
    %dma_wait3A_60 = arith.constant 0 : i32
    %dma_wait3A_61 = arith.constant 0 : i32
    %dma_wait3A_62 = tpu.memref_slice %arg2[%dma_wait3A_60, %dma_wait3A_61] : memref<10240x128xf32, #tpu.memory_space<hbm>> -> memref<10240x128xf32, #tpu.memory_space<hbm>>
    tpu.wait_indirect_dma semaphore(%arg18 : memref<!tpu.dma_semaphore, #tpu.memory_space<semaphore_mem>>) src(%dma_wait3A_62 : memref<10240x128xf32, #tpu.memory_space<hbm>>) dst(%arg9 : memref<128x128xf32, #tpu.memory_space<vmem>>)
    %dma_wait3A_63 = arith.constant 9600 : i32
    %dma_wait3A_64 = tpu.memref_slice %arg5[%add3A, %dma_wait3A_63] : memref<32x10240xf32, #tpu.memory_space<hbm>> -> memref<1x128xf32, #tpu.memory_space<hbm>>
    %dma_wait3A_65 = tpu.memref_squeeze %dma_wait3A_64 : memref<1x128xf32, #tpu.memory_space<hbm>> -> memref<128xf32, #tpu.memory_space<hbm>>
    %dma_wait3A_66 = arith.constant 9600 : i32
    %dma_wait3A_67 = tpu.memref_slice %arg5[%add3A, %dma_wait3A_66] : memref<32x10240xf32, #tpu.memory_space<hbm>> -> memref<1x128xf32, #tpu.memory_space<hbm>>
    %dma_wait3A_68 = tpu.memref_squeeze %dma_wait3A_67 : memref<1x128xf32, #tpu.memory_space<hbm>> -> memref<128xf32, #tpu.memory_space<hbm>>
    tpu.wait_dma2 semaphore(%arg21 : memref<!tpu.dma_semaphore, #tpu.memory_space<semaphore_mem>>) src(%arg14 : memref<128xf32, #tpu.memory_space<vmem>>) dst(%dma_wait3A_68 : memref<128xf32, #tpu.memory_space<hbm>>)
    %parallel_loop3A = arith.constant 0 : i32
    %parallel_loop3A_69 = arith.constant 8 : i32
    %parallel_loop3A_70 = arith.constant 1 : i32
    scf.for %parallel_loop3A_124 = %parallel_loop3A to %parallel_loop3A_69 step %parallel_loop3A_70  : i32 {
      %parallel_loop3A_125 = arith.constant 0 : i32
      %parallel_loop3A_126 = arith.constant 16 : i32
      %parallel_loop3A_127 = arith.constant 1 : i32
      scf.for %parallel_loop3A_212 = %parallel_loop3A_125 to %parallel_loop3A_126 step %parallel_loop3A_127  : i32 {
        %parallel_loop3A_213 = arith.constant 16 : i32
        %parallel_loop3A_214 = arith.muli %parallel_loop3A_124, %parallel_loop3A_213 : i32
        %parallel_loop3A_215 = arith.addi %parallel_loop3A_214, %parallel_loop3A_212 : i32
        %parallel_loop3A_216 = arith.index_cast %parallel_loop3A_215 : i32 to index
        %parallel_loop3A_217 = arith.constant 0 : index
        %parallel_loop3A_218 = tpu.vector_load %arg8[%parallel_loop3A_216, %parallel_loop3A_217] {strides = array<i32>} : memref<128x128xf32, #tpu.memory_space<vmem>>, vector<16xf32>,
        %parallel_loop3A_219 = arith.index_cast %parallel_loop3A_215 : i32 to index
        %parallel_loop3A_220 = arith.constant 0 : index
        %parallel_loop3A_221 = tpu.vector_load %arg9[%parallel_loop3A_219, %parallel_loop3A_220] {strides = array<i32>} : memref<128x128xf32, #tpu.memory_space<vmem>>, vector<16xf32>,
        %parallel_loop3A_222 = arith.mulf %parallel_loop3A_218, %parallel_loop3A_221 : vector<16xf32>
        %parallel_loop3A_223 = arith.index_cast %parallel_loop3A_215 : i32 to index
        %parallel_loop3A_224 = arith.constant 16 : index
        %parallel_loop3A_225 = tpu.vector_load %arg8[%parallel_loop3A_223, %parallel_loop3A_224] {strides = array<i32>} : memref<128x128xf32, #tpu.memory_space<vmem>>, vector<16xf32>,
        %parallel_loop3A_226 = arith.index_cast %parallel_loop3A_215 : i32 to index
        %parallel_loop3A_227 = arith.constant 16 : index
        %parallel_loop3A_228 = tpu.vector_load %arg9[%parallel_loop3A_226, %parallel_loop3A_227] {strides = array<i32>} : memref<128x128xf32, #tpu.memory_space<vmem>>, vector<16xf32>,
        %parallel_loop3A_229 = arith.mulf %parallel_loop3A_225, %parallel_loop3A_228 : vector<16xf32>
        %parallel_loop3A_230 = arith.index_cast %parallel_loop3A_215 : i32 to index
        %parallel_loop3A_231 = arith.constant 32 : index
        %parallel_loop3A_232 = tpu.vector_load %arg8[%parallel_loop3A_230, %parallel_loop3A_231] {strides = array<i32>} : memref<128x128xf32, #tpu.memory_space<vmem>>, vector<16xf32>,
        %parallel_loop3A_233 = arith.index_cast %parallel_loop3A_215 : i32 to index
        %parallel_loop3A_234 = arith.constant 32 : index
        %parallel_loop3A_235 = tpu.vector_load %arg9[%parallel_loop3A_233, %parallel_loop3A_234] {strides = array<i32>} : memref<128x128xf32, #tpu.memory_space<vmem>>, vector<16xf32>,
        %parallel_loop3A_236 = arith.mulf %parallel_loop3A_232, %parallel_loop3A_235 : vector<16xf32>
        %parallel_loop3A_237 = arith.addf %parallel_loop3A_222, %parallel_loop3A_236 : vector<16xf32>
        %parallel_loop3A_238 = arith.index_cast %parallel_loop3A_215 : i32 to index
        %parallel_loop3A_239 = arith.constant 48 : index
        %parallel_loop3A_240 = tpu.vector_load %arg8[%parallel_loop3A_238, %parallel_loop3A_239] {strides = array<i32>} : memref<128x128xf32, #tpu.memory_space<vmem>>, vector<16xf32>,
        %parallel_loop3A_241 = arith.index_cast %parallel_loop3A_215 : i32 to index
        %parallel_loop3A_242 = arith.constant 48 : index
        %parallel_loop3A_243 = tpu.vector_load %arg9[%parallel_loop3A_241, %parallel_loop3A_242] {strides = array<i32>} : memref<128x128xf32, #tpu.memory_space<vmem>>, vector<16xf32>,
        %parallel_loop3A_244 = arith.mulf %parallel_loop3A_240, %parallel_loop3A_243 : vector<16xf32>
        %parallel_loop3A_245 = arith.addf %parallel_loop3A_229, %parallel_loop3A_244 : vector<16xf32>
        %parallel_loop3A_246 = arith.index_cast %parallel_loop3A_215 : i32 to index
        %parallel_loop3A_247 = arith.constant 64 : index
        %parallel_loop3A_248 = tpu.vector_load %arg8[%parallel_loop3A_246, %parallel_loop3A_247] {strides = array<i32>} : memref<128x128xf32, #tpu.memory_space<vmem>>, vector<16xf32>,
        %parallel_loop3A_249 = arith.index_cast %parallel_loop3A_215 : i32 to index
        %parallel_loop3A_250 = arith.constant 64 : index
        %parallel_loop3A_251 = tpu.vector_load %arg9[%parallel_loop3A_249, %parallel_loop3A_250] {strides = array<i32>} : memref<128x128xf32, #tpu.memory_space<vmem>>, vector<16xf32>,
        %parallel_loop3A_252 = arith.mulf %parallel_loop3A_248, %parallel_loop3A_251 : vector<16xf32>
        %parallel_loop3A_253 = arith.addf %parallel_loop3A_237, %parallel_loop3A_252 : vector<16xf32>
        %parallel_loop3A_254 = arith.index_cast %parallel_loop3A_215 : i32 to index
        %parallel_loop3A_255 = arith.constant 80 : index
        %parallel_loop3A_256 = tpu.vector_load %arg8[%parallel_loop3A_254, %parallel_loop3A_255] {strides = array<i32>} : memref<128x128xf32, #tpu.memory_space<vmem>>, vector<16xf32>,
        %parallel_loop3A_257 = arith.index_cast %parallel_loop3A_215 : i32 to index
        %parallel_loop3A_258 = arith.constant 80 : index
        %parallel_loop3A_259 = tpu.vector_load %arg9[%parallel_loop3A_257, %parallel_loop3A_258] {strides = array<i32>} : memref<128x128xf32, #tpu.memory_space<vmem>>, vector<16xf32>,
        %parallel_loop3A_260 = arith.mulf %parallel_loop3A_256, %parallel_loop3A_259 : vector<16xf32>
        %parallel_loop3A_261 = arith.addf %parallel_loop3A_245, %parallel_loop3A_260 : vector<16xf32>
        %parallel_loop3A_262 = arith.index_cast %parallel_loop3A_215 : i32 to index
        %parallel_loop3A_263 = arith.constant 96 : index
        %parallel_loop3A_264 = tpu.vector_load %arg8[%parallel_loop3A_262, %parallel_loop3A_263] {strides = array<i32>} : memref<128x128xf32, #tpu.memory_space<vmem>>, vector<16xf32>,
        %parallel_loop3A_265 = arith.index_cast %parallel_loop3A_215 : i32 to index
        %parallel_loop3A_266 = arith.constant 96 : index
        %parallel_loop3A_267 = tpu.vector_load %arg9[%parallel_loop3A_265, %parallel_loop3A_266] {strides = array<i32>} : memref<128x128xf32, #tpu.memory_space<vmem>>, vector<16xf32>,
        %parallel_loop3A_268 = arith.mulf %parallel_loop3A_264, %parallel_loop3A_267 : vector<16xf32>
        %parallel_loop3A_269 = arith.addf %parallel_loop3A_253, %parallel_loop3A_268 : vector<16xf32>
        %parallel_loop3A_270 = arith.index_cast %parallel_loop3A_215 : i32 to index
        %parallel_loop3A_271 = arith.constant 112 : index
        %parallel_loop3A_272 = tpu.vector_load %arg8[%parallel_loop3A_270, %parallel_loop3A_271] {strides = array<i32>} : memref<128x128xf32, #tpu.memory_space<vmem>>, vector<16xf32>,
        %parallel_loop3A_273 = arith.index_cast %parallel_loop3A_215 : i32 to index
        %parallel_loop3A_274 = arith.constant 112 : index
        %parallel_loop3A_275 = tpu.vector_load %arg9[%parallel_loop3A_273, %parallel_loop3A_274] {strides = array<i32>} : memref<128x128xf32, #tpu.memory_space<vmem>>, vector<16xf32>,
        %parallel_loop3A_276 = arith.mulf %parallel_loop3A_272, %parallel_loop3A_275 : vector<16xf32>
        %parallel_loop3A_277 = arith.addf %parallel_loop3A_261, %parallel_loop3A_276 : vector<16xf32>
        %parallel_loop3A_278 = arith.addf %parallel_loop3A_269, %parallel_loop3A_277 : vector<16xf32>
        %parallel_loop3A_279 = arith.constant 256 : i32
        %parallel_loop3A_280 = arith.muli %parallel_loop3A_124, %parallel_loop3A_279 : i32
        %parallel_loop3A_281 = arith.constant 16 : i32
        %parallel_loop3A_282 = arith.muli %parallel_loop3A_212, %parallel_loop3A_281 : i32
        %parallel_loop3A_283 = arith.addi %parallel_loop3A_280, %parallel_loop3A_282 : i32
        %parallel_loop3A_284 = arith.index_cast %parallel_loop3A_283 : i32 to index
        %parallel_loop3A_285 = tpu.vector_load %arg17[%parallel_loop3A_284] {strides = array<i32>} : memref<2048xf32, #tpu.memory_space<vmem>>, vector<16xf32>,
        tpu.vector_store %arg17[%parallel_loop3A_284], %parallel_loop3A_278 {strides = array<i32>} : memref<2048xf32, #tpu.memory_space<vmem>>, vector<16xf32>,
      } {sc.loop_unroll_factor = 4 : i64, sc.parallel_access}
      %parallel_loop3A_128 = arith.constant 256 : i32
      %parallel_loop3A_129 = arith.muli %parallel_loop3A_124, %parallel_loop3A_128 : i32
      %parallel_loop3A_130 = vector.broadcast %parallel_loop3A_129 : i32 to vector<16xi32>
      %parallel_loop3A_131 = arith.addi %parallel_loop3A_130, %mul3A_3 : vector<16xi32>
      %parallel_loop3A_132 = tpu.vector_load_idx %arg17[%parallel_loop3A_131] : memref<2048xf32, #tpu.memory_space<vmem>>[vector<16xi32>], vector<16xf32>,
      %parallel_loop3A_133 = arith.constant 1 : i32
      %parallel_loop3A_134 = vector.broadcast %parallel_loop3A_133 : i32 to vector<16xi32>
      %parallel_loop3A_135 = arith.addi %parallel_loop3A_131, %parallel_loop3A_134 : vector<16xi32>
      %parallel_loop3A_136 = tpu.vector_load_idx %arg17[%parallel_loop3A_135] : memref<2048xf32, #tpu.memory_space<vmem>>[vector<16xi32>], vector<16xf32>,
      %parallel_loop3A_137 = arith.constant 2 : i32
      %parallel_loop3A_138 = vector.broadcast %parallel_loop3A_137 : i32 to vector<16xi32>
      %parallel_loop3A_139 = arith.addi %parallel_loop3A_131, %parallel_loop3A_138 : vector<16xi32>
      %parallel_loop3A_140 = tpu.vector_load_idx %arg17[%parallel_loop3A_139] : memref<2048xf32, #tpu.memory_space<vmem>>[vector<16xi32>], vector<16xf32>,
      %parallel_loop3A_141 = arith.addf %parallel_loop3A_132, %parallel_loop3A_140 : vector<16xf32>
      %parallel_loop3A_142 = arith.constant 3 : i32
      %parallel_loop3A_143 = vector.broadcast %parallel_loop3A_142 : i32 to vector<16xi32>
      %parallel_loop3A_144 = arith.addi %parallel_loop3A_131, %parallel_loop3A_143 : vector<16xi32>
      %parallel_loop3A_145 = tpu.vector_load_idx %arg17[%parallel_loop3A_144] : memref<2048xf32, #tpu.memory_space<vmem>>[vector<16xi32>], vector<16xf32>,
      %parallel_loop3A_146 = arith.addf %parallel_loop3A_136, %parallel_loop3A_145 : vector<16xf32>
      %parallel_loop3A_147 = arith.constant 4 : i32
      %parallel_loop3A_148 = vector.broadcast %parallel_loop3A_147 : i32 to vector<16xi32>
      %parallel_loop3A_149 = arith.addi %parallel_loop3A_131, %parallel_loop3A_148 : vector<16xi32>
      %parallel_loop3A_150 = tpu.vector_load_idx %arg17[%parallel_loop3A_149] : memref<2048xf32, #tpu.memory_space<vmem>>[vector<16xi32>], vector<16xf32>,
      %parallel_loop3A_151 = arith.addf %parallel_loop3A_141, %parallel_loop3A_150 : vector<16xf32>
      %parallel_loop3A_152 = arith.constant 5 : i32
      %parallel_loop3A_153 = vector.broadcast %parallel_loop3A_152 : i32 to vector<16xi32>
      %parallel_loop3A_154 = arith.addi %parallel_loop3A_131, %parallel_loop3A_153 : vector<16xi32>
      %parallel_loop3A_155 = tpu.vector_load_idx %arg17[%parallel_loop3A_154] : memref<2048xf32, #tpu.memory_space<vmem>>[vector<16xi32>], vector<16xf32>,
      %parallel_loop3A_156 = arith.addf %parallel_loop3A_146, %parallel_loop3A_155 : vector<16xf32>
      %parallel_loop3A_157 = arith.constant 6 : i32
      %parallel_loop3A_158 = vector.broadcast %parallel_loop3A_157 : i32 to vector<16xi32>
      %parallel_loop3A_159 = arith.addi %parallel_loop3A_131, %parallel_loop3A_158 : vector<16xi32>
      %parallel_loop3A_160 = tpu.vector_load_idx %arg17[%parallel_loop3A_159] : memref<2048xf32, #tpu.memory_space<vmem>>[vector<16xi32>], vector<16xf32>,
      %parallel_loop3A_161 = arith.addf %parallel_loop3A_151, %parallel_loop3A_160 : vector<16xf32>
      %parallel_loop3A_162 = arith.constant 7 : i32
      %parallel_loop3A_163 = vector.broadcast %parallel_loop3A_162 : i32 to vector<16xi32>
      %parallel_loop3A_164 = arith.addi %parallel_loop3A_131, %parallel_loop3A_163 : vector<16xi32>
      %parallel_loop3A_165 = tpu.vector_load_idx %arg17[%parallel_loop3A_164] : memref<2048xf32, #tpu.memory_space<vmem>>[vector<16xi32>], vector<16xf32>,
      %parallel_loop3A_166 = arith.addf %parallel_loop3A_156, %parallel_loop3A_165 : vector<16xf32>
      %parallel_loop3A_167 = arith.constant 8 : i32
      %parallel_loop3A_168 = vector.broadcast %parallel_loop3A_167 : i32 to vector<16xi32>
      %parallel_loop3A_169 = arith.addi %parallel_loop3A_131, %parallel_loop3A_168 : vector<16xi32>
      %parallel_loop3A_170 = tpu.vector_load_idx %arg17[%parallel_loop3A_169] : memref<2048xf32, #tpu.memory_space<vmem>>[vector<16xi32>], vector<16xf32>,
      %parallel_loop3A_171 = arith.addf %parallel_loop3A_161, %parallel_loop3A_170 : vector<16xf32>
      %parallel_loop3A_172 = arith.constant 9 : i32
      %parallel_loop3A_173 = vector.broadcast %parallel_loop3A_172 : i32 to vector<16xi32>
      %parallel_loop3A_174 = arith.addi %parallel_loop3A_131, %parallel_loop3A_173 : vector<16xi32>
      %parallel_loop3A_175 = tpu.vector_load_idx %arg17[%parallel_loop3A_174] : memref<2048xf32, #tpu.memory_space<vmem>>[vector<16xi32>], vector<16xf32>,
      %parallel_loop3A_176 = arith.addf %parallel_loop3A_166, %parallel_loop3A_175 : vector<16xf32>
      %parallel_loop3A_177 = arith.constant 10 : i32
      %parallel_loop3A_178 = vector.broadcast %parallel_loop3A_177 : i32 to vector<16xi32>
      %parallel_loop3A_179 = arith.addi %parallel_loop3A_131, %parallel_loop3A_178 : vector<16xi32>
      %parallel_loop3A_180 = tpu.vector_load_idx %arg17[%parallel_loop3A_179] : memref<2048xf32, #tpu.memory_space<vmem>>[vector<16xi32>], vector<16xf32>,
      %parallel_loop3A_181 = arith.addf %parallel_loop3A_171, %parallel_loop3A_180 : vector<16xf32>
      %parallel_loop3A_182 = arith.constant 11 : i32
      %parallel_loop3A_183 = vector.broadcast %parallel_loop3A_182 : i32 to vector<16xi32>
      %parallel_loop3A_184 = arith.addi %parallel_loop3A_131, %parallel_loop3A_183 : vector<16xi32>
      %parallel_loop3A_185 = tpu.vector_load_idx %arg17[%parallel_loop3A_184] : memref<2048xf32, #tpu.memory_space<vmem>>[vector<16xi32>], vector<16xf32>,
      %parallel_loop3A_186 = arith.addf %parallel_loop3A_176, %parallel_loop3A_185 : vector<16xf32>
      %parallel_loop3A_187 = arith.constant 12 : i32
      %parallel_loop3A_188 = vector.broadcast %parallel_loop3A_187 : i32 to vector<16xi32>
      %parallel_loop3A_189 = arith.addi %parallel_loop3A_131, %parallel_loop3A_188 : vector<16xi32>
      %parallel_loop3A_190 = tpu.vector_load_idx %arg17[%parallel_loop3A_189] : memref<2048xf32, #tpu.memory_space<vmem>>[vector<16xi32>], vector<16xf32>,
      %parallel_loop3A_191 = arith.addf %parallel_loop3A_181, %parallel_loop3A_190 : vector<16xf32>
      %parallel_loop3A_192 = arith.constant 13 : i32
      %parallel_loop3A_193 = vector.broadcast %parallel_loop3A_192 : i32 to vector<16xi32>
      %parallel_loop3A_194 = arith.addi %parallel_loop3A_131, %parallel_loop3A_193 : vector<16xi32>
      %parallel_loop3A_195 = tpu.vector_load_idx %arg17[%parallel_loop3A_194] : memref<2048xf32, #tpu.memory_space<vmem>>[vector<16xi32>], vector<16xf32>,
      %parallel_loop3A_196 = arith.addf %parallel_loop3A_186, %parallel_loop3A_195 : vector<16xf32>
      %parallel_loop3A_197 = arith.constant 14 : i32
      %parallel_loop3A_198 = vector.broadcast %parallel_loop3A_197 : i32 to vector<16xi32>
      %parallel_loop3A_199 = arith.addi %parallel_loop3A_131, %parallel_loop3A_198 : vector<16xi32>
      %parallel_loop3A_200 = tpu.vector_load_idx %arg17[%parallel_loop3A_199] : memref<2048xf32, #tpu.memory_space<vmem>>[vector<16xi32>], vector<16xf32>,
      %parallel_loop3A_201 = arith.addf %parallel_loop3A_191, %parallel_loop3A_200 : vector<16xf32>
      %parallel_loop3A_202 = arith.constant 15 : i32
      %parallel_loop3A_203 = vector.broadcast %parallel_loop3A_202 : i32 to vector<16xi32>
      %parallel_loop3A_204 = arith.addi %parallel_loop3A_131, %parallel_loop3A_203 : vector<16xi32>
      %parallel_loop3A_205 = tpu.vector_load_idx %arg17[%parallel_loop3A_204] : memref<2048xf32, #tpu.memory_space<vmem>>[vector<16xi32>], vector<16xf32>,
      %parallel_loop3A_206 = arith.addf %parallel_loop3A_196, %parallel_loop3A_205 : vector<16xf32>
      %parallel_loop3A_207 = arith.addf %parallel_loop3A_201, %parallel_loop3A_206 : vector<16xf32>
      %parallel_loop3A_208 = arith.constant 16 : i32
      %parallel_loop3A_209 = arith.muli %parallel_loop3A_124, %parallel_loop3A_208 : i32
      %parallel_loop3A_210 = arith.index_cast %parallel_loop3A_209 : i32 to index
      %parallel_loop3A_211 = tpu.vector_load %arg14[%parallel_loop3A_210] {strides = array<i32>} : memref<128xf32, #tpu.memory_space<vmem>>, vector<16xf32>,
      tpu.vector_store %arg14[%parallel_loop3A_210], %parallel_loop3A_207 {strides = array<i32>} : memref<128xf32, #tpu.memory_space<vmem>>, vector<16xf32>,
    } {sc.loop_unroll_factor = 1 : i64, sc.parallel_access}
    %dma_start3A_71 = arith.constant 9984 : i32
    %dma_start3A_72 = tpu.memref_slice %arg5[%add3A, %dma_start3A_71] : memref<32x10240xf32, #tpu.memory_space<hbm>> -> memref<1x128xf32, #tpu.memory_space<hbm>>
    %dma_start3A_73 = tpu.memref_squeeze %dma_start3A_72 : memref<1x128xf32, #tpu.memory_space<hbm>> -> memref<128xf32, #tpu.memory_space<hbm>>
    %dma_start3A_74 = arith.constant 9984 : i32
    %dma_start3A_75 = tpu.memref_slice %arg5[%add3A, %dma_start3A_74] : memref<32x10240xf32, #tpu.memory_space<hbm>> -> memref<1x128xf32, #tpu.memory_space<hbm>>
    %dma_start3A_76 = tpu.memref_squeeze %dma_start3A_75 : memref<1x128xf32, #tpu.memory_space<hbm>> -> memref<128xf32, #tpu.memory_space<hbm>>
    tpu.enqueue_dma source(%arg14 : memref<128xf32, #tpu.memory_space<vmem>>) target(%dma_start3A_76 : memref<128xf32, #tpu.memory_space<hbm>>) target_semaphore(%arg21 : memref<!tpu.dma_semaphore, #tpu.memory_space<semaphore_mem>>)
    %dma_wait3A_77 = arith.constant 79 : i32
    %dma_wait3A_78 = arith.constant 0 : i32
    %dma_wait3A_79 = tpu.memref_slice %arg6[%dma_wait3A_77, %dma_wait3A_78] : memref<80x128xi32, #tpu.memory_space<vmem>> -> memref<1x128xi32, #tpu.memory_space<vmem>>
    %dma_wait3A_80 = tpu.memref_squeeze %dma_wait3A_79 : memref<1x128xi32, #tpu.memory_space<vmem>> -> memref<128xi32, #tpu.memory_space<vmem>>
    %dma_wait3A_81 = arith.constant 0 : i32
    %dma_wait3A_82 = arith.constant 0 : i32
    %dma_wait3A_83 = tpu.memref_slice %arg2[%dma_wait3A_81, %dma_wait3A_82] : memref<10240x128xf32, #tpu.memory_space<hbm>> -> memref<10240x128xf32, #tpu.memory_space<hbm>>
    tpu.wait_indirect_dma semaphore(%arg19 : memref<!tpu.dma_semaphore, #tpu.memory_space<semaphore_mem>>) src(%dma_wait3A_83 : memref<10240x128xf32, #tpu.memory_space<hbm>>) dst(%arg10 : memref<128x128xf32, #tpu.memory_space<vmem>>)
    %dma_wait3A_84 = arith.constant 79 : i32
    %dma_wait3A_85 = arith.constant 0 : i32
    %dma_wait3A_86 = tpu.memref_slice %arg7[%dma_wait3A_84, %dma_wait3A_85] : memref<80x128xi32, #tpu.memory_space<vmem>> -> memref<1x128xi32, #tpu.memory_space<vmem>>
    %dma_wait3A_87 = tpu.memref_squeeze %dma_wait3A_86 : memref<1x128xi32, #tpu.memory_space<vmem>> -> memref<128xi32, #tpu.memory_space<vmem>>
    %dma_wait3A_88 = arith.constant 0 : i32
    %dma_wait3A_89 = arith.constant 0 : i32
    %dma_wait3A_90 = tpu.memref_slice %arg2[%dma_wait3A_88, %dma_wait3A_89] : memref<10240x128xf32, #tpu.memory_space<hbm>> -> memref<10240x128xf32, #tpu.memory_space<hbm>>
    tpu.wait_indirect_dma semaphore(%arg19 : memref<!tpu.dma_semaphore, #tpu.memory_space<semaphore_mem>>) src(%dma_wait3A_90 : memref<10240x128xf32, #tpu.memory_space<hbm>>) dst(%arg11 : memref<128x128xf32, #tpu.memory_space<vmem>>)
    %dma_wait3A_91 = arith.constant 9728 : i32
    %dma_wait3A_92 = tpu.memref_slice %arg5[%add3A, %dma_wait3A_91] : memref<32x10240xf32, #tpu.memory_space<hbm>> -> memref<1x128xf32, #tpu.memory_space<hbm>>
    %dma_wait3A_93 = tpu.memref_squeeze %dma_wait3A_92 : memref<1x128xf32, #tpu.memory_space<hbm>> -> memref<128xf32, #tpu.memory_space<hbm>>
    %dma_wait3A_94 = arith.constant 9728 : i32
    %dma_wait3A_95 = tpu.memref_slice %arg5[%add3A, %dma_wait3A_94] : memref<32x10240xf32, #tpu.memory_space<hbm>> -> memref<1x128xf32, #tpu.memory_space<hbm>>
    %dma_wait3A_96 = tpu.memref_squeeze %dma_wait3A_95 : memref<1x128xf32, #tpu.memory_space<hbm>> -> memref<128xf32, #tpu.memory_space<hbm>>
    tpu.wait_dma2 semaphore(%arg22 : memref<!tpu.dma_semaphore, #tpu.memory_space<semaphore_mem>>) src(%arg15 : memref<128xf32, #tpu.memory_space<vmem>>) dst(%dma_wait3A_96 : memref<128xf32, #tpu.memory_space<hbm>>)
    %parallel_loop3A_97 = arith.constant 0 : i32
    %parallel_loop3A_98 = arith.constant 8 : i32
    %parallel_loop3A_99 = arith.constant 1 : i32
    scf.for %parallel_loop3A_124 = %parallel_loop3A_97 to %parallel_loop3A_98 step %parallel_loop3A_99  : i32 {
      %parallel_loop3A_125 = arith.constant 0 : i32
      %parallel_loop3A_126 = arith.constant 16 : i32
      %parallel_loop3A_127 = arith.constant 1 : i32
      scf.for %parallel_loop3A_212 = %parallel_loop3A_125 to %parallel_loop3A_126 step %parallel_loop3A_127  : i32 {
        %parallel_loop3A_213 = arith.constant 16 : i32
        %parallel_loop3A_214 = arith.muli %parallel_loop3A_124, %parallel_loop3A_213 : i32
        %parallel_loop3A_215 = arith.addi %parallel_loop3A_214, %parallel_loop3A_212 : i32
        %parallel_loop3A_216 = arith.index_cast %parallel_loop3A_215 : i32 to index
        %parallel_loop3A_217 = arith.constant 0 : index
        %parallel_loop3A_218 = tpu.vector_load %arg10[%parallel_loop3A_216, %parallel_loop3A_217] {strides = array<i32>} : memref<128x128xf32, #tpu.memory_space<vmem>>, vector<16xf32>,
        %parallel_loop3A_219 = arith.index_cast %parallel_loop3A_215 : i32 to index
        %parallel_loop3A_220 = arith.constant 0 : index
        %parallel_loop3A_221 = tpu.vector_load %arg11[%parallel_loop3A_219, %parallel_loop3A_220] {strides = array<i32>} : memref<128x128xf32, #tpu.memory_space<vmem>>, vector<16xf32>,
        %parallel_loop3A_222 = arith.mulf %parallel_loop3A_218, %parallel_loop3A_221 : vector<16xf32>
        %parallel_loop3A_223 = arith.index_cast %parallel_loop3A_215 : i32 to index
        %parallel_loop3A_224 = arith.constant 16 : index
        %parallel_loop3A_225 = tpu.vector_load %arg10[%parallel_loop3A_223, %parallel_loop3A_224] {strides = array<i32>} : memref<128x128xf32, #tpu.memory_space<vmem>>, vector<16xf32>,
        %parallel_loop3A_226 = arith.index_cast %parallel_loop3A_215 : i32 to index
        %parallel_loop3A_227 = arith.constant 16 : index
        %parallel_loop3A_228 = tpu.vector_load %arg11[%parallel_loop3A_226, %parallel_loop3A_227] {strides = array<i32>} : memref<128x128xf32, #tpu.memory_space<vmem>>, vector<16xf32>,
        %parallel_loop3A_229 = arith.mulf %parallel_loop3A_225, %parallel_loop3A_228 : vector<16xf32>
        %parallel_loop3A_230 = arith.index_cast %parallel_loop3A_215 : i32 to index
        %parallel_loop3A_231 = arith.constant 32 : index
        %parallel_loop3A_232 = tpu.vector_load %arg10[%parallel_loop3A_230, %parallel_loop3A_231] {strides = array<i32>} : memref<128x128xf32, #tpu.memory_space<vmem>>, vector<16xf32>,
        %parallel_loop3A_233 = arith.index_cast %parallel_loop3A_215 : i32 to index
        %parallel_loop3A_234 = arith.constant 32 : index
        %parallel_loop3A_235 = tpu.vector_load %arg11[%parallel_loop3A_233, %parallel_loop3A_234] {strides = array<i32>} : memref<128x128xf32, #tpu.memory_space<vmem>>, vector<16xf32>,
        %parallel_loop3A_236 = arith.mulf %parallel_loop3A_232, %parallel_loop3A_235 : vector<16xf32>
        %parallel_loop3A_237 = arith.addf %parallel_loop3A_222, %parallel_loop3A_236 : vector<16xf32>
        %parallel_loop3A_238 = arith.index_cast %parallel_loop3A_215 : i32 to index
        %parallel_loop3A_239 = arith.constant 48 : index
        %parallel_loop3A_240 = tpu.vector_load %arg10[%parallel_loop3A_238, %parallel_loop3A_239] {strides = array<i32>} : memref<128x128xf32, #tpu.memory_space<vmem>>, vector<16xf32>,
        %parallel_loop3A_241 = arith.index_cast %parallel_loop3A_215 : i32 to index
        %parallel_loop3A_242 = arith.constant 48 : index
        %parallel_loop3A_243 = tpu.vector_load %arg11[%parallel_loop3A_241, %parallel_loop3A_242] {strides = array<i32>} : memref<128x128xf32, #tpu.memory_space<vmem>>, vector<16xf32>,
        %parallel_loop3A_244 = arith.mulf %parallel_loop3A_240, %parallel_loop3A_243 : vector<16xf32>
        %parallel_loop3A_245 = arith.addf %parallel_loop3A_229, %parallel_loop3A_244 : vector<16xf32>
        %parallel_loop3A_246 = arith.index_cast %parallel_loop3A_215 : i32 to index
        %parallel_loop3A_247 = arith.constant 64 : index
        %parallel_loop3A_248 = tpu.vector_load %arg10[%parallel_loop3A_246, %parallel_loop3A_247] {strides = array<i32>} : memref<128x128xf32, #tpu.memory_space<vmem>>, vector<16xf32>,
        %parallel_loop3A_249 = arith.index_cast %parallel_loop3A_215 : i32 to index
        %parallel_loop3A_250 = arith.constant 64 : index
        %parallel_loop3A_251 = tpu.vector_load %arg11[%parallel_loop3A_249, %parallel_loop3A_250] {strides = array<i32>} : memref<128x128xf32, #tpu.memory_space<vmem>>, vector<16xf32>,
        %parallel_loop3A_252 = arith.mulf %parallel_loop3A_248, %parallel_loop3A_251 : vector<16xf32>
        %parallel_loop3A_253 = arith.addf %parallel_loop3A_237, %parallel_loop3A_252 : vector<16xf32>
        %parallel_loop3A_254 = arith.index_cast %parallel_loop3A_215 : i32 to index
        %parallel_loop3A_255 = arith.constant 80 : index
        %parallel_loop3A_256 = tpu.vector_load %arg10[%parallel_loop3A_254, %parallel_loop3A_255] {strides = array<i32>} : memref<128x128xf32, #tpu.memory_space<vmem>>, vector<16xf32>,
        %parallel_loop3A_257 = arith.index_cast %parallel_loop3A_215 : i32 to index
        %parallel_loop3A_258 = arith.constant 80 : index
        %parallel_loop3A_259 = tpu.vector_load %arg11[%parallel_loop3A_257, %parallel_loop3A_258] {strides = array<i32>} : memref<128x128xf32, #tpu.memory_space<vmem>>, vector<16xf32>,
        %parallel_loop3A_260 = arith.mulf %parallel_loop3A_256, %parallel_loop3A_259 : vector<16xf32>
        %parallel_loop3A_261 = arith.addf %parallel_loop3A_245, %parallel_loop3A_260 : vector<16xf32>
        %parallel_loop3A_262 = arith.index_cast %parallel_loop3A_215 : i32 to index
        %parallel_loop3A_263 = arith.constant 96 : index
        %parallel_loop3A_264 = tpu.vector_load %arg10[%parallel_loop3A_262, %parallel_loop3A_263] {strides = array<i32>} : memref<128x128xf32, #tpu.memory_space<vmem>>, vector<16xf32>,
        %parallel_loop3A_265 = arith.index_cast %parallel_loop3A_215 : i32 to index
        %parallel_loop3A_266 = arith.constant 96 : index
        %parallel_loop3A_267 = tpu.vector_load %arg11[%parallel_loop3A_265, %parallel_loop3A_266] {strides = array<i32>} : memref<128x128xf32, #tpu.memory_space<vmem>>, vector<16xf32>,
        %parallel_loop3A_268 = arith.mulf %parallel_loop3A_264, %parallel_loop3A_267 : vector<16xf32>
        %parallel_loop3A_269 = arith.addf %parallel_loop3A_253, %parallel_loop3A_268 : vector<16xf32>
        %parallel_loop3A_270 = arith.index_cast %parallel_loop3A_215 : i32 to index
        %parallel_loop3A_271 = arith.constant 112 : index
        %parallel_loop3A_272 = tpu.vector_load %arg10[%parallel_loop3A_270, %parallel_loop3A_271] {strides = array<i32>} : memref<128x128xf32, #tpu.memory_space<vmem>>, vector<16xf32>,
        %parallel_loop3A_273 = arith.index_cast %parallel_loop3A_215 : i32 to index
        %parallel_loop3A_274 = arith.constant 112 : index
        %parallel_loop3A_275 = tpu.vector_load %arg11[%parallel_loop3A_273, %parallel_loop3A_274] {strides = array<i32>} : memref<128x128xf32, #tpu.memory_space<vmem>>, vector<16xf32>,
        %parallel_loop3A_276 = arith.mulf %parallel_loop3A_272, %parallel_loop3A_275 : vector<16xf32>
        %parallel_loop3A_277 = arith.addf %parallel_loop3A_261, %parallel_loop3A_276 : vector<16xf32>
        %parallel_loop3A_278 = arith.addf %parallel_loop3A_269, %parallel_loop3A_277 : vector<16xf32>
        %parallel_loop3A_279 = arith.constant 256 : i32
        %parallel_loop3A_280 = arith.muli %parallel_loop3A_124, %parallel_loop3A_279 : i32
        %parallel_loop3A_281 = arith.constant 16 : i32
        %parallel_loop3A_282 = arith.muli %parallel_loop3A_212, %parallel_loop3A_281 : i32
        %parallel_loop3A_283 = arith.addi %parallel_loop3A_280, %parallel_loop3A_282 : i32
        %parallel_loop3A_284 = arith.index_cast %parallel_loop3A_283 : i32 to index
        %parallel_loop3A_285 = tpu.vector_load %arg17[%parallel_loop3A_284] {strides = array<i32>} : memref<2048xf32, #tpu.memory_space<vmem>>, vector<16xf32>,
        tpu.vector_store %arg17[%parallel_loop3A_284], %parallel_loop3A_278 {strides = array<i32>} : memref<2048xf32, #tpu.memory_space<vmem>>, vector<16xf32>,
      } {sc.loop_unroll_factor = 4 : i64, sc.parallel_access}
      %parallel_loop3A_128 = arith.constant 256 : i32
      %parallel_loop3A_129 = arith.muli %parallel_loop3A_124, %parallel_loop3A_128 : i32
      %parallel_loop3A_130 = vector.broadcast %parallel_loop3A_129 : i32 to vector<16xi32>
      %parallel_loop3A_131 = arith.addi %parallel_loop3A_130, %mul3A_3 : vector<16xi32>
      %parallel_loop3A_132 = tpu.vector_load_idx %arg17[%parallel_loop3A_131] : memref<2048xf32, #tpu.memory_space<vmem>>[vector<16xi32>], vector<16xf32>,
      %parallel_loop3A_133 = arith.constant 1 : i32
      %parallel_loop3A_134 = vector.broadcast %parallel_loop3A_133 : i32 to vector<16xi32>
      %parallel_loop3A_135 = arith.addi %parallel_loop3A_131, %parallel_loop3A_134 : vector<16xi32>
      %parallel_loop3A_136 = tpu.vector_load_idx %arg17[%parallel_loop3A_135] : memref<2048xf32, #tpu.memory_space<vmem>>[vector<16xi32>], vector<16xf32>,
      %parallel_loop3A_137 = arith.constant 2 : i32
      %parallel_loop3A_138 = vector.broadcast %parallel_loop3A_137 : i32 to vector<16xi32>
      %parallel_loop3A_139 = arith.addi %parallel_loop3A_131, %parallel_loop3A_138 : vector<16xi32>
      %parallel_loop3A_140 = tpu.vector_load_idx %arg17[%parallel_loop3A_139] : memref<2048xf32, #tpu.memory_space<vmem>>[vector<16xi32>], vector<16xf32>,
      %parallel_loop3A_141 = arith.addf %parallel_loop3A_132, %parallel_loop3A_140 : vector<16xf32>
      %parallel_loop3A_142 = arith.constant 3 : i32
      %parallel_loop3A_143 = vector.broadcast %parallel_loop3A_142 : i32 to vector<16xi32>
      %parallel_loop3A_144 = arith.addi %parallel_loop3A_131, %parallel_loop3A_143 : vector<16xi32>
      %parallel_loop3A_145 = tpu.vector_load_idx %arg17[%parallel_loop3A_144] : memref<2048xf32, #tpu.memory_space<vmem>>[vector<16xi32>], vector<16xf32>,
      %parallel_loop3A_146 = arith.addf %parallel_loop3A_136, %parallel_loop3A_145 : vector<16xf32>
      %parallel_loop3A_147 = arith.constant 4 : i32
      %parallel_loop3A_148 = vector.broadcast %parallel_loop3A_147 : i32 to vector<16xi32>
      %parallel_loop3A_149 = arith.addi %parallel_loop3A_131, %parallel_loop3A_148 : vector<16xi32>
      %parallel_loop3A_150 = tpu.vector_load_idx %arg17[%parallel_loop3A_149] : memref<2048xf32, #tpu.memory_space<vmem>>[vector<16xi32>], vector<16xf32>,
      %parallel_loop3A_151 = arith.addf %parallel_loop3A_141, %parallel_loop3A_150 : vector<16xf32>
      %parallel_loop3A_152 = arith.constant 5 : i32
      %parallel_loop3A_153 = vector.broadcast %parallel_loop3A_152 : i32 to vector<16xi32>
      %parallel_loop3A_154 = arith.addi %parallel_loop3A_131, %parallel_loop3A_153 : vector<16xi32>
      %parallel_loop3A_155 = tpu.vector_load_idx %arg17[%parallel_loop3A_154] : memref<2048xf32, #tpu.memory_space<vmem>>[vector<16xi32>], vector<16xf32>,
      %parallel_loop3A_156 = arith.addf %parallel_loop3A_146, %parallel_loop3A_155 : vector<16xf32>
      %parallel_loop3A_157 = arith.constant 6 : i32
      %parallel_loop3A_158 = vector.broadcast %parallel_loop3A_157 : i32 to vector<16xi32>
      %parallel_loop3A_159 = arith.addi %parallel_loop3A_131, %parallel_loop3A_158 : vector<16xi32>
      %parallel_loop3A_160 = tpu.vector_load_idx %arg17[%parallel_loop3A_159] : memref<2048xf32, #tpu.memory_space<vmem>>[vector<16xi32>], vector<16xf32>,
      %parallel_loop3A_161 = arith.addf %parallel_loop3A_151, %parallel_loop3A_160 : vector<16xf32>
      %parallel_loop3A_162 = arith.constant 7 : i32
      %parallel_loop3A_163 = vector.broadcast %parallel_loop3A_162 : i32 to vector<16xi32>
      %parallel_loop3A_164 = arith.addi %parallel_loop3A_131, %parallel_loop3A_163 : vector<16xi32>
      %parallel_loop3A_165 = tpu.vector_load_idx %arg17[%parallel_loop3A_164] : memref<2048xf32, #tpu.memory_space<vmem>>[vector<16xi32>], vector<16xf32>,
      %parallel_loop3A_166 = arith.addf %parallel_loop3A_156, %parallel_loop3A_165 : vector<16xf32>
      %parallel_loop3A_167 = arith.constant 8 : i32
      %parallel_loop3A_168 = vector.broadcast %parallel_loop3A_167 : i32 to vector<16xi32>
      %parallel_loop3A_169 = arith.addi %parallel_loop3A_131, %parallel_loop3A_168 : vector<16xi32>
      %parallel_loop3A_170 = tpu.vector_load_idx %arg17[%parallel_loop3A_169] : memref<2048xf32, #tpu.memory_space<vmem>>[vector<16xi32>], vector<16xf32>,
      %parallel_loop3A_171 = arith.addf %parallel_loop3A_161, %parallel_loop3A_170 : vector<16xf32>
      %parallel_loop3A_172 = arith.constant 9 : i32
      %parallel_loop3A_173 = vector.broadcast %parallel_loop3A_172 : i32 to vector<16xi32>
      %parallel_loop3A_174 = arith.addi %parallel_loop3A_131, %parallel_loop3A_173 : vector<16xi32>
      %parallel_loop3A_175 = tpu.vector_load_idx %arg17[%parallel_loop3A_174] : memref<2048xf32, #tpu.memory_space<vmem>>[vector<16xi32>], vector<16xf32>,
      %parallel_loop3A_176 = arith.addf %parallel_loop3A_166, %parallel_loop3A_175 : vector<16xf32>
      %parallel_loop3A_177 = arith.constant 10 : i32
      %parallel_loop3A_178 = vector.broadcast %parallel_loop3A_177 : i32 to vector<16xi32>
      %parallel_loop3A_179 = arith.addi %parallel_loop3A_131, %parallel_loop3A_178 : vector<16xi32>
      %parallel_loop3A_180 = tpu.vector_load_idx %arg17[%parallel_loop3A_179] : memref<2048xf32, #tpu.memory_space<vmem>>[vector<16xi32>], vector<16xf32>,
      %parallel_loop3A_181 = arith.addf %parallel_loop3A_171, %parallel_loop3A_180 : vector<16xf32>
      %parallel_loop3A_182 = arith.constant 11 : i32
      %parallel_loop3A_183 = vector.broadcast %parallel_loop3A_182 : i32 to vector<16xi32>
      %parallel_loop3A_184 = arith.addi %parallel_loop3A_131, %parallel_loop3A_183 : vector<16xi32>
      %parallel_loop3A_185 = tpu.vector_load_idx %arg17[%parallel_loop3A_184] : memref<2048xf32, #tpu.memory_space<vmem>>[vector<16xi32>], vector<16xf32>,
      %parallel_loop3A_186 = arith.addf %parallel_loop3A_176, %parallel_loop3A_185 : vector<16xf32>
      %parallel_loop3A_187 = arith.constant 12 : i32
      %parallel_loop3A_188 = vector.broadcast %parallel_loop3A_187 : i32 to vector<16xi32>
      %parallel_loop3A_189 = arith.addi %parallel_loop3A_131, %parallel_loop3A_188 : vector<16xi32>
      %parallel_loop3A_190 = tpu.vector_load_idx %arg17[%parallel_loop3A_189] : memref<2048xf32, #tpu.memory_space<vmem>>[vector<16xi32>], vector<16xf32>,
      %parallel_loop3A_191 = arith.addf %parallel_loop3A_181, %parallel_loop3A_190 : vector<16xf32>
      %parallel_loop3A_192 = arith.constant 13 : i32
      %parallel_loop3A_193 = vector.broadcast %parallel_loop3A_192 : i32 to vector<16xi32>
      %parallel_loop3A_194 = arith.addi %parallel_loop3A_131, %parallel_loop3A_193 : vector<16xi32>
      %parallel_loop3A_195 = tpu.vector_load_idx %arg17[%parallel_loop3A_194] : memref<2048xf32, #tpu.memory_space<vmem>>[vector<16xi32>], vector<16xf32>,
      %parallel_loop3A_196 = arith.addf %parallel_loop3A_186, %parallel_loop3A_195 : vector<16xf32>
      %parallel_loop3A_197 = arith.constant 14 : i32
      %parallel_loop3A_198 = vector.broadcast %parallel_loop3A_197 : i32 to vector<16xi32>
      %parallel_loop3A_199 = arith.addi %parallel_loop3A_131, %parallel_loop3A_198 : vector<16xi32>
      %parallel_loop3A_200 = tpu.vector_load_idx %arg17[%parallel_loop3A_199] : memref<2048xf32, #tpu.memory_space<vmem>>[vector<16xi32>], vector<16xf32>,
      %parallel_loop3A_201 = arith.addf %parallel_loop3A_191, %parallel_loop3A_200 : vector<16xf32>
      %parallel_loop3A_202 = arith.constant 15 : i32
      %parallel_loop3A_203 = vector.broadcast %parallel_loop3A_202 : i32 to vector<16xi32>
      %parallel_loop3A_204 = arith.addi %parallel_loop3A_131, %parallel_loop3A_203 : vector<16xi32>
      %parallel_loop3A_205 = tpu.vector_load_idx %arg17[%parallel_loop3A_204] : memref<2048xf32, #tpu.memory_space<vmem>>[vector<16xi32>], vector<16xf32>,
      %parallel_loop3A_206 = arith.addf %parallel_loop3A_196, %parallel_loop3A_205 : vector<16xf32>
      %parallel_loop3A_207 = arith.addf %parallel_loop3A_201, %parallel_loop3A_206 : vector<16xf32>
      %parallel_loop3A_208 = arith.constant 16 : i32
      %parallel_loop3A_209 = arith.muli %parallel_loop3A_124, %parallel_loop3A_208 : i32
      %parallel_loop3A_210 = arith.index_cast %parallel_loop3A_209 : i32 to index
      %parallel_loop3A_211 = tpu.vector_load %arg15[%parallel_loop3A_210] {strides = array<i32>} : memref<128xf32, #tpu.memory_space<vmem>>, vector<16xf32>,
      tpu.vector_store %arg15[%parallel_loop3A_210], %parallel_loop3A_207 {strides = array<i32>} : memref<128xf32, #tpu.memory_space<vmem>>, vector<16xf32>,
    } {sc.loop_unroll_factor = 1 : i64, sc.parallel_access}
    %dma_start3A_100 = arith.constant 10112 : i32
    %dma_start3A_101 = tpu.memref_slice %arg5[%add3A, %dma_start3A_100] : memref<32x10240xf32, #tpu.memory_space<hbm>> -> memref<1x128xf32, #tpu.memory_space<hbm>>
    %dma_start3A_102 = tpu.memref_squeeze %dma_start3A_101 : memref<1x128xf32, #tpu.memory_space<hbm>> -> memref<128xf32, #tpu.memory_space<hbm>>
    %dma_start3A_103 = arith.constant 10112 : i32
    %dma_start3A_104 = tpu.memref_slice %arg5[%add3A, %dma_start3A_103] : memref<32x10240xf32, #tpu.memory_space<hbm>> -> memref<1x128xf32, #tpu.memory_space<hbm>>
    %dma_start3A_105 = tpu.memref_squeeze %dma_start3A_104 : memref<1x128xf32, #tpu.memory_space<hbm>> -> memref<128xf32, #tpu.memory_space<hbm>>
    tpu.enqueue_dma source(%arg15 : memref<128xf32, #tpu.memory_space<vmem>>) target(%dma_start3A_105 : memref<128xf32, #tpu.memory_space<hbm>>) target_semaphore(%arg22 : memref<!tpu.dma_semaphore, #tpu.memory_space<semaphore_mem>>)
    %dma_wait3A_106 = arith.constant 9856 : i32
    %dma_wait3A_107 = tpu.memref_slice %arg5[%add3A, %dma_wait3A_106] : memref<32x10240xf32, #tpu.memory_space<hbm>> -> memref<1x128xf32, #tpu.memory_space<hbm>>
    %dma_wait3A_108 = tpu.memref_squeeze %dma_wait3A_107 : memref<1x128xf32, #tpu.memory_space<hbm>> -> memref<128xf32, #tpu.memory_space<hbm>>
    %dma_wait3A_109 = arith.constant 9856 : i32
    %dma_wait3A_110 = tpu.memref_slice %arg5[%add3A, %dma_wait3A_109] : memref<32x10240xf32, #tpu.memory_space<hbm>> -> memref<1x128xf32, #tpu.memory_space<hbm>>
    %dma_wait3A_111 = tpu.memref_squeeze %dma_wait3A_110 : memref<1x128xf32, #tpu.memory_space<hbm>> -> memref<128xf32, #tpu.memory_space<hbm>>
    tpu.wait_dma2 semaphore(%arg23 : memref<!tpu.dma_semaphore, #tpu.memory_space<semaphore_mem>>) src(%arg16 : memref<128xf32, #tpu.memory_space<vmem>>) dst(%dma_wait3A_111 : memref<128xf32, #tpu.memory_space<hbm>>)
    %dma_wait3A_112 = arith.constant 9984 : i32
    %dma_wait3A_113 = tpu.memref_slice %arg5[%add3A, %dma_wait3A_112] : memref<32x10240xf32, #tpu.memory_space<hbm>> -> memref<1x128xf32, #tpu.memory_space<hbm>>
    %dma_wait3A_114 = tpu.memref_squeeze %dma_wait3A_113 : memref<1x128xf32, #tpu.memory_space<hbm>> -> memref<128xf32, #tpu.memory_space<hbm>>
    %dma_wait3A_115 = arith.constant 9984 : i32
    %dma_wait3A_116 = tpu.memref_slice %arg5[%add3A, %dma_wait3A_115] : memref<32x10240xf32, #tpu.memory_space<hbm>> -> memref<1x128xf32, #tpu.memory_space<hbm>>
    %dma_wait3A_117 = tpu.memref_squeeze %dma_wait3A_116 : memref<1x128xf32, #tpu.memory_space<hbm>> -> memref<128xf32, #tpu.memory_space<hbm>>
    tpu.wait_dma2 semaphore(%arg21 : memref<!tpu.dma_semaphore, #tpu.memory_space<semaphore_mem>>) src(%arg14 : memref<128xf32, #tpu.memory_space<vmem>>) dst(%dma_wait3A_117 : memref<128xf32, #tpu.memory_space<hbm>>)
    %dma_wait3A_118 = arith.constant 10112 : i32
    %dma_wait3A_119 = tpu.memref_slice %arg5[%add3A, %dma_wait3A_118] : memref<32x10240xf32, #tpu.memory_space<hbm>> -> memref<1x128xf32, #tpu.memory_space<hbm>>
    %dma_wait3A_120 = tpu.memref_squeeze %dma_wait3A_119 : memref<1x128xf32, #tpu.memory_space<hbm>> -> memref<128xf32, #tpu.memory_space<hbm>>
    %dma_wait3A_121 = arith.constant 10112 : i32
    %dma_wait3A_122 = tpu.memref_slice %arg5[%add3A, %dma_wait3A_121] : memref<32x10240xf32, #tpu.memory_space<hbm>> -> memref<1x128xf32, #tpu.memory_space<hbm>>
    %dma_wait3A_123 = tpu.memref_squeeze %dma_wait3A_122 : memref<1x128xf32, #tpu.memory_space<hbm>> -> memref<128xf32, #tpu.memory_space<hbm>>
    tpu.wait_dma2 semaphore(%arg22 : memref<!tpu.dma_semaphore, #tpu.memory_space<semaphore_mem>>) src(%arg15 : memref<128xf32, #tpu.memory_space<vmem>>) dst(%dma_wait3A_123 : memref<128xf32, #tpu.memory_space<hbm>>)
    return
  }
}

#map = affine_map<(d0, d1) -> (0, 0, 0)>
#map1 = affine_map<(d0, d1) -> (0)>
module attributes {stable_mosaic.version = 14 : i64} {
  func.func @_deg_body(%arg0: i32, %arg1: i32, %arg2: memref<32x80x128xi32, #tpu.memory_space<hbm>>, %arg3: memref<20480xf32, #tpu.memory_space<hbm>>, %arg4: memref<128xf32, #tpu.memory_space<vmem>>, %arg5: memref<80x128xi32, #tpu.memory_space<vmem>>, %arg6: memref<640xf32, #tpu.memory_space<vmem>>, %arg7: memref<10240xf32, #tpu.memory_space<vmem_shared>>) attributes {dimension_semantics = [#tpu.dimension_semantics<core_parallel>, #tpu.dimension_semantics<subcore_parallel>], iteration_bounds = array<i64: 2, 16>, scalar_prefetch = 0 : i64, scratch_operands = 4 : i64, tpu.core_type = #tpu.core_type<sc_vector_subcore>, window_params = [{transform_indices = #map}, {transform_indices = #map1}]} {
    %mul3A = arith.constant 16 : i32
    %mul3A_0 = arith.muli %arg0, %mul3A : i32
    %add3A = arith.addi %mul3A_0, %arg1 : i32
    %broadcast_in_dim3A = arith.constant 1.000000e+00 : f32
    %broadcast_in_dim3A_1 = vector.broadcast %broadcast_in_dim3A : f32 to vector<16xf32>
    %swap3A = arith.constant 0 : index
    %swap3A_2 = tpu.vector_load %arg4[%swap3A] {strides = array<i32>} : memref<128xf32, #tpu.memory_space<vmem>>, vector<16xf32>,
    %swap3A_3 = vector.shape_cast %swap3A_2 : vector<16xf32> to vector<16xf32>
    %swap3A_4 = vector.shape_cast %broadcast_in_dim3A_1 : vector<16xf32> to vector<16xf32>
    tpu.vector_store %arg4[%swap3A], %swap3A_4 {strides = array<i32>} : memref<128xf32, #tpu.memory_space<vmem>>, vector<16xf32>,
    %broadcast_in_dim3A_5 = arith.constant 1.000000e+00 : f32
    %broadcast_in_dim3A_6 = vector.broadcast %broadcast_in_dim3A_5 : f32 to vector<16xf32>
    %swap3A_7 = arith.constant 16 : index
    %swap3A_8 = tpu.vector_load %arg4[%swap3A_7] {strides = array<i32>} : memref<128xf32, #tpu.memory_space<vmem>>, vector<16xf32>,
    %swap3A_9 = vector.shape_cast %swap3A_8 : vector<16xf32> to vector<16xf32>
    %swap3A_10 = vector.shape_cast %broadcast_in_dim3A_6 : vector<16xf32> to vector<16xf32>
    tpu.vector_store %arg4[%swap3A_7], %swap3A_10 {strides = array<i32>} : memref<128xf32, #tpu.memory_space<vmem>>, vector<16xf32>,
    %broadcast_in_dim3A_11 = arith.constant 1.000000e+00 : f32
    %broadcast_in_dim3A_12 = vector.broadcast %broadcast_in_dim3A_11 : f32 to vector<16xf32>
    %swap3A_13 = arith.constant 32 : index
    %swap3A_14 = tpu.vector_load %arg4[%swap3A_13] {strides = array<i32>} : memref<128xf32, #tpu.memory_space<vmem>>, vector<16xf32>,
    %swap3A_15 = vector.shape_cast %swap3A_14 : vector<16xf32> to vector<16xf32>
    %swap3A_16 = vector.shape_cast %broadcast_in_dim3A_12 : vector<16xf32> to vector<16xf32>
    tpu.vector_store %arg4[%swap3A_13], %swap3A_16 {strides = array<i32>} : memref<128xf32, #tpu.memory_space<vmem>>, vector<16xf32>,
    %broadcast_in_dim3A_17 = arith.constant 1.000000e+00 : f32
    %broadcast_in_dim3A_18 = vector.broadcast %broadcast_in_dim3A_17 : f32 to vector<16xf32>
    %swap3A_19 = arith.constant 48 : index
    %swap3A_20 = tpu.vector_load %arg4[%swap3A_19] {strides = array<i32>} : memref<128xf32, #tpu.memory_space<vmem>>, vector<16xf32>,
    %swap3A_21 = vector.shape_cast %swap3A_20 : vector<16xf32> to vector<16xf32>
    %swap3A_22 = vector.shape_cast %broadcast_in_dim3A_18 : vector<16xf32> to vector<16xf32>
    tpu.vector_store %arg4[%swap3A_19], %swap3A_22 {strides = array<i32>} : memref<128xf32, #tpu.memory_space<vmem>>, vector<16xf32>,
    %broadcast_in_dim3A_23 = arith.constant 1.000000e+00 : f32
    %broadcast_in_dim3A_24 = vector.broadcast %broadcast_in_dim3A_23 : f32 to vector<16xf32>
    %swap3A_25 = arith.constant 64 : index
    %swap3A_26 = tpu.vector_load %arg4[%swap3A_25] {strides = array<i32>} : memref<128xf32, #tpu.memory_space<vmem>>, vector<16xf32>,
    %swap3A_27 = vector.shape_cast %swap3A_26 : vector<16xf32> to vector<16xf32>
    %swap3A_28 = vector.shape_cast %broadcast_in_dim3A_24 : vector<16xf32> to vector<16xf32>
    tpu.vector_store %arg4[%swap3A_25], %swap3A_28 {strides = array<i32>} : memref<128xf32, #tpu.memory_space<vmem>>, vector<16xf32>,
    %broadcast_in_dim3A_29 = arith.constant 1.000000e+00 : f32
    %broadcast_in_dim3A_30 = vector.broadcast %broadcast_in_dim3A_29 : f32 to vector<16xf32>
    %swap3A_31 = arith.constant 80 : index
    %swap3A_32 = tpu.vector_load %arg4[%swap3A_31] {strides = array<i32>} : memref<128xf32, #tpu.memory_space<vmem>>, vector<16xf32>,
    %swap3A_33 = vector.shape_cast %swap3A_32 : vector<16xf32> to vector<16xf32>
    %swap3A_34 = vector.shape_cast %broadcast_in_dim3A_30 : vector<16xf32> to vector<16xf32>
    tpu.vector_store %arg4[%swap3A_31], %swap3A_34 {strides = array<i32>} : memref<128xf32, #tpu.memory_space<vmem>>, vector<16xf32>,
    %broadcast_in_dim3A_35 = arith.constant 1.000000e+00 : f32
    %broadcast_in_dim3A_36 = vector.broadcast %broadcast_in_dim3A_35 : f32 to vector<16xf32>
    %swap3A_37 = arith.constant 96 : index
    %swap3A_38 = tpu.vector_load %arg4[%swap3A_37] {strides = array<i32>} : memref<128xf32, #tpu.memory_space<vmem>>, vector<16xf32>,
    %swap3A_39 = vector.shape_cast %swap3A_38 : vector<16xf32> to vector<16xf32>
    %swap3A_40 = vector.shape_cast %broadcast_in_dim3A_36 : vector<16xf32> to vector<16xf32>
    tpu.vector_store %arg4[%swap3A_37], %swap3A_40 {strides = array<i32>} : memref<128xf32, #tpu.memory_space<vmem>>, vector<16xf32>,
    %broadcast_in_dim3A_41 = arith.constant 1.000000e+00 : f32
    %broadcast_in_dim3A_42 = vector.broadcast %broadcast_in_dim3A_41 : f32 to vector<16xf32>
    %swap3A_43 = arith.constant 112 : index
    %swap3A_44 = tpu.vector_load %arg4[%swap3A_43] {strides = array<i32>} : memref<128xf32, #tpu.memory_space<vmem>>, vector<16xf32>,
    %swap3A_45 = vector.shape_cast %swap3A_44 : vector<16xf32> to vector<16xf32>
    %swap3A_46 = vector.shape_cast %broadcast_in_dim3A_42 : vector<16xf32> to vector<16xf32>
    tpu.vector_store %arg4[%swap3A_43], %swap3A_46 {strides = array<i32>} : memref<128xf32, #tpu.memory_space<vmem>>, vector<16xf32>,
    %broadcast_in_dim3A_47 = arith.constant 0.000000e+00 : f32
    %broadcast_in_dim3A_48 = vector.broadcast %broadcast_in_dim3A_47 : f32 to vector<16xf32>
    %swap3A_49 = arith.constant 0 : index
    %swap3A_50 = tpu.vector_load %arg6[%swap3A_49] {strides = array<i32>} : memref<640xf32, #tpu.memory_space<vmem>>, vector<16xf32>,
    %swap3A_51 = vector.shape_cast %swap3A_50 : vector<16xf32> to vector<16xf32>
    %swap3A_52 = vector.shape_cast %broadcast_in_dim3A_48 : vector<16xf32> to vector<16xf32>
    tpu.vector_store %arg6[%swap3A_49], %swap3A_52 {strides = array<i32>} : memref<640xf32, #tpu.memory_space<vmem>>, vector<16xf32>,
    %broadcast_in_dim3A_53 = arith.constant 0.000000e+00 : f32
    %broadcast_in_dim3A_54 = vector.broadcast %broadcast_in_dim3A_53 : f32 to vector<16xf32>
    %swap3A_55 = arith.constant 16 : index
    %swap3A_56 = tpu.vector_load %arg6[%swap3A_55] {strides = array<i32>} : memref<640xf32, #tpu.memory_space<vmem>>, vector<16xf32>,
    %swap3A_57 = vector.shape_cast %swap3A_56 : vector<16xf32> to vector<16xf32>
    %swap3A_58 = vector.shape_cast %broadcast_in_dim3A_54 : vector<16xf32> to vector<16xf32>
    tpu.vector_store %arg6[%swap3A_55], %swap3A_58 {strides = array<i32>} : memref<640xf32, #tpu.memory_space<vmem>>, vector<16xf32>,
    %broadcast_in_dim3A_59 = arith.constant 0.000000e+00 : f32
    %broadcast_in_dim3A_60 = vector.broadcast %broadcast_in_dim3A_59 : f32 to vector<16xf32>
    %swap3A_61 = arith.constant 32 : index
    %swap3A_62 = tpu.vector_load %arg6[%swap3A_61] {strides = array<i32>} : memref<640xf32, #tpu.memory_space<vmem>>, vector<16xf32>,
    %swap3A_63 = vector.shape_cast %swap3A_62 : vector<16xf32> to vector<16xf32>
    %swap3A_64 = vector.shape_cast %broadcast_in_dim3A_60 : vector<16xf32> to vector<16xf32>
    tpu.vector_store %arg6[%swap3A_61], %swap3A_64 {strides = array<i32>} : memref<640xf32, #tpu.memory_space<vmem>>, vector<16xf32>,
    %broadcast_in_dim3A_65 = arith.constant 0.000000e+00 : f32
    %broadcast_in_dim3A_66 = vector.broadcast %broadcast_in_dim3A_65 : f32 to vector<16xf32>
    %swap3A_67 = arith.constant 48 : index
    %swap3A_68 = tpu.vector_load %arg6[%swap3A_67] {strides = array<i32>} : memref<640xf32, #tpu.memory_space<vmem>>, vector<16xf32>,
    %swap3A_69 = vector.shape_cast %swap3A_68 : vector<16xf32> to vector<16xf32>
    %swap3A_70 = vector.shape_cast %broadcast_in_dim3A_66 : vector<16xf32> to vector<16xf32>
    tpu.vector_store %arg6[%swap3A_67], %swap3A_70 {strides = array<i32>} : memref<640xf32, #tpu.memory_space<vmem>>, vector<16xf32>,
    %broadcast_in_dim3A_71 = arith.constant 0.000000e+00 : f32
    %broadcast_in_dim3A_72 = vector.broadcast %broadcast_in_dim3A_71 : f32 to vector<16xf32>
    %swap3A_73 = arith.constant 64 : index
    %swap3A_74 = tpu.vector_load %arg6[%swap3A_73] {strides = array<i32>} : memref<640xf32, #tpu.memory_space<vmem>>, vector<16xf32>,
    %swap3A_75 = vector.shape_cast %swap3A_74 : vector<16xf32> to vector<16xf32>
    %swap3A_76 = vector.shape_cast %broadcast_in_dim3A_72 : vector<16xf32> to vector<16xf32>
    tpu.vector_store %arg6[%swap3A_73], %swap3A_76 {strides = array<i32>} : memref<640xf32, #tpu.memory_space<vmem>>, vector<16xf32>,
    %broadcast_in_dim3A_77 = arith.constant 0.000000e+00 : f32
    %broadcast_in_dim3A_78 = vector.broadcast %broadcast_in_dim3A_77 : f32 to vector<16xf32>
    %swap3A_79 = arith.constant 80 : index
    %swap3A_80 = tpu.vector_load %arg6[%swap3A_79] {strides = array<i32>} : memref<640xf32, #tpu.memory_space<vmem>>, vector<16xf32>,
    %swap3A_81 = vector.shape_cast %swap3A_80 : vector<16xf32> to vector<16xf32>
    %swap3A_82 = vector.shape_cast %broadcast_in_dim3A_78 : vector<16xf32> to vector<16xf32>
    tpu.vector_store %arg6[%swap3A_79], %swap3A_82 {strides = array<i32>} : memref<640xf32, #tpu.memory_space<vmem>>, vector<16xf32>,
    %broadcast_in_dim3A_83 = arith.constant 0.000000e+00 : f32
    %broadcast_in_dim3A_84 = vector.broadcast %broadcast_in_dim3A_83 : f32 to vector<16xf32>
    %swap3A_85 = arith.constant 96 : index
    %swap3A_86 = tpu.vector_load %arg6[%swap3A_85] {strides = array<i32>} : memref<640xf32, #tpu.memory_space<vmem>>, vector<16xf32>,
    %swap3A_87 = vector.shape_cast %swap3A_86 : vector<16xf32> to vector<16xf32>
    %swap3A_88 = vector.shape_cast %broadcast_in_dim3A_84 : vector<16xf32> to vector<16xf32>
    tpu.vector_store %arg6[%swap3A_85], %swap3A_88 {strides = array<i32>} : memref<640xf32, #tpu.memory_space<vmem>>, vector<16xf32>,
    %broadcast_in_dim3A_89 = arith.constant 0.000000e+00 : f32
    %broadcast_in_dim3A_90 = vector.broadcast %broadcast_in_dim3A_89 : f32 to vector<16xf32>
    %swap3A_91 = arith.constant 112 : index
    %swap3A_92 = tpu.vector_load %arg6[%swap3A_91] {strides = array<i32>} : memref<640xf32, #tpu.memory_space<vmem>>, vector<16xf32>,
    %swap3A_93 = vector.shape_cast %swap3A_92 : vector<16xf32> to vector<16xf32>
    %swap3A_94 = vector.shape_cast %broadcast_in_dim3A_90 : vector<16xf32> to vector<16xf32>
    tpu.vector_store %arg6[%swap3A_91], %swap3A_94 {strides = array<i32>} : memref<640xf32, #tpu.memory_space<vmem>>, vector<16xf32>,
    %broadcast_in_dim3A_95 = arith.constant 0.000000e+00 : f32
    %broadcast_in_dim3A_96 = vector.broadcast %broadcast_in_dim3A_95 : f32 to vector<16xf32>
    %swap3A_97 = arith.constant 128 : index
    %swap3A_98 = tpu.vector_load %arg6[%swap3A_97] {strides = array<i32>} : memref<640xf32, #tpu.memory_space<vmem>>, vector<16xf32>,
    %swap3A_99 = vector.shape_cast %swap3A_98 : vector<16xf32> to vector<16xf32>
    %swap3A_100 = vector.shape_cast %broadcast_in_dim3A_96 : vector<16xf32> to vector<16xf32>
    tpu.vector_store %arg6[%swap3A_97], %swap3A_100 {strides = array<i32>} : memref<640xf32, #tpu.memory_space<vmem>>, vector<16xf32>,
    %broadcast_in_dim3A_101 = arith.constant 0.000000e+00 : f32
    %broadcast_in_dim3A_102 = vector.broadcast %broadcast_in_dim3A_101 : f32 to vector<16xf32>
    %swap3A_103 = arith.constant 144 : index
    %swap3A_104 = tpu.vector_load %arg6[%swap3A_103] {strides = array<i32>} : memref<640xf32, #tpu.memory_space<vmem>>, vector<16xf32>,
    %swap3A_105 = vector.shape_cast %swap3A_104 : vector<16xf32> to vector<16xf32>
    %swap3A_106 = vector.shape_cast %broadcast_in_dim3A_102 : vector<16xf32> to vector<16xf32>
    tpu.vector_store %arg6[%swap3A_103], %swap3A_106 {strides = array<i32>} : memref<640xf32, #tpu.memory_space<vmem>>, vector<16xf32>,
    %broadcast_in_dim3A_107 = arith.constant 0.000000e+00 : f32
    %broadcast_in_dim3A_108 = vector.broadcast %broadcast_in_dim3A_107 : f32 to vector<16xf32>
    %swap3A_109 = arith.constant 160 : index
    %swap3A_110 = tpu.vector_load %arg6[%swap3A_109] {strides = array<i32>} : memref<640xf32, #tpu.memory_space<vmem>>, vector<16xf32>,
    %swap3A_111 = vector.shape_cast %swap3A_110 : vector<16xf32> to vector<16xf32>
    %swap3A_112 = vector.shape_cast %broadcast_in_dim3A_108 : vector<16xf32> to vector<16xf32>
    tpu.vector_store %arg6[%swap3A_109], %swap3A_112 {strides = array<i32>} : memref<640xf32, #tpu.memory_space<vmem>>, vector<16xf32>,
    %broadcast_in_dim3A_113 = arith.constant 0.000000e+00 : f32
    %broadcast_in_dim3A_114 = vector.broadcast %broadcast_in_dim3A_113 : f32 to vector<16xf32>
    %swap3A_115 = arith.constant 176 : index
    %swap3A_116 = tpu.vector_load %arg6[%swap3A_115] {strides = array<i32>} : memref<640xf32, #tpu.memory_space<vmem>>, vector<16xf32>,
    %swap3A_117 = vector.shape_cast %swap3A_116 : vector<16xf32> to vector<16xf32>
    %swap3A_118 = vector.shape_cast %broadcast_in_dim3A_114 : vector<16xf32> to vector<16xf32>
    tpu.vector_store %arg6[%swap3A_115], %swap3A_118 {strides = array<i32>} : memref<640xf32, #tpu.memory_space<vmem>>, vector<16xf32>,
    %broadcast_in_dim3A_119 = arith.constant 0.000000e+00 : f32
    %broadcast_in_dim3A_120 = vector.broadcast %broadcast_in_dim3A_119 : f32 to vector<16xf32>
    %swap3A_121 = arith.constant 192 : index
    %swap3A_122 = tpu.vector_load %arg6[%swap3A_121] {strides = array<i32>} : memref<640xf32, #tpu.memory_space<vmem>>, vector<16xf32>,
    %swap3A_123 = vector.shape_cast %swap3A_122 : vector<16xf32> to vector<16xf32>
    %swap3A_124 = vector.shape_cast %broadcast_in_dim3A_120 : vector<16xf32> to vector<16xf32>
    tpu.vector_store %arg6[%swap3A_121], %swap3A_124 {strides = array<i32>} : memref<640xf32, #tpu.memory_space<vmem>>, vector<16xf32>,
    %broadcast_in_dim3A_125 = arith.constant 0.000000e+00 : f32
    %broadcast_in_dim3A_126 = vector.broadcast %broadcast_in_dim3A_125 : f32 to vector<16xf32>
    %swap3A_127 = arith.constant 208 : index
    %swap3A_128 = tpu.vector_load %arg6[%swap3A_127] {strides = array<i32>} : memref<640xf32, #tpu.memory_space<vmem>>, vector<16xf32>,
    %swap3A_129 = vector.shape_cast %swap3A_128 : vector<16xf32> to vector<16xf32>
    %swap3A_130 = vector.shape_cast %broadcast_in_dim3A_126 : vector<16xf32> to vector<16xf32>
    tpu.vector_store %arg6[%swap3A_127], %swap3A_130 {strides = array<i32>} : memref<640xf32, #tpu.memory_space<vmem>>, vector<16xf32>,
    %broadcast_in_dim3A_131 = arith.constant 0.000000e+00 : f32
    %broadcast_in_dim3A_132 = vector.broadcast %broadcast_in_dim3A_131 : f32 to vector<16xf32>
    %swap3A_133 = arith.constant 224 : index
    %swap3A_134 = tpu.vector_load %arg6[%swap3A_133] {strides = array<i32>} : memref<640xf32, #tpu.memory_space<vmem>>, vector<16xf32>,
    %swap3A_135 = vector.shape_cast %swap3A_134 : vector<16xf32> to vector<16xf32>
    %swap3A_136 = vector.shape_cast %broadcast_in_dim3A_132 : vector<16xf32> to vector<16xf32>
    tpu.vector_store %arg6[%swap3A_133], %swap3A_136 {strides = array<i32>} : memref<640xf32, #tpu.memory_space<vmem>>, vector<16xf32>,
    %broadcast_in_dim3A_137 = arith.constant 0.000000e+00 : f32
    %broadcast_in_dim3A_138 = vector.broadcast %broadcast_in_dim3A_137 : f32 to vector<16xf32>
    %swap3A_139 = arith.constant 240 : index
    %swap3A_140 = tpu.vector_load %arg6[%swap3A_139] {strides = array<i32>} : memref<640xf32, #tpu.memory_space<vmem>>, vector<16xf32>,
    %swap3A_141 = vector.shape_cast %swap3A_140 : vector<16xf32> to vector<16xf32>
    %swap3A_142 = vector.shape_cast %broadcast_in_dim3A_138 : vector<16xf32> to vector<16xf32>
    tpu.vector_store %arg6[%swap3A_139], %swap3A_142 {strides = array<i32>} : memref<640xf32, #tpu.memory_space<vmem>>, vector<16xf32>,
    %broadcast_in_dim3A_143 = arith.constant 0.000000e+00 : f32
    %broadcast_in_dim3A_144 = vector.broadcast %broadcast_in_dim3A_143 : f32 to vector<16xf32>
    %swap3A_145 = arith.constant 256 : index
    %swap3A_146 = tpu.vector_load %arg6[%swap3A_145] {strides = array<i32>} : memref<640xf32, #tpu.memory_space<vmem>>, vector<16xf32>,
    %swap3A_147 = vector.shape_cast %swap3A_146 : vector<16xf32> to vector<16xf32>
    %swap3A_148 = vector.shape_cast %broadcast_in_dim3A_144 : vector<16xf32> to vector<16xf32>
    tpu.vector_store %arg6[%swap3A_145], %swap3A_148 {strides = array<i32>} : memref<640xf32, #tpu.memory_space<vmem>>, vector<16xf32>,
    %broadcast_in_dim3A_149 = arith.constant 0.000000e+00 : f32
    %broadcast_in_dim3A_150 = vector.broadcast %broadcast_in_dim3A_149 : f32 to vector<16xf32>
    %swap3A_151 = arith.constant 272 : index
    %swap3A_152 = tpu.vector_load %arg6[%swap3A_151] {strides = array<i32>} : memref<640xf32, #tpu.memory_space<vmem>>, vector<16xf32>,
    %swap3A_153 = vector.shape_cast %swap3A_152 : vector<16xf32> to vector<16xf32>
    %swap3A_154 = vector.shape_cast %broadcast_in_dim3A_150 : vector<16xf32> to vector<16xf32>
    tpu.vector_store %arg6[%swap3A_151], %swap3A_154 {strides = array<i32>} : memref<640xf32, #tpu.memory_space<vmem>>, vector<16xf32>,
    %broadcast_in_dim3A_155 = arith.constant 0.000000e+00 : f32
    %broadcast_in_dim3A_156 = vector.broadcast %broadcast_in_dim3A_155 : f32 to vector<16xf32>
    %swap3A_157 = arith.constant 288 : index
    %swap3A_158 = tpu.vector_load %arg6[%swap3A_157] {strides = array<i32>} : memref<640xf32, #tpu.memory_space<vmem>>, vector<16xf32>,
    %swap3A_159 = vector.shape_cast %swap3A_158 : vector<16xf32> to vector<16xf32>
    %swap3A_160 = vector.shape_cast %broadcast_in_dim3A_156 : vector<16xf32> to vector<16xf32>
    tpu.vector_store %arg6[%swap3A_157], %swap3A_160 {strides = array<i32>} : memref<640xf32, #tpu.memory_space<vmem>>, vector<16xf32>,
    %broadcast_in_dim3A_161 = arith.constant 0.000000e+00 : f32
    %broadcast_in_dim3A_162 = vector.broadcast %broadcast_in_dim3A_161 : f32 to vector<16xf32>
    %swap3A_163 = arith.constant 304 : index
    %swap3A_164 = tpu.vector_load %arg6[%swap3A_163] {strides = array<i32>} : memref<640xf32, #tpu.memory_space<vmem>>, vector<16xf32>,
    %swap3A_165 = vector.shape_cast %swap3A_164 : vector<16xf32> to vector<16xf32>
    %swap3A_166 = vector.shape_cast %broadcast_in_dim3A_162 : vector<16xf32> to vector<16xf32>
    tpu.vector_store %arg6[%swap3A_163], %swap3A_166 {strides = array<i32>} : memref<640xf32, #tpu.memory_space<vmem>>, vector<16xf32>,
    %broadcast_in_dim3A_167 = arith.constant 0.000000e+00 : f32
    %broadcast_in_dim3A_168 = vector.broadcast %broadcast_in_dim3A_167 : f32 to vector<16xf32>
    %swap3A_169 = arith.constant 320 : index
    %swap3A_170 = tpu.vector_load %arg6[%swap3A_169] {strides = array<i32>} : memref<640xf32, #tpu.memory_space<vmem>>, vector<16xf32>,
    %swap3A_171 = vector.shape_cast %swap3A_170 : vector<16xf32> to vector<16xf32>
    %swap3A_172 = vector.shape_cast %broadcast_in_dim3A_168 : vector<16xf32> to vector<16xf32>
    tpu.vector_store %arg6[%swap3A_169], %swap3A_172 {strides = array<i32>} : memref<640xf32, #tpu.memory_space<vmem>>, vector<16xf32>,
    %broadcast_in_dim3A_173 = arith.constant 0.000000e+00 : f32
    %broadcast_in_dim3A_174 = vector.broadcast %broadcast_in_dim3A_173 : f32 to vector<16xf32>
    %swap3A_175 = arith.constant 336 : index
    %swap3A_176 = tpu.vector_load %arg6[%swap3A_175] {strides = array<i32>} : memref<640xf32, #tpu.memory_space<vmem>>, vector<16xf32>,
    %swap3A_177 = vector.shape_cast %swap3A_176 : vector<16xf32> to vector<16xf32>
    %swap3A_178 = vector.shape_cast %broadcast_in_dim3A_174 : vector<16xf32> to vector<16xf32>
    tpu.vector_store %arg6[%swap3A_175], %swap3A_178 {strides = array<i32>} : memref<640xf32, #tpu.memory_space<vmem>>, vector<16xf32>,
    %broadcast_in_dim3A_179 = arith.constant 0.000000e+00 : f32
    %broadcast_in_dim3A_180 = vector.broadcast %broadcast_in_dim3A_179 : f32 to vector<16xf32>
    %swap3A_181 = arith.constant 352 : index
    %swap3A_182 = tpu.vector_load %arg6[%swap3A_181] {strides = array<i32>} : memref<640xf32, #tpu.memory_space<vmem>>, vector<16xf32>,
    %swap3A_183 = vector.shape_cast %swap3A_182 : vector<16xf32> to vector<16xf32>
    %swap3A_184 = vector.shape_cast %broadcast_in_dim3A_180 : vector<16xf32> to vector<16xf32>
    tpu.vector_store %arg6[%swap3A_181], %swap3A_184 {strides = array<i32>} : memref<640xf32, #tpu.memory_space<vmem>>, vector<16xf32>,
    %broadcast_in_dim3A_185 = arith.constant 0.000000e+00 : f32
    %broadcast_in_dim3A_186 = vector.broadcast %broadcast_in_dim3A_185 : f32 to vector<16xf32>
    %swap3A_187 = arith.constant 368 : index
    %swap3A_188 = tpu.vector_load %arg6[%swap3A_187] {strides = array<i32>} : memref<640xf32, #tpu.memory_space<vmem>>, vector<16xf32>,
    %swap3A_189 = vector.shape_cast %swap3A_188 : vector<16xf32> to vector<16xf32>
    %swap3A_190 = vector.shape_cast %broadcast_in_dim3A_186 : vector<16xf32> to vector<16xf32>
    tpu.vector_store %arg6[%swap3A_187], %swap3A_190 {strides = array<i32>} : memref<640xf32, #tpu.memory_space<vmem>>, vector<16xf32>,
    %broadcast_in_dim3A_191 = arith.constant 0.000000e+00 : f32
    %broadcast_in_dim3A_192 = vector.broadcast %broadcast_in_dim3A_191 : f32 to vector<16xf32>
    %swap3A_193 = arith.constant 384 : index
    %swap3A_194 = tpu.vector_load %arg6[%swap3A_193] {strides = array<i32>} : memref<640xf32, #tpu.memory_space<vmem>>, vector<16xf32>,
    %swap3A_195 = vector.shape_cast %swap3A_194 : vector<16xf32> to vector<16xf32>
    %swap3A_196 = vector.shape_cast %broadcast_in_dim3A_192 : vector<16xf32> to vector<16xf32>
    tpu.vector_store %arg6[%swap3A_193], %swap3A_196 {strides = array<i32>} : memref<640xf32, #tpu.memory_space<vmem>>, vector<16xf32>,
    %broadcast_in_dim3A_197 = arith.constant 0.000000e+00 : f32
    %broadcast_in_dim3A_198 = vector.broadcast %broadcast_in_dim3A_197 : f32 to vector<16xf32>
    %swap3A_199 = arith.constant 400 : index
    %swap3A_200 = tpu.vector_load %arg6[%swap3A_199] {strides = array<i32>} : memref<640xf32, #tpu.memory_space<vmem>>, vector<16xf32>,
    %swap3A_201 = vector.shape_cast %swap3A_200 : vector<16xf32> to vector<16xf32>
    %swap3A_202 = vector.shape_cast %broadcast_in_dim3A_198 : vector<16xf32> to vector<16xf32>
    tpu.vector_store %arg6[%swap3A_199], %swap3A_202 {strides = array<i32>} : memref<640xf32, #tpu.memory_space<vmem>>, vector<16xf32>,
    %broadcast_in_dim3A_203 = arith.constant 0.000000e+00 : f32
    %broadcast_in_dim3A_204 = vector.broadcast %broadcast_in_dim3A_203 : f32 to vector<16xf32>
    %swap3A_205 = arith.constant 416 : index
    %swap3A_206 = tpu.vector_load %arg6[%swap3A_205] {strides = array<i32>} : memref<640xf32, #tpu.memory_space<vmem>>, vector<16xf32>,
    %swap3A_207 = vector.shape_cast %swap3A_206 : vector<16xf32> to vector<16xf32>
    %swap3A_208 = vector.shape_cast %broadcast_in_dim3A_204 : vector<16xf32> to vector<16xf32>
    tpu.vector_store %arg6[%swap3A_205], %swap3A_208 {strides = array<i32>} : memref<640xf32, #tpu.memory_space<vmem>>, vector<16xf32>,
    %broadcast_in_dim3A_209 = arith.constant 0.000000e+00 : f32
    %broadcast_in_dim3A_210 = vector.broadcast %broadcast_in_dim3A_209 : f32 to vector<16xf32>
    %swap3A_211 = arith.constant 432 : index
    %swap3A_212 = tpu.vector_load %arg6[%swap3A_211] {strides = array<i32>} : memref<640xf32, #tpu.memory_space<vmem>>, vector<16xf32>,
    %swap3A_213 = vector.shape_cast %swap3A_212 : vector<16xf32> to vector<16xf32>
    %swap3A_214 = vector.shape_cast %broadcast_in_dim3A_210 : vector<16xf32> to vector<16xf32>
    tpu.vector_store %arg6[%swap3A_211], %swap3A_214 {strides = array<i32>} : memref<640xf32, #tpu.memory_space<vmem>>, vector<16xf32>,
    %broadcast_in_dim3A_215 = arith.constant 0.000000e+00 : f32
    %broadcast_in_dim3A_216 = vector.broadcast %broadcast_in_dim3A_215 : f32 to vector<16xf32>
    %swap3A_217 = arith.constant 448 : index
    %swap3A_218 = tpu.vector_load %arg6[%swap3A_217] {strides = array<i32>} : memref<640xf32, #tpu.memory_space<vmem>>, vector<16xf32>,
    %swap3A_219 = vector.shape_cast %swap3A_218 : vector<16xf32> to vector<16xf32>
    %swap3A_220 = vector.shape_cast %broadcast_in_dim3A_216 : vector<16xf32> to vector<16xf32>
    tpu.vector_store %arg6[%swap3A_217], %swap3A_220 {strides = array<i32>} : memref<640xf32, #tpu.memory_space<vmem>>, vector<16xf32>,
    %broadcast_in_dim3A_221 = arith.constant 0.000000e+00 : f32
    %broadcast_in_dim3A_222 = vector.broadcast %broadcast_in_dim3A_221 : f32 to vector<16xf32>
    %swap3A_223 = arith.constant 464 : index
    %swap3A_224 = tpu.vector_load %arg6[%swap3A_223] {strides = array<i32>} : memref<640xf32, #tpu.memory_space<vmem>>, vector<16xf32>,
    %swap3A_225 = vector.shape_cast %swap3A_224 : vector<16xf32> to vector<16xf32>
    %swap3A_226 = vector.shape_cast %broadcast_in_dim3A_222 : vector<16xf32> to vector<16xf32>
    tpu.vector_store %arg6[%swap3A_223], %swap3A_226 {strides = array<i32>} : memref<640xf32, #tpu.memory_space<vmem>>, vector<16xf32>,
    %broadcast_in_dim3A_227 = arith.constant 0.000000e+00 : f32
    %broadcast_in_dim3A_228 = vector.broadcast %broadcast_in_dim3A_227 : f32 to vector<16xf32>
    %swap3A_229 = arith.constant 480 : index
    %swap3A_230 = tpu.vector_load %arg6[%swap3A_229] {strides = array<i32>} : memref<640xf32, #tpu.memory_space<vmem>>, vector<16xf32>,
    %swap3A_231 = vector.shape_cast %swap3A_230 : vector<16xf32> to vector<16xf32>
    %swap3A_232 = vector.shape_cast %broadcast_in_dim3A_228 : vector<16xf32> to vector<16xf32>
    tpu.vector_store %arg6[%swap3A_229], %swap3A_232 {strides = array<i32>} : memref<640xf32, #tpu.memory_space<vmem>>, vector<16xf32>,
    %broadcast_in_dim3A_233 = arith.constant 0.000000e+00 : f32
    %broadcast_in_dim3A_234 = vector.broadcast %broadcast_in_dim3A_233 : f32 to vector<16xf32>
    %swap3A_235 = arith.constant 496 : index
    %swap3A_236 = tpu.vector_load %arg6[%swap3A_235] {strides = array<i32>} : memref<640xf32, #tpu.memory_space<vmem>>, vector<16xf32>,
    %swap3A_237 = vector.shape_cast %swap3A_236 : vector<16xf32> to vector<16xf32>
    %swap3A_238 = vector.shape_cast %broadcast_in_dim3A_234 : vector<16xf32> to vector<16xf32>
    tpu.vector_store %arg6[%swap3A_235], %swap3A_238 {strides = array<i32>} : memref<640xf32, #tpu.memory_space<vmem>>, vector<16xf32>,
    %broadcast_in_dim3A_239 = arith.constant 0.000000e+00 : f32
    %broadcast_in_dim3A_240 = vector.broadcast %broadcast_in_dim3A_239 : f32 to vector<16xf32>
    %swap3A_241 = arith.constant 512 : index
    %swap3A_242 = tpu.vector_load %arg6[%swap3A_241] {strides = array<i32>} : memref<640xf32, #tpu.memory_space<vmem>>, vector<16xf32>,
    %swap3A_243 = vector.shape_cast %swap3A_242 : vector<16xf32> to vector<16xf32>
    %swap3A_244 = vector.shape_cast %broadcast_in_dim3A_240 : vector<16xf32> to vector<16xf32>
    tpu.vector_store %arg6[%swap3A_241], %swap3A_244 {strides = array<i32>} : memref<640xf32, #tpu.memory_space<vmem>>, vector<16xf32>,
    %broadcast_in_dim3A_245 = arith.constant 0.000000e+00 : f32
    %broadcast_in_dim3A_246 = vector.broadcast %broadcast_in_dim3A_245 : f32 to vector<16xf32>
    %swap3A_247 = arith.constant 528 : index
    %swap3A_248 = tpu.vector_load %arg6[%swap3A_247] {strides = array<i32>} : memref<640xf32, #tpu.memory_space<vmem>>, vector<16xf32>,
    %swap3A_249 = vector.shape_cast %swap3A_248 : vector<16xf32> to vector<16xf32>
    %swap3A_250 = vector.shape_cast %broadcast_in_dim3A_246 : vector<16xf32> to vector<16xf32>
    tpu.vector_store %arg6[%swap3A_247], %swap3A_250 {strides = array<i32>} : memref<640xf32, #tpu.memory_space<vmem>>, vector<16xf32>,
    %broadcast_in_dim3A_251 = arith.constant 0.000000e+00 : f32
    %broadcast_in_dim3A_252 = vector.broadcast %broadcast_in_dim3A_251 : f32 to vector<16xf32>
    %swap3A_253 = arith.constant 544 : index
    %swap3A_254 = tpu.vector_load %arg6[%swap3A_253] {strides = array<i32>} : memref<640xf32, #tpu.memory_space<vmem>>, vector<16xf32>,
    %swap3A_255 = vector.shape_cast %swap3A_254 : vector<16xf32> to vector<16xf32>
    %swap3A_256 = vector.shape_cast %broadcast_in_dim3A_252 : vector<16xf32> to vector<16xf32>
    tpu.vector_store %arg6[%swap3A_253], %swap3A_256 {strides = array<i32>} : memref<640xf32, #tpu.memory_space<vmem>>, vector<16xf32>,
    %broadcast_in_dim3A_257 = arith.constant 0.000000e+00 : f32
    %broadcast_in_dim3A_258 = vector.broadcast %broadcast_in_dim3A_257 : f32 to vector<16xf32>
    %swap3A_259 = arith.constant 560 : index
    %swap3A_260 = tpu.vector_load %arg6[%swap3A_259] {strides = array<i32>} : memref<640xf32, #tpu.memory_space<vmem>>, vector<16xf32>,
    %swap3A_261 = vector.shape_cast %swap3A_260 : vector<16xf32> to vector<16xf32>
    %swap3A_262 = vector.shape_cast %broadcast_in_dim3A_258 : vector<16xf32> to vector<16xf32>
    tpu.vector_store %arg6[%swap3A_259], %swap3A_262 {strides = array<i32>} : memref<640xf32, #tpu.memory_space<vmem>>, vector<16xf32>,
    %broadcast_in_dim3A_263 = arith.constant 0.000000e+00 : f32
    %broadcast_in_dim3A_264 = vector.broadcast %broadcast_in_dim3A_263 : f32 to vector<16xf32>
    %swap3A_265 = arith.constant 576 : index
    %swap3A_266 = tpu.vector_load %arg6[%swap3A_265] {strides = array<i32>} : memref<640xf32, #tpu.memory_space<vmem>>, vector<16xf32>,
    %swap3A_267 = vector.shape_cast %swap3A_266 : vector<16xf32> to vector<16xf32>
    %swap3A_268 = vector.shape_cast %broadcast_in_dim3A_264 : vector<16xf32> to vector<16xf32>
    tpu.vector_store %arg6[%swap3A_265], %swap3A_268 {strides = array<i32>} : memref<640xf32, #tpu.memory_space<vmem>>, vector<16xf32>,
    %broadcast_in_dim3A_269 = arith.constant 0.000000e+00 : f32
    %broadcast_in_dim3A_270 = vector.broadcast %broadcast_in_dim3A_269 : f32 to vector<16xf32>
    %swap3A_271 = arith.constant 592 : index
    %swap3A_272 = tpu.vector_load %arg6[%swap3A_271] {strides = array<i32>} : memref<640xf32, #tpu.memory_space<vmem>>, vector<16xf32>,
    %swap3A_273 = vector.shape_cast %swap3A_272 : vector<16xf32> to vector<16xf32>
    %swap3A_274 = vector.shape_cast %broadcast_in_dim3A_270 : vector<16xf32> to vector<16xf32>
    tpu.vector_store %arg6[%swap3A_271], %swap3A_274 {strides = array<i32>} : memref<640xf32, #tpu.memory_space<vmem>>, vector<16xf32>,
    %broadcast_in_dim3A_275 = arith.constant 0.000000e+00 : f32
    %broadcast_in_dim3A_276 = vector.broadcast %broadcast_in_dim3A_275 : f32 to vector<16xf32>
    %swap3A_277 = arith.constant 608 : index
    %swap3A_278 = tpu.vector_load %arg6[%swap3A_277] {strides = array<i32>} : memref<640xf32, #tpu.memory_space<vmem>>, vector<16xf32>,
    %swap3A_279 = vector.shape_cast %swap3A_278 : vector<16xf32> to vector<16xf32>
    %swap3A_280 = vector.shape_cast %broadcast_in_dim3A_276 : vector<16xf32> to vector<16xf32>
    tpu.vector_store %arg6[%swap3A_277], %swap3A_280 {strides = array<i32>} : memref<640xf32, #tpu.memory_space<vmem>>, vector<16xf32>,
    %broadcast_in_dim3A_281 = arith.constant 0.000000e+00 : f32
    %broadcast_in_dim3A_282 = vector.broadcast %broadcast_in_dim3A_281 : f32 to vector<16xf32>
    %swap3A_283 = arith.constant 624 : index
    %swap3A_284 = tpu.vector_load %arg6[%swap3A_283] {strides = array<i32>} : memref<640xf32, #tpu.memory_space<vmem>>, vector<16xf32>,
    %swap3A_285 = vector.shape_cast %swap3A_284 : vector<16xf32> to vector<16xf32>
    %swap3A_286 = vector.shape_cast %broadcast_in_dim3A_282 : vector<16xf32> to vector<16xf32>
    tpu.vector_store %arg6[%swap3A_283], %swap3A_286 {strides = array<i32>} : memref<640xf32, #tpu.memory_space<vmem>>, vector<16xf32>,
    %mul3A_287 = arith.constant 640 : i32
    %mul3A_288 = arith.muli %arg1, %mul3A_287 : i32
    "tpu.region"() ({
      %run_scoped3A = tpu.sem_alloc : memref<!tpu.dma_semaphore, #tpu.memory_space<semaphore_mem>>
      %dma_start3A = tpu.memref_slice %arg7[%mul3A_288] : memref<10240xf32, #tpu.memory_space<vmem_shared>> -> memref<640xf32, #tpu.memory_space<vmem_shared>>
      %dma_start3A_298 = tpu.memref_slice %arg7[%mul3A_288] : memref<10240xf32, #tpu.memory_space<vmem_shared>> -> memref<640xf32, #tpu.memory_space<vmem_shared>>
      tpu.enqueue_dma source(%arg6 : memref<640xf32, #tpu.memory_space<vmem>>) target(%dma_start3A_298 : memref<640xf32, #tpu.memory_space<vmem_shared>>) target_semaphore(%run_scoped3A : memref<!tpu.dma_semaphore, #tpu.memory_space<semaphore_mem>>)
      %dma_wait3A = tpu.memref_slice %arg7[%mul3A_288] : memref<10240xf32, #tpu.memory_space<vmem_shared>> -> memref<640xf32, #tpu.memory_space<vmem_shared>>
      %dma_wait3A_299 = tpu.memref_slice %arg7[%mul3A_288] : memref<10240xf32, #tpu.memory_space<vmem_shared>> -> memref<640xf32, #tpu.memory_space<vmem_shared>>
      tpu.wait_dma2 semaphore(%run_scoped3A : memref<!tpu.dma_semaphore, #tpu.memory_space<semaphore_mem>>) src(%arg6 : memref<640xf32, #tpu.memory_space<vmem>>) dst(%dma_wait3A_299 : memref<640xf32, #tpu.memory_space<vmem_shared>>)
      tpu.yield
    }) : () -> ()
    "tpu.region"() ({
      %run_scoped3A = tpu.sem_alloc : memref<!tpu.dma_semaphore, #tpu.memory_space<semaphore_mem>>
      %dma_start3A = arith.constant 0 : i32
      %dma_start3A_298 = arith.constant 0 : i32
      %dma_start3A_299 = tpu.memref_slice %arg2[%add3A, %dma_start3A, %dma_start3A_298] : memref<32x80x128xi32, #tpu.memory_space<hbm>> -> memref<1x80x128xi32, #tpu.memory_space<hbm>>
      %dma_start3A_300 = tpu.memref_squeeze %dma_start3A_299 : memref<1x80x128xi32, #tpu.memory_space<hbm>> -> memref<80x128xi32, #tpu.memory_space<hbm>>
      %dma_start3A_301 = arith.constant 0 : i32
      %dma_start3A_302 = arith.constant 0 : i32
      %dma_start3A_303 = tpu.memref_slice %arg2[%add3A, %dma_start3A_301, %dma_start3A_302] : memref<32x80x128xi32, #tpu.memory_space<hbm>> -> memref<1x80x128xi32, #tpu.memory_space<hbm>>
      %dma_start3A_304 = tpu.memref_squeeze %dma_start3A_303 : memref<1x80x128xi32, #tpu.memory_space<hbm>> -> memref<80x128xi32, #tpu.memory_space<hbm>>
      tpu.enqueue_dma source(%dma_start3A_304 : memref<80x128xi32, #tpu.memory_space<hbm>>) target(%arg5 : memref<80x128xi32, #tpu.memory_space<vmem>>) target_semaphore(%run_scoped3A : memref<!tpu.dma_semaphore, #tpu.memory_space<semaphore_mem>>)
      %dma_wait3A = arith.constant 0 : i32
      %dma_wait3A_305 = arith.constant 0 : i32
      %dma_wait3A_306 = tpu.memref_slice %arg2[%add3A, %dma_wait3A, %dma_wait3A_305] : memref<32x80x128xi32, #tpu.memory_space<hbm>> -> memref<1x80x128xi32, #tpu.memory_space<hbm>>
      %dma_wait3A_307 = tpu.memref_squeeze %dma_wait3A_306 : memref<1x80x128xi32, #tpu.memory_space<hbm>> -> memref<80x128xi32, #tpu.memory_space<hbm>>
      %dma_wait3A_308 = arith.constant 0 : i32
      %dma_wait3A_309 = arith.constant 0 : i32
      %dma_wait3A_310 = tpu.memref_slice %arg2[%add3A, %dma_wait3A_308, %dma_wait3A_309] : memref<32x80x128xi32, #tpu.memory_space<hbm>> -> memref<1x80x128xi32, #tpu.memory_space<hbm>>
      %dma_wait3A_311 = tpu.memref_squeeze %dma_wait3A_310 : memref<1x80x128xi32, #tpu.memory_space<hbm>> -> memref<80x128xi32, #tpu.memory_space<hbm>>
      tpu.wait_dma2 semaphore(%run_scoped3A : memref<!tpu.dma_semaphore, #tpu.memory_space<semaphore_mem>>) src(%dma_wait3A_311 : memref<80x128xi32, #tpu.memory_space<hbm>>) dst(%arg5 : memref<80x128xi32, #tpu.memory_space<vmem>>)
      tpu.yield
    }) : () -> ()
    %barrier3A = arith.constant 0 : index
    tpu.barrier barrier_id(%barrier3A)
    %scan3A = arith.constant 0 : i32
    %scan3A_289 = arith.constant 0 : i32
    %scan3A_290 = arith.constant 80 : i32
    %scan3A_291 = arith.addi %scan3A_289, %scan3A_290 : i32
    %scan3A_292 = arith.constant 1 : i32
    scf.for %scan3A_298 = %scan3A_289 to %scan3A_291 step %scan3A_292  : i32 {
      "tpu.region"() ({
        %run_scoped3A = tpu.sem_alloc : memref<!tpu.dma_semaphore, #tpu.memory_space<semaphore_mem>>
        %dma_start3A = arith.constant 0 : i32
        %dma_start3A_299 = tpu.memref_slice %arg5[%scan3A_298, %dma_start3A] : memref<80x128xi32, #tpu.memory_space<vmem>> -> memref<1x128xi32, #tpu.memory_space<vmem>>
        %dma_start3A_300 = tpu.memref_squeeze %dma_start3A_299 : memref<1x128xi32, #tpu.memory_space<vmem>> -> memref<128xi32, #tpu.memory_space<vmem>>
        %dma_start3A_301 = arith.constant 0 : i32
        %dma_start3A_302 = tpu.memref_slice %arg7[%dma_start3A_301] : memref<10240xf32, #tpu.memory_space<vmem_shared>> -> memref<10240xf32, #tpu.memory_space<vmem_shared>>
        tpu.enqueue_indirect_dma source(%arg4 : memref<128xf32, #tpu.memory_space<vmem>>) target(%dma_start3A_302 : memref<10240xf32, #tpu.memory_space<vmem_shared>>) offsets(%dma_start3A_300 : memref<128xi32, #tpu.memory_space<vmem>>) semaphore(%run_scoped3A : memref<!tpu.dma_semaphore, #tpu.memory_space<semaphore_mem>>) {add = true}
        %dma_wait3A = arith.constant 0 : i32
        %dma_wait3A_303 = tpu.memref_slice %arg5[%scan3A_298, %dma_wait3A] : memref<80x128xi32, #tpu.memory_space<vmem>> -> memref<1x128xi32, #tpu.memory_space<vmem>>
        %dma_wait3A_304 = tpu.memref_squeeze %dma_wait3A_303 : memref<1x128xi32, #tpu.memory_space<vmem>> -> memref<128xi32, #tpu.memory_space<vmem>>
        %dma_wait3A_305 = arith.constant 0 : i32
        %dma_wait3A_306 = tpu.memref_slice %arg7[%dma_wait3A_305] : memref<10240xf32, #tpu.memory_space<vmem_shared>> -> memref<10240xf32, #tpu.memory_space<vmem_shared>>
        tpu.wait_indirect_dma semaphore(%run_scoped3A : memref<!tpu.dma_semaphore, #tpu.memory_space<semaphore_mem>>) src(%arg4 : memref<128xf32, #tpu.memory_space<vmem>>) dst(%dma_wait3A_306 : memref<10240xf32, #tpu.memory_space<vmem_shared>>)
        tpu.yield
      }) : () -> ()
    }
    %scan3A_293 = arith.constant 80 : i32
    %barrier3A_294 = arith.constant 0 : index
    tpu.barrier barrier_id(%barrier3A_294)
    %mul3A_295 = arith.constant 10240 : i32
    %mul3A_296 = arith.muli %arg0, %mul3A_295 : i32
    %add3A_297 = arith.addi %mul3A_296, %mul3A_288 : i32
    "tpu.region"() ({
      %run_scoped3A = tpu.sem_alloc : memref<!tpu.dma_semaphore, #tpu.memory_space<semaphore_mem>>
      %dma_start3A = tpu.memref_slice %arg3[%add3A_297] : memref<20480xf32, #tpu.memory_space<hbm>> -> memref<640xf32, #tpu.memory_space<hbm>>
      %dma_start3A_298 = tpu.memref_slice %arg7[%mul3A_288] : memref<10240xf32, #tpu.memory_space<vmem_shared>> -> memref<640xf32, #tpu.memory_space<vmem_shared>>
      tpu.enqueue_dma source(%dma_start3A_298 : memref<640xf32, #tpu.memory_space<vmem_shared>>) target(%dma_start3A : memref<640xf32, #tpu.memory_space<hbm>>) target_semaphore(%run_scoped3A : memref<!tpu.dma_semaphore, #tpu.memory_space<semaphore_mem>>)
      %dma_wait3A = tpu.memref_slice %arg3[%add3A_297] : memref<20480xf32, #tpu.memory_space<hbm>> -> memref<640xf32, #tpu.memory_space<hbm>>
      %dma_wait3A_299 = tpu.memref_slice %arg7[%mul3A_288] : memref<10240xf32, #tpu.memory_space<vmem_shared>> -> memref<640xf32, #tpu.memory_space<vmem_shared>>
      tpu.wait_dma2 semaphore(%run_scoped3A : memref<!tpu.dma_semaphore, #tpu.memory_space<semaphore_mem>>) src(%dma_wait3A_299 : memref<640xf32, #tpu.memory_space<vmem_shared>>) dst(%dma_wait3A : memref<640xf32, #tpu.memory_space<hbm>>)
      tpu.yield
    }) : () -> ()
    return
  }
}

#map = affine_map<(d0, d1) -> (0, 0)>
#map1 = affine_map<(d0, d1) -> (0, 0, 0)>
module attributes {stable_mosaic.version = 14 : i64} {
  func.func @_spmm_body(%arg0: i32, %arg1: i32, %arg2: memref<10240x128xf32, #tpu.memory_space<hbm>>, %arg3: memref<32x80x128xi32, #tpu.memory_space<hbm>>, %arg4: memref<32x160x64xi32, #tpu.memory_space<hbm>>, %arg5: memref<10240x128xf32, #tpu.memory_space<hbm>>, %arg6: memref<20480x128xf32, #tpu.memory_space<hbm>>, %arg7: memref<128xi32, #tpu.memory_space<vmem>>, %arg8: memref<128xi32, #tpu.memory_space<vmem>>, %arg9: memref<2x64xi32, #tpu.memory_space<vmem>>, %arg10: memref<2x64xi32, #tpu.memory_space<vmem>>, %arg11: memref<128x128xf32, #tpu.memory_space<vmem>>, %arg12: memref<128x128xf32, #tpu.memory_space<vmem>>, %arg13: memref<10240x128xf32, #tpu.memory_space<vmem_shared>>, %arg14: memref<!tpu.dma_semaphore, #tpu.memory_space<semaphore_mem>>, %arg15: memref<!tpu.dma_semaphore, #tpu.memory_space<semaphore_mem>>, %arg16: memref<!tpu.dma_semaphore, #tpu.memory_space<semaphore_mem>>, %arg17: memref<!tpu.dma_semaphore, #tpu.memory_space<semaphore_mem>>, %arg18: memref<!tpu.dma_semaphore, #tpu.memory_space<semaphore_mem>>, %arg19: memref<!tpu.dma_semaphore, #tpu.memory_space<semaphore_mem>>, %arg20: memref<!tpu.dma_semaphore, #tpu.memory_space<semaphore_mem>>, %arg21: memref<!tpu.dma_semaphore, #tpu.memory_space<semaphore_mem>>) attributes {dimension_semantics = [#tpu.dimension_semantics<core_parallel>, #tpu.dimension_semantics<subcore_parallel>], iteration_bounds = array<i64: 2, 16>, scalar_prefetch = 0 : i64, scratch_operands = 15 : i64, tpu.core_type = #tpu.core_type<sc_vector_subcore>, window_params = [{transform_indices = #map}, {transform_indices = #map1}, {transform_indices = #map1}, {transform_indices = #map}, {transform_indices = #map}]} {
    %mul3A = arith.constant 16 : i32
    %mul3A_0 = arith.muli %arg0, %mul3A : i32
    %add3A = arith.addi %mul3A_0, %arg1 : i32
    %mul3A_1 = arith.constant 640 : i32
    %mul3A_2 = arith.muli %arg1, %mul3A_1 : i32
    %eq3A = arith.constant 0 : i32
    %eq3A_3 = arith.cmpi eq, %arg0, %eq3A : i32
    %convert_element_type3A = arith.extui %eq3A_3 : i1 to i32
    %cond3A = arith.constant 0 : i32
    %cond3A_4 = arith.cmpi ne, %convert_element_type3A, %cond3A : i32
    scf.if %cond3A_4 {
      "tpu.region"() ({
        %run_scoped3A = tpu.sem_alloc : memref<!tpu.dma_semaphore, #tpu.memory_space<semaphore_mem>>
        %dma_start3A_66 = arith.constant 0 : i32
        %dma_start3A_67 = tpu.memref_slice %arg13[%mul3A_2, %dma_start3A_66] : memref<10240x128xf32, #tpu.memory_space<vmem_shared>> -> memref<640x128xf32, #tpu.memory_space<vmem_shared>>
        %dma_start3A_68 = arith.constant 0 : i32
        %dma_start3A_69 = tpu.memref_slice %arg2[%mul3A_2, %dma_start3A_68] : memref<10240x128xf32, #tpu.memory_space<hbm>> -> memref<640x128xf32, #tpu.memory_space<hbm>>
        tpu.enqueue_dma source(%dma_start3A_69 : memref<640x128xf32, #tpu.memory_space<hbm>>) target(%dma_start3A_67 : memref<640x128xf32, #tpu.memory_space<vmem_shared>>) target_semaphore(%run_scoped3A : memref<!tpu.dma_semaphore, #tpu.memory_space<semaphore_mem>>)
        %dma_wait3A_70 = arith.constant 0 : i32
        %dma_wait3A_71 = tpu.memref_slice %arg13[%mul3A_2, %dma_wait3A_70] : memref<10240x128xf32, #tpu.memory_space<vmem_shared>> -> memref<640x128xf32, #tpu.memory_space<vmem_shared>>
        %dma_wait3A_72 = arith.constant 0 : i32
        %dma_wait3A_73 = tpu.memref_slice %arg2[%mul3A_2, %dma_wait3A_72] : memref<10240x128xf32, #tpu.memory_space<hbm>> -> memref<640x128xf32, #tpu.memory_space<hbm>>
        tpu.wait_dma2 semaphore(%run_scoped3A : memref<!tpu.dma_semaphore, #tpu.memory_space<semaphore_mem>>) src(%dma_wait3A_73 : memref<640x128xf32, #tpu.memory_space<hbm>>) dst(%dma_wait3A_71 : memref<640x128xf32, #tpu.memory_space<vmem_shared>>)
        tpu.yield
      }) : () -> ()
    } else {
    }
    %ne3A = arith.constant 0 : i32
    %ne3A_5 = arith.cmpi ne, %arg0, %ne3A : i32
    %convert_element_type3A_6 = arith.extui %ne3A_5 : i1 to i32
    %cond3A_7 = arith.constant 0 : i32
    %cond3A_8 = arith.cmpi ne, %convert_element_type3A_6, %cond3A_7 : i32
    scf.if %cond3A_8 {
      "tpu.region"() ({
        %run_scoped3A = tpu.sem_alloc : memref<!tpu.dma_semaphore, #tpu.memory_space<semaphore_mem>>
        %dma_start3A_66 = arith.constant 0 : i32
        %dma_start3A_67 = tpu.memref_slice %arg13[%mul3A_2, %dma_start3A_66] : memref<10240x128xf32, #tpu.memory_space<vmem_shared>> -> memref<640x128xf32, #tpu.memory_space<vmem_shared>>
        %dma_start3A_68 = arith.constant 0 : i32
        %dma_start3A_69 = tpu.memref_slice %arg5[%mul3A_2, %dma_start3A_68] : memref<10240x128xf32, #tpu.memory_space<hbm>> -> memref<640x128xf32, #tpu.memory_space<hbm>>
        tpu.enqueue_dma source(%dma_start3A_69 : memref<640x128xf32, #tpu.memory_space<hbm>>) target(%dma_start3A_67 : memref<640x128xf32, #tpu.memory_space<vmem_shared>>) target_semaphore(%run_scoped3A : memref<!tpu.dma_semaphore, #tpu.memory_space<semaphore_mem>>)
        %dma_wait3A_70 = arith.constant 0 : i32
        %dma_wait3A_71 = tpu.memref_slice %arg13[%mul3A_2, %dma_wait3A_70] : memref<10240x128xf32, #tpu.memory_space<vmem_shared>> -> memref<640x128xf32, #tpu.memory_space<vmem_shared>>
        %dma_wait3A_72 = arith.constant 0 : i32
        %dma_wait3A_73 = tpu.memref_slice %arg5[%mul3A_2, %dma_wait3A_72] : memref<10240x128xf32, #tpu.memory_space<hbm>> -> memref<640x128xf32, #tpu.memory_space<hbm>>
        tpu.wait_dma2 semaphore(%run_scoped3A : memref<!tpu.dma_semaphore, #tpu.memory_space<semaphore_mem>>) src(%dma_wait3A_73 : memref<640x128xf32, #tpu.memory_space<hbm>>) dst(%dma_wait3A_71 : memref<640x128xf32, #tpu.memory_space<vmem_shared>>)
        tpu.yield
      }) : () -> ()
    } else {
    }
    %barrier3A = arith.constant 0 : index
    tpu.barrier barrier_id(%barrier3A)
    %dma_start3A = arith.constant 0 : i32
    %dma_start3A_9 = arith.constant 0 : i32
    %dma_start3A_10 = tpu.memref_slice %arg3[%add3A, %dma_start3A, %dma_start3A_9] : memref<32x80x128xi32, #tpu.memory_space<hbm>> -> memref<1x1x128xi32, #tpu.memory_space<hbm>>
    %dma_start3A_11 = tpu.memref_squeeze %dma_start3A_10 : memref<1x1x128xi32, #tpu.memory_space<hbm>> -> memref<128xi32, #tpu.memory_space<hbm>>
    %dma_start3A_12 = arith.constant 0 : i32
    %dma_start3A_13 = tpu.memref_slice %arg3[%add3A, %dma_start3A, %dma_start3A_12] : memref<32x80x128xi32, #tpu.memory_space<hbm>> -> memref<1x1x128xi32, #tpu.memory_space<hbm>>
    %dma_start3A_14 = tpu.memref_squeeze %dma_start3A_13 : memref<1x1x128xi32, #tpu.memory_space<hbm>> -> memref<128xi32, #tpu.memory_space<hbm>>
    tpu.enqueue_dma source(%dma_start3A_14 : memref<128xi32, #tpu.memory_space<hbm>>) target(%arg7 : memref<128xi32, #tpu.memory_space<vmem>>) target_semaphore(%arg14 : memref<!tpu.dma_semaphore, #tpu.memory_space<semaphore_mem>>)
    %dma_start3A_15 = arith.constant 0 : i32
    %dma_start3A_16 = arith.constant 0 : i32
    %dma_start3A_17 = tpu.memref_slice %arg4[%add3A, %dma_start3A_15, %dma_start3A_16] : memref<32x160x64xi32, #tpu.memory_space<hbm>> -> memref<1x2x64xi32, #tpu.memory_space<hbm>>
    %dma_start3A_18 = tpu.memref_squeeze %dma_start3A_17 : memref<1x2x64xi32, #tpu.memory_space<hbm>> -> memref<2x64xi32, #tpu.memory_space<hbm>>
    %dma_start3A_19 = arith.constant 0 : i32
    %dma_start3A_20 = arith.constant 0 : i32
    %dma_start3A_21 = tpu.memref_slice %arg4[%add3A, %dma_start3A_19, %dma_start3A_20] : memref<32x160x64xi32, #tpu.memory_space<hbm>> -> memref<1x2x64xi32, #tpu.memory_space<hbm>>
    %dma_start3A_22 = tpu.memref_squeeze %dma_start3A_21 : memref<1x2x64xi32, #tpu.memory_space<hbm>> -> memref<2x64xi32, #tpu.memory_space<hbm>>
    tpu.enqueue_dma source(%dma_start3A_22 : memref<2x64xi32, #tpu.memory_space<hbm>>) target(%arg9 : memref<2x64xi32, #tpu.memory_space<vmem>>) target_semaphore(%arg16 : memref<!tpu.dma_semaphore, #tpu.memory_space<semaphore_mem>>)
    %dma_start3A_23 = arith.constant 1 : i32
    %dma_start3A_24 = arith.constant 0 : i32
    %dma_start3A_25 = tpu.memref_slice %arg3[%add3A, %dma_start3A_23, %dma_start3A_24] : memref<32x80x128xi32, #tpu.memory_space<hbm>> -> memref<1x1x128xi32, #tpu.memory_space<hbm>>
    %dma_start3A_26 = tpu.memref_squeeze %dma_start3A_25 : memref<1x1x128xi32, #tpu.memory_space<hbm>> -> memref<128xi32, #tpu.memory_space<hbm>>
    %dma_start3A_27 = arith.constant 0 : i32
    %dma_start3A_28 = tpu.memref_slice %arg3[%add3A, %dma_start3A_23, %dma_start3A_27] : memref<32x80x128xi32, #tpu.memory_space<hbm>> -> memref<1x1x128xi32, #tpu.memory_space<hbm>>
    %dma_start3A_29 = tpu.memref_squeeze %dma_start3A_28 : memref<1x1x128xi32, #tpu.memory_space<hbm>> -> memref<128xi32, #tpu.memory_space<hbm>>
    tpu.enqueue_dma source(%dma_start3A_29 : memref<128xi32, #tpu.memory_space<hbm>>) target(%arg8 : memref<128xi32, #tpu.memory_space<vmem>>) target_semaphore(%arg15 : memref<!tpu.dma_semaphore, #tpu.memory_space<semaphore_mem>>)
    %dma_start3A_30 = arith.constant 2 : i32
    %dma_start3A_31 = arith.constant 0 : i32
    %dma_start3A_32 = tpu.memref_slice %arg4[%add3A, %dma_start3A_30, %dma_start3A_31] : memref<32x160x64xi32, #tpu.memory_space<hbm>> -> memref<1x2x64xi32, #tpu.memory_space<hbm>>
    %dma_start3A_33 = tpu.memref_squeeze %dma_start3A_32 : memref<1x2x64xi32, #tpu.memory_space<hbm>> -> memref<2x64xi32, #tpu.memory_space<hbm>>
    %dma_start3A_34 = arith.constant 2 : i32
    %dma_start3A_35 = arith.constant 0 : i32
    %dma_start3A_36 = tpu.memref_slice %arg4[%add3A, %dma_start3A_34, %dma_start3A_35] : memref<32x160x64xi32, #tpu.memory_space<hbm>> -> memref<1x2x64xi32, #tpu.memory_space<hbm>>
    %dma_start3A_37 = tpu.memref_squeeze %dma_start3A_36 : memref<1x2x64xi32, #tpu.memory_space<hbm>> -> memref<2x64xi32, #tpu.memory_space<hbm>>
    tpu.enqueue_dma source(%dma_start3A_37 : memref<2x64xi32, #tpu.memory_space<hbm>>) target(%arg10 : memref<2x64xi32, #tpu.memory_space<vmem>>) target_semaphore(%arg17 : memref<!tpu.dma_semaphore, #tpu.memory_space<semaphore_mem>>)
    %dma_wait3A = arith.constant 0 : i32
    %dma_wait3A_38 = arith.constant 0 : i32
    %dma_wait3A_39 = tpu.memref_slice %arg3[%add3A, %dma_wait3A, %dma_wait3A_38] : memref<32x80x128xi32, #tpu.memory_space<hbm>> -> memref<1x1x128xi32, #tpu.memory_space<hbm>>
    %dma_wait3A_40 = tpu.memref_squeeze %dma_wait3A_39 : memref<1x1x128xi32, #tpu.memory_space<hbm>> -> memref<128xi32, #tpu.memory_space<hbm>>
    %dma_wait3A_41 = arith.constant 0 : i32
    %dma_wait3A_42 = tpu.memref_slice %arg3[%add3A, %dma_wait3A, %dma_wait3A_41] : memref<32x80x128xi32, #tpu.memory_space<hbm>> -> memref<1x1x128xi32, #tpu.memory_space<hbm>>
    %dma_wait3A_43 = tpu.memref_squeeze %dma_wait3A_42 : memref<1x1x128xi32, #tpu.memory_space<hbm>> -> memref<128xi32, #tpu.memory_space<hbm>>
    tpu.wait_dma2 semaphore(%arg14 : memref<!tpu.dma_semaphore, #tpu.memory_space<semaphore_mem>>) src(%dma_wait3A_43 : memref<128xi32, #tpu.memory_space<hbm>>) dst(%arg7 : memref<128xi32, #tpu.memory_space<vmem>>)
    %dma_start3A_44 = arith.constant 0 : i32
    %dma_start3A_45 = arith.constant 0 : i32
    %dma_start3A_46 = tpu.memref_slice %arg2[%dma_start3A_44, %dma_start3A_45] : memref<10240x128xf32, #tpu.memory_space<hbm>> -> memref<10240x128xf32, #tpu.memory_space<hbm>>
    tpu.enqueue_indirect_dma source(%dma_start3A_46 : memref<10240x128xf32, #tpu.memory_space<hbm>>) target(%arg11 : memref<128x128xf32, #tpu.memory_space<vmem>>) offsets(%arg7 : memref<128xi32, #tpu.memory_space<vmem>>) semaphore(%arg18 : memref<!tpu.dma_semaphore, #tpu.memory_space<semaphore_mem>>)
    %dma_wait3A_47 = arith.constant 1 : i32
    %dma_wait3A_48 = arith.constant 0 : i32
    %dma_wait3A_49 = tpu.memref_slice %arg3[%add3A, %dma_wait3A_47, %dma_wait3A_48] : memref<32x80x128xi32, #tpu.memory_space<hbm>> -> memref<1x1x128xi32, #tpu.memory_space<hbm>>
    %dma_wait3A_50 = tpu.memref_squeeze %dma_wait3A_49 : memref<1x1x128xi32, #tpu.memory_space<hbm>> -> memref<128xi32, #tpu.memory_space<hbm>>
    %dma_wait3A_51 = arith.constant 0 : i32
    %dma_wait3A_52 = tpu.memref_slice %arg3[%add3A, %dma_wait3A_47, %dma_wait3A_51] : memref<32x80x128xi32, #tpu.memory_space<hbm>> -> memref<1x1x128xi32, #tpu.memory_space<hbm>>
    %dma_wait3A_53 = tpu.memref_squeeze %dma_wait3A_52 : memref<1x1x128xi32, #tpu.memory_space<hbm>> -> memref<128xi32, #tpu.memory_space<hbm>>
    tpu.wait_dma2 semaphore(%arg15 : memref<!tpu.dma_semaphore, #tpu.memory_space<semaphore_mem>>) src(%dma_wait3A_53 : memref<128xi32, #tpu.memory_space<hbm>>) dst(%arg8 : memref<128xi32, #tpu.memory_space<vmem>>)
    %dma_start3A_54 = arith.constant 0 : i32
    %dma_start3A_55 = arith.constant 0 : i32
    %dma_start3A_56 = tpu.memref_slice %arg2[%dma_start3A_54, %dma_start3A_55] : memref<10240x128xf32, #tpu.memory_space<hbm>> -> memref<10240x128xf32, #tpu.memory_space<hbm>>
    tpu.enqueue_indirect_dma source(%dma_start3A_56 : memref<10240x128xf32, #tpu.memory_space<hbm>>) target(%arg12 : memref<128x128xf32, #tpu.memory_space<vmem>>) offsets(%arg8 : memref<128xi32, #tpu.memory_space<vmem>>) semaphore(%arg19 : memref<!tpu.dma_semaphore, #tpu.memory_space<semaphore_mem>>)
    %scan3A = arith.constant 0 : i32
    %scan3A_57 = arith.constant 0 : i32
    %scan3A_58 = arith.constant 40 : i32
    %scan3A_59 = arith.addi %scan3A_57, %scan3A_58 : i32
    %scan3A_60 = arith.constant 1 : i32
    scf.for %scan3A_66 = %scan3A_57 to %scan3A_59 step %scan3A_60  : i32 {
      %mul3A_67 = arith.constant 2 : i32
      %mul3A_68 = arith.muli %mul3A_67, %scan3A_66 : i32
      %dma_wait3A_69 = arith.constant 0 : i32
      %dma_wait3A_70 = arith.constant 0 : i32
      %dma_wait3A_71 = tpu.memref_slice %arg2[%dma_wait3A_69, %dma_wait3A_70] : memref<10240x128xf32, #tpu.memory_space<hbm>> -> memref<10240x128xf32, #tpu.memory_space<hbm>>
      tpu.wait_indirect_dma semaphore(%arg18 : memref<!tpu.dma_semaphore, #tpu.memory_space<semaphore_mem>>) src(%dma_wait3A_71 : memref<10240x128xf32, #tpu.memory_space<hbm>>) dst(%arg11 : memref<128x128xf32, #tpu.memory_space<vmem>>)
      %add3A_72 = arith.constant 2 : i32
      %add3A_73 = arith.addi %mul3A_68, %add3A_72 : i32
      %lt3A = arith.constant 80 : i32
      %lt3A_74 = arith.cmpi slt, %add3A_73, %lt3A : i32
      %convert_element_type3A_75 = arith.extui %lt3A_74 : i1 to i32
      %cond3A_76 = arith.constant 0 : i32
      %cond3A_77 = arith.cmpi ne, %convert_element_type3A_75, %cond3A_76 : i32
      scf.if %cond3A_77 {
        %add3A_200 = arith.constant 2 : i32
        %add3A_201 = arith.addi %mul3A_68, %add3A_200 : i32
        %dma_start3A_202 = arith.constant 0 : i32
        %dma_start3A_203 = tpu.memref_slice %arg3[%add3A, %add3A_201, %dma_start3A_202] : memref<32x80x128xi32, #tpu.memory_space<hbm>> -> memref<1x1x128xi32, #tpu.memory_space<hbm>>
        %dma_start3A_204 = tpu.memref_squeeze %dma_start3A_203 : memref<1x1x128xi32, #tpu.memory_space<hbm>> -> memref<128xi32, #tpu.memory_space<hbm>>
        %dma_start3A_205 = arith.constant 0 : i32
        %dma_start3A_206 = tpu.memref_slice %arg3[%add3A, %add3A_201, %dma_start3A_205] : memref<32x80x128xi32, #tpu.memory_space<hbm>> -> memref<1x1x128xi32, #tpu.memory_space<hbm>>
        %dma_start3A_207 = tpu.memref_squeeze %dma_start3A_206 : memref<1x1x128xi32, #tpu.memory_space<hbm>> -> memref<128xi32, #tpu.memory_space<hbm>>
        tpu.enqueue_dma source(%dma_start3A_207 : memref<128xi32, #tpu.memory_space<hbm>>) target(%arg7 : memref<128xi32, #tpu.memory_space<vmem>>) target_semaphore(%arg14 : memref<!tpu.dma_semaphore, #tpu.memory_space<semaphore_mem>>)
      } else {
      }
      %mul3A_78 = arith.constant 2 : i32
      %mul3A_79 = arith.muli %mul3A_78, %mul3A_68 : i32
      %dma_wait3A_80 = arith.constant 0 : i32
      %dma_wait3A_81 = tpu.memref_slice %arg4[%add3A, %mul3A_79, %dma_wait3A_80] : memref<32x160x64xi32, #tpu.memory_space<hbm>> -> memref<1x2x64xi32, #tpu.memory_space<hbm>>
      %dma_wait3A_82 = tpu.memref_squeeze %dma_wait3A_81 : memref<1x2x64xi32, #tpu.memory_space<hbm>> -> memref<2x64xi32, #tpu.memory_space<hbm>>
      %dma_wait3A_83 = arith.constant 0 : i32
      %dma_wait3A_84 = tpu.memref_slice %arg4[%add3A, %mul3A_79, %dma_wait3A_83] : memref<32x160x64xi32, #tpu.memory_space<hbm>> -> memref<1x2x64xi32, #tpu.memory_space<hbm>>
      %dma_wait3A_85 = tpu.memref_squeeze %dma_wait3A_84 : memref<1x2x64xi32, #tpu.memory_space<hbm>> -> memref<2x64xi32, #tpu.memory_space<hbm>>
      tpu.wait_dma2 semaphore(%arg16 : memref<!tpu.dma_semaphore, #tpu.memory_space<semaphore_mem>>) src(%dma_wait3A_85 : memref<2x64xi32, #tpu.memory_space<hbm>>) dst(%arg9 : memref<2x64xi32, #tpu.memory_space<vmem>>)
      %dma_start3A_86 = arith.constant 0 : i32
      %dma_start3A_87 = arith.constant 0 : i32
      %dma_start3A_88 = arith.constant 0 : i32
      %dma_start3A_89 = tpu.memref_slice %arg11[%dma_start3A_87, %dma_start3A_88] : memref<128x128xf32, #tpu.memory_space<vmem>> -> memref<64x128xf32, #tpu.memory_space<vmem>>
      %dma_start3A_90 = arith.constant 0 : i32
      %dma_start3A_91 = tpu.memref_slice %arg9[%dma_start3A_86, %dma_start3A_90] : memref<2x64xi32, #tpu.memory_space<vmem>> -> memref<1x64xi32, #tpu.memory_space<vmem>>
      %dma_start3A_92 = tpu.memref_squeeze %dma_start3A_91 : memref<1x64xi32, #tpu.memory_space<vmem>> -> memref<64xi32, #tpu.memory_space<vmem>>
      %dma_start3A_93 = arith.constant 0 : i32
      %dma_start3A_94 = arith.constant 0 : i32
      %dma_start3A_95 = tpu.memref_slice %arg13[%dma_start3A_93, %dma_start3A_94] : memref<10240x128xf32, #tpu.memory_space<vmem_shared>> -> memref<10240x128xf32, #tpu.memory_space<vmem_shared>>
      tpu.enqueue_indirect_dma source(%dma_start3A_89 : memref<64x128xf32, #tpu.memory_space<vmem>>) target(%dma_start3A_95 : memref<10240x128xf32, #tpu.memory_space<vmem_shared>>) offsets(%dma_start3A_92 : memref<64xi32, #tpu.memory_space<vmem>>) semaphore(%arg20 : memref<!tpu.dma_semaphore, #tpu.memory_space<semaphore_mem>>) {add = true}
      %dma_start3A_96 = arith.constant 1 : i32
      %dma_start3A_97 = arith.constant 64 : i32
      %dma_start3A_98 = arith.constant 0 : i32
      %dma_start3A_99 = tpu.memref_slice %arg11[%dma_start3A_97, %dma_start3A_98] : memref<128x128xf32, #tpu.memory_space<vmem>> -> memref<64x128xf32, #tpu.memory_space<vmem>>
      %dma_start3A_100 = arith.constant 0 : i32
      %dma_start3A_101 = tpu.memref_slice %arg9[%dma_start3A_96, %dma_start3A_100] : memref<2x64xi32, #tpu.memory_space<vmem>> -> memref<1x64xi32, #tpu.memory_space<vmem>>
      %dma_start3A_102 = tpu.memref_squeeze %dma_start3A_101 : memref<1x64xi32, #tpu.memory_space<vmem>> -> memref<64xi32, #tpu.memory_space<vmem>>
      %dma_start3A_103 = arith.constant 0 : i32
      %dma_start3A_104 = arith.constant 0 : i32
      %dma_start3A_105 = tpu.memref_slice %arg13[%dma_start3A_103, %dma_start3A_104] : memref<10240x128xf32, #tpu.memory_space<vmem_shared>> -> memref<10240x128xf32, #tpu.memory_space<vmem_shared>>
      tpu.enqueue_indirect_dma source(%dma_start3A_99 : memref<64x128xf32, #tpu.memory_space<vmem>>) target(%dma_start3A_105 : memref<10240x128xf32, #tpu.memory_space<vmem_shared>>) offsets(%dma_start3A_102 : memref<64xi32, #tpu.memory_space<vmem>>) semaphore(%arg21 : memref<!tpu.dma_semaphore, #tpu.memory_space<semaphore_mem>>) {add = true}
      %dma_wait3A_106 = arith.constant 0 : i32
      %dma_wait3A_107 = arith.constant 0 : i32
      %dma_wait3A_108 = arith.constant 0 : i32
      %dma_wait3A_109 = tpu.memref_slice %arg11[%dma_wait3A_107, %dma_wait3A_108] : memref<128x128xf32, #tpu.memory_space<vmem>> -> memref<64x128xf32, #tpu.memory_space<vmem>>
      %dma_wait3A_110 = arith.constant 0 : i32
      %dma_wait3A_111 = tpu.memref_slice %arg9[%dma_wait3A_106, %dma_wait3A_110] : memref<2x64xi32, #tpu.memory_space<vmem>> -> memref<1x64xi32, #tpu.memory_space<vmem>>
      %dma_wait3A_112 = tpu.memref_squeeze %dma_wait3A_111 : memref<1x64xi32, #tpu.memory_space<vmem>> -> memref<64xi32, #tpu.memory_space<vmem>>
      %dma_wait3A_113 = arith.constant 0 : i32
      %dma_wait3A_114 = arith.constant 0 : i32
      %dma_wait3A_115 = tpu.memref_slice %arg13[%dma_wait3A_113, %dma_wait3A_114] : memref<10240x128xf32, #tpu.memory_space<vmem_shared>> -> memref<10240x128xf32, #tpu.memory_space<vmem_shared>>
      tpu.wait_indirect_dma semaphore(%arg20 : memref<!tpu.dma_semaphore, #tpu.memory_space<semaphore_mem>>) src(%dma_wait3A_109 : memref<64x128xf32, #tpu.memory_space<vmem>>) dst(%dma_wait3A_115 : memref<10240x128xf32, #tpu.memory_space<vmem_shared>>)
      %dma_wait3A_116 = arith.constant 1 : i32
      %dma_wait3A_117 = arith.constant 64 : i32
      %dma_wait3A_118 = arith.constant 0 : i32
      %dma_wait3A_119 = tpu.memref_slice %arg11[%dma_wait3A_117, %dma_wait3A_118] : memref<128x128xf32, #tpu.memory_space<vmem>> -> memref<64x128xf32, #tpu.memory_space<vmem>>
      %dma_wait3A_120 = arith.constant 0 : i32
      %dma_wait3A_121 = tpu.memref_slice %arg9[%dma_wait3A_116, %dma_wait3A_120] : memref<2x64xi32, #tpu.memory_space<vmem>> -> memref<1x64xi32, #tpu.memory_space<vmem>>
      %dma_wait3A_122 = tpu.memref_squeeze %dma_wait3A_121 : memref<1x64xi32, #tpu.memory_space<vmem>> -> memref<64xi32, #tpu.memory_space<vmem>>
      %dma_wait3A_123 = arith.constant 0 : i32
      %dma_wait3A_124 = arith.constant 0 : i32
      %dma_wait3A_125 = tpu.memref_slice %arg13[%dma_wait3A_123, %dma_wait3A_124] : memref<10240x128xf32, #tpu.memory_space<vmem_shared>> -> memref<10240x128xf32, #tpu.memory_space<vmem_shared>>
      tpu.wait_indirect_dma semaphore(%arg21 : memref<!tpu.dma_semaphore, #tpu.memory_space<semaphore_mem>>) src(%dma_wait3A_119 : memref<64x128xf32, #tpu.memory_space<vmem>>) dst(%dma_wait3A_125 : memref<10240x128xf32, #tpu.memory_space<vmem_shared>>)
      %add3A_126 = arith.constant 2 : i32
      %add3A_127 = arith.addi %mul3A_68, %add3A_126 : i32
      %lt3A_128 = arith.constant 80 : i32
      %lt3A_129 = arith.cmpi slt, %add3A_127, %lt3A_128 : i32
      %convert_element_type3A_130 = arith.extui %lt3A_129 : i1 to i32
      %cond3A_131 = arith.constant 0 : i32
      %cond3A_132 = arith.cmpi ne, %convert_element_type3A_130, %cond3A_131 : i32
      scf.if %cond3A_132 {
        %add3A_200 = arith.constant 2 : i32
        %add3A_201 = arith.addi %mul3A_68, %add3A_200 : i32
        %mul3A_202 = arith.constant 2 : i32
        %mul3A_203 = arith.muli %mul3A_202, %add3A_201 : i32
        %dma_start3A_204 = arith.constant 0 : i32
        %dma_start3A_205 = tpu.memref_slice %arg4[%add3A, %mul3A_203, %dma_start3A_204] : memref<32x160x64xi32, #tpu.memory_space<hbm>> -> memref<1x2x64xi32, #tpu.memory_space<hbm>>
        %dma_start3A_206 = tpu.memref_squeeze %dma_start3A_205 : memref<1x2x64xi32, #tpu.memory_space<hbm>> -> memref<2x64xi32, #tpu.memory_space<hbm>>
        %dma_start3A_207 = arith.constant 0 : i32
        %dma_start3A_208 = tpu.memref_slice %arg4[%add3A, %mul3A_203, %dma_start3A_207] : memref<32x160x64xi32, #tpu.memory_space<hbm>> -> memref<1x2x64xi32, #tpu.memory_space<hbm>>
        %dma_start3A_209 = tpu.memref_squeeze %dma_start3A_208 : memref<1x2x64xi32, #tpu.memory_space<hbm>> -> memref<2x64xi32, #tpu.memory_space<hbm>>
        tpu.enqueue_dma source(%dma_start3A_209 : memref<2x64xi32, #tpu.memory_space<hbm>>) target(%arg9 : memref<2x64xi32, #tpu.memory_space<vmem>>) target_semaphore(%arg16 : memref<!tpu.dma_semaphore, #tpu.memory_space<semaphore_mem>>)
        %add3A_210 = arith.constant 2 : i32
        %add3A_211 = arith.addi %mul3A_68, %add3A_210 : i32
        %dma_wait3A_212 = arith.constant 0 : i32
        %dma_wait3A_213 = tpu.memref_slice %arg3[%add3A, %add3A_211, %dma_wait3A_212] : memref<32x80x128xi32, #tpu.memory_space<hbm>> -> memref<1x1x128xi32, #tpu.memory_space<hbm>>
        %dma_wait3A_214 = tpu.memref_squeeze %dma_wait3A_213 : memref<1x1x128xi32, #tpu.memory_space<hbm>> -> memref<128xi32, #tpu.memory_space<hbm>>
        %dma_wait3A_215 = arith.constant 0 : i32
        %dma_wait3A_216 = tpu.memref_slice %arg3[%add3A, %add3A_211, %dma_wait3A_215] : memref<32x80x128xi32, #tpu.memory_space<hbm>> -> memref<1x1x128xi32, #tpu.memory_space<hbm>>
        %dma_wait3A_217 = tpu.memref_squeeze %dma_wait3A_216 : memref<1x1x128xi32, #tpu.memory_space<hbm>> -> memref<128xi32, #tpu.memory_space<hbm>>
        tpu.wait_dma2 semaphore(%arg14 : memref<!tpu.dma_semaphore, #tpu.memory_space<semaphore_mem>>) src(%dma_wait3A_217 : memref<128xi32, #tpu.memory_space<hbm>>) dst(%arg7 : memref<128xi32, #tpu.memory_space<vmem>>)
        %dma_start3A_218 = arith.constant 0 : i32
        %dma_start3A_219 = arith.constant 0 : i32
        %dma_start3A_220 = tpu.memref_slice %arg2[%dma_start3A_218, %dma_start3A_219] : memref<10240x128xf32, #tpu.memory_space<hbm>> -> memref<10240x128xf32, #tpu.memory_space<hbm>>
        tpu.enqueue_indirect_dma source(%dma_start3A_220 : memref<10240x128xf32, #tpu.memory_space<hbm>>) target(%arg11 : memref<128x128xf32, #tpu.memory_space<vmem>>) offsets(%arg7 : memref<128xi32, #tpu.memory_space<vmem>>) semaphore(%arg18 : memref<!tpu.dma_semaphore, #tpu.memory_space<semaphore_mem>>)
      } else {
      }
      %add3A_133 = arith.constant 1 : i32
      %add3A_134 = arith.addi %mul3A_68, %add3A_133 : i32
      %dma_wait3A_135 = arith.constant 0 : i32
      %dma_wait3A_136 = arith.constant 0 : i32
      %dma_wait3A_137 = tpu.memref_slice %arg2[%dma_wait3A_135, %dma_wait3A_136] : memref<10240x128xf32, #tpu.memory_space<hbm>> -> memref<10240x128xf32, #tpu.memory_space<hbm>>
      tpu.wait_indirect_dma semaphore(%arg19 : memref<!tpu.dma_semaphore, #tpu.memory_space<semaphore_mem>>) src(%dma_wait3A_137 : memref<10240x128xf32, #tpu.memory_space<hbm>>) dst(%arg12 : memref<128x128xf32, #tpu.memory_space<vmem>>)
      %add3A_138 = arith.constant 2 : i32
      %add3A_139 = arith.addi %add3A_134, %add3A_138 : i32
      %lt3A_140 = arith.constant 80 : i32
      %lt3A_141 = arith.cmpi slt, %add3A_139, %lt3A_140 : i32
      %convert_element_type3A_142 = arith.extui %lt3A_141 : i1 to i32
      %cond3A_143 = arith.constant 0 : i32
      %cond3A_144 = arith.cmpi ne, %convert_element_type3A_142, %cond3A_143 : i32
      scf.if %cond3A_144 {
        %add3A_200 = arith.constant 2 : i32
        %add3A_201 = arith.addi %add3A_134, %add3A_200 : i32
        %dma_start3A_202 = arith.constant 0 : i32
        %dma_start3A_203 = tpu.memref_slice %arg3[%add3A, %add3A_201, %dma_start3A_202] : memref<32x80x128xi32, #tpu.memory_space<hbm>> -> memref<1x1x128xi32, #tpu.memory_space<hbm>>
        %dma_start3A_204 = tpu.memref_squeeze %dma_start3A_203 : memref<1x1x128xi32, #tpu.memory_space<hbm>> -> memref<128xi32, #tpu.memory_space<hbm>>
        %dma_start3A_205 = arith.constant 0 : i32
        %dma_start3A_206 = tpu.memref_slice %arg3[%add3A, %add3A_201, %dma_start3A_205] : memref<32x80x128xi32, #tpu.memory_space<hbm>> -> memref<1x1x128xi32, #tpu.memory_space<hbm>>
        %dma_start3A_207 = tpu.memref_squeeze %dma_start3A_206 : memref<1x1x128xi32, #tpu.memory_space<hbm>> -> memref<128xi32, #tpu.memory_space<hbm>>
        tpu.enqueue_dma source(%dma_start3A_207 : memref<128xi32, #tpu.memory_space<hbm>>) target(%arg8 : memref<128xi32, #tpu.memory_space<vmem>>) target_semaphore(%arg15 : memref<!tpu.dma_semaphore, #tpu.memory_space<semaphore_mem>>)
      } else {
      }
      %mul3A_145 = arith.constant 2 : i32
      %mul3A_146 = arith.muli %mul3A_145, %add3A_134 : i32
      %dma_wait3A_147 = arith.constant 0 : i32
      %dma_wait3A_148 = tpu.memref_slice %arg4[%add3A, %mul3A_146, %dma_wait3A_147] : memref<32x160x64xi32, #tpu.memory_space<hbm>> -> memref<1x2x64xi32, #tpu.memory_space<hbm>>
      %dma_wait3A_149 = tpu.memref_squeeze %dma_wait3A_148 : memref<1x2x64xi32, #tpu.memory_space<hbm>> -> memref<2x64xi32, #tpu.memory_space<hbm>>
      %dma_wait3A_150 = arith.constant 0 : i32
      %dma_wait3A_151 = tpu.memref_slice %arg4[%add3A, %mul3A_146, %dma_wait3A_150] : memref<32x160x64xi32, #tpu.memory_space<hbm>> -> memref<1x2x64xi32, #tpu.memory_space<hbm>>
      %dma_wait3A_152 = tpu.memref_squeeze %dma_wait3A_151 : memref<1x2x64xi32, #tpu.memory_space<hbm>> -> memref<2x64xi32, #tpu.memory_space<hbm>>
      tpu.wait_dma2 semaphore(%arg17 : memref<!tpu.dma_semaphore, #tpu.memory_space<semaphore_mem>>) src(%dma_wait3A_152 : memref<2x64xi32, #tpu.memory_space<hbm>>) dst(%arg10 : memref<2x64xi32, #tpu.memory_space<vmem>>)
      %dma_start3A_153 = arith.constant 0 : i32
      %dma_start3A_154 = arith.constant 0 : i32
      %dma_start3A_155 = arith.constant 0 : i32
      %dma_start3A_156 = tpu.memref_slice %arg12[%dma_start3A_154, %dma_start3A_155] : memref<128x128xf32, #tpu.memory_space<vmem>> -> memref<64x128xf32, #tpu.memory_space<vmem>>
      %dma_start3A_157 = arith.constant 0 : i32
      %dma_start3A_158 = tpu.memref_slice %arg10[%dma_start3A_153, %dma_start3A_157] : memref<2x64xi32, #tpu.memory_space<vmem>> -> memref<1x64xi32, #tpu.memory_space<vmem>>
      %dma_start3A_159 = tpu.memref_squeeze %dma_start3A_158 : memref<1x64xi32, #tpu.memory_space<vmem>> -> memref<64xi32, #tpu.memory_space<vmem>>
      %dma_start3A_160 = arith.constant 0 : i32
      %dma_start3A_161 = arith.constant 0 : i32
      %dma_start3A_162 = tpu.memref_slice %arg13[%dma_start3A_160, %dma_start3A_161] : memref<10240x128xf32, #tpu.memory_space<vmem_shared>> -> memref<10240x128xf32, #tpu.memory_space<vmem_shared>>
      tpu.enqueue_indirect_dma source(%dma_start3A_156 : memref<64x128xf32, #tpu.memory_space<vmem>>) target(%dma_start3A_162 : memref<10240x128xf32, #tpu.memory_space<vmem_shared>>) offsets(%dma_start3A_159 : memref<64xi32, #tpu.memory_space<vmem>>) semaphore(%arg20 : memref<!tpu.dma_semaphore, #tpu.memory_space<semaphore_mem>>) {add = true}
      %dma_start3A_163 = arith.constant 1 : i32
      %dma_start3A_164 = arith.constant 64 : i32
      %dma_start3A_165 = arith.constant 0 : i32
      %dma_start3A_166 = tpu.memref_slice %arg12[%dma_start3A_164, %dma_start3A_165] : memref<128x128xf32, #tpu.memory_space<vmem>> -> memref<64x128xf32, #tpu.memory_space<vmem>>
      %dma_start3A_167 = arith.constant 0 : i32
      %dma_start3A_168 = tpu.memref_slice %arg10[%dma_start3A_163, %dma_start3A_167] : memref<2x64xi32, #tpu.memory_space<vmem>> -> memref<1x64xi32, #tpu.memory_space<vmem>>
      %dma_start3A_169 = tpu.memref_squeeze %dma_start3A_168 : memref<1x64xi32, #tpu.memory_space<vmem>> -> memref<64xi32, #tpu.memory_space<vmem>>
      %dma_start3A_170 = arith.constant 0 : i32
      %dma_start3A_171 = arith.constant 0 : i32
      %dma_start3A_172 = tpu.memref_slice %arg13[%dma_start3A_170, %dma_start3A_171] : memref<10240x128xf32, #tpu.memory_space<vmem_shared>> -> memref<10240x128xf32, #tpu.memory_space<vmem_shared>>
      tpu.enqueue_indirect_dma source(%dma_start3A_166 : memref<64x128xf32, #tpu.memory_space<vmem>>) target(%dma_start3A_172 : memref<10240x128xf32, #tpu.memory_space<vmem_shared>>) offsets(%dma_start3A_169 : memref<64xi32, #tpu.memory_space<vmem>>) semaphore(%arg21 : memref<!tpu.dma_semaphore, #tpu.memory_space<semaphore_mem>>) {add = true}
      %dma_wait3A_173 = arith.constant 0 : i32
      %dma_wait3A_174 = arith.constant 0 : i32
      %dma_wait3A_175 = arith.constant 0 : i32
      %dma_wait3A_176 = tpu.memref_slice %arg12[%dma_wait3A_174, %dma_wait3A_175] : memref<128x128xf32, #tpu.memory_space<vmem>> -> memref<64x128xf32, #tpu.memory_space<vmem>>
      %dma_wait3A_177 = arith.constant 0 : i32
      %dma_wait3A_178 = tpu.memref_slice %arg10[%dma_wait3A_173, %dma_wait3A_177] : memref<2x64xi32, #tpu.memory_space<vmem>> -> memref<1x64xi32, #tpu.memory_space<vmem>>
      %dma_wait3A_179 = tpu.memref_squeeze %dma_wait3A_178 : memref<1x64xi32, #tpu.memory_space<vmem>> -> memref<64xi32, #tpu.memory_space<vmem>>
      %dma_wait3A_180 = arith.constant 0 : i32
      %dma_wait3A_181 = arith.constant 0 : i32
      %dma_wait3A_182 = tpu.memref_slice %arg13[%dma_wait3A_180, %dma_wait3A_181] : memref<10240x128xf32, #tpu.memory_space<vmem_shared>> -> memref<10240x128xf32, #tpu.memory_space<vmem_shared>>
      tpu.wait_indirect_dma semaphore(%arg20 : memref<!tpu.dma_semaphore, #tpu.memory_space<semaphore_mem>>) src(%dma_wait3A_176 : memref<64x128xf32, #tpu.memory_space<vmem>>) dst(%dma_wait3A_182 : memref<10240x128xf32, #tpu.memory_space<vmem_shared>>)
      %dma_wait3A_183 = arith.constant 1 : i32
      %dma_wait3A_184 = arith.constant 64 : i32
      %dma_wait3A_185 = arith.constant 0 : i32
      %dma_wait3A_186 = tpu.memref_slice %arg12[%dma_wait3A_184, %dma_wait3A_185] : memref<128x128xf32, #tpu.memory_space<vmem>> -> memref<64x128xf32, #tpu.memory_space<vmem>>
      %dma_wait3A_187 = arith.constant 0 : i32
      %dma_wait3A_188 = tpu.memref_slice %arg10[%dma_wait3A_183, %dma_wait3A_187] : memref<2x64xi32, #tpu.memory_space<vmem>> -> memref<1x64xi32, #tpu.memory_space<vmem>>
      %dma_wait3A_189 = tpu.memref_squeeze %dma_wait3A_188 : memref<1x64xi32, #tpu.memory_space<vmem>> -> memref<64xi32, #tpu.memory_space<vmem>>
      %dma_wait3A_190 = arith.constant 0 : i32
      %dma_wait3A_191 = arith.constant 0 : i32
      %dma_wait3A_192 = tpu.memref_slice %arg13[%dma_wait3A_190, %dma_wait3A_191] : memref<10240x128xf32, #tpu.memory_space<vmem_shared>> -> memref<10240x128xf32, #tpu.memory_space<vmem_shared>>
      tpu.wait_indirect_dma semaphore(%arg21 : memref<!tpu.dma_semaphore, #tpu.memory_space<semaphore_mem>>) src(%dma_wait3A_186 : memref<64x128xf32, #tpu.memory_space<vmem>>) dst(%dma_wait3A_192 : memref<10240x128xf32, #tpu.memory_space<vmem_shared>>)
      %add3A_193 = arith.constant 2 : i32
      %add3A_194 = arith.addi %add3A_134, %add3A_193 : i32
      %lt3A_195 = arith.constant 80 : i32
      %lt3A_196 = arith.cmpi slt, %add3A_194, %lt3A_195 : i32
      %convert_element_type3A_197 = arith.extui %lt3A_196 : i1 to i32
      %cond3A_198 = arith.constant 0 : i32
      %cond3A_199 = arith.cmpi ne, %convert_element_type3A_197, %cond3A_198 : i32
      scf.if %cond3A_199 {
        %add3A_200 = arith.constant 2 : i32
        %add3A_201 = arith.addi %add3A_134, %add3A_200 : i32
        %mul3A_202 = arith.constant 2 : i32
        %mul3A_203 = arith.muli %mul3A_202, %add3A_201 : i32
        %dma_start3A_204 = arith.constant 0 : i32
        %dma_start3A_205 = tpu.memref_slice %arg4[%add3A, %mul3A_203, %dma_start3A_204] : memref<32x160x64xi32, #tpu.memory_space<hbm>> -> memref<1x2x64xi32, #tpu.memory_space<hbm>>
        %dma_start3A_206 = tpu.memref_squeeze %dma_start3A_205 : memref<1x2x64xi32, #tpu.memory_space<hbm>> -> memref<2x64xi32, #tpu.memory_space<hbm>>
        %dma_start3A_207 = arith.constant 0 : i32
        %dma_start3A_208 = tpu.memref_slice %arg4[%add3A, %mul3A_203, %dma_start3A_207] : memref<32x160x64xi32, #tpu.memory_space<hbm>> -> memref<1x2x64xi32, #tpu.memory_space<hbm>>
        %dma_start3A_209 = tpu.memref_squeeze %dma_start3A_208 : memref<1x2x64xi32, #tpu.memory_space<hbm>> -> memref<2x64xi32, #tpu.memory_space<hbm>>
        tpu.enqueue_dma source(%dma_start3A_209 : memref<2x64xi32, #tpu.memory_space<hbm>>) target(%arg10 : memref<2x64xi32, #tpu.memory_space<vmem>>) target_semaphore(%arg17 : memref<!tpu.dma_semaphore, #tpu.memory_space<semaphore_mem>>)
        %add3A_210 = arith.constant 2 : i32
        %add3A_211 = arith.addi %add3A_134, %add3A_210 : i32
        %dma_wait3A_212 = arith.constant 0 : i32
        %dma_wait3A_213 = tpu.memref_slice %arg3[%add3A, %add3A_211, %dma_wait3A_212] : memref<32x80x128xi32, #tpu.memory_space<hbm>> -> memref<1x1x128xi32, #tpu.memory_space<hbm>>
        %dma_wait3A_214 = tpu.memref_squeeze %dma_wait3A_213 : memref<1x1x128xi32, #tpu.memory_space<hbm>> -> memref<128xi32, #tpu.memory_space<hbm>>
        %dma_wait3A_215 = arith.constant 0 : i32
        %dma_wait3A_216 = tpu.memref_slice %arg3[%add3A, %add3A_211, %dma_wait3A_215] : memref<32x80x128xi32, #tpu.memory_space<hbm>> -> memref<1x1x128xi32, #tpu.memory_space<hbm>>
        %dma_wait3A_217 = tpu.memref_squeeze %dma_wait3A_216 : memref<1x1x128xi32, #tpu.memory_space<hbm>> -> memref<128xi32, #tpu.memory_space<hbm>>
        tpu.wait_dma2 semaphore(%arg15 : memref<!tpu.dma_semaphore, #tpu.memory_space<semaphore_mem>>) src(%dma_wait3A_217 : memref<128xi32, #tpu.memory_space<hbm>>) dst(%arg8 : memref<128xi32, #tpu.memory_space<vmem>>)
        %dma_start3A_218 = arith.constant 0 : i32
        %dma_start3A_219 = arith.constant 0 : i32
        %dma_start3A_220 = tpu.memref_slice %arg2[%dma_start3A_218, %dma_start3A_219] : memref<10240x128xf32, #tpu.memory_space<hbm>> -> memref<10240x128xf32, #tpu.memory_space<hbm>>
        tpu.enqueue_indirect_dma source(%dma_start3A_220 : memref<10240x128xf32, #tpu.memory_space<hbm>>) target(%arg12 : memref<128x128xf32, #tpu.memory_space<vmem>>) offsets(%arg8 : memref<128xi32, #tpu.memory_space<vmem>>) semaphore(%arg19 : memref<!tpu.dma_semaphore, #tpu.memory_space<semaphore_mem>>)
      } else {
      }
    }
    %scan3A_61 = arith.constant 40 : i32
    %barrier3A_62 = arith.constant 0 : index
    tpu.barrier barrier_id(%barrier3A_62)
    %mul3A_63 = arith.constant 10240 : i32
    %mul3A_64 = arith.muli %arg0, %mul3A_63 : i32
    %add3A_65 = arith.addi %mul3A_64, %mul3A_2 : i32
    "tpu.region"() ({
      %run_scoped3A = tpu.sem_alloc : memref<!tpu.dma_semaphore, #tpu.memory_space<semaphore_mem>>
      %dma_start3A_66 = arith.constant 0 : i32
      %dma_start3A_67 = tpu.memref_slice %arg6[%add3A_65, %dma_start3A_66] : memref<20480x128xf32, #tpu.memory_space<hbm>> -> memref<640x128xf32, #tpu.memory_space<hbm>>
      %dma_start3A_68 = arith.constant 0 : i32
      %dma_start3A_69 = tpu.memref_slice %arg13[%mul3A_2, %dma_start3A_68] : memref<10240x128xf32, #tpu.memory_space<vmem_shared>> -> memref<640x128xf32, #tpu.memory_space<vmem_shared>>
      tpu.enqueue_dma source(%dma_start3A_69 : memref<640x128xf32, #tpu.memory_space<vmem_shared>>) target(%dma_start3A_67 : memref<640x128xf32, #tpu.memory_space<hbm>>) target_semaphore(%run_scoped3A : memref<!tpu.dma_semaphore, #tpu.memory_space<semaphore_mem>>)
      %dma_wait3A_70 = arith.constant 0 : i32
      %dma_wait3A_71 = tpu.memref_slice %arg6[%add3A_65, %dma_wait3A_70] : memref<20480x128xf32, #tpu.memory_space<hbm>> -> memref<640x128xf32, #tpu.memory_space<hbm>>
      %dma_wait3A_72 = arith.constant 0 : i32
      %dma_wait3A_73 = tpu.memref_slice %arg13[%mul3A_2, %dma_wait3A_72] : memref<10240x128xf32, #tpu.memory_space<vmem_shared>> -> memref<640x128xf32, #tpu.memory_space<vmem_shared>>
      tpu.wait_dma2 semaphore(%run_scoped3A : memref<!tpu.dma_semaphore, #tpu.memory_space<semaphore_mem>>) src(%dma_wait3A_73 : memref<640x128xf32, #tpu.memory_space<vmem_shared>>) dst(%dma_wait3A_71 : memref<640x128xf32, #tpu.memory_space<hbm>>)
      tpu.yield
    }) : () -> ()
    return
  }
}

#map = affine_map<(d0, d1) -> (0, 0)>
#map1 = affine_map<(d0, d1) -> (0, 0, 0)>
module attributes {stable_mosaic.version = 14 : i64} {
  func.func @_spmm_body(%arg0: i32, %arg1: i32, %arg2: memref<10240x128xf32, #tpu.memory_space<hbm>>, %arg3: memref<32x80x128xi32, #tpu.memory_space<hbm>>, %arg4: memref<32x160x64xi32, #tpu.memory_space<hbm>>, %arg5: memref<10240x128xf32, #tpu.memory_space<hbm>>, %arg6: memref<20480x128xf32, #tpu.memory_space<hbm>>, %arg7: memref<128xi32, #tpu.memory_space<vmem>>, %arg8: memref<128xi32, #tpu.memory_space<vmem>>, %arg9: memref<2x64xi32, #tpu.memory_space<vmem>>, %arg10: memref<2x64xi32, #tpu.memory_space<vmem>>, %arg11: memref<128x128xf32, #tpu.memory_space<vmem>>, %arg12: memref<128x128xf32, #tpu.memory_space<vmem>>, %arg13: memref<10240x128xf32, #tpu.memory_space<vmem_shared>>, %arg14: memref<!tpu.dma_semaphore, #tpu.memory_space<semaphore_mem>>, %arg15: memref<!tpu.dma_semaphore, #tpu.memory_space<semaphore_mem>>, %arg16: memref<!tpu.dma_semaphore, #tpu.memory_space<semaphore_mem>>, %arg17: memref<!tpu.dma_semaphore, #tpu.memory_space<semaphore_mem>>, %arg18: memref<!tpu.dma_semaphore, #tpu.memory_space<semaphore_mem>>, %arg19: memref<!tpu.dma_semaphore, #tpu.memory_space<semaphore_mem>>, %arg20: memref<!tpu.dma_semaphore, #tpu.memory_space<semaphore_mem>>, %arg21: memref<!tpu.dma_semaphore, #tpu.memory_space<semaphore_mem>>) attributes {dimension_semantics = [#tpu.dimension_semantics<core_parallel>, #tpu.dimension_semantics<subcore_parallel>], iteration_bounds = array<i64: 2, 16>, scalar_prefetch = 0 : i64, scratch_operands = 15 : i64, tpu.core_type = #tpu.core_type<sc_vector_subcore>, window_params = [{transform_indices = #map}, {transform_indices = #map1}, {transform_indices = #map1}, {transform_indices = #map}, {transform_indices = #map}]} {
    %mul3A = arith.constant 16 : i32
    %mul3A_0 = arith.muli %arg0, %mul3A : i32
    %add3A = arith.addi %mul3A_0, %arg1 : i32
    %mul3A_1 = arith.constant 640 : i32
    %mul3A_2 = arith.muli %arg1, %mul3A_1 : i32
    %eq3A = arith.constant 0 : i32
    %eq3A_3 = arith.cmpi eq, %arg0, %eq3A : i32
    %convert_element_type3A = arith.extui %eq3A_3 : i1 to i32
    %cond3A = arith.constant 0 : i32
    %cond3A_4 = arith.cmpi ne, %convert_element_type3A, %cond3A : i32
    scf.if %cond3A_4 {
      "tpu.region"() ({
        %run_scoped3A = tpu.sem_alloc : memref<!tpu.dma_semaphore, #tpu.memory_space<semaphore_mem>>
        %dma_start3A_66 = arith.constant 0 : i32
        %dma_start3A_67 = tpu.memref_slice %arg13[%mul3A_2, %dma_start3A_66] : memref<10240x128xf32, #tpu.memory_space<vmem_shared>> -> memref<640x128xf32, #tpu.memory_space<vmem_shared>>
        %dma_start3A_68 = arith.constant 0 : i32
        %dma_start3A_69 = tpu.memref_slice %arg2[%mul3A_2, %dma_start3A_68] : memref<10240x128xf32, #tpu.memory_space<hbm>> -> memref<640x128xf32, #tpu.memory_space<hbm>>
        tpu.enqueue_dma source(%dma_start3A_69 : memref<640x128xf32, #tpu.memory_space<hbm>>) target(%dma_start3A_67 : memref<640x128xf32, #tpu.memory_space<vmem_shared>>) target_semaphore(%run_scoped3A : memref<!tpu.dma_semaphore, #tpu.memory_space<semaphore_mem>>)
        %dma_wait3A_70 = arith.constant 0 : i32
        %dma_wait3A_71 = tpu.memref_slice %arg13[%mul3A_2, %dma_wait3A_70] : memref<10240x128xf32, #tpu.memory_space<vmem_shared>> -> memref<640x128xf32, #tpu.memory_space<vmem_shared>>
        %dma_wait3A_72 = arith.constant 0 : i32
        %dma_wait3A_73 = tpu.memref_slice %arg2[%mul3A_2, %dma_wait3A_72] : memref<10240x128xf32, #tpu.memory_space<hbm>> -> memref<640x128xf32, #tpu.memory_space<hbm>>
        tpu.wait_dma2 semaphore(%run_scoped3A : memref<!tpu.dma_semaphore, #tpu.memory_space<semaphore_mem>>) src(%dma_wait3A_73 : memref<640x128xf32, #tpu.memory_space<hbm>>) dst(%dma_wait3A_71 : memref<640x128xf32, #tpu.memory_space<vmem_shared>>)
        tpu.yield
      }) : () -> ()
    } else {
    }
    %ne3A = arith.constant 0 : i32
    %ne3A_5 = arith.cmpi ne, %arg0, %ne3A : i32
    %convert_element_type3A_6 = arith.extui %ne3A_5 : i1 to i32
    %cond3A_7 = arith.constant 0 : i32
    %cond3A_8 = arith.cmpi ne, %convert_element_type3A_6, %cond3A_7 : i32
    scf.if %cond3A_8 {
      "tpu.region"() ({
        %run_scoped3A = tpu.sem_alloc : memref<!tpu.dma_semaphore, #tpu.memory_space<semaphore_mem>>
        %dma_start3A_66 = arith.constant 0 : i32
        %dma_start3A_67 = tpu.memref_slice %arg13[%mul3A_2, %dma_start3A_66] : memref<10240x128xf32, #tpu.memory_space<vmem_shared>> -> memref<640x128xf32, #tpu.memory_space<vmem_shared>>
        %dma_start3A_68 = arith.constant 0 : i32
        %dma_start3A_69 = tpu.memref_slice %arg5[%mul3A_2, %dma_start3A_68] : memref<10240x128xf32, #tpu.memory_space<hbm>> -> memref<640x128xf32, #tpu.memory_space<hbm>>
        tpu.enqueue_dma source(%dma_start3A_69 : memref<640x128xf32, #tpu.memory_space<hbm>>) target(%dma_start3A_67 : memref<640x128xf32, #tpu.memory_space<vmem_shared>>) target_semaphore(%run_scoped3A : memref<!tpu.dma_semaphore, #tpu.memory_space<semaphore_mem>>)
        %dma_wait3A_70 = arith.constant 0 : i32
        %dma_wait3A_71 = tpu.memref_slice %arg13[%mul3A_2, %dma_wait3A_70] : memref<10240x128xf32, #tpu.memory_space<vmem_shared>> -> memref<640x128xf32, #tpu.memory_space<vmem_shared>>
        %dma_wait3A_72 = arith.constant 0 : i32
        %dma_wait3A_73 = tpu.memref_slice %arg5[%mul3A_2, %dma_wait3A_72] : memref<10240x128xf32, #tpu.memory_space<hbm>> -> memref<640x128xf32, #tpu.memory_space<hbm>>
        tpu.wait_dma2 semaphore(%run_scoped3A : memref<!tpu.dma_semaphore, #tpu.memory_space<semaphore_mem>>) src(%dma_wait3A_73 : memref<640x128xf32, #tpu.memory_space<hbm>>) dst(%dma_wait3A_71 : memref<640x128xf32, #tpu.memory_space<vmem_shared>>)
        tpu.yield
      }) : () -> ()
    } else {
    }
    %barrier3A = arith.constant 0 : index
    tpu.barrier barrier_id(%barrier3A)
    %dma_start3A = arith.constant 0 : i32
    %dma_start3A_9 = arith.constant 0 : i32
    %dma_start3A_10 = tpu.memref_slice %arg3[%add3A, %dma_start3A, %dma_start3A_9] : memref<32x80x128xi32, #tpu.memory_space<hbm>> -> memref<1x1x128xi32, #tpu.memory_space<hbm>>
    %dma_start3A_11 = tpu.memref_squeeze %dma_start3A_10 : memref<1x1x128xi32, #tpu.memory_space<hbm>> -> memref<128xi32, #tpu.memory_space<hbm>>
    %dma_start3A_12 = arith.constant 0 : i32
    %dma_start3A_13 = tpu.memref_slice %arg3[%add3A, %dma_start3A, %dma_start3A_12] : memref<32x80x128xi32, #tpu.memory_space<hbm>> -> memref<1x1x128xi32, #tpu.memory_space<hbm>>
    %dma_start3A_14 = tpu.memref_squeeze %dma_start3A_13 : memref<1x1x128xi32, #tpu.memory_space<hbm>> -> memref<128xi32, #tpu.memory_space<hbm>>
    tpu.enqueue_dma source(%dma_start3A_14 : memref<128xi32, #tpu.memory_space<hbm>>) target(%arg7 : memref<128xi32, #tpu.memory_space<vmem>>) target_semaphore(%arg14 : memref<!tpu.dma_semaphore, #tpu.memory_space<semaphore_mem>>)
    %dma_start3A_15 = arith.constant 0 : i32
    %dma_start3A_16 = arith.constant 0 : i32
    %dma_start3A_17 = tpu.memref_slice %arg4[%add3A, %dma_start3A_15, %dma_start3A_16] : memref<32x160x64xi32, #tpu.memory_space<hbm>> -> memref<1x2x64xi32, #tpu.memory_space<hbm>>
    %dma_start3A_18 = tpu.memref_squeeze %dma_start3A_17 : memref<1x2x64xi32, #tpu.memory_space<hbm>> -> memref<2x64xi32, #tpu.memory_space<hbm>>
    %dma_start3A_19 = arith.constant 0 : i32
    %dma_start3A_20 = arith.constant 0 : i32
    %dma_start3A_21 = tpu.memref_slice %arg4[%add3A, %dma_start3A_19, %dma_start3A_20] : memref<32x160x64xi32, #tpu.memory_space<hbm>> -> memref<1x2x64xi32, #tpu.memory_space<hbm>>
    %dma_start3A_22 = tpu.memref_squeeze %dma_start3A_21 : memref<1x2x64xi32, #tpu.memory_space<hbm>> -> memref<2x64xi32, #tpu.memory_space<hbm>>
    tpu.enqueue_dma source(%dma_start3A_22 : memref<2x64xi32, #tpu.memory_space<hbm>>) target(%arg9 : memref<2x64xi32, #tpu.memory_space<vmem>>) target_semaphore(%arg16 : memref<!tpu.dma_semaphore, #tpu.memory_space<semaphore_mem>>)
    %dma_start3A_23 = arith.constant 1 : i32
    %dma_start3A_24 = arith.constant 0 : i32
    %dma_start3A_25 = tpu.memref_slice %arg3[%add3A, %dma_start3A_23, %dma_start3A_24] : memref<32x80x128xi32, #tpu.memory_space<hbm>> -> memref<1x1x128xi32, #tpu.memory_space<hbm>>
    %dma_start3A_26 = tpu.memref_squeeze %dma_start3A_25 : memref<1x1x128xi32, #tpu.memory_space<hbm>> -> memref<128xi32, #tpu.memory_space<hbm>>
    %dma_start3A_27 = arith.constant 0 : i32
    %dma_start3A_28 = tpu.memref_slice %arg3[%add3A, %dma_start3A_23, %dma_start3A_27] : memref<32x80x128xi32, #tpu.memory_space<hbm>> -> memref<1x1x128xi32, #tpu.memory_space<hbm>>
    %dma_start3A_29 = tpu.memref_squeeze %dma_start3A_28 : memref<1x1x128xi32, #tpu.memory_space<hbm>> -> memref<128xi32, #tpu.memory_space<hbm>>
    tpu.enqueue_dma source(%dma_start3A_29 : memref<128xi32, #tpu.memory_space<hbm>>) target(%arg8 : memref<128xi32, #tpu.memory_space<vmem>>) target_semaphore(%arg15 : memref<!tpu.dma_semaphore, #tpu.memory_space<semaphore_mem>>)
    %dma_start3A_30 = arith.constant 2 : i32
    %dma_start3A_31 = arith.constant 0 : i32
    %dma_start3A_32 = tpu.memref_slice %arg4[%add3A, %dma_start3A_30, %dma_start3A_31] : memref<32x160x64xi32, #tpu.memory_space<hbm>> -> memref<1x2x64xi32, #tpu.memory_space<hbm>>
    %dma_start3A_33 = tpu.memref_squeeze %dma_start3A_32 : memref<1x2x64xi32, #tpu.memory_space<hbm>> -> memref<2x64xi32, #tpu.memory_space<hbm>>
    %dma_start3A_34 = arith.constant 2 : i32
    %dma_start3A_35 = arith.constant 0 : i32
    %dma_start3A_36 = tpu.memref_slice %arg4[%add3A, %dma_start3A_34, %dma_start3A_35] : memref<32x160x64xi32, #tpu.memory_space<hbm>> -> memref<1x2x64xi32, #tpu.memory_space<hbm>>
    %dma_start3A_37 = tpu.memref_squeeze %dma_start3A_36 : memref<1x2x64xi32, #tpu.memory_space<hbm>> -> memref<2x64xi32, #tpu.memory_space<hbm>>
    tpu.enqueue_dma source(%dma_start3A_37 : memref<2x64xi32, #tpu.memory_space<hbm>>) target(%arg10 : memref<2x64xi32, #tpu.memory_space<vmem>>) target_semaphore(%arg17 : memref<!tpu.dma_semaphore, #tpu.memory_space<semaphore_mem>>)
    %dma_wait3A = arith.constant 0 : i32
    %dma_wait3A_38 = arith.constant 0 : i32
    %dma_wait3A_39 = tpu.memref_slice %arg3[%add3A, %dma_wait3A, %dma_wait3A_38] : memref<32x80x128xi32, #tpu.memory_space<hbm>> -> memref<1x1x128xi32, #tpu.memory_space<hbm>>
    %dma_wait3A_40 = tpu.memref_squeeze %dma_wait3A_39 : memref<1x1x128xi32, #tpu.memory_space<hbm>> -> memref<128xi32, #tpu.memory_space<hbm>>
    %dma_wait3A_41 = arith.constant 0 : i32
    %dma_wait3A_42 = tpu.memref_slice %arg3[%add3A, %dma_wait3A, %dma_wait3A_41] : memref<32x80x128xi32, #tpu.memory_space<hbm>> -> memref<1x1x128xi32, #tpu.memory_space<hbm>>
    %dma_wait3A_43 = tpu.memref_squeeze %dma_wait3A_42 : memref<1x1x128xi32, #tpu.memory_space<hbm>> -> memref<128xi32, #tpu.memory_space<hbm>>
    tpu.wait_dma2 semaphore(%arg14 : memref<!tpu.dma_semaphore, #tpu.memory_space<semaphore_mem>>) src(%dma_wait3A_43 : memref<128xi32, #tpu.memory_space<hbm>>) dst(%arg7 : memref<128xi32, #tpu.memory_space<vmem>>)
    %dma_start3A_44 = arith.constant 0 : i32
    %dma_start3A_45 = arith.constant 0 : i32
    %dma_start3A_46 = tpu.memref_slice %arg2[%dma_start3A_44, %dma_start3A_45] : memref<10240x128xf32, #tpu.memory_space<hbm>> -> memref<10240x128xf32, #tpu.memory_space<hbm>>
    tpu.enqueue_indirect_dma source(%dma_start3A_46 : memref<10240x128xf32, #tpu.memory_space<hbm>>) target(%arg11 : memref<128x128xf32, #tpu.memory_space<vmem>>) offsets(%arg7 : memref<128xi32, #tpu.memory_space<vmem>>) semaphore(%arg18 : memref<!tpu.dma_semaphore, #tpu.memory_space<semaphore_mem>>)
    %dma_wait3A_47 = arith.constant 1 : i32
    %dma_wait3A_48 = arith.constant 0 : i32
    %dma_wait3A_49 = tpu.memref_slice %arg3[%add3A, %dma_wait3A_47, %dma_wait3A_48] : memref<32x80x128xi32, #tpu.memory_space<hbm>> -> memref<1x1x128xi32, #tpu.memory_space<hbm>>
    %dma_wait3A_50 = tpu.memref_squeeze %dma_wait3A_49 : memref<1x1x128xi32, #tpu.memory_space<hbm>> -> memref<128xi32, #tpu.memory_space<hbm>>
    %dma_wait3A_51 = arith.constant 0 : i32
    %dma_wait3A_52 = tpu.memref_slice %arg3[%add3A, %dma_wait3A_47, %dma_wait3A_51] : memref<32x80x128xi32, #tpu.memory_space<hbm>> -> memref<1x1x128xi32, #tpu.memory_space<hbm>>
    %dma_wait3A_53 = tpu.memref_squeeze %dma_wait3A_52 : memref<1x1x128xi32, #tpu.memory_space<hbm>> -> memref<128xi32, #tpu.memory_space<hbm>>
    tpu.wait_dma2 semaphore(%arg15 : memref<!tpu.dma_semaphore, #tpu.memory_space<semaphore_mem>>) src(%dma_wait3A_53 : memref<128xi32, #tpu.memory_space<hbm>>) dst(%arg8 : memref<128xi32, #tpu.memory_space<vmem>>)
    %dma_start3A_54 = arith.constant 0 : i32
    %dma_start3A_55 = arith.constant 0 : i32
    %dma_start3A_56 = tpu.memref_slice %arg2[%dma_start3A_54, %dma_start3A_55] : memref<10240x128xf32, #tpu.memory_space<hbm>> -> memref<10240x128xf32, #tpu.memory_space<hbm>>
    tpu.enqueue_indirect_dma source(%dma_start3A_56 : memref<10240x128xf32, #tpu.memory_space<hbm>>) target(%arg12 : memref<128x128xf32, #tpu.memory_space<vmem>>) offsets(%arg8 : memref<128xi32, #tpu.memory_space<vmem>>) semaphore(%arg19 : memref<!tpu.dma_semaphore, #tpu.memory_space<semaphore_mem>>)
    %scan3A = arith.constant 0 : i32
    %scan3A_57 = arith.constant 0 : i32
    %scan3A_58 = arith.constant 40 : i32
    %scan3A_59 = arith.addi %scan3A_57, %scan3A_58 : i32
    %scan3A_60 = arith.constant 1 : i32
    scf.for %scan3A_66 = %scan3A_57 to %scan3A_59 step %scan3A_60  : i32 {
      %mul3A_67 = arith.constant 2 : i32
      %mul3A_68 = arith.muli %mul3A_67, %scan3A_66 : i32
      %dma_wait3A_69 = arith.constant 0 : i32
      %dma_wait3A_70 = arith.constant 0 : i32
      %dma_wait3A_71 = tpu.memref_slice %arg2[%dma_wait3A_69, %dma_wait3A_70] : memref<10240x128xf32, #tpu.memory_space<hbm>> -> memref<10240x128xf32, #tpu.memory_space<hbm>>
      tpu.wait_indirect_dma semaphore(%arg18 : memref<!tpu.dma_semaphore, #tpu.memory_space<semaphore_mem>>) src(%dma_wait3A_71 : memref<10240x128xf32, #tpu.memory_space<hbm>>) dst(%arg11 : memref<128x128xf32, #tpu.memory_space<vmem>>)
      %add3A_72 = arith.constant 2 : i32
      %add3A_73 = arith.addi %mul3A_68, %add3A_72 : i32
      %lt3A = arith.constant 80 : i32
      %lt3A_74 = arith.cmpi slt, %add3A_73, %lt3A : i32
      %convert_element_type3A_75 = arith.extui %lt3A_74 : i1 to i32
      %cond3A_76 = arith.constant 0 : i32
      %cond3A_77 = arith.cmpi ne, %convert_element_type3A_75, %cond3A_76 : i32
      scf.if %cond3A_77 {
        %add3A_200 = arith.constant 2 : i32
        %add3A_201 = arith.addi %mul3A_68, %add3A_200 : i32
        %dma_start3A_202 = arith.constant 0 : i32
        %dma_start3A_203 = tpu.memref_slice %arg3[%add3A, %add3A_201, %dma_start3A_202] : memref<32x80x128xi32, #tpu.memory_space<hbm>> -> memref<1x1x128xi32, #tpu.memory_space<hbm>>
        %dma_start3A_204 = tpu.memref_squeeze %dma_start3A_203 : memref<1x1x128xi32, #tpu.memory_space<hbm>> -> memref<128xi32, #tpu.memory_space<hbm>>
        %dma_start3A_205 = arith.constant 0 : i32
        %dma_start3A_206 = tpu.memref_slice %arg3[%add3A, %add3A_201, %dma_start3A_205] : memref<32x80x128xi32, #tpu.memory_space<hbm>> -> memref<1x1x128xi32, #tpu.memory_space<hbm>>
        %dma_start3A_207 = tpu.memref_squeeze %dma_start3A_206 : memref<1x1x128xi32, #tpu.memory_space<hbm>> -> memref<128xi32, #tpu.memory_space<hbm>>
        tpu.enqueue_dma source(%dma_start3A_207 : memref<128xi32, #tpu.memory_space<hbm>>) target(%arg7 : memref<128xi32, #tpu.memory_space<vmem>>) target_semaphore(%arg14 : memref<!tpu.dma_semaphore, #tpu.memory_space<semaphore_mem>>)
      } else {
      }
      %mul3A_78 = arith.constant 2 : i32
      %mul3A_79 = arith.muli %mul3A_78, %mul3A_68 : i32
      %dma_wait3A_80 = arith.constant 0 : i32
      %dma_wait3A_81 = tpu.memref_slice %arg4[%add3A, %mul3A_79, %dma_wait3A_80] : memref<32x160x64xi32, #tpu.memory_space<hbm>> -> memref<1x2x64xi32, #tpu.memory_space<hbm>>
      %dma_wait3A_82 = tpu.memref_squeeze %dma_wait3A_81 : memref<1x2x64xi32, #tpu.memory_space<hbm>> -> memref<2x64xi32, #tpu.memory_space<hbm>>
      %dma_wait3A_83 = arith.constant 0 : i32
      %dma_wait3A_84 = tpu.memref_slice %arg4[%add3A, %mul3A_79, %dma_wait3A_83] : memref<32x160x64xi32, #tpu.memory_space<hbm>> -> memref<1x2x64xi32, #tpu.memory_space<hbm>>
      %dma_wait3A_85 = tpu.memref_squeeze %dma_wait3A_84 : memref<1x2x64xi32, #tpu.memory_space<hbm>> -> memref<2x64xi32, #tpu.memory_space<hbm>>
      tpu.wait_dma2 semaphore(%arg16 : memref<!tpu.dma_semaphore, #tpu.memory_space<semaphore_mem>>) src(%dma_wait3A_85 : memref<2x64xi32, #tpu.memory_space<hbm>>) dst(%arg9 : memref<2x64xi32, #tpu.memory_space<vmem>>)
      %dma_start3A_86 = arith.constant 0 : i32
      %dma_start3A_87 = arith.constant 0 : i32
      %dma_start3A_88 = arith.constant 0 : i32
      %dma_start3A_89 = tpu.memref_slice %arg11[%dma_start3A_87, %dma_start3A_88] : memref<128x128xf32, #tpu.memory_space<vmem>> -> memref<64x128xf32, #tpu.memory_space<vmem>>
      %dma_start3A_90 = arith.constant 0 : i32
      %dma_start3A_91 = tpu.memref_slice %arg9[%dma_start3A_86, %dma_start3A_90] : memref<2x64xi32, #tpu.memory_space<vmem>> -> memref<1x64xi32, #tpu.memory_space<vmem>>
      %dma_start3A_92 = tpu.memref_squeeze %dma_start3A_91 : memref<1x64xi32, #tpu.memory_space<vmem>> -> memref<64xi32, #tpu.memory_space<vmem>>
      %dma_start3A_93 = arith.constant 0 : i32
      %dma_start3A_94 = arith.constant 0 : i32
      %dma_start3A_95 = tpu.memref_slice %arg13[%dma_start3A_93, %dma_start3A_94] : memref<10240x128xf32, #tpu.memory_space<vmem_shared>> -> memref<10240x128xf32, #tpu.memory_space<vmem_shared>>
      tpu.enqueue_indirect_dma source(%dma_start3A_89 : memref<64x128xf32, #tpu.memory_space<vmem>>) target(%dma_start3A_95 : memref<10240x128xf32, #tpu.memory_space<vmem_shared>>) offsets(%dma_start3A_92 : memref<64xi32, #tpu.memory_space<vmem>>) semaphore(%arg20 : memref<!tpu.dma_semaphore, #tpu.memory_space<semaphore_mem>>) {add = true}
      %dma_start3A_96 = arith.constant 1 : i32
      %dma_start3A_97 = arith.constant 64 : i32
      %dma_start3A_98 = arith.constant 0 : i32
      %dma_start3A_99 = tpu.memref_slice %arg11[%dma_start3A_97, %dma_start3A_98] : memref<128x128xf32, #tpu.memory_space<vmem>> -> memref<64x128xf32, #tpu.memory_space<vmem>>
      %dma_start3A_100 = arith.constant 0 : i32
      %dma_start3A_101 = tpu.memref_slice %arg9[%dma_start3A_96, %dma_start3A_100] : memref<2x64xi32, #tpu.memory_space<vmem>> -> memref<1x64xi32, #tpu.memory_space<vmem>>
      %dma_start3A_102 = tpu.memref_squeeze %dma_start3A_101 : memref<1x64xi32, #tpu.memory_space<vmem>> -> memref<64xi32, #tpu.memory_space<vmem>>
      %dma_start3A_103 = arith.constant 0 : i32
      %dma_start3A_104 = arith.constant 0 : i32
      %dma_start3A_105 = tpu.memref_slice %arg13[%dma_start3A_103, %dma_start3A_104] : memref<10240x128xf32, #tpu.memory_space<vmem_shared>> -> memref<10240x128xf32, #tpu.memory_space<vmem_shared>>
      tpu.enqueue_indirect_dma source(%dma_start3A_99 : memref<64x128xf32, #tpu.memory_space<vmem>>) target(%dma_start3A_105 : memref<10240x128xf32, #tpu.memory_space<vmem_shared>>) offsets(%dma_start3A_102 : memref<64xi32, #tpu.memory_space<vmem>>) semaphore(%arg21 : memref<!tpu.dma_semaphore, #tpu.memory_space<semaphore_mem>>) {add = true}
      %dma_wait3A_106 = arith.constant 0 : i32
      %dma_wait3A_107 = arith.constant 0 : i32
      %dma_wait3A_108 = arith.constant 0 : i32
      %dma_wait3A_109 = tpu.memref_slice %arg11[%dma_wait3A_107, %dma_wait3A_108] : memref<128x128xf32, #tpu.memory_space<vmem>> -> memref<64x128xf32, #tpu.memory_space<vmem>>
      %dma_wait3A_110 = arith.constant 0 : i32
      %dma_wait3A_111 = tpu.memref_slice %arg9[%dma_wait3A_106, %dma_wait3A_110] : memref<2x64xi32, #tpu.memory_space<vmem>> -> memref<1x64xi32, #tpu.memory_space<vmem>>
      %dma_wait3A_112 = tpu.memref_squeeze %dma_wait3A_111 : memref<1x64xi32, #tpu.memory_space<vmem>> -> memref<64xi32, #tpu.memory_space<vmem>>
      %dma_wait3A_113 = arith.constant 0 : i32
      %dma_wait3A_114 = arith.constant 0 : i32
      %dma_wait3A_115 = tpu.memref_slice %arg13[%dma_wait3A_113, %dma_wait3A_114] : memref<10240x128xf32, #tpu.memory_space<vmem_shared>> -> memref<10240x128xf32, #tpu.memory_space<vmem_shared>>
      tpu.wait_indirect_dma semaphore(%arg20 : memref<!tpu.dma_semaphore, #tpu.memory_space<semaphore_mem>>) src(%dma_wait3A_109 : memref<64x128xf32, #tpu.memory_space<vmem>>) dst(%dma_wait3A_115 : memref<10240x128xf32, #tpu.memory_space<vmem_shared>>)
      %dma_wait3A_116 = arith.constant 1 : i32
      %dma_wait3A_117 = arith.constant 64 : i32
      %dma_wait3A_118 = arith.constant 0 : i32
      %dma_wait3A_119 = tpu.memref_slice %arg11[%dma_wait3A_117, %dma_wait3A_118] : memref<128x128xf32, #tpu.memory_space<vmem>> -> memref<64x128xf32, #tpu.memory_space<vmem>>
      %dma_wait3A_120 = arith.constant 0 : i32
      %dma_wait3A_121 = tpu.memref_slice %arg9[%dma_wait3A_116, %dma_wait3A_120] : memref<2x64xi32, #tpu.memory_space<vmem>> -> memref<1x64xi32, #tpu.memory_space<vmem>>
      %dma_wait3A_122 = tpu.memref_squeeze %dma_wait3A_121 : memref<1x64xi32, #tpu.memory_space<vmem>> -> memref<64xi32, #tpu.memory_space<vmem>>
      %dma_wait3A_123 = arith.constant 0 : i32
      %dma_wait3A_124 = arith.constant 0 : i32
      %dma_wait3A_125 = tpu.memref_slice %arg13[%dma_wait3A_123, %dma_wait3A_124] : memref<10240x128xf32, #tpu.memory_space<vmem_shared>> -> memref<10240x128xf32, #tpu.memory_space<vmem_shared>>
      tpu.wait_indirect_dma semaphore(%arg21 : memref<!tpu.dma_semaphore, #tpu.memory_space<semaphore_mem>>) src(%dma_wait3A_119 : memref<64x128xf32, #tpu.memory_space<vmem>>) dst(%dma_wait3A_125 : memref<10240x128xf32, #tpu.memory_space<vmem_shared>>)
      %add3A_126 = arith.constant 2 : i32
      %add3A_127 = arith.addi %mul3A_68, %add3A_126 : i32
      %lt3A_128 = arith.constant 80 : i32
      %lt3A_129 = arith.cmpi slt, %add3A_127, %lt3A_128 : i32
      %convert_element_type3A_130 = arith.extui %lt3A_129 : i1 to i32
      %cond3A_131 = arith.constant 0 : i32
      %cond3A_132 = arith.cmpi ne, %convert_element_type3A_130, %cond3A_131 : i32
      scf.if %cond3A_132 {
        %add3A_200 = arith.constant 2 : i32
        %add3A_201 = arith.addi %mul3A_68, %add3A_200 : i32
        %mul3A_202 = arith.constant 2 : i32
        %mul3A_203 = arith.muli %mul3A_202, %add3A_201 : i32
        %dma_start3A_204 = arith.constant 0 : i32
        %dma_start3A_205 = tpu.memref_slice %arg4[%add3A, %mul3A_203, %dma_start3A_204] : memref<32x160x64xi32, #tpu.memory_space<hbm>> -> memref<1x2x64xi32, #tpu.memory_space<hbm>>
        %dma_start3A_206 = tpu.memref_squeeze %dma_start3A_205 : memref<1x2x64xi32, #tpu.memory_space<hbm>> -> memref<2x64xi32, #tpu.memory_space<hbm>>
        %dma_start3A_207 = arith.constant 0 : i32
        %dma_start3A_208 = tpu.memref_slice %arg4[%add3A, %mul3A_203, %dma_start3A_207] : memref<32x160x64xi32, #tpu.memory_space<hbm>> -> memref<1x2x64xi32, #tpu.memory_space<hbm>>
        %dma_start3A_209 = tpu.memref_squeeze %dma_start3A_208 : memref<1x2x64xi32, #tpu.memory_space<hbm>> -> memref<2x64xi32, #tpu.memory_space<hbm>>
        tpu.enqueue_dma source(%dma_start3A_209 : memref<2x64xi32, #tpu.memory_space<hbm>>) target(%arg9 : memref<2x64xi32, #tpu.memory_space<vmem>>) target_semaphore(%arg16 : memref<!tpu.dma_semaphore, #tpu.memory_space<semaphore_mem>>)
        %add3A_210 = arith.constant 2 : i32
        %add3A_211 = arith.addi %mul3A_68, %add3A_210 : i32
        %dma_wait3A_212 = arith.constant 0 : i32
        %dma_wait3A_213 = tpu.memref_slice %arg3[%add3A, %add3A_211, %dma_wait3A_212] : memref<32x80x128xi32, #tpu.memory_space<hbm>> -> memref<1x1x128xi32, #tpu.memory_space<hbm>>
        %dma_wait3A_214 = tpu.memref_squeeze %dma_wait3A_213 : memref<1x1x128xi32, #tpu.memory_space<hbm>> -> memref<128xi32, #tpu.memory_space<hbm>>
        %dma_wait3A_215 = arith.constant 0 : i32
        %dma_wait3A_216 = tpu.memref_slice %arg3[%add3A, %add3A_211, %dma_wait3A_215] : memref<32x80x128xi32, #tpu.memory_space<hbm>> -> memref<1x1x128xi32, #tpu.memory_space<hbm>>
        %dma_wait3A_217 = tpu.memref_squeeze %dma_wait3A_216 : memref<1x1x128xi32, #tpu.memory_space<hbm>> -> memref<128xi32, #tpu.memory_space<hbm>>
        tpu.wait_dma2 semaphore(%arg14 : memref<!tpu.dma_semaphore, #tpu.memory_space<semaphore_mem>>) src(%dma_wait3A_217 : memref<128xi32, #tpu.memory_space<hbm>>) dst(%arg7 : memref<128xi32, #tpu.memory_space<vmem>>)
        %dma_start3A_218 = arith.constant 0 : i32
        %dma_start3A_219 = arith.constant 0 : i32
        %dma_start3A_220 = tpu.memref_slice %arg2[%dma_start3A_218, %dma_start3A_219] : memref<10240x128xf32, #tpu.memory_space<hbm>> -> memref<10240x128xf32, #tpu.memory_space<hbm>>
        tpu.enqueue_indirect_dma source(%dma_start3A_220 : memref<10240x128xf32, #tpu.memory_space<hbm>>) target(%arg11 : memref<128x128xf32, #tpu.memory_space<vmem>>) offsets(%arg7 : memref<128xi32, #tpu.memory_space<vmem>>) semaphore(%arg18 : memref<!tpu.dma_semaphore, #tpu.memory_space<semaphore_mem>>)
      } else {
      }
      %add3A_133 = arith.constant 1 : i32
      %add3A_134 = arith.addi %mul3A_68, %add3A_133 : i32
      %dma_wait3A_135 = arith.constant 0 : i32
      %dma_wait3A_136 = arith.constant 0 : i32
      %dma_wait3A_137 = tpu.memref_slice %arg2[%dma_wait3A_135, %dma_wait3A_136] : memref<10240x128xf32, #tpu.memory_space<hbm>> -> memref<10240x128xf32, #tpu.memory_space<hbm>>
      tpu.wait_indirect_dma semaphore(%arg19 : memref<!tpu.dma_semaphore, #tpu.memory_space<semaphore_mem>>) src(%dma_wait3A_137 : memref<10240x128xf32, #tpu.memory_space<hbm>>) dst(%arg12 : memref<128x128xf32, #tpu.memory_space<vmem>>)
      %add3A_138 = arith.constant 2 : i32
      %add3A_139 = arith.addi %add3A_134, %add3A_138 : i32
      %lt3A_140 = arith.constant 80 : i32
      %lt3A_141 = arith.cmpi slt, %add3A_139, %lt3A_140 : i32
      %convert_element_type3A_142 = arith.extui %lt3A_141 : i1 to i32
      %cond3A_143 = arith.constant 0 : i32
      %cond3A_144 = arith.cmpi ne, %convert_element_type3A_142, %cond3A_143 : i32
      scf.if %cond3A_144 {
        %add3A_200 = arith.constant 2 : i32
        %add3A_201 = arith.addi %add3A_134, %add3A_200 : i32
        %dma_start3A_202 = arith.constant 0 : i32
        %dma_start3A_203 = tpu.memref_slice %arg3[%add3A, %add3A_201, %dma_start3A_202] : memref<32x80x128xi32, #tpu.memory_space<hbm>> -> memref<1x1x128xi32, #tpu.memory_space<hbm>>
        %dma_start3A_204 = tpu.memref_squeeze %dma_start3A_203 : memref<1x1x128xi32, #tpu.memory_space<hbm>> -> memref<128xi32, #tpu.memory_space<hbm>>
        %dma_start3A_205 = arith.constant 0 : i32
        %dma_start3A_206 = tpu.memref_slice %arg3[%add3A, %add3A_201, %dma_start3A_205] : memref<32x80x128xi32, #tpu.memory_space<hbm>> -> memref<1x1x128xi32, #tpu.memory_space<hbm>>
        %dma_start3A_207 = tpu.memref_squeeze %dma_start3A_206 : memref<1x1x128xi32, #tpu.memory_space<hbm>> -> memref<128xi32, #tpu.memory_space<hbm>>
        tpu.enqueue_dma source(%dma_start3A_207 : memref<128xi32, #tpu.memory_space<hbm>>) target(%arg8 : memref<128xi32, #tpu.memory_space<vmem>>) target_semaphore(%arg15 : memref<!tpu.dma_semaphore, #tpu.memory_space<semaphore_mem>>)
      } else {
      }
      %mul3A_145 = arith.constant 2 : i32
      %mul3A_146 = arith.muli %mul3A_145, %add3A_134 : i32
      %dma_wait3A_147 = arith.constant 0 : i32
      %dma_wait3A_148 = tpu.memref_slice %arg4[%add3A, %mul3A_146, %dma_wait3A_147] : memref<32x160x64xi32, #tpu.memory_space<hbm>> -> memref<1x2x64xi32, #tpu.memory_space<hbm>>
      %dma_wait3A_149 = tpu.memref_squeeze %dma_wait3A_148 : memref<1x2x64xi32, #tpu.memory_space<hbm>> -> memref<2x64xi32, #tpu.memory_space<hbm>>
      %dma_wait3A_150 = arith.constant 0 : i32
      %dma_wait3A_151 = tpu.memref_slice %arg4[%add3A, %mul3A_146, %dma_wait3A_150] : memref<32x160x64xi32, #tpu.memory_space<hbm>> -> memref<1x2x64xi32, #tpu.memory_space<hbm>>
      %dma_wait3A_152 = tpu.memref_squeeze %dma_wait3A_151 : memref<1x2x64xi32, #tpu.memory_space<hbm>> -> memref<2x64xi32, #tpu.memory_space<hbm>>
      tpu.wait_dma2 semaphore(%arg17 : memref<!tpu.dma_semaphore, #tpu.memory_space<semaphore_mem>>) src(%dma_wait3A_152 : memref<2x64xi32, #tpu.memory_space<hbm>>) dst(%arg10 : memref<2x64xi32, #tpu.memory_space<vmem>>)
      %dma_start3A_153 = arith.constant 0 : i32
      %dma_start3A_154 = arith.constant 0 : i32
      %dma_start3A_155 = arith.constant 0 : i32
      %dma_start3A_156 = tpu.memref_slice %arg12[%dma_start3A_154, %dma_start3A_155] : memref<128x128xf32, #tpu.memory_space<vmem>> -> memref<64x128xf32, #tpu.memory_space<vmem>>
      %dma_start3A_157 = arith.constant 0 : i32
      %dma_start3A_158 = tpu.memref_slice %arg10[%dma_start3A_153, %dma_start3A_157] : memref<2x64xi32, #tpu.memory_space<vmem>> -> memref<1x64xi32, #tpu.memory_space<vmem>>
      %dma_start3A_159 = tpu.memref_squeeze %dma_start3A_158 : memref<1x64xi32, #tpu.memory_space<vmem>> -> memref<64xi32, #tpu.memory_space<vmem>>
      %dma_start3A_160 = arith.constant 0 : i32
      %dma_start3A_161 = arith.constant 0 : i32
      %dma_start3A_162 = tpu.memref_slice %arg13[%dma_start3A_160, %dma_start3A_161] : memref<10240x128xf32, #tpu.memory_space<vmem_shared>> -> memref<10240x128xf32, #tpu.memory_space<vmem_shared>>
      tpu.enqueue_indirect_dma source(%dma_start3A_156 : memref<64x128xf32, #tpu.memory_space<vmem>>) target(%dma_start3A_162 : memref<10240x128xf32, #tpu.memory_space<vmem_shared>>) offsets(%dma_start3A_159 : memref<64xi32, #tpu.memory_space<vmem>>) semaphore(%arg20 : memref<!tpu.dma_semaphore, #tpu.memory_space<semaphore_mem>>) {add = true}
      %dma_start3A_163 = arith.constant 1 : i32
      %dma_start3A_164 = arith.constant 64 : i32
      %dma_start3A_165 = arith.constant 0 : i32
      %dma_start3A_166 = tpu.memref_slice %arg12[%dma_start3A_164, %dma_start3A_165] : memref<128x128xf32, #tpu.memory_space<vmem>> -> memref<64x128xf32, #tpu.memory_space<vmem>>
      %dma_start3A_167 = arith.constant 0 : i32
      %dma_start3A_168 = tpu.memref_slice %arg10[%dma_start3A_163, %dma_start3A_167] : memref<2x64xi32, #tpu.memory_space<vmem>> -> memref<1x64xi32, #tpu.memory_space<vmem>>
      %dma_start3A_169 = tpu.memref_squeeze %dma_start3A_168 : memref<1x64xi32, #tpu.memory_space<vmem>> -> memref<64xi32, #tpu.memory_space<vmem>>
      %dma_start3A_170 = arith.constant 0 : i32
      %dma_start3A_171 = arith.constant 0 : i32
      %dma_start3A_172 = tpu.memref_slice %arg13[%dma_start3A_170, %dma_start3A_171] : memref<10240x128xf32, #tpu.memory_space<vmem_shared>> -> memref<10240x128xf32, #tpu.memory_space<vmem_shared>>
      tpu.enqueue_indirect_dma source(%dma_start3A_166 : memref<64x128xf32, #tpu.memory_space<vmem>>) target(%dma_start3A_172 : memref<10240x128xf32, #tpu.memory_space<vmem_shared>>) offsets(%dma_start3A_169 : memref<64xi32, #tpu.memory_space<vmem>>) semaphore(%arg21 : memref<!tpu.dma_semaphore, #tpu.memory_space<semaphore_mem>>) {add = true}
      %dma_wait3A_173 = arith.constant 0 : i32
      %dma_wait3A_174 = arith.constant 0 : i32
      %dma_wait3A_175 = arith.constant 0 : i32
      %dma_wait3A_176 = tpu.memref_slice %arg12[%dma_wait3A_174, %dma_wait3A_175] : memref<128x128xf32, #tpu.memory_space<vmem>> -> memref<64x128xf32, #tpu.memory_space<vmem>>
      %dma_wait3A_177 = arith.constant 0 : i32
      %dma_wait3A_178 = tpu.memref_slice %arg10[%dma_wait3A_173, %dma_wait3A_177] : memref<2x64xi32, #tpu.memory_space<vmem>> -> memref<1x64xi32, #tpu.memory_space<vmem>>
      %dma_wait3A_179 = tpu.memref_squeeze %dma_wait3A_178 : memref<1x64xi32, #tpu.memory_space<vmem>> -> memref<64xi32, #tpu.memory_space<vmem>>
      %dma_wait3A_180 = arith.constant 0 : i32
      %dma_wait3A_181 = arith.constant 0 : i32
      %dma_wait3A_182 = tpu.memref_slice %arg13[%dma_wait3A_180, %dma_wait3A_181] : memref<10240x128xf32, #tpu.memory_space<vmem_shared>> -> memref<10240x128xf32, #tpu.memory_space<vmem_shared>>
      tpu.wait_indirect_dma semaphore(%arg20 : memref<!tpu.dma_semaphore, #tpu.memory_space<semaphore_mem>>) src(%dma_wait3A_176 : memref<64x128xf32, #tpu.memory_space<vmem>>) dst(%dma_wait3A_182 : memref<10240x128xf32, #tpu.memory_space<vmem_shared>>)
      %dma_wait3A_183 = arith.constant 1 : i32
      %dma_wait3A_184 = arith.constant 64 : i32
      %dma_wait3A_185 = arith.constant 0 : i32
      %dma_wait3A_186 = tpu.memref_slice %arg12[%dma_wait3A_184, %dma_wait3A_185] : memref<128x128xf32, #tpu.memory_space<vmem>> -> memref<64x128xf32, #tpu.memory_space<vmem>>
      %dma_wait3A_187 = arith.constant 0 : i32
      %dma_wait3A_188 = tpu.memref_slice %arg10[%dma_wait3A_183, %dma_wait3A_187] : memref<2x64xi32, #tpu.memory_space<vmem>> -> memref<1x64xi32, #tpu.memory_space<vmem>>
      %dma_wait3A_189 = tpu.memref_squeeze %dma_wait3A_188 : memref<1x64xi32, #tpu.memory_space<vmem>> -> memref<64xi32, #tpu.memory_space<vmem>>
      %dma_wait3A_190 = arith.constant 0 : i32
      %dma_wait3A_191 = arith.constant 0 : i32
      %dma_wait3A_192 = tpu.memref_slice %arg13[%dma_wait3A_190, %dma_wait3A_191] : memref<10240x128xf32, #tpu.memory_space<vmem_shared>> -> memref<10240x128xf32, #tpu.memory_space<vmem_shared>>
      tpu.wait_indirect_dma semaphore(%arg21 : memref<!tpu.dma_semaphore, #tpu.memory_space<semaphore_mem>>) src(%dma_wait3A_186 : memref<64x128xf32, #tpu.memory_space<vmem>>) dst(%dma_wait3A_192 : memref<10240x128xf32, #tpu.memory_space<vmem_shared>>)
      %add3A_193 = arith.constant 2 : i32
      %add3A_194 = arith.addi %add3A_134, %add3A_193 : i32
      %lt3A_195 = arith.constant 80 : i32
      %lt3A_196 = arith.cmpi slt, %add3A_194, %lt3A_195 : i32
      %convert_element_type3A_197 = arith.extui %lt3A_196 : i1 to i32
      %cond3A_198 = arith.constant 0 : i32
      %cond3A_199 = arith.cmpi ne, %convert_element_type3A_197, %cond3A_198 : i32
      scf.if %cond3A_199 {
        %add3A_200 = arith.constant 2 : i32
        %add3A_201 = arith.addi %add3A_134, %add3A_200 : i32
        %mul3A_202 = arith.constant 2 : i32
        %mul3A_203 = arith.muli %mul3A_202, %add3A_201 : i32
        %dma_start3A_204 = arith.constant 0 : i32
        %dma_start3A_205 = tpu.memref_slice %arg4[%add3A, %mul3A_203, %dma_start3A_204] : memref<32x160x64xi32, #tpu.memory_space<hbm>> -> memref<1x2x64xi32, #tpu.memory_space<hbm>>
        %dma_start3A_206 = tpu.memref_squeeze %dma_start3A_205 : memref<1x2x64xi32, #tpu.memory_space<hbm>> -> memref<2x64xi32, #tpu.memory_space<hbm>>
        %dma_start3A_207 = arith.constant 0 : i32
        %dma_start3A_208 = tpu.memref_slice %arg4[%add3A, %mul3A_203, %dma_start3A_207] : memref<32x160x64xi32, #tpu.memory_space<hbm>> -> memref<1x2x64xi32, #tpu.memory_space<hbm>>
        %dma_start3A_209 = tpu.memref_squeeze %dma_start3A_208 : memref<1x2x64xi32, #tpu.memory_space<hbm>> -> memref<2x64xi32, #tpu.memory_space<hbm>>
        tpu.enqueue_dma source(%dma_start3A_209 : memref<2x64xi32, #tpu.memory_space<hbm>>) target(%arg10 : memref<2x64xi32, #tpu.memory_space<vmem>>) target_semaphore(%arg17 : memref<!tpu.dma_semaphore, #tpu.memory_space<semaphore_mem>>)
        %add3A_210 = arith.constant 2 : i32
        %add3A_211 = arith.addi %add3A_134, %add3A_210 : i32
        %dma_wait3A_212 = arith.constant 0 : i32
        %dma_wait3A_213 = tpu.memref_slice %arg3[%add3A, %add3A_211, %dma_wait3A_212] : memref<32x80x128xi32, #tpu.memory_space<hbm>> -> memref<1x1x128xi32, #tpu.memory_space<hbm>>
        %dma_wait3A_214 = tpu.memref_squeeze %dma_wait3A_213 : memref<1x1x128xi32, #tpu.memory_space<hbm>> -> memref<128xi32, #tpu.memory_space<hbm>>
        %dma_wait3A_215 = arith.constant 0 : i32
        %dma_wait3A_216 = tpu.memref_slice %arg3[%add3A, %add3A_211, %dma_wait3A_215] : memref<32x80x128xi32, #tpu.memory_space<hbm>> -> memref<1x1x128xi32, #tpu.memory_space<hbm>>
        %dma_wait3A_217 = tpu.memref_squeeze %dma_wait3A_216 : memref<1x1x128xi32, #tpu.memory_space<hbm>> -> memref<128xi32, #tpu.memory_space<hbm>>
        tpu.wait_dma2 semaphore(%arg15 : memref<!tpu.dma_semaphore, #tpu.memory_space<semaphore_mem>>) src(%dma_wait3A_217 : memref<128xi32, #tpu.memory_space<hbm>>) dst(%arg8 : memref<128xi32, #tpu.memory_space<vmem>>)
        %dma_start3A_218 = arith.constant 0 : i32
        %dma_start3A_219 = arith.constant 0 : i32
        %dma_start3A_220 = tpu.memref_slice %arg2[%dma_start3A_218, %dma_start3A_219] : memref<10240x128xf32, #tpu.memory_space<hbm>> -> memref<10240x128xf32, #tpu.memory_space<hbm>>
        tpu.enqueue_indirect_dma source(%dma_start3A_220 : memref<10240x128xf32, #tpu.memory_space<hbm>>) target(%arg12 : memref<128x128xf32, #tpu.memory_space<vmem>>) offsets(%arg8 : memref<128xi32, #tpu.memory_space<vmem>>) semaphore(%arg19 : memref<!tpu.dma_semaphore, #tpu.memory_space<semaphore_mem>>)
      } else {
      }
    }
    %scan3A_61 = arith.constant 40 : i32
    %barrier3A_62 = arith.constant 0 : index
    tpu.barrier barrier_id(%barrier3A_62)
    %mul3A_63 = arith.constant 10240 : i32
    %mul3A_64 = arith.muli %arg0, %mul3A_63 : i32
    %add3A_65 = arith.addi %mul3A_64, %mul3A_2 : i32
    "tpu.region"() ({
      %run_scoped3A = tpu.sem_alloc : memref<!tpu.dma_semaphore, #tpu.memory_space<semaphore_mem>>
      %dma_start3A_66 = arith.constant 0 : i32
      %dma_start3A_67 = tpu.memref_slice %arg6[%add3A_65, %dma_start3A_66] : memref<20480x128xf32, #tpu.memory_space<hbm>> -> memref<640x128xf32, #tpu.memory_space<hbm>>
      %dma_start3A_68 = arith.constant 0 : i32
      %dma_start3A_69 = tpu.memref_slice %arg13[%mul3A_2, %dma_start3A_68] : memref<10240x128xf32, #tpu.memory_space<vmem_shared>> -> memref<640x128xf32, #tpu.memory_space<vmem_shared>>
      tpu.enqueue_dma source(%dma_start3A_69 : memref<640x128xf32, #tpu.memory_space<vmem_shared>>) target(%dma_start3A_67 : memref<640x128xf32, #tpu.memory_space<hbm>>) target_semaphore(%run_scoped3A : memref<!tpu.dma_semaphore, #tpu.memory_space<semaphore_mem>>)
      %dma_wait3A_70 = arith.constant 0 : i32
      %dma_wait3A_71 = tpu.memref_slice %arg6[%add3A_65, %dma_wait3A_70] : memref<20480x128xf32, #tpu.memory_space<hbm>> -> memref<640x128xf32, #tpu.memory_space<hbm>>
      %dma_wait3A_72 = arith.constant 0 : i32
      %dma_wait3A_73 = tpu.memref_slice %arg13[%mul3A_2, %dma_wait3A_72] : memref<10240x128xf32, #tpu.memory_space<vmem_shared>> -> memref<640x128xf32, #tpu.memory_space<vmem_shared>>
      tpu.wait_dma2 semaphore(%run_scoped3A : memref<!tpu.dma_semaphore, #tpu.memory_space<semaphore_mem>>) src(%dma_wait3A_73 : memref<640x128xf32, #tpu.memory_space<vmem_shared>>) dst(%dma_wait3A_71 : memref<640x128xf32, #tpu.memory_space<hbm>>)
      tpu.yield
    }) : () -> ()
    return
  }
}

module attributes {stable_mosaic.version = 14 : i64} {
  func.func @_tc1_body(%arg0: i32, %arg1: memref<512x128xf32, #tpu.memory_space<vmem>>, %arg2: memref<128x128xf32, #tpu.memory_space<vmem>>, %arg3: memref<2x512x1xf32, #tpu.memory_space<vmem>>, %arg4: memref<512x128xf32, #tpu.memory_space<vmem>>, %arg5: memref<512x1xf32, #tpu.memory_space<vmem>>) attributes {dimension_semantics = [#tpu.dimension_semantics<arbitrary>], iteration_bounds = array<i64: 20>, scalar_prefetch = 0 : i64, scratch_operands = 0 : i64, tpu.core_type = #tpu.core_type<tc>, window_params = [{transform_indices = @transform_0, window_bounds = array<i64: 512, 128>}, {pipeline_mode = #tpu.pipeline_mode<synchronous>, transform_indices = @transform_1, window_bounds = array<i64: 128, 128>}, {transform_indices = @transform_2, window_bounds = array<i64: 2, 512, 1>}, {transform_indices = @transform_3, window_bounds = array<i64: 512, 128>}, {transform_indices = @transform_4, window_bounds = array<i64: 512, 1>}]} {
    %get3A = arith.constant 0 : index
    %get3A_0 = arith.constant 0 : index
    %get3A_1 = arith.constant 0 : index
    %get3A_2 = vector.load %arg3[%get3A, %get3A_0, %get3A_1] : memref<2x512x1xf32, #tpu.memory_space<vmem>>, vector<1x512x1xf32>
    %get3A_3 = vector.shape_cast %get3A_2 : vector<1x512x1xf32> to vector<512x1xf32>
    %get3A_4 = arith.constant 1 : index
    %get3A_5 = arith.constant 0 : index
    %get3A_6 = arith.constant 0 : index
    %get3A_7 = vector.load %arg3[%get3A_4, %get3A_5, %get3A_6] : memref<2x512x1xf32, #tpu.memory_space<vmem>>, vector<1x512x1xf32>
    %get3A_8 = vector.shape_cast %get3A_7 : vector<1x512x1xf32> to vector<512x1xf32>
    %add3A = arith.addf %get3A_3, %get3A_8 : vector<512x1xf32>
    %add3A_9 = arith.constant 1.000000e+00 : f32
    %add3A_10 = vector.broadcast %add3A_9 : f32 to vector<512x1xf32>
    %add3A_11 = arith.addf %add3A, %add3A_10 : vector<512x1xf32>
    %rsqrt3A = math.rsqrt %add3A_11 : vector<512x1xf32>
    %get3A_12 = arith.constant 0 : index
    %get3A_13 = arith.constant 0 : index
    %get3A_14 = vector.load %arg1[%get3A_12, %get3A_13] : memref<512x128xf32, #tpu.memory_space<vmem>>, vector<512x128xf32>
    %get3A_15 = arith.constant 0 : index
    %get3A_16 = arith.constant 0 : index
    %get3A_17 = vector.load %arg2[%get3A_15, %get3A_16] : memref<128x128xf32, #tpu.memory_space<vmem>>, vector<128x128xf32>
    %dot_general3A = arith.constant dense<0.000000e+00> : vector<512x128xf32>
    %dot_general3A_18 = tpu.matmul %get3A_14, %get3A_17, %dot_general3A {dimension_numbers = #tpu.dot_dimension_numbers<[1], [0], [0], [1], [0, 0, 1, 1], [], []>, transpose_lhs_hint = false} : vector<512x128xf32>, vector<128x128xf32>, vector<512x128xf32> -> vector<512x128xf32>
    %mul3A = vector.broadcast %rsqrt3A : vector<512x1xf32> to vector<512x128xf32>
    %mul3A_19 = arith.mulf %dot_general3A_18, %mul3A : vector<512x128xf32>
    %swap3A = arith.constant 0 : index
    %swap3A_20 = arith.constant 0 : index
    %swap3A_21 = vector.load %arg4[%swap3A, %swap3A_20] : memref<512x128xf32, #tpu.memory_space<vmem>>, vector<512x128xf32>
    tpu.vector_store %arg4[%swap3A, %swap3A_20], %mul3A_19 {strides = array<i32>} : memref<512x128xf32, #tpu.memory_space<vmem>>, vector<512x128xf32>,
    %swap3A_22 = arith.constant 0 : index
    %swap3A_23 = arith.constant 0 : index
    %swap3A_24 = vector.load %arg5[%swap3A_22, %swap3A_23] : memref<512x1xf32, #tpu.memory_space<vmem>>, vector<512x1xf32>
    tpu.vector_store %arg5[%swap3A_22, %swap3A_23], %rsqrt3A {strides = array<i32>} : memref<512x1xf32, #tpu.memory_space<vmem>>, vector<512x1xf32>,
    return
  }
  func.func @transform_0(%arg0: i32) -> (i32, i32) {
    %c0_i32 = arith.constant 0 : i32
    %c0_i32_0 = arith.constant 0 : i32
    return %arg0, %c0_i32 : i32, i32
  }
  func.func @transform_1(%arg0: i32) -> (i32, i32) {
    %c0_i32 = arith.constant 0 : i32
    %c0_i32_0 = arith.constant 0 : i32
    %c0_i32_1 = arith.constant 0 : i32
    return %c0_i32, %c0_i32_0 : i32, i32
  }
  func.func @transform_2(%arg0: i32) -> (i32, i32, i32) {
    %c0_i32 = arith.constant 0 : i32
    %c0_i32_0 = arith.constant 0 : i32
    %c0_i32_1 = arith.constant 0 : i32
    return %c0_i32, %arg0, %c0_i32_0 : i32, i32, i32
  }
  func.func @transform_3(%arg0: i32) -> (i32, i32) {
    %c0_i32 = arith.constant 0 : i32
    %c0_i32_0 = arith.constant 0 : i32
    return %arg0, %c0_i32 : i32, i32
  }
  func.func @transform_4(%arg0: i32) -> (i32, i32) {
    %c0_i32 = arith.constant 0 : i32
    %c0_i32_0 = arith.constant 0 : i32
    return %arg0, %c0_i32 : i32, i32
  }
}

module attributes {stable_mosaic.version = 14 : i64} {
  func.func @_tc2_body(%arg0: i32, %arg1: memref<2x512x128xf32, #tpu.memory_space<vmem>>, %arg2: memref<512x1xf32, #tpu.memory_space<vmem>>, %arg3: memref<1x128xf32, #tpu.memory_space<vmem>>, %arg4: memref<128x128xf32, #tpu.memory_space<vmem>>, %arg5: memref<512x128xf32, #tpu.memory_space<vmem>>) attributes {dimension_semantics = [#tpu.dimension_semantics<arbitrary>], iteration_bounds = array<i64: 20>, scalar_prefetch = 0 : i64, scratch_operands = 0 : i64, tpu.core_type = #tpu.core_type<tc>, window_params = [{transform_indices = @transform_0, window_bounds = array<i64: 2, 512, 128>}, {transform_indices = @transform_1, window_bounds = array<i64: 512, 1>}, {pipeline_mode = #tpu.pipeline_mode<synchronous>, transform_indices = @transform_2, window_bounds = array<i64: 1, 128>}, {pipeline_mode = #tpu.pipeline_mode<synchronous>, transform_indices = @transform_3, window_bounds = array<i64: 128, 128>}, {transform_indices = @transform_4, window_bounds = array<i64: 512, 128>}]} {
    %get3A = arith.constant 0 : index
    %get3A_0 = arith.constant 0 : index
    %get3A_1 = arith.constant 0 : index
    %get3A_2 = vector.load %arg1[%get3A, %get3A_0, %get3A_1] : memref<2x512x128xf32, #tpu.memory_space<vmem>>, vector<1x512x128xf32>
    %get3A_3 = vector.shape_cast %get3A_2 : vector<1x512x128xf32> to vector<512x128xf32>
    %get3A_4 = arith.constant 1 : index
    %get3A_5 = arith.constant 0 : index
    %get3A_6 = arith.constant 0 : index
    %get3A_7 = vector.load %arg1[%get3A_4, %get3A_5, %get3A_6] : memref<2x512x128xf32, #tpu.memory_space<vmem>>, vector<1x512x128xf32>
    %get3A_8 = vector.shape_cast %get3A_7 : vector<1x512x128xf32> to vector<512x128xf32>
    %add3A = arith.addf %get3A_3, %get3A_8 : vector<512x128xf32>
    %get3A_9 = arith.constant 0 : index
    %get3A_10 = arith.constant 0 : index
    %get3A_11 = vector.load %arg2[%get3A_9, %get3A_10] : memref<512x1xf32, #tpu.memory_space<vmem>>, vector<512x1xf32>
    %mul3A = vector.broadcast %get3A_11 : vector<512x1xf32> to vector<512x128xf32>
    %mul3A_12 = arith.mulf %mul3A, %add3A : vector<512x128xf32>
    %get3A_13 = arith.constant 0 : index
    %get3A_14 = arith.constant 0 : index
    %get3A_15 = vector.load %arg3[%get3A_13, %get3A_14] : memref<1x128xf32, #tpu.memory_space<vmem>>, vector<1x128xf32>
    %add3A_16 = vector.broadcast %get3A_15 : vector<1x128xf32> to vector<512x128xf32>
    %add3A_17 = arith.addf %mul3A_12, %add3A_16 : vector<512x128xf32>
    %max3A = arith.constant 0.000000e+00 : f32
    %max3A_18 = vector.broadcast %max3A : f32 to vector<512x128xf32>
    %max3A_19 = arith.maximumf %add3A_17, %max3A_18 : vector<512x128xf32>
    %get3A_20 = arith.constant 0 : index
    %get3A_21 = arith.constant 0 : index
    %get3A_22 = vector.load %arg4[%get3A_20, %get3A_21] : memref<128x128xf32, #tpu.memory_space<vmem>>, vector<128x128xf32>
    %dot_general3A = arith.constant dense<0.000000e+00> : vector<512x128xf32>
    %dot_general3A_23 = tpu.matmul %max3A_19, %get3A_22, %dot_general3A {dimension_numbers = #tpu.dot_dimension_numbers<[1], [0], [0], [1], [0, 0, 1, 1], [], []>, transpose_lhs_hint = false} : vector<512x128xf32>, vector<128x128xf32>, vector<512x128xf32> -> vector<512x128xf32>
    %get3A_24 = arith.constant 0 : index
    %get3A_25 = arith.constant 0 : index
    %get3A_26 = vector.load %arg2[%get3A_24, %get3A_25] : memref<512x1xf32, #tpu.memory_space<vmem>>, vector<512x1xf32>
    %mul3A_27 = vector.broadcast %get3A_26 : vector<512x1xf32> to vector<512x128xf32>
    %mul3A_28 = arith.mulf %dot_general3A_23, %mul3A_27 : vector<512x128xf32>
    %swap3A = arith.constant 0 : index
    %swap3A_29 = arith.constant 0 : index
    %swap3A_30 = vector.load %arg5[%swap3A, %swap3A_29] : memref<512x128xf32, #tpu.memory_space<vmem>>, vector<512x128xf32>
    tpu.vector_store %arg5[%swap3A, %swap3A_29], %mul3A_28 {strides = array<i32>} : memref<512x128xf32, #tpu.memory_space<vmem>>, vector<512x128xf32>,
    return
  }
  func.func @transform_0(%arg0: i32) -> (i32, i32, i32) {
    %c0_i32 = arith.constant 0 : i32
    %c0_i32_0 = arith.constant 0 : i32
    %c0_i32_1 = arith.constant 0 : i32
    return %c0_i32, %arg0, %c0_i32_0 : i32, i32, i32
  }
  func.func @transform_1(%arg0: i32) -> (i32, i32) {
    %c0_i32 = arith.constant 0 : i32
    %c0_i32_0 = arith.constant 0 : i32
    return %arg0, %c0_i32 : i32, i32
  }
  func.func @transform_2(%arg0: i32) -> (i32, i32) {
    %c0_i32 = arith.constant 0 : i32
    %c0_i32_0 = arith.constant 0 : i32
    %c0_i32_1 = arith.constant 0 : i32
    return %c0_i32, %c0_i32_0 : i32, i32
  }
  func.func @transform_3(%arg0: i32) -> (i32, i32) {
    %c0_i32 = arith.constant 0 : i32
    %c0_i32_0 = arith.constant 0 : i32
    %c0_i32_1 = arith.constant 0 : i32
    return %c0_i32, %c0_i32_0 : i32, i32
  }
  func.func @transform_4(%arg0: i32) -> (i32, i32) {
    %c0_i32 = arith.constant 0 : i32
    %c0_i32_0 = arith.constant 0 : i32
    return %arg0, %c0_i32 : i32, i32
  }
}

module attributes {stable_mosaic.version = 14 : i64} {
  func.func @_tc3_body(%arg0: i32, %arg1: memref<2x512x128xf32, #tpu.memory_space<vmem>>, %arg2: memref<512x1xf32, #tpu.memory_space<vmem>>, %arg3: memref<1x128xf32, #tpu.memory_space<vmem>>, %arg4: memref<512x128xf32, #tpu.memory_space<vmem>>) attributes {dimension_semantics = [#tpu.dimension_semantics<arbitrary>], iteration_bounds = array<i64: 20>, scalar_prefetch = 0 : i64, scratch_operands = 0 : i64, tpu.core_type = #tpu.core_type<tc>, window_params = [{transform_indices = @transform_0, window_bounds = array<i64: 2, 512, 128>}, {transform_indices = @transform_1, window_bounds = array<i64: 512, 1>}, {pipeline_mode = #tpu.pipeline_mode<synchronous>, transform_indices = @transform_2, window_bounds = array<i64: 1, 128>}, {transform_indices = @transform_3, window_bounds = array<i64: 512, 128>}]} {
    %get3A = arith.constant 0 : index
    %get3A_0 = arith.constant 0 : index
    %get3A_1 = vector.load %arg2[%get3A, %get3A_0] : memref<512x1xf32, #tpu.memory_space<vmem>>, vector<512x1xf32>
    %get3A_2 = arith.constant 0 : index
    %get3A_3 = arith.constant 0 : index
    %get3A_4 = arith.constant 0 : index
    %get3A_5 = vector.load %arg1[%get3A_2, %get3A_3, %get3A_4] : memref<2x512x128xf32, #tpu.memory_space<vmem>>, vector<1x512x128xf32>
    %get3A_6 = vector.shape_cast %get3A_5 : vector<1x512x128xf32> to vector<512x128xf32>
    %get3A_7 = arith.constant 1 : index
    %get3A_8 = arith.constant 0 : index
    %get3A_9 = arith.constant 0 : index
    %get3A_10 = vector.load %arg1[%get3A_7, %get3A_8, %get3A_9] : memref<2x512x128xf32, #tpu.memory_space<vmem>>, vector<1x512x128xf32>
    %get3A_11 = vector.shape_cast %get3A_10 : vector<1x512x128xf32> to vector<512x128xf32>
    %add3A = arith.addf %get3A_6, %get3A_11 : vector<512x128xf32>
    %mul3A = vector.broadcast %get3A_1 : vector<512x1xf32> to vector<512x128xf32>
    %mul3A_12 = arith.mulf %mul3A, %add3A : vector<512x128xf32>
    %get3A_13 = arith.constant 0 : index
    %get3A_14 = arith.constant 0 : index
    %get3A_15 = vector.load %arg3[%get3A_13, %get3A_14] : memref<1x128xf32, #tpu.memory_space<vmem>>, vector<1x128xf32>
    %add3A_16 = vector.broadcast %get3A_15 : vector<1x128xf32> to vector<512x128xf32>
    %add3A_17 = arith.addf %mul3A_12, %add3A_16 : vector<512x128xf32>
    %swap3A = arith.constant 0 : index
    %swap3A_18 = arith.constant 0 : index
    %swap3A_19 = vector.load %arg4[%swap3A, %swap3A_18] : memref<512x128xf32, #tpu.memory_space<vmem>>, vector<512x128xf32>
    tpu.vector_store %arg4[%swap3A, %swap3A_18], %add3A_17 {strides = array<i32>} : memref<512x128xf32, #tpu.memory_space<vmem>>, vector<512x128xf32>,
    return
  }
  func.func @transform_0(%arg0: i32) -> (i32, i32, i32) {
    %c0_i32 = arith.constant 0 : i32
    %c0_i32_0 = arith.constant 0 : i32
    %c0_i32_1 = arith.constant 0 : i32
    return %c0_i32, %arg0, %c0_i32_0 : i32, i32, i32
  }
  func.func @transform_1(%arg0: i32) -> (i32, i32) {
    %c0_i32 = arith.constant 0 : i32
    %c0_i32_0 = arith.constant 0 : i32
    return %arg0, %c0_i32 : i32, i32
  }
  func.func @transform_2(%arg0: i32) -> (i32, i32) {
    %c0_i32 = arith.constant 0 : i32
    %c0_i32_0 = arith.constant 0 : i32
    %c0_i32_1 = arith.constant 0 : i32
    return %c0_i32, %c0_i32_0 : i32, i32
  }
  func.func @transform_3(%arg0: i32) -> (i32, i32) {
    %c0_i32 = arith.constant 0 : i32
    %c0_i32_0 = arith.constant 0 : i32
    return %arg0, %c0_i32 : i32, i32
  }
}

</mosaic_0001>

<sc_bundles>
// kernel: kernel.12.cloned.1.call-start
scs
__scs_entry_jumppad:
0x0: {  	(pc) =	sbr.rel $0x88, $3  }
0x1: {  	(tag) =	ssettag $0x0;
	lr =	simm.s32 $0x1  }
0x2: {  	[smem:$0x3F9B] =	sst lr;
	_ =	strace $0xD0000000  }
0x3: {  	_ = 	snop  }
0x4: {  	_ = 	snop  }
0x5: {  	_ = 	snop  }
0x6: {  	_ = 	snop  }
0x7: {  	_ = 	snop  }
__scs_overlays_trampoline_lowered:
0x8: {  	[smem:$0x3FAA] =	sst s0  }
0x9: {  	[smem:$0x3FAB] =	sst s1  }
0xa: {  	[smem:$0x3FAC] =	sst s2  }
0xb: {  	[smem:$0x3FAD] =	sst s3  }
0xc: {  	[smem:$0x3FAE] =	sst s4  }
0xd: {  	[smem:$0x3FAF] =	sst s5  }
0xe: {  	[smem:$0x3FB0] =	sst s6  }
0xf: {  	[smem:$0x3FB1] =	sst s7  }
0x10: {  	[smem:$0x3FB2] =	sst s8  }
0x11: {  	[smem:$0x3FB3] =	sst s9;
	s0 =	simm.s32 @!p0 $0x0  }
0x12: {  	s1 =	sld [smem:$0x3F99];
	s0 =	simm.s32 @p0 $0x1  }
0x13: {  	[smem:$0x3FB4] =	sst s0;
	s0 =	simm.s32 @!p1 $0x0  }
0x14: {  	s2 =	sld [smem:$0x3F98];
	s0 =	simm.s32 @p1 $0x1  }
0x15: {  	[smem:$0x3FB5] =	sst s0;
	s0 =	simm.s32 @!p2 $0x0  }
0x16: {  	s3 =	sld [smem:$0x3FDB];
	s0 =	simm.s32 @p2 $0x1  }
0x17: {  	s4 =	simm.s32 $0x1BF5;
	[smem:$0x3FB7] =	sst s0  }
0x18: {  	s0 =	sld [smem:$0x3F9A];
	_ =	swait.ge [sflag:s4], $0x0  }
0x19: {  	s7 =	sld [smem:$0x3F9B]  }
0x1a: {  	s8 =	sadd.s32 $0xFFFFE003, lr  }
0x1b: {  	s9 =	sadd.s32 $0xFFFFFEF7, lr;
	s5 =	simm.s32 $0xFFFFFFFF;
	p2 =	slt.u32 s8, $0xFFFFF086  }
0x1c: {  	p1 =	slt.u32 s9, $0xF7A;
	s5 =	simm.s32 @!p2 $0x0  }
0x1d: {  	s5 =	simm.s32 @p1 $0x1;
	p0 =	seq.s32 s7, s2  }
0x1e: {  	s7 =	smul.u32 @!p0 $0xF7A, s2;
	p2 =	seq.s32 @!p0 s5, $0x0  }
0x1f: {  	s9 =	smul.u32 $0xF7A, s1;
	s8 =	simm.s32 @!p0 $0x1BF5;
	p2 =	por !p2, p0  }
0x20: {  	[sflag:s8] =	ssyncset.s32 @!p0 $0xFFFFF086;
	s6 =	sadd.s32 @!p0 s3, s7;
	s7 =	simm.s32 @!p0 $0x108  }
0x21: {  	s3 =	sadd.s32 s3, s9;
	s6 =	sadd.s32 @!p0 $0x88, s6;
	s7 =	simm.s32 @p2 $0x1082  }
0x22: {  	[simem:s7], [sflag:s8] =	dma.local @!p0 [hbm:s6], $0xF7A  }
0x23: {  	s9 =	sor.u32 $0xD0000000, s2;
	s6 =	simm.s32 $0x108;
	_ =	swait.ge @!p0 [sflag:s8], $0x0  }
0x24: {  	s3 =	sadd.s32 $0x88, s3;
	s6 =	simm.s32 @!p1 $0x1082;
	[sflag:s4] =	ssyncset.s32 $0xFFFFF086  }
0x25: {  	[simem:s6], [sflag:s4] =	dma.local [hbm:s3], $0xF7A  }
0x26: {  	[smem:$0x3F9B] =	sst s1;
	(tag) =	ssettag s2;
	_ =	strace s9  }
0x27: {  	s1 =	sld [smem:$0x3FAB]  }
0x28: {  	s2 =	sld [smem:$0x3FAC]  }
0x29: {  	s4 =	sld [smem:$0x3FAE]  }
0x2a: {  	p0 =	seq.s32 s5, $0x0;
	s5 =	sld [smem:$0x3FAF]  }
0x2b: {  	s6 =	sld [smem:$0x3FB0]  }
0x2c: {  	s7 =	sld [smem:$0x3FB1]  }
0x2d: {  	s3 =	simm.s32 $0x108;
	s8 =	sld [smem:$0x3FB2]  }
0x2e: {  	s3 =	simm.s32 @!p0 $0x1082;
	s9 =	sld [smem:$0x3FB3]  }
0x2f: {  	lr =	sadd.s32 s0, s3;
	s0 =	sld [smem:$0x3FAA]  }
0x30: {  	s3 =	sld [smem:$0x3FAD]  }
0x31: {  	[smem:$0x3FB6] =	sst s10  }
0x32: {  	s10 =	sld [smem:$0x3FB4];
	_ =	sdelay $0x3  }
0x33: {  	p0 =	seq.s32 s10, $0x1;
	s10 =	sld [smem:$0x3FB6];
	_ =	sdelay $0x3  }
0x34: {  	[smem:$0x3FB6] =	sst s10  }
0x35: {  	s10 =	sld [smem:$0x3FB5];
	_ =	sdelay $0x3  }
0x36: {  	p1 =	seq.s32 s10, $0x1;
	s10 =	sld [smem:$0x3FB6];
	_ =	sdelay $0x3  }
0x37: {  	[smem:$0x3FB6] =	sst s10  }
0x38: {  	s10 =	sld [smem:$0x3FB7]  }
0x39: {  	_ = 	snop;
	(pc) =	sbr.ind lr, $3  }
0x3a: {  	_ = 	snop  }
0x3b: {  	_ = 	snop  }
0x3c: {  	p2 =	seq.s32 s10, $0x1;
	s10 =	sld [smem:$0x3FB6]  }
0x3d: {  	_ =	shalt  }
0x3e: {  	_ =	shalt  }
0x3f: {  	_ =	shalt  }
0x40: {  	_ =	shalt  }
0x41: {  	_ =	shalt  }
0x42: {  	_ =	shalt  }
0x43: {  	_ =	shalt  }
0x44: {  	_ =	shalt  }
0x45: {  	_ =	shalt  }
0x46: {  	_ =	shalt  }
0x47: {  	_ =	shalt  }
0x48: {  	_ =	shalt  }
0x49: {  	_ =	shalt  }
0x4a: {  	_ =	shalt  }
0x4b: {  	_ =	shalt  }
0x4c: {  	_ =	shalt  }
0x4d: {  	_ =	shalt  }
0x4e: {  	_ =	shalt  }
0x4f: {  	_ =	shalt  }
0x50: {  	_ =	shalt  }
0x51: {  	_ =	shalt  }
0x52: {  	_ =	shalt  }
0x53: {  	_ =	shalt  }
0x54: {  	_ =	shalt  }
0x55: {  	_ =	shalt  }
0x56: {  	_ =	shalt  }
0x57: {  	_ =	shalt  }
0x58: {  	_ =	shalt  }
0x59: {  	_ =	shalt  }
0x5a: {  	_ =	shalt  }
0x5b: {  	_ =	shalt  }
0x5c: {  	_ =	shalt  }
0x5d: {  	_ =	shalt  }
0x5e: {  	_ =	shalt  }
0x5f: {  	_ =	shalt  }
0x60: {  	_ =	shalt  }
0x61: {  	_ =	shalt  }
0x62: {  	_ =	shalt  }
0x63: {  	_ =	shalt  }
0x64: {  	_ =	shalt  }
0x65: {  	_ =	shalt  }
0x66: {  	_ =	shalt  }
0x67: {  	_ =	shalt  }
0x68: {  	_ =	shalt  }
0x69: {  	_ =	shalt  }
0x6a: {  	_ =	shalt  }
0x6b: {  	_ =	shalt  }
0x6c: {  	_ =	shalt  }
0x6d: {  	_ =	shalt  }
0x6e: {  	_ =	shalt  }
0x6f: {  	_ =	shalt  }
0x70: {  	_ =	shalt  }
0x71: {  	_ =	shalt  }
0x72: {  	_ =	shalt  }
0x73: {  	_ =	shalt  }
0x74: {  	_ =	shalt  }
0x75: {  	_ =	shalt  }
0x76: {  	_ =	shalt  }
0x77: {  	_ =	shalt  }
0x78: {  	_ =	shalt  }
0x79: {  	_ =	shalt  }
0x7a: {  	_ =	shalt  }
0x7b: {  	_ =	shalt  }
0x7c: {  	_ =	shalt  }
0x7d: {  	_ =	shalt  }
0x7e: {  	_ =	shalt  }
0x7f: {  	_ =	shalt  }
0x80: {  	_ =	shalt  }
0x81: {  	_ =	shalt  }
0x82: {  	_ =	shalt  }
0x83: {  	_ =	shalt  }
0x84: {  	_ =	shalt  }
0x85: {  	_ =	shalt  }
0x86: {  	_ =	shalt  }
0x87: {  	_ =	shalt  }
.Lfunc_end0:
.L_simem_size_0:
called_computation.1_lowered:
.L_overlay_start_0:
0x88: {  	s2 =	sld [smem:$0x3FD9]  }
0x89: {  	s3 =	sld [smem:$0x3FFE];
	_ =	sdelay $0x1  }
0x8a: {  	s1 =	srdreg.scid  }
0x8b: {  	s0 =	sand.u32 $0x1, s1  }
0x8c: {  	s16 =	sshll.u32 s0, $0xA;
	s2 =	sadd.s32 s3, s2  }
0x8d: {  	s2 =	sadd.s32 s2, s16  }
0x8e: {  	[smem:$0x3FC2] =	sst s2  }
0x8f: {  	_ = 	snop  }
0x90: {  	(tm) =	ssettm $0x1  }
0x91: {  	s17 =	sld [smem:$0x3FFB];
	_ =	sdelay $0x3  }
0x92: {  	_ =	strace s17  }
0x93: {  	s2 =	sld [smem:$0x3FFC];
	_ =	sdelay $0x3  }
0x94: {  	_ =	strace s2  }
0x95: {  	s2 =	sld [smem:$0x3FFD];
	_ =	sdelay $0x3  }
0x96: {  	_ =	strace s2  }
0x97: {  	_ =	strace $0x8FFFFFFF  }
0x98: {  	s18 =	sld [smem:$0x3FDB];
	_ =	sdelay $0x1  }
0x99: {  	s19 =	simm.s32 $_scs_section_size  }
0x9a: {  	s4 =	simm.s32 $_size__tile_overlayer_lowered;
	s5 =	simm.s32 $_tile_overlayer_lowered  }
0x9b: {  	s22 =	simm.s32 $0x1BFF;
	s21 =	sshll.u32 s5, $0x1;
	s2 =	sadd.s32 s19, s18  }
0x9c: {  	s6 =	simm.s32 $0x0;
	s20 =	sshll.u32 s4, $0x1;
	s4 =	sadd.s32 s21, s2  }
0x9d: {  	[timem:s6], [sflag:s22] =	dma.local [hbm:s4], s20  }
0x9e: {  	_ =	swait.ge [sflag:s22], s20  }
0x9f: {  	s3 =	ssub.s32 $0x0, s20;
	[sflag:s22] =	ssyncset.done $0x0  }
0xa0: {  	[sflag:s22] =	ssyncadd.s32 s3;
	_ =	sdelay $0x1  }
0xa1: {  	s23 =	simm.s32 $0x1B8B  }
0xa2: {  	_ =	swait.ge [sflag:s23], $0x1  }
0xa3: {  	[sflag:s23] =	ssyncset.done $0x0  }
0xa4: {  	s25 =	simm.s32 $0x1B8E;
	s24 =	sld [smem:$0x3FFE];
	[sflag:s23] =	ssyncadd.s32 $0xFFFFFFFF  }
0xa5: {  	s26 =	simm.s32 $execute0_lowered;
	[smem:$0x3FD2] =	sst s25  }
0xa6: {  	s4 =	sshll.u32 s26, $0x1;
	_ =	strace $0x80000049;
	[dreg:$0x1] =	wrdreg $0xFFFFFFFF  }
0xa7: {  	s28 =	simm.s32 $_size_execute0_lowered;
	s2 =	sadd.s32 s2, s4;
	[dreg:$0x0] =	wrdreg $0x0  }
0xa8: {  	s4 =	sshll.u32 s28, $0x1;
	[dreg:$0x2] =	wrdreg s2  }
0xa9: {  	[dreg:$0x3] =	wrdreg s4  }
0xaa: {  	[dreg:$0x4] =	wrdreg $0xC0  }
0xab: {  	_ =	task [dreg:s6], $0x5FFFF  }
0xac: {  	[dreg:$0x1] =	wrdreg $0xFFFFFFFF  }
0xad: {  	[dreg:$0x0] =	wrdreg $0x60  }
0xae: {  	[dreg:$0x2] =	wrdreg s24  }
0xaf: {  	[dreg:$0x3] =	wrdreg $0x83000  }
0xb0: {  	[dreg:$0x4] =	wrdreg $0x9  }
0xb1: {  	_ =	task.clear_ibuf [dreg:s6], $0x5FFFF;
	_ =	strace $0x90000049  }
0xb2: {  	s29 =	simm.s32 $0x9;
	_ =	strace $0x8000004B  }
0xb3: {  	_ =	swait.ge [sflag:s29], $0x1  }
0xb4: {  	[sflag:s29] =	ssyncadd.s32 $0xFFFFFFFF  }
0xb5: {  	_ =	strace $0x9000004B  }
0xb6: {  	_ =	sfence  }
0xb7: {  	s30 =	sld [smem:$0x0];
	_ =	sdelay $0x2  }
0xb8: {  	s31 =	sshll.u32 s1, $0xD;
	s1 =	sshrl.u32 s1, $0x2  }
0xb9: {  	s3 =	sand.u32 $0x4000, s31;
	s1 =	sadd.s32 s1, s30  }
0xba: {  	s0 =	sor.u32 s3, s0;
	s1 =	sshll.u32 s1, $0x11  }
0xbb: {  	s0 =	sor.u32 s1, s0  }
0xbc: {  	s0 =	sadd.s32 $0x8F2B, s0  }
0xbd: {  	[sflag:s0] =	ssyncadd.remote.s32 $0x1  }
0xbe: {  	_ =	sfence.sel $0xFFFF  }
0xbf: {  	[dreg:$0x0] =	wrdreg $0xFFFFFFFF;
	(pc) =	sbr.abs _section_cstart, $3  }
0xc0: {  	[dreg:$0x1] =	wrdreg $0xFFFFFFFF  }
0xc1: {  	_ =	task.clear_ibuf [dreg:s6], $0x2FFFF;
	_ =	strace $0x9FFFFFFF  }
0xc2: {  	(tm) =	ssettm $0x7FFFFFFF  }
0xc3: {  	_ =	shalt  }
tec
execute0_lowered:
.L_overlay_start_1:
0x0: {  	(tag) =	ssettag $0x1  }
0x1: {  	s0 =	rddreg [dreg:$0x0]  }
0x2: {  	s1 =	rddreg [dreg:$0x1];
	s2 =	simm.s32 $0x0  }
0x3: {  	s3 =	srdreg.scid;
	s15 =	stileid.u32;
	s17 =	simm.s32 $0x9  }
0x4: {  	s28 =	simm.s32 $0x40;
	s29 =	simm.s32 $0x300;
	s30 =	simm.s32 $0x180  }
0x5: {  	s31 =	simm.s32 $0x2300;
	[smem:$0x7FF] =	sst s2;
	s4 =	sadd.s32 $0x2A800, s0  }
0x6: {  	s3 =	sand.u32 $0x1, s3;
	s5 =	sadd.s32 $0x2800, s0;
	s9 =	smul.u32 $0x2800, s15  }
0x7: {  	s6 =	sadd.s32 $0x16800, s0;
	s11 =	sadd.s32 $0x52800, s0;
	s19 =	smul.u32 $0x50000, s15  }
0x8: {  	s26 =	sshll.u32 s15, $0x6;
	_ =	strace $0x8000004A;
	s7 =	sshll.u32 s3, $0x4  }
0x9: {  	s8 =	smul.u32 $0x28000, s3;
	s12 =	ssub.s32 $0x2, s3;
	p0 =	seq.s32 s3, $0x0  }
0xa: {  	s3 =	simm.s32 $0x8;
	s10 =	sor.u32 s15, s7;
	s14 =	sshrl.u32 s12, $0x1  }
0xb: {  	s11 =	smov.u32 @p0 s4;
	s15 =	sor.u32 $0x1C09, s26;
	s7 =	smul.u32 $0x2800, s10  }
0xc: {  	s26 =	simm.s32 $0x3;
	s13 =	sadd.s32 s9, s8;
	s8 =	smul.u32 $0x5000, s10  }
0xd: {  	s18 =	ssub.s32 s12, s14;
	s12 =	sshrl.u32 s19, $0x2;
	s9 =	sadd.s32 s11, s9  }
0xe: {  	s19 =	simm.s32 $0x100;
	s11 =	simm.s32 $0x6;
	[dreg:$0xa] =	wrdreg s15  }
0xf: {  	s0 =	sadd.s32 s13, s0;
	s23 =	sadd.s32 s12, s1;
	s10 =	smax.u32 s18, $0x1  }
0x10: {  	[dreg:$0x9] =	wrdreg s9;
	s12 =	simm.s32 $0x4;
	s9 =	simm.s32 $0x280  }
0x11: {  	s20 =	sshrl.u32 s7, $0x3;
	s21 =	sshrl.u32 s8, $0x3;
	s0 =	sadd.s32 $0x7A800, s0  }
0x12: {  	[dreg:$0x8] =	wrdreg s10;
	s16 =	sshrl.u32 s23, $0x3;
	s23 =	simm.s32 $0x2  }
0x13: {  	s10 =	simm.s32 $0x0;
	s22 =	sadd.s32 s5, s20;
	[dreg:$0x7] =	wrdreg s0  }
.Ltmp0:
0x14: {  	s13 =	sadd.s32 s6, s21;
	[dreg:$0xb] =	wrdreg s16;
	(pc) =	sbr.rel .LBB2_1-.Ltmp0, $4  }
0x15: {  	s20 =	simm.s32 $0x80;
	s21 =	simm.s32 $0x200;
	[dreg:$0x3] =	wrdreg s22  }
0x16: {  	s0 =	simm.s32 $0x7;
	s24 =	sadd.s32 $0x10, s22;
	[dreg:$0x4] =	wrdreg s13  }
0x17: {  	s25 =	sadd.s32 $0x20, s13;
	s13 =	simm.s32 $0x6300;
	[dreg:$0x5] =	wrdreg s24  }
0x18: {  	[dreg:$0x6] =	wrdreg s25;
	s24 =	simm.s32 $0x4300;
	s25 =	simm.s32 $0x5  }
.LBB2_4:
0x19: {  	[bflag:$0x0] =	sbarrier.arrive $0xFFFF  }
0x1a: {  	s14 =	rddreg [dreg:$0x7]  }
0x1b: {  	s15 =	rddreg [dreg:$0xa]  }
0x1c: {  	s17 =	simm.s32 $0x9;
	s16 =	rddreg [dreg:$0xb]  }
0x1d: {  	[hbm:s14], [sflag:s15] =	dma.local [spmem:s16], $0x2800  }
0x1e: {  	_ =	swait.ge [sflag:s17], $0x2800  }
0x1f: {  	s10 =	sadd.s32 $0x1, s10;
	s22 =	rddreg [dreg:$0x8]  }
0x20: {  	p0 =	sne.s32 s10, s22  }
.Ltmp1:
0x21: {  	_ = 	snop;
	(pc) =	sbr.rel @!p0 .LBB2_5-.Ltmp1, $3  }
0x22: {  	_ =	sdelay $0x1  }
0x23: {  	[sflag:s17] =	ssyncset.done $0x0  }
0x24: {  	[sflag:s17] =	ssyncadd.s32 $0xFFFFD800  }
.LBB2_1:
0x25: {  	s14 =	rddreg [dreg:$0x9]  }
0x26: {  	[spmem:s16], [sflag:s15] =	dma.local [hbm:s14], $0x2800  }
0x27: {  	_ =	swait.ge [sflag:s17], $0x2800  }
0x28: {  	[sflag:s17] =	ssyncset.done $0x0  }
0x29: {  	[sflag:s17] =	ssyncadd.s32 $0xFFFFD800  }
0x2a: {  	[bflag:$0x0] =	sbarrier.arrive $0xFFFF  }
0x2b: {  	s15 =	rddreg [dreg:$0x3]  }
0x2c: {  	[tilespmem:s2], [sflag:$0x1] =	stream.linear.gather [hbm4b:s15+s2], $0x80, $0x38;
	[tilespmem:$0x1C300] =	vst v63  }
0x2d: {  	s16 =	rddreg [dreg:$0x4]  }
0x2e: {  	[tilespmem:s19], [sflag:$0x3] =	stream.linear.gather [hbm4b:s16+s2], $0x100, $0x38;
	[tilespmem:$0x1C300] =	vst v63  }
0x2f: {  	s17 =	rddreg [dreg:$0x5]  }
0x30: {  	[tilespmem:s20], [sflag:$0x2] =	stream.linear.gather [hbm4b:s17+s2], $0x80, $0x38;
	[tilespmem:$0x1C300] =	vst v63  }
0x31: {  	s22 =	simm.s32 $0x1;
	s18 =	rddreg [dreg:$0x6]  }
0x32: {  	[tilespmem:s21], [sflag:$0x4] =	stream.linear.gather [hbm4b:s18+s2], $0x100, $0x38;
	[tilespmem:$0x1C300] =	vst v63  }
0x33: {  	_ =	swait.ge [sflag:s22], $0x80  }
0x34: {  	[sflag:s22] =	ssyncset.done $0x0  }
0x35: {  	[sflag:s22] =	ssyncadd.s32 $0xFFFFFF80  }
0x36: {  	[tilespmem:s29], [sflag:$0x5] =	stream.indirect.gather [hbm4b:s4+s20], $0x80, s2, s20, $0xb8;
	[tilespmem:$0x1C300] =	vst v63  }
0x37: {  	_ =	swait.ge [sflag:s23], $0x80  }
0x38: {  	[sflag:s23] =	ssyncset.done $0x0  }
0x39: {  	s14 =	simm.s32 $0x180;
	s15 =	simm.s32 $0x300;
	[sflag:s23] =	ssyncadd.s32 $0xFFFFFF80  }
0x3a: {  	[tilespmem:s24], [sflag:$0x6] =	stream.indirect.gather [hbm4b:s4+s20], $0x80, s20, s20, $0xb8;
	[tilespmem:$0x1C300] =	vst v63  }
.LBB2_2:
0x3b: {  	p0 =	seq.s32 s14, $0x2880  }
0x3c: {  	s22 =	sadd.s32 @!p0 $0xFFFFFF80, s14  }
0x3d: {  	s16 =	sand.u32 @!p0 $0x7C00, s22  }
0x3e: {  	s22 =	sand.u32 @!p0 $0x300, s22;
	s16 =	sadd.s32 @!p0 s7, s16  }
0x3f: {  	_ =	swait.ge [sflag:s25], $0x4000;
	s16 =	sor.u32 @!p0 s22, s16  }
0x40: {  	[sflag:s25] =	ssyncset.done $0x0;
	s16 =	sshrl.u32 @!p0 s16, $0x3  }
0x41: {  	[sflag:s25] =	ssyncadd.s32 $0xFFFFC000;
	s22 =	simm.s32 @!p0 $0x0;
	s16 =	sadd.s32 @!p0 s5, s16  }
0x42: {  	[tilespmem:s22], [sflag:$0x1] =	stream.linear.gather @!p0 [hbm4b:s16+s22], $0x80, $0x38;
	[tilespmem:$0x1C300] =	vst v63  }
0x43: {  	_ =	swait.ge [sflag:s26], $0x100  }
0x44: {  	[sflag:s26] =	ssyncset.done $0x0  }
0x45: {  	[sflag:s26] =	ssyncadd.s32 $0xFFFFFF00  }
0x46: {  	[spmem:s1] =	stream.indirect.scatter.add.f32 [tilespmem:s29], [sflag:$0x7], $0x80, s19, s28, $0xb8;
	[tilespmem:$0x1C300] =	vst v63  }
0x47: {  	_ = 	snop  }
0x48: {  	[spmem:s1] =	stream.indirect.scatter.add.f32 [tilespmem:s31], [sflag:$0x8], $0x80, s30, s28, $0xb8;
	[tilespmem:$0x1C300] =	vst v63  }
0x49: {  	s16 =	sadd.s32 @!p0 $0xFFFFFF00, s15;
	_ =	swait.ge [sflag:s0], $0x2000  }
0x4a: {  	s17 =	sand.u32 @!p0 $0xFC00, s16;
	[sflag:s0] =	ssyncset.done $0x0  }
0x4b: {  	s16 =	sand.u32 @!p0 $0x200, s16;
	s17 =	sadd.s32 @!p0 s8, s17;
	[sflag:s0] =	ssyncadd.s32 $0xFFFFE000  }
0x4c: {  	s16 =	sor.u32 @!p0 s16, s17;
	_ =	swait.ge [sflag:s3], $0x2000  }
0x4d: {  	s16 =	sshrl.u32 @!p0 s16, $0x3;
	[sflag:s3] =	ssyncset.done $0x0  }
0x4e: {  	s17 =	simm.s32 @!p0 $0x100;
	s16 =	sadd.s32 @!p0 s6, s16;
	[sflag:s3] =	ssyncadd.s32 $0xFFFFE000  }
0x4f: {  	[tilespmem:s17], [sflag:$0x3] =	stream.linear.gather @!p0 [hbm4b:s16+s22], $0x100, $0x38;
	[tilespmem:$0x1C300] =	vst v63  }
0x50: {  	s16 =	simm.s32 @!p0 $0x1  }
0x51: {  	_ =	swait.ge @!p0 [sflag:s16], $0x80  }
0x52: {  	[sflag:s16] =	ssyncset.done @!p0 $0x0  }
0x53: {  	s17 =	simm.s32 @!p0 $0x300;
	[sflag:s16] =	ssyncadd.s32 @!p0 $0xFFFFFF80;
	s16 =	simm.s32 @!p0 $0x80  }
0x54: {  	[tilespmem:s17], [sflag:$0x5] =	stream.indirect.gather @!p0 [hbm4b:s4+s16], $0x80, s22, s16, $0xb8;
	[tilespmem:$0x1C300] =	vst v63  }
0x55: {  	s17 =	sand.u32 @!p0 $0x7C00, s14  }
0x56: {  	s18 =	sand.u32 @!p0 $0x380, s14;
	s17 =	sadd.s32 @!p0 s7, s17  }
0x57: {  	_ =	swait.ge [sflag:s11], $0x4000;
	s17 =	sor.u32 @!p0 s18, s17  }
0x58: {  	[sflag:s11] =	ssyncset.done $0x0;
	s17 =	sshrl.u32 @!p0 s17, $0x3  }
0x59: {  	[sflag:s11] =	ssyncadd.s32 $0xFFFFC000;
	s17 =	sadd.s32 @!p0 s5, s17  }
0x5a: {  	[tilespmem:s16], [sflag:$0x2] =	stream.linear.gather @!p0 [hbm4b:s17+s22], $0x80, $0x38;
	[tilespmem:$0x1C300] =	vst v63  }
0x5b: {  	_ =	swait.ge [sflag:s12], $0x100  }
0x5c: {  	[sflag:s12] =	ssyncset.done $0x0  }
0x5d: {  	[sflag:s12] =	ssyncadd.s32 $0xFFFFFF00  }
0x5e: {  	[spmem:s1] =	stream.indirect.scatter.add.f32 [tilespmem:s24], [sflag:$0x7], $0x80, s21, s28, $0xb8;
	[tilespmem:$0x1C300] =	vst v63  }
0x5f: {  	_ = 	snop  }
0x60: {  	[spmem:s1] =	stream.indirect.scatter.add.f32 [tilespmem:s13], [sflag:$0x8], $0x80, s9, s28, $0xb8;
	[tilespmem:$0x1C300] =	vst v63  }
0x61: {  	_ =	swait.ge [sflag:s0], $0x2000  }
.Ltmp2:
0x62: {  	[sflag:s0] =	ssyncset.done $0x0;
	(pc) =	sbr.rel @p0 .LBB2_4-.Ltmp2, $4  }
0x63: {  	[sflag:s0] =	ssyncadd.s32 $0xFFFFE000  }
0x64: {  	_ =	swait.ge [sflag:s3], $0x2000  }
0x65: {  	[sflag:s3] =	ssyncset.done $0x0  }
0x66: {  	[sflag:s3] =	ssyncadd.s32 $0xFFFFE000  }
0x67: {  	s16 =	sand.u32 $0xFC00, s15  }
0x68: {  	s17 =	sand.u32 $0x300, s15;
	s16 =	sadd.s32 s8, s16  }
0x69: {  	s16 =	sor.u32 s17, s16  }
0x6a: {  	s16 =	sshrl.u32 s16, $0x3  }
0x6b: {  	s16 =	sadd.s32 s6, s16  }
0x6c: {  	[tilespmem:s21], [sflag:$0x4] =	stream.linear.gather [hbm4b:s16+s2], $0x100, $0x38;
	[tilespmem:$0x1C300] =	vst v63  }
.Ltmp3:
0x6d: {  	_ = 	snop;
	(pc) =	sbr.rel .LBB2_2-.Ltmp3, $4  }
0x6e: {  	_ =	swait.ge [sflag:s23], $0x80  }
0x6f: {  	[sflag:s23] =	ssyncset.done $0x0  }
0x70: {  	s15 =	sadd.s32 $0x200, s15;
	s14 =	sadd.s32 $0x100, s14;
	[sflag:s23] =	ssyncadd.s32 $0xFFFFFF80  }
0x71: {  	[tilespmem:s24], [sflag:$0x6] =	stream.indirect.gather [hbm4b:s4+s20], $0x80, s20, s20, $0xb8;
	[tilespmem:$0x1C300] =	vst v63  }
.LBB2_5:
0x72: {  	_ =	sfence.sel $0x180000  }
0x73: {  	[bflag:$0x0] =	sbarrier.arrive $0xFFFF  }
0x74: {  	_ =	strace $0x9000004A  }
0x75: {  	s0 =	stileid.u32;
	[bflag:$0x2] =	sbarrier.arrive $0xFFFF  }
0x76: {  	p0 =	sne.s32 s0, $0x0;
	s0 =	rddreg [dreg:$0x2]  }
0x77: {  	s0 =	sadd.s32 @!p0 $0x100000, s0  }
0x78: {  	[sflag:s0] =	ssyncadd.tile.s32 @!p0 $0x1;
	_ =	shalt  }
.Lfunc_end2:
_tile_overlayer_lowered:
.L_overlay_start_2:
0x79: {  	(tag) =	ssettag $0x2  }
0x7a: {  	s0 =	rddreg [dreg:$0x0];
	s2 =	stileid.u32  }
0x7b: {  	s1 =	rddreg [dreg:$0x1];
	p0 =	sne.s32 s2, $0x0  }
0x7c: {  	s3 =	rddreg [dreg:$0x2];
	[bflag:$0x3] =	sbarrier.arrive $0xFFFF;
	s2 =	simm.s32 @!p0 $0x1C09  }
0x7d: {  	[timem:s3], [sflag:s2] =	dma.local @!p0 [hbm:s0], s1  }
0x7e: {  	s0 =	simm.s32 @!p0 $0x9  }
0x7f: {  	_ =	swait.ge @!p0 [sflag:s0], s1  }
0x80: {  	s1 =	ssub.s32 @!p0 $0x0, s1;
	[sflag:s0] =	ssyncset.done @!p0 $0x0  }
0x81: {  	[sflag:s0] =	ssyncadd.s32 @!p0 s1  }
0x82: {  	[bflag:$0x3] =	sbarrier.arrive $0xFFFF  }
0x83: {  	_ =	shalt  }

// kernel: kernel.15.cloned.1.call-start
scs
__scs_entry_jumppad:
0x0: {  	(pc) =	sbr.rel $0x88, $3  }
0x1: {  	(tag) =	ssettag $0x0;
	lr =	simm.s32 $0x1  }
0x2: {  	[smem:$0x3F9B] =	sst lr;
	_ =	strace $0xD0000000  }
0x3: {  	_ = 	snop  }
0x4: {  	_ = 	snop  }
0x5: {  	_ = 	snop  }
0x6: {  	_ = 	snop  }
0x7: {  	_ = 	snop  }
__scs_overlays_trampoline_lowered:
0x8: {  	[smem:$0x3FAA] =	sst s0  }
0x9: {  	[smem:$0x3FAB] =	sst s1  }
0xa: {  	[smem:$0x3FAC] =	sst s2  }
0xb: {  	[smem:$0x3FAD] =	sst s3  }
0xc: {  	[smem:$0x3FAE] =	sst s4  }
0xd: {  	[smem:$0x3FAF] =	sst s5  }
0xe: {  	[smem:$0x3FB0] =	sst s6  }
0xf: {  	[smem:$0x3FB1] =	sst s7  }
0x10: {  	[smem:$0x3FB2] =	sst s8  }
0x11: {  	[smem:$0x3FB3] =	sst s9;
	s0 =	simm.s32 @!p0 $0x0  }
0x12: {  	s1 =	sld [smem:$0x3F99];
	s0 =	simm.s32 @p0 $0x1  }
0x13: {  	[smem:$0x3FB4] =	sst s0;
	s0 =	simm.s32 @!p1 $0x0  }
0x14: {  	s2 =	sld [smem:$0x3F98];
	s0 =	simm.s32 @p1 $0x1  }
0x15: {  	[smem:$0x3FB5] =	sst s0;
	s0 =	simm.s32 @!p2 $0x0  }
0x16: {  	s3 =	sld [smem:$0x3FDB];
	s0 =	simm.s32 @p2 $0x1  }
0x17: {  	s4 =	simm.s32 $0x1BF5;
	[smem:$0x3FB7] =	sst s0  }
0x18: {  	s0 =	sld [smem:$0x3F9A];
	_ =	swait.ge [sflag:s4], $0x0  }
0x19: {  	s7 =	sld [smem:$0x3F9B]  }
0x1a: {  	s8 =	sadd.s32 $0xFFFFE003, lr  }
0x1b: {  	s9 =	sadd.s32 $0xFFFFFEF7, lr;
	s5 =	simm.s32 $0xFFFFFFFF;
	p2 =	slt.u32 s8, $0xFFFFF086  }
0x1c: {  	p1 =	slt.u32 s9, $0xF7A;
	s5 =	simm.s32 @!p2 $0x0  }
0x1d: {  	s5 =	simm.s32 @p1 $0x1;
	p0 =	seq.s32 s7, s2  }
0x1e: {  	s7 =	smul.u32 @!p0 $0xF7A, s2;
	p2 =	seq.s32 @!p0 s5, $0x0  }
0x1f: {  	s9 =	smul.u32 $0xF7A, s1;
	s8 =	simm.s32 @!p0 $0x1BF5;
	p2 =	por !p2, p0  }
0x20: {  	[sflag:s8] =	ssyncset.s32 @!p0 $0xFFFFF086;
	s6 =	sadd.s32 @!p0 s3, s7;
	s7 =	simm.s32 @!p0 $0x108  }
0x21: {  	s3 =	sadd.s32 s3, s9;
	s6 =	sadd.s32 @!p0 $0x88, s6;
	s7 =	simm.s32 @p2 $0x1082  }
0x22: {  	[simem:s7], [sflag:s8] =	dma.local @!p0 [hbm:s6], $0xF7A  }
0x23: {  	s9 =	sor.u32 $0xD0000000, s2;
	s6 =	simm.s32 $0x108;
	_ =	swait.ge @!p0 [sflag:s8], $0x0  }
0x24: {  	s3 =	sadd.s32 $0x88, s3;
	s6 =	simm.s32 @!p1 $0x1082;
	[sflag:s4] =	ssyncset.s32 $0xFFFFF086  }
0x25: {  	[simem:s6], [sflag:s4] =	dma.local [hbm:s3], $0xF7A  }
0x26: {  	[smem:$0x3F9B] =	sst s1;
	(tag) =	ssettag s2;
	_ =	strace s9  }
0x27: {  	s1 =	sld [smem:$0x3FAB]  }
0x28: {  	s2 =	sld [smem:$0x3FAC]  }
0x29: {  	s4 =	sld [smem:$0x3FAE]  }
0x2a: {  	p0 =	seq.s32 s5, $0x0;
	s5 =	sld [smem:$0x3FAF]  }
0x2b: {  	s6 =	sld [smem:$0x3FB0]  }
0x2c: {  	s7 =	sld [smem:$0x3FB1]  }
0x2d: {  	s3 =	simm.s32 $0x108;
	s8 =	sld [smem:$0x3FB2]  }
0x2e: {  	s3 =	simm.s32 @!p0 $0x1082;
	s9 =	sld [smem:$0x3FB3]  }
0x2f: {  	lr =	sadd.s32 s0, s3;
	s0 =	sld [smem:$0x3FAA]  }
0x30: {  	s3 =	sld [smem:$0x3FAD]  }
0x31: {  	[smem:$0x3FB6] =	sst s10  }
0x32: {  	s10 =	sld [smem:$0x3FB4];
	_ =	sdelay $0x3  }
0x33: {  	p0 =	seq.s32 s10, $0x1;
	s10 =	sld [smem:$0x3FB6];
	_ =	sdelay $0x3  }
0x34: {  	[smem:$0x3FB6] =	sst s10  }
0x35: {  	s10 =	sld [smem:$0x3FB5];
	_ =	sdelay $0x3  }
0x36: {  	p1 =	seq.s32 s10, $0x1;
	s10 =	sld [smem:$0x3FB6];
	_ =	sdelay $0x3  }
0x37: {  	[smem:$0x3FB6] =	sst s10  }
0x38: {  	s10 =	sld [smem:$0x3FB7]  }
0x39: {  	_ = 	snop;
	(pc) =	sbr.ind lr, $3  }
0x3a: {  	_ = 	snop  }
0x3b: {  	_ = 	snop  }
0x3c: {  	p2 =	seq.s32 s10, $0x1;
	s10 =	sld [smem:$0x3FB6]  }
0x3d: {  	_ =	shalt  }
0x3e: {  	_ =	shalt  }
0x3f: {  	_ =	shalt  }
0x40: {  	_ =	shalt  }
0x41: {  	_ =	shalt  }
0x42: {  	_ =	shalt  }
0x43: {  	_ =	shalt  }
0x44: {  	_ =	shalt  }
0x45: {  	_ =	shalt  }
0x46: {  	_ =	shalt  }
0x47: {  	_ =	shalt  }
0x48: {  	_ =	shalt  }
0x49: {  	_ =	shalt  }
0x4a: {  	_ =	shalt  }
0x4b: {  	_ =	shalt  }
0x4c: {  	_ =	shalt  }
0x4d: {  	_ =	shalt  }
0x4e: {  	_ =	shalt  }
0x4f: {  	_ =	shalt  }
0x50: {  	_ =	shalt  }
0x51: {  	_ =	shalt  }
0x52: {  	_ =	shalt  }
0x53: {  	_ =	shalt  }
0x54: {  	_ =	shalt  }
0x55: {  	_ =	shalt  }
0x56: {  	_ =	shalt  }
0x57: {  	_ =	shalt  }
0x58: {  	_ =	shalt  }
0x59: {  	_ =	shalt  }
0x5a: {  	_ =	shalt  }
0x5b: {  	_ =	shalt  }
0x5c: {  	_ =	shalt  }
0x5d: {  	_ =	shalt  }
0x5e: {  	_ =	shalt  }
0x5f: {  	_ =	shalt  }
0x60: {  	_ =	shalt  }
0x61: {  	_ =	shalt  }
0x62: {  	_ =	shalt  }
0x63: {  	_ =	shalt  }
0x64: {  	_ =	shalt  }
0x65: {  	_ =	shalt  }
0x66: {  	_ =	shalt  }
0x67: {  	_ =	shalt  }
0x68: {  	_ =	shalt  }
0x69: {  	_ =	shalt  }
0x6a: {  	_ =	shalt  }
0x6b: {  	_ =	shalt  }
0x6c: {  	_ =	shalt  }
0x6d: {  	_ =	shalt  }
0x6e: {  	_ =	shalt  }
0x6f: {  	_ =	shalt  }
0x70: {  	_ =	shalt  }
0x71: {  	_ =	shalt  }
0x72: {  	_ =	shalt  }
0x73: {  	_ =	shalt  }
0x74: {  	_ =	shalt  }
0x75: {  	_ =	shalt  }
0x76: {  	_ =	shalt  }
0x77: {  	_ =	shalt  }
0x78: {  	_ =	shalt  }
0x79: {  	_ =	shalt  }
0x7a: {  	_ =	shalt  }
0x7b: {  	_ =	shalt  }
0x7c: {  	_ =	shalt  }
0x7d: {  	_ =	shalt  }
0x7e: {  	_ =	shalt  }
0x7f: {  	_ =	shalt  }
0x80: {  	_ =	shalt  }
0x81: {  	_ =	shalt  }
0x82: {  	_ =	shalt  }
0x83: {  	_ =	shalt  }
0x84: {  	_ =	shalt  }
0x85: {  	_ =	shalt  }
0x86: {  	_ =	shalt  }
0x87: {  	_ =	shalt  }
.Lfunc_end0:
.L_simem_size_0:
called_computation.2_lowered:
.L_overlay_start_0:
0x88: {  	s2 =	sld [smem:$0x3FD9]  }
0x89: {  	s3 =	sld [smem:$0x3FFE];
	_ =	sdelay $0x1  }
0x8a: {  	s1 =	srdreg.scid  }
0x8b: {  	s0 =	sand.u32 $0x1, s1  }
0x8c: {  	s16 =	sshll.u32 s0, $0xA;
	s2 =	sadd.s32 s3, s2  }
0x8d: {  	s2 =	sadd.s32 s2, s16  }
0x8e: {  	[smem:$0x3FC2] =	sst s2  }
0x8f: {  	_ = 	snop  }
0x90: {  	(tm) =	ssettm $0x1  }
0x91: {  	s17 =	sld [smem:$0x3FFB];
	_ =	sdelay $0x3  }
0x92: {  	_ =	strace s17  }
0x93: {  	s2 =	sld [smem:$0x3FFC];
	_ =	sdelay $0x3  }
0x94: {  	_ =	strace s2  }
0x95: {  	s2 =	sld [smem:$0x3FFD];
	_ =	sdelay $0x3  }
0x96: {  	_ =	strace s2  }
0x97: {  	_ =	strace $0x8FFFFFFF  }
0x98: {  	s18 =	sld [smem:$0x3FDB];
	_ =	sdelay $0x1  }
0x99: {  	s19 =	simm.s32 $_scs_section_size  }
0x9a: {  	s4 =	simm.s32 $_size__tile_overlayer_lowered;
	s5 =	simm.s32 $_tile_overlayer_lowered  }
0x9b: {  	s22 =	simm.s32 $0x1BFF;
	s21 =	sshll.u32 s5, $0x1;
	s2 =	sadd.s32 s19, s18  }
0x9c: {  	s6 =	simm.s32 $0x0;
	s20 =	sshll.u32 s4, $0x1;
	s4 =	sadd.s32 s21, s2  }
0x9d: {  	[timem:s6], [sflag:s22] =	dma.local [hbm:s4], s20  }
0x9e: {  	_ =	swait.ge [sflag:s22], s20  }
0x9f: {  	s3 =	ssub.s32 $0x0, s20;
	[sflag:s22] =	ssyncset.done $0x0  }
0xa0: {  	[sflag:s22] =	ssyncadd.s32 s3;
	_ =	sdelay $0x1  }
0xa1: {  	s23 =	simm.s32 $0x1B8B  }
0xa2: {  	_ =	swait.ge [sflag:s23], $0x1  }
0xa3: {  	[sflag:s23] =	ssyncset.done $0x0  }
0xa4: {  	s25 =	simm.s32 $0x1B8E;
	s24 =	sld [smem:$0x3FFE];
	[sflag:s23] =	ssyncadd.s32 $0xFFFFFFFF  }
0xa5: {  	s26 =	simm.s32 $execute0_lowered;
	[smem:$0x3FD2] =	sst s25  }
0xa6: {  	s4 =	sshll.u32 s26, $0x1;
	_ =	strace $0x8000004C;
	[dreg:$0x1] =	wrdreg $0xFFFFFFFF  }
0xa7: {  	s28 =	simm.s32 $_size_execute0_lowered;
	s2 =	sadd.s32 s2, s4;
	[dreg:$0x0] =	wrdreg $0x0  }
0xa8: {  	s4 =	sshll.u32 s28, $0x1;
	[dreg:$0x2] =	wrdreg s2  }
0xa9: {  	[dreg:$0x3] =	wrdreg s4  }
0xaa: {  	[dreg:$0x4] =	wrdreg $0xC0  }
0xab: {  	_ =	task [dreg:s6], $0x5FFFF  }
0xac: {  	[dreg:$0x1] =	wrdreg $0xFFFFFFFF  }
0xad: {  	[dreg:$0x0] =	wrdreg $0x60  }
0xae: {  	[dreg:$0x2] =	wrdreg s24  }
0xaf: {  	[dreg:$0x3] =	wrdreg $0x83000  }
0xb0: {  	[dreg:$0x4] =	wrdreg $0x9  }
0xb1: {  	_ =	task.clear_ibuf [dreg:s6], $0x5FFFF;
	_ =	strace $0x9000004C  }
0xb2: {  	s29 =	simm.s32 $0x9;
	_ =	strace $0x8000004E  }
0xb3: {  	_ =	swait.ge [sflag:s29], $0x1  }
0xb4: {  	[sflag:s29] =	ssyncadd.s32 $0xFFFFFFFF  }
0xb5: {  	_ =	strace $0x9000004E  }
0xb6: {  	_ =	sfence  }
0xb7: {  	s30 =	sld [smem:$0x0];
	_ =	sdelay $0x2  }
0xb8: {  	s31 =	sshll.u32 s1, $0xD;
	s1 =	sshrl.u32 s1, $0x2  }
0xb9: {  	s3 =	sand.u32 $0x4000, s31;
	s1 =	sadd.s32 s1, s30  }
0xba: {  	s0 =	sor.u32 s3, s0;
	s1 =	sshll.u32 s1, $0x11  }
0xbb: {  	s0 =	sor.u32 s1, s0  }
0xbc: {  	s0 =	sadd.s32 $0x8F2B, s0  }
0xbd: {  	[sflag:s0] =	ssyncadd.remote.s32 $0x1  }
0xbe: {  	_ =	sfence.sel $0xFFFF  }
0xbf: {  	[dreg:$0x0] =	wrdreg $0xFFFFFFFF;
	(pc) =	sbr.abs _section_cstart, $3  }
0xc0: {  	[dreg:$0x1] =	wrdreg $0xFFFFFFFF  }
0xc1: {  	_ =	task.clear_ibuf [dreg:s6], $0x2FFFF;
	_ =	strace $0x9FFFFFFF  }
0xc2: {  	(tm) =	ssettm $0x7FFFFFFF  }
0xc3: {  	_ =	shalt  }
tec
execute0_lowered:
.L_overlay_start_1:
0x0: {  	(tag) =	ssettag $0x1  }
0x1: {  	s0 =	rddreg [dreg:$0x0]  }
0x2: {  	s1 =	rddreg [dreg:$0x1];
	s2 =	simm.s32 $0x0  }
0x3: {  	s3 =	srdreg.scid;
	s15 =	stileid.u32;
	s17 =	simm.s32 $0x9  }
0x4: {  	s28 =	simm.s32 $0x40;
	s29 =	simm.s32 $0x300;
	s30 =	simm.s32 $0x180  }
0x5: {  	s31 =	simm.s32 $0x2300;
	[smem:$0x7FF] =	sst s2;
	s4 =	sadd.s32 $0x2A800, s0  }
0x6: {  	s3 =	sand.u32 $0x1, s3;
	s5 =	sadd.s32 $0x2800, s0;
	s9 =	smul.u32 $0x2800, s15  }
0x7: {  	s6 =	sadd.s32 $0x16800, s0;
	s11 =	sadd.s32 $0x52800, s0;
	s19 =	smul.u32 $0x50000, s15  }
0x8: {  	s26 =	sshll.u32 s15, $0x6;
	_ =	strace $0x8000004D;
	s7 =	sshll.u32 s3, $0x4  }
0x9: {  	s8 =	smul.u32 $0x28000, s3;
	s12 =	ssub.s32 $0x2, s3;
	p0 =	seq.s32 s3, $0x0  }
0xa: {  	s3 =	simm.s32 $0x8;
	s10 =	sor.u32 s15, s7;
	s14 =	sshrl.u32 s12, $0x1  }
0xb: {  	s11 =	smov.u32 @p0 s4;
	s15 =	sor.u32 $0x1C09, s26;
	s7 =	smul.u32 $0x2800, s10  }
0xc: {  	s26 =	simm.s32 $0x3;
	s13 =	sadd.s32 s9, s8;
	s8 =	smul.u32 $0x5000, s10  }
0xd: {  	s18 =	ssub.s32 s12, s14;
	s12 =	sshrl.u32 s19, $0x2;
	s9 =	sadd.s32 s11, s9  }
0xe: {  	s19 =	simm.s32 $0x100;
	s11 =	simm.s32 $0x6;
	[dreg:$0xa] =	wrdreg s15  }
0xf: {  	s0 =	sadd.s32 s13, s0;
	s23 =	sadd.s32 s12, s1;
	s10 =	smax.u32 s18, $0x1  }
0x10: {  	[dreg:$0x9] =	wrdreg s9;
	s12 =	simm.s32 $0x4;
	s9 =	simm.s32 $0x280  }
0x11: {  	s20 =	sshrl.u32 s7, $0x3;
	s21 =	sshrl.u32 s8, $0x3;
	s0 =	sadd.s32 $0x7A800, s0  }
0x12: {  	[dreg:$0x8] =	wrdreg s10;
	s16 =	sshrl.u32 s23, $0x3;
	s23 =	simm.s32 $0x2  }
0x13: {  	s10 =	simm.s32 $0x0;
	s22 =	sadd.s32 s5, s20;
	[dreg:$0x7] =	wrdreg s0  }
.Ltmp0:
0x14: {  	s13 =	sadd.s32 s6, s21;
	[dreg:$0xb] =	wrdreg s16;
	(pc) =	sbr.rel .LBB2_1-.Ltmp0, $4  }
0x15: {  	s20 =	simm.s32 $0x80;
	s21 =	simm.s32 $0x200;
	[dreg:$0x3] =	wrdreg s22  }
0x16: {  	s0 =	simm.s32 $0x7;
	s24 =	sadd.s32 $0x10, s22;
	[dreg:$0x4] =	wrdreg s13  }
0x17: {  	s25 =	sadd.s32 $0x20, s13;
	s13 =	simm.s32 $0x6300;
	[dreg:$0x5] =	wrdreg s24  }
0x18: {  	[dreg:$0x6] =	wrdreg s25;
	s24 =	simm.s32 $0x4300;
	s25 =	simm.s32 $0x5  }
.LBB2_4:
0x19: {  	[bflag:$0x0] =	sbarrier.arrive $0xFFFF  }
0x1a: {  	s14 =	rddreg [dreg:$0x7]  }
0x1b: {  	s15 =	rddreg [dreg:$0xa]  }
0x1c: {  	s17 =	simm.s32 $0x9;
	s16 =	rddreg [dreg:$0xb]  }
0x1d: {  	[hbm:s14], [sflag:s15] =	dma.local [spmem:s16], $0x2800  }
0x1e: {  	_ =	swait.ge [sflag:s17], $0x2800  }
0x1f: {  	s10 =	sadd.s32 $0x1, s10;
	s22 =	rddreg [dreg:$0x8]  }
0x20: {  	p0 =	sne.s32 s10, s22  }
.Ltmp1:
0x21: {  	_ = 	snop;
	(pc) =	sbr.rel @!p0 .LBB2_5-.Ltmp1, $3  }
0x22: {  	_ =	sdelay $0x1  }
0x23: {  	[sflag:s17] =	ssyncset.done $0x0  }
0x24: {  	[sflag:s17] =	ssyncadd.s32 $0xFFFFD800  }
.LBB2_1:
0x25: {  	s14 =	rddreg [dreg:$0x9]  }
0x26: {  	[spmem:s16], [sflag:s15] =	dma.local [hbm:s14], $0x2800  }
0x27: {  	_ =	swait.ge [sflag:s17], $0x2800  }
0x28: {  	[sflag:s17] =	ssyncset.done $0x0  }
0x29: {  	[sflag:s17] =	ssyncadd.s32 $0xFFFFD800  }
0x2a: {  	[bflag:$0x0] =	sbarrier.arrive $0xFFFF  }
0x2b: {  	s15 =	rddreg [dreg:$0x3]  }
0x2c: {  	[tilespmem:s2], [sflag:$0x1] =	stream.linear.gather [hbm4b:s15+s2], $0x80, $0x38;
	[tilespmem:$0x1C300] =	vst v63  }
0x2d: {  	s16 =	rddreg [dreg:$0x4]  }
0x2e: {  	[tilespmem:s19], [sflag:$0x3] =	stream.linear.gather [hbm4b:s16+s2], $0x100, $0x38;
	[tilespmem:$0x1C300] =	vst v63  }
0x2f: {  	s17 =	rddreg [dreg:$0x5]  }
0x30: {  	[tilespmem:s20], [sflag:$0x2] =	stream.linear.gather [hbm4b:s17+s2], $0x80, $0x38;
	[tilespmem:$0x1C300] =	vst v63  }
0x31: {  	s22 =	simm.s32 $0x1;
	s18 =	rddreg [dreg:$0x6]  }
0x32: {  	[tilespmem:s21], [sflag:$0x4] =	stream.linear.gather [hbm4b:s18+s2], $0x100, $0x38;
	[tilespmem:$0x1C300] =	vst v63  }
0x33: {  	_ =	swait.ge [sflag:s22], $0x80  }
0x34: {  	[sflag:s22] =	ssyncset.done $0x0  }
0x35: {  	[sflag:s22] =	ssyncadd.s32 $0xFFFFFF80  }
0x36: {  	[tilespmem:s29], [sflag:$0x5] =	stream.indirect.gather [hbm4b:s4+s20], $0x80, s2, s20, $0xb8;
	[tilespmem:$0x1C300] =	vst v63  }
0x37: {  	_ =	swait.ge [sflag:s23], $0x80  }
0x38: {  	[sflag:s23] =	ssyncset.done $0x0  }
0x39: {  	s14 =	simm.s32 $0x180;
	s15 =	simm.s32 $0x300;
	[sflag:s23] =	ssyncadd.s32 $0xFFFFFF80  }
0x3a: {  	[tilespmem:s24], [sflag:$0x6] =	stream.indirect.gather [hbm4b:s4+s20], $0x80, s20, s20, $0xb8;
	[tilespmem:$0x1C300] =	vst v63  }
.LBB2_2:
0x3b: {  	p0 =	seq.s32 s14, $0x2880  }
0x3c: {  	s22 =	sadd.s32 @!p0 $0xFFFFFF80, s14  }
0x3d: {  	s16 =	sand.u32 @!p0 $0x7C00, s22  }
0x3e: {  	s22 =	sand.u32 @!p0 $0x300, s22;
	s16 =	sadd.s32 @!p0 s7, s16  }
0x3f: {  	_ =	swait.ge [sflag:s25], $0x4000;
	s16 =	sor.u32 @!p0 s22, s16  }
0x40: {  	[sflag:s25] =	ssyncset.done $0x0;
	s16 =	sshrl.u32 @!p0 s16, $0x3  }
0x41: {  	[sflag:s25] =	ssyncadd.s32 $0xFFFFC000;
	s22 =	simm.s32 @!p0 $0x0;
	s16 =	sadd.s32 @!p0 s5, s16  }
0x42: {  	[tilespmem:s22], [sflag:$0x1] =	stream.linear.gather @!p0 [hbm4b:s16+s22], $0x80, $0x38;
	[tilespmem:$0x1C300] =	vst v63  }
0x43: {  	_ =	swait.ge [sflag:s26], $0x100  }
0x44: {  	[sflag:s26] =	ssyncset.done $0x0  }
0x45: {  	[sflag:s26] =	ssyncadd.s32 $0xFFFFFF00  }
0x46: {  	[spmem:s1] =	stream.indirect.scatter.add.f32 [tilespmem:s29], [sflag:$0x7], $0x80, s19, s28, $0xb8;
	[tilespmem:$0x1C300] =	vst v63  }
0x47: {  	_ = 	snop  }
0x48: {  	[spmem:s1] =	stream.indirect.scatter.add.f32 [tilespmem:s31], [sflag:$0x8], $0x80, s30, s28, $0xb8;
	[tilespmem:$0x1C300] =	vst v63  }
0x49: {  	s16 =	sadd.s32 @!p0 $0xFFFFFF00, s15;
	_ =	swait.ge [sflag:s0], $0x2000  }
0x4a: {  	s17 =	sand.u32 @!p0 $0xFC00, s16;
	[sflag:s0] =	ssyncset.done $0x0  }
0x4b: {  	s16 =	sand.u32 @!p0 $0x200, s16;
	s17 =	sadd.s32 @!p0 s8, s17;
	[sflag:s0] =	ssyncadd.s32 $0xFFFFE000  }
0x4c: {  	s16 =	sor.u32 @!p0 s16, s17;
	_ =	swait.ge [sflag:s3], $0x2000  }
0x4d: {  	s16 =	sshrl.u32 @!p0 s16, $0x3;
	[sflag:s3] =	ssyncset.done $0x0  }
0x4e: {  	s17 =	simm.s32 @!p0 $0x100;
	s16 =	sadd.s32 @!p0 s6, s16;
	[sflag:s3] =	ssyncadd.s32 $0xFFFFE000  }
0x4f: {  	[tilespmem:s17], [sflag:$0x3] =	stream.linear.gather @!p0 [hbm4b:s16+s22], $0x100, $0x38;
	[tilespmem:$0x1C300] =	vst v63  }
0x50: {  	s16 =	simm.s32 @!p0 $0x1  }
0x51: {  	_ =	swait.ge @!p0 [sflag:s16], $0x80  }
0x52: {  	[sflag:s16] =	ssyncset.done @!p0 $0x0  }
0x53: {  	s17 =	simm.s32 @!p0 $0x300;
	[sflag:s16] =	ssyncadd.s32 @!p0 $0xFFFFFF80;
	s16 =	simm.s32 @!p0 $0x80  }
0x54: {  	[tilespmem:s17], [sflag:$0x5] =	stream.indirect.gather @!p0 [hbm4b:s4+s16], $0x80, s22, s16, $0xb8;
	[tilespmem:$0x1C300] =	vst v63  }
0x55: {  	s17 =	sand.u32 @!p0 $0x7C00, s14  }
0x56: {  	s18 =	sand.u32 @!p0 $0x380, s14;
	s17 =	sadd.s32 @!p0 s7, s17  }
0x57: {  	_ =	swait.ge [sflag:s11], $0x4000;
	s17 =	sor.u32 @!p0 s18, s17  }
0x58: {  	[sflag:s11] =	ssyncset.done $0x0;
	s17 =	sshrl.u32 @!p0 s17, $0x3  }
0x59: {  	[sflag:s11] =	ssyncadd.s32 $0xFFFFC000;
	s17 =	sadd.s32 @!p0 s5, s17  }
0x5a: {  	[tilespmem:s16], [sflag:$0x2] =	stream.linear.gather @!p0 [hbm4b:s17+s22], $0x80, $0x38;
	[tilespmem:$0x1C300] =	vst v63  }
0x5b: {  	_ =	swait.ge [sflag:s12], $0x100  }
0x5c: {  	[sflag:s12] =	ssyncset.done $0x0  }
0x5d: {  	[sflag:s12] =	ssyncadd.s32 $0xFFFFFF00  }
0x5e: {  	[spmem:s1] =	stream.indirect.scatter.add.f32 [tilespmem:s24], [sflag:$0x7], $0x80, s21, s28, $0xb8;
	[tilespmem:$0x1C300] =	vst v63  }
0x5f: {  	_ = 	snop  }
0x60: {  	[spmem:s1] =	stream.indirect.scatter.add.f32 [tilespmem:s13], [sflag:$0x8], $0x80, s9, s28, $0xb8;
	[tilespmem:$0x1C300] =	vst v63  }
0x61: {  	_ =	swait.ge [sflag:s0], $0x2000  }
.Ltmp2:
0x62: {  	[sflag:s0] =	ssyncset.done $0x0;
	(pc) =	sbr.rel @p0 .LBB2_4-.Ltmp2, $4  }
0x63: {  	[sflag:s0] =	ssyncadd.s32 $0xFFFFE000  }
0x64: {  	_ =	swait.ge [sflag:s3], $0x2000  }
0x65: {  	[sflag:s3] =	ssyncset.done $0x0  }
0x66: {  	[sflag:s3] =	ssyncadd.s32 $0xFFFFE000  }
0x67: {  	s16 =	sand.u32 $0xFC00, s15  }
0x68: {  	s17 =	sand.u32 $0x300, s15;
	s16 =	sadd.s32 s8, s16  }
0x69: {  	s16 =	sor.u32 s17, s16  }
0x6a: {  	s16 =	sshrl.u32 s16, $0x3  }
0x6b: {  	s16 =	sadd.s32 s6, s16  }
0x6c: {  	[tilespmem:s21], [sflag:$0x4] =	stream.linear.gather [hbm4b:s16+s2], $0x100, $0x38;
	[tilespmem:$0x1C300] =	vst v63  }
.Ltmp3:
0x6d: {  	_ = 	snop;
	(pc) =	sbr.rel .LBB2_2-.Ltmp3, $4  }
0x6e: {  	_ =	swait.ge [sflag:s23], $0x80  }
0x6f: {  	[sflag:s23] =	ssyncset.done $0x0  }
0x70: {  	s15 =	sadd.s32 $0x200, s15;
	s14 =	sadd.s32 $0x100, s14;
	[sflag:s23] =	ssyncadd.s32 $0xFFFFFF80  }
0x71: {  	[tilespmem:s24], [sflag:$0x6] =	stream.indirect.gather [hbm4b:s4+s20], $0x80, s20, s20, $0xb8;
	[tilespmem:$0x1C300] =	vst v63  }
.LBB2_5:
0x72: {  	_ =	sfence.sel $0x180000  }
0x73: {  	[bflag:$0x0] =	sbarrier.arrive $0xFFFF  }
0x74: {  	_ =	strace $0x9000004D  }
0x75: {  	s0 =	stileid.u32;
	[bflag:$0x2] =	sbarrier.arrive $0xFFFF  }
0x76: {  	p0 =	sne.s32 s0, $0x0;
	s0 =	rddreg [dreg:$0x2]  }
0x77: {  	s0 =	sadd.s32 @!p0 $0x100000, s0  }
0x78: {  	[sflag:s0] =	ssyncadd.tile.s32 @!p0 $0x1;
	_ =	shalt  }
.Lfunc_end2:
_tile_overlayer_lowered:
.L_overlay_start_2:
0x79: {  	(tag) =	ssettag $0x2  }
0x7a: {  	s0 =	rddreg [dreg:$0x0];
	s2 =	stileid.u32  }
0x7b: {  	s1 =	rddreg [dreg:$0x1];
	p0 =	sne.s32 s2, $0x0  }
0x7c: {  	s3 =	rddreg [dreg:$0x2];
	[bflag:$0x3] =	sbarrier.arrive $0xFFFF;
	s2 =	simm.s32 @!p0 $0x1C09  }
0x7d: {  	[timem:s3], [sflag:s2] =	dma.local @!p0 [hbm:s0], s1  }
0x7e: {  	s0 =	simm.s32 @!p0 $0x9  }
0x7f: {  	_ =	swait.ge @!p0 [sflag:s0], s1  }
0x80: {  	s1 =	ssub.s32 @!p0 $0x0, s1;
	[sflag:s0] =	ssyncset.done @!p0 $0x0  }
0x81: {  	[sflag:s0] =	ssyncadd.s32 @!p0 s1  }
0x82: {  	[bflag:$0x3] =	sbarrier.arrive $0xFFFF  }
0x83: {  	_ =	shalt  }

// kernel: kernel.18.cloned.1.call-start
scs
__scs_entry_jumppad:
0x0: {  	(pc) =	sbr.rel $0x88, $3  }
0x1: {  	(tag) =	ssettag $0x0;
	lr =	simm.s32 $0x1  }
0x2: {  	[smem:$0x3F9B] =	sst lr;
	_ =	strace $0xD0000000  }
0x3: {  	_ = 	snop  }
0x4: {  	_ = 	snop  }
0x5: {  	_ = 	snop  }
0x6: {  	_ = 	snop  }
0x7: {  	_ = 	snop  }
__scs_overlays_trampoline_lowered:
0x8: {  	[smem:$0x3FAA] =	sst s0  }
0x9: {  	[smem:$0x3FAB] =	sst s1  }
0xa: {  	[smem:$0x3FAC] =	sst s2  }
0xb: {  	[smem:$0x3FAD] =	sst s3  }
0xc: {  	[smem:$0x3FAE] =	sst s4  }
0xd: {  	[smem:$0x3FAF] =	sst s5  }
0xe: {  	[smem:$0x3FB0] =	sst s6  }
0xf: {  	[smem:$0x3FB1] =	sst s7  }
0x10: {  	[smem:$0x3FB2] =	sst s8  }
0x11: {  	[smem:$0x3FB3] =	sst s9;
	s0 =	simm.s32 @!p0 $0x0  }
0x12: {  	s1 =	sld [smem:$0x3F99];
	s0 =	simm.s32 @p0 $0x1  }
0x13: {  	[smem:$0x3FB4] =	sst s0;
	s0 =	simm.s32 @!p1 $0x0  }
0x14: {  	s2 =	sld [smem:$0x3F98];
	s0 =	simm.s32 @p1 $0x1  }
0x15: {  	[smem:$0x3FB5] =	sst s0;
	s0 =	simm.s32 @!p2 $0x0  }
0x16: {  	s3 =	sld [smem:$0x3FDB];
	s0 =	simm.s32 @p2 $0x1  }
0x17: {  	s4 =	simm.s32 $0x1BF5;
	[smem:$0x3FB7] =	sst s0  }
0x18: {  	s0 =	sld [smem:$0x3F9A];
	_ =	swait.ge [sflag:s4], $0x0  }
0x19: {  	s7 =	sld [smem:$0x3F9B]  }
0x1a: {  	s8 =	sadd.s32 $0xFFFFE003, lr  }
0x1b: {  	s9 =	sadd.s32 $0xFFFFFEF7, lr;
	s5 =	simm.s32 $0xFFFFFFFF;
	p2 =	slt.u32 s8, $0xFFFFF086  }
0x1c: {  	p1 =	slt.u32 s9, $0xF7A;
	s5 =	simm.s32 @!p2 $0x0  }
0x1d: {  	s5 =	simm.s32 @p1 $0x1;
	p0 =	seq.s32 s7, s2  }
0x1e: {  	s7 =	smul.u32 @!p0 $0xF7A, s2;
	p2 =	seq.s32 @!p0 s5, $0x0  }
0x1f: {  	s9 =	smul.u32 $0xF7A, s1;
	s8 =	simm.s32 @!p0 $0x1BF5;
	p2 =	por !p2, p0  }
0x20: {  	[sflag:s8] =	ssyncset.s32 @!p0 $0xFFFFF086;
	s6 =	sadd.s32 @!p0 s3, s7;
	s7 =	simm.s32 @!p0 $0x108  }
0x21: {  	s3 =	sadd.s32 s3, s9;
	s6 =	sadd.s32 @!p0 $0x88, s6;
	s7 =	simm.s32 @p2 $0x1082  }
0x22: {  	[simem:s7], [sflag:s8] =	dma.local @!p0 [hbm:s6], $0xF7A  }
0x23: {  	s9 =	sor.u32 $0xD0000000, s2;
	s6 =	simm.s32 $0x108;
	_ =	swait.ge @!p0 [sflag:s8], $0x0  }
0x24: {  	s3 =	sadd.s32 $0x88, s3;
	s6 =	simm.s32 @!p1 $0x1082;
	[sflag:s4] =	ssyncset.s32 $0xFFFFF086  }
0x25: {  	[simem:s6], [sflag:s4] =	dma.local [hbm:s3], $0xF7A  }
0x26: {  	[smem:$0x3F9B] =	sst s1;
	(tag) =	ssettag s2;
	_ =	strace s9  }
0x27: {  	s1 =	sld [smem:$0x3FAB]  }
0x28: {  	s2 =	sld [smem:$0x3FAC]  }
0x29: {  	s4 =	sld [smem:$0x3FAE]  }
0x2a: {  	p0 =	seq.s32 s5, $0x0;
	s5 =	sld [smem:$0x3FAF]  }
0x2b: {  	s6 =	sld [smem:$0x3FB0]  }
0x2c: {  	s7 =	sld [smem:$0x3FB1]  }
0x2d: {  	s3 =	simm.s32 $0x108;
	s8 =	sld [smem:$0x3FB2]  }
0x2e: {  	s3 =	simm.s32 @!p0 $0x1082;
	s9 =	sld [smem:$0x3FB3]  }
0x2f: {  	lr =	sadd.s32 s0, s3;
	s0 =	sld [smem:$0x3FAA]  }
0x30: {  	s3 =	sld [smem:$0x3FAD]  }
0x31: {  	[smem:$0x3FB6] =	sst s10  }
0x32: {  	s10 =	sld [smem:$0x3FB4];
	_ =	sdelay $0x3  }
0x33: {  	p0 =	seq.s32 s10, $0x1;
	s10 =	sld [smem:$0x3FB6];
	_ =	sdelay $0x3  }
0x34: {  	[smem:$0x3FB6] =	sst s10  }
0x35: {  	s10 =	sld [smem:$0x3FB5];
	_ =	sdelay $0x3  }
0x36: {  	p1 =	seq.s32 s10, $0x1;
	s10 =	sld [smem:$0x3FB6];
	_ =	sdelay $0x3  }
0x37: {  	[smem:$0x3FB6] =	sst s10  }
0x38: {  	s10 =	sld [smem:$0x3FB7]  }
0x39: {  	_ = 	snop;
	(pc) =	sbr.ind lr, $3  }
0x3a: {  	_ = 	snop  }
0x3b: {  	_ = 	snop  }
0x3c: {  	p2 =	seq.s32 s10, $0x1;
	s10 =	sld [smem:$0x3FB6]  }
0x3d: {  	_ =	shalt  }
0x3e: {  	_ =	shalt  }
0x3f: {  	_ =	shalt  }
0x40: {  	_ =	shalt  }
0x41: {  	_ =	shalt  }
0x42: {  	_ =	shalt  }
0x43: {  	_ =	shalt  }
0x44: {  	_ =	shalt  }
0x45: {  	_ =	shalt  }
0x46: {  	_ =	shalt  }
0x47: {  	_ =	shalt  }
0x48: {  	_ =	shalt  }
0x49: {  	_ =	shalt  }
0x4a: {  	_ =	shalt  }
0x4b: {  	_ =	shalt  }
0x4c: {  	_ =	shalt  }
0x4d: {  	_ =	shalt  }
0x4e: {  	_ =	shalt  }
0x4f: {  	_ =	shalt  }
0x50: {  	_ =	shalt  }
0x51: {  	_ =	shalt  }
0x52: {  	_ =	shalt  }
0x53: {  	_ =	shalt  }
0x54: {  	_ =	shalt  }
0x55: {  	_ =	shalt  }
0x56: {  	_ =	shalt  }
0x57: {  	_ =	shalt  }
0x58: {  	_ =	shalt  }
0x59: {  	_ =	shalt  }
0x5a: {  	_ =	shalt  }
0x5b: {  	_ =	shalt  }
0x5c: {  	_ =	shalt  }
0x5d: {  	_ =	shalt  }
0x5e: {  	_ =	shalt  }
0x5f: {  	_ =	shalt  }
0x60: {  	_ =	shalt  }
0x61: {  	_ =	shalt  }
0x62: {  	_ =	shalt  }
0x63: {  	_ =	shalt  }
0x64: {  	_ =	shalt  }
0x65: {  	_ =	shalt  }
0x66: {  	_ =	shalt  }
0x67: {  	_ =	shalt  }
0x68: {  	_ =	shalt  }
0x69: {  	_ =	shalt  }
0x6a: {  	_ =	shalt  }
0x6b: {  	_ =	shalt  }
0x6c: {  	_ =	shalt  }
0x6d: {  	_ =	shalt  }
0x6e: {  	_ =	shalt  }
0x6f: {  	_ =	shalt  }
0x70: {  	_ =	shalt  }
0x71: {  	_ =	shalt  }
0x72: {  	_ =	shalt  }
0x73: {  	_ =	shalt  }
0x74: {  	_ =	shalt  }
0x75: {  	_ =	shalt  }
0x76: {  	_ =	shalt  }
0x77: {  	_ =	shalt  }
0x78: {  	_ =	shalt  }
0x79: {  	_ =	shalt  }
0x7a: {  	_ =	shalt  }
0x7b: {  	_ =	shalt  }
0x7c: {  	_ =	shalt  }
0x7d: {  	_ =	shalt  }
0x7e: {  	_ =	shalt  }
0x7f: {  	_ =	shalt  }
0x80: {  	_ =	shalt  }
0x81: {  	_ =	shalt  }
0x82: {  	_ =	shalt  }
0x83: {  	_ =	shalt  }
0x84: {  	_ =	shalt  }
0x85: {  	_ =	shalt  }
0x86: {  	_ =	shalt  }
0x87: {  	_ =	shalt  }
.Lfunc_end0:
.L_simem_size_0:
called_computation.3_lowered:
.L_overlay_start_0:
0x88: {  	s2 =	sld [smem:$0x3FD9]  }
0x89: {  	s3 =	sld [smem:$0x3FFE];
	_ =	sdelay $0x1  }
0x8a: {  	s1 =	srdreg.scid  }
0x8b: {  	s0 =	sand.u32 $0x1, s1  }
0x8c: {  	s16 =	sshll.u32 s0, $0xA;
	s2 =	sadd.s32 s3, s2  }
0x8d: {  	s2 =	sadd.s32 s2, s16  }
0x8e: {  	[smem:$0x3FC2] =	sst s2  }
0x8f: {  	_ = 	snop  }
0x90: {  	(tm) =	ssettm $0x1  }
0x91: {  	s17 =	sld [smem:$0x3FFB];
	_ =	sdelay $0x3  }
0x92: {  	_ =	strace s17  }
0x93: {  	s2 =	sld [smem:$0x3FFC];
	_ =	sdelay $0x3  }
0x94: {  	_ =	strace s2  }
0x95: {  	s2 =	sld [smem:$0x3FFD];
	_ =	sdelay $0x3  }
0x96: {  	_ =	strace s2  }
0x97: {  	_ =	strace $0x8FFFFFFF  }
0x98: {  	s18 =	sld [smem:$0x3FDB];
	_ =	sdelay $0x1  }
0x99: {  	s19 =	simm.s32 $_scs_section_size  }
0x9a: {  	s4 =	simm.s32 $_size__tile_overlayer_lowered;
	s5 =	simm.s32 $_tile_overlayer_lowered  }
0x9b: {  	s22 =	simm.s32 $0x1BFF;
	s21 =	sshll.u32 s5, $0x1;
	s2 =	sadd.s32 s19, s18  }
0x9c: {  	s6 =	simm.s32 $0x0;
	s20 =	sshll.u32 s4, $0x1;
	s4 =	sadd.s32 s21, s2  }
0x9d: {  	[timem:s6], [sflag:s22] =	dma.local [hbm:s4], s20  }
0x9e: {  	_ =	swait.ge [sflag:s22], s20  }
0x9f: {  	s3 =	ssub.s32 $0x0, s20;
	[sflag:s22] =	ssyncset.done $0x0  }
0xa0: {  	[sflag:s22] =	ssyncadd.s32 s3;
	_ =	sdelay $0x1  }
0xa1: {  	s23 =	simm.s32 $0x1B8B  }
0xa2: {  	_ =	swait.ge [sflag:s23], $0x1  }
0xa3: {  	[sflag:s23] =	ssyncset.done $0x0  }
0xa4: {  	s25 =	simm.s32 $0x1B8E;
	s24 =	sld [smem:$0x3FFE];
	[sflag:s23] =	ssyncadd.s32 $0xFFFFFFFF  }
0xa5: {  	s26 =	simm.s32 $execute0_lowered;
	[smem:$0x3FD2] =	sst s25  }
0xa6: {  	s4 =	sshll.u32 s26, $0x1;
	_ =	strace $0x8000004F;
	[dreg:$0x1] =	wrdreg $0xFFFFFFFF  }
0xa7: {  	s28 =	simm.s32 $_size_execute0_lowered;
	s2 =	sadd.s32 s2, s4;
	[dreg:$0x0] =	wrdreg $0x0  }
0xa8: {  	s4 =	sshll.u32 s28, $0x1;
	[dreg:$0x2] =	wrdreg s2  }
0xa9: {  	[dreg:$0x3] =	wrdreg s4  }
0xaa: {  	[dreg:$0x4] =	wrdreg $0xC0  }
0xab: {  	_ =	task [dreg:s6], $0x5FFFF  }
0xac: {  	[dreg:$0x1] =	wrdreg $0xFFFFFFFF  }
0xad: {  	[dreg:$0x0] =	wrdreg $0x60  }
0xae: {  	[dreg:$0x2] =	wrdreg s24  }
0xaf: {  	[dreg:$0x3] =	wrdreg $0x9  }
0xb0: {  	_ =	task.clear_ibuf [dreg:s6], $0x4FFFF;
	_ =	strace $0x9000004F  }
0xb1: {  	s29 =	simm.s32 $0x9;
	_ =	strace $0x80000051  }
0xb2: {  	_ =	swait.ge [sflag:s29], $0x1  }
0xb3: {  	[sflag:s29] =	ssyncadd.s32 $0xFFFFFFFF  }
0xb4: {  	_ =	strace $0x90000051  }
0xb5: {  	_ =	sfence  }
0xb6: {  	s30 =	sld [smem:$0x0];
	_ =	sdelay $0x2  }
0xb7: {  	s31 =	sshll.u32 s1, $0xD;
	s1 =	sshrl.u32 s1, $0x2  }
0xb8: {  	s3 =	sand.u32 $0x4000, s31;
	s1 =	sadd.s32 s1, s30  }
0xb9: {  	s0 =	sor.u32 s3, s0;
	s1 =	sshll.u32 s1, $0x11  }
0xba: {  	s0 =	sor.u32 s1, s0  }
0xbb: {  	s0 =	sadd.s32 $0x8F2B, s0  }
0xbc: {  	[sflag:s0] =	ssyncadd.remote.s32 $0x1  }
0xbd: {  	_ =	sfence.sel $0xFFFF  }
0xbe: {  	[dreg:$0x0] =	wrdreg $0xFFFFFFFF;
	(pc) =	sbr.abs _section_cstart, $3  }
0xbf: {  	[dreg:$0x1] =	wrdreg $0xFFFFFFFF  }
0xc0: {  	_ =	task.clear_ibuf [dreg:s6], $0x2FFFF;
	_ =	strace $0x9FFFFFFF  }
0xc1: {  	(tm) =	ssettm $0x7FFFFFFF  }
tec
execute0_lowered:
.L_overlay_start_1:
0x0: {  	(tag) =	ssettag $0x1  }
0x1: {  	s0 =	srdreg.scid;
	s1 =	rddreg [dreg:$0x0]  }
0x2: {  	s7 =	stileid.u32;
	s2 =	simm.s32 $0x0;
	s15 =	simm.s32 $0x80  }
0x3: {  	s29 =	simm.s32 $0x2;
	s31 =	simm.s32 $0x3;
	s0 =	sand.u32 $0x1, s0  }
0x4: {  	[smem:$0x7FF] =	sst s2;
	s9 =	sshll.u32 s7, $0x7;
	s3 =	sshll.u32 s0, $0x4  }
0x5: {  	_ =	strace $0x80000050;
	s0 =	ssub.s32 $0x2, s0;
	s4 =	sor.u32 s7, s3  }
0x6: {  	s21 =	sand.u32 $0x380, s9;
	s6 =	sshrl.u32 s0, $0x1;
	s5 =	smul.u32 $0x500, s4  }
0x7: {  	v0 =	vlaneseq.u32;
	s3 =	sadd.s32 $0x16800, s1;
	s4 =	sshrl.u32 s4, $0x3;
	s0 =	ssub.s32 s0, s6  }
0x8: {  	v1 =	vand.u32 $0x7, v0;
	v0 =	vmul.u32 $0x10, v0;
	s8 =	smul.u32 $0x14000, s4;
	s0 =	smax.u32 s0, $0x1;
	s5 =	sadd.s32 s5, s1  }
0x9: {  	s4 =	sadd.s32 $0x3E800, s1;
	[dreg:$0x6] =	wrdreg s0;
	s22 =	sadd.s32 $0x2800, s5  }
0xa: {  	v1 =	vmul.u32 $0x10, v1;
	v2 =	vor.u32 $0x1, v0;
	s5 =	sadd.s32 $0xC800, s5;
	s7 =	sor.u32 s21, s8;
	[dreg:$0x2] =	wrdreg s22  }
0xb: {  	v3 =	vor.u32 $0x2, v0;
	v4 =	vor.u32 $0x3, v0;
	v5 =	vor.u32 $0x4, v0;
	s23 =	sor.u32 s9, s8;
	[dreg:$0x3] =	wrdreg s5;
	s24 =	sadd.s32 $0x13800, s7  }
0xc: {  	v6 =	vor.u32 $0x5, v0;
	v7 =	vor.u32 $0x6, v0;
	v8 =	vor.u32 $0x7, v0;
	s25 =	sadd.s32 $0x13C00, s7;
	s8 =	sor.u32 $0x400, s23;
	s26 =	sshrl.u32 s24, $0x3  }
0xd: {  	v9 =	vor.u32 $0x8, v0;
	v10 =	vor.u32 $0x9, v0;
	v11 =	vor.u32 $0xA, v0;
	s9 =	sor.u32 $0x800, s7;
	s28 =	sshrl.u32 s25, $0x3;
	s1 =	sadd.s32 s4, s26  }
0xe: {  	v12 =	vor.u32 $0xB, v0;
	v13 =	vor.u32 $0xC, v0;
	v14 =	vor.u32 $0xD, v0;
	s5 =	simm.s32 $0x0;
	s30 =	sadd.s32 s4, s28;
	[dreg:$0x4] =	wrdreg s1  }
0xf: {  	v15 =	vor.u32 $0xE, v0;
	v16 =	vor.u32 $0xF, v0;
	v1 =	vor.u32 $0xFFFFFF80, v1;
	s25 =	simm.s32 $0x1;
	s26 =	simm.s32 $0x1D180;
	[dreg:$0x5] =	wrdreg s30  }
.LBB2_1:
0x10: {  	[dreg:$0x7] =	wrdreg s5  }
0x11: {  	s0 =	rddreg [dreg:$0x2];
	s1 =	simm.s32 $0x7  }
0x12: {  	[tilespmem:s2], [sflag:$0x7] =	stream.linear.gather [hbm4b:s0+s2], $0x2800, $0x38;
	[tilespmem:$0x1D980] =	vst v63  }
0x13: {  	_ =	swait.ge [sflag:s1], $0x2800  }
0x14: {  	[sflag:s1] =	ssyncset.done $0x0  }
0x15: {  	s17 =	simm.s32 $0x2800;
	s16 =	rddreg [dreg:$0x3];
	[sflag:s1] =	ssyncadd.s32 $0xFFFFD800  }
0x16: {  	[tilespmem:s17], [sflag:$0x7] =	stream.linear.gather [hbm4b:s16+s2], $0x2800, $0x38;
	[tilespmem:$0x1D980] =	vst v63  }
0x17: {  	_ =	swait.ge [sflag:s1], $0x2800  }
0x18: {  	[sflag:s1] =	ssyncset.done $0x0  }
0x19: {  	s18 =	simm.s32 $0x5000;
	[sflag:s1] =	ssyncadd.s32 $0xFFFFD800  }
0x1a: {  	[tilespmem:s18], [sflag:$0x1] =	stream.indirect.gather [hbm4b:s3+s15], $0x80, s2, s15, $0xb8;
	[tilespmem:$0x1D980] =	vst v63  }
0x1b: {  	s19 =	simm.s32 $0x9000  }
0x1c: {  	[tilespmem:s19], [sflag:$0x1] =	stream.indirect.gather [hbm4b:s3+s15], $0x80, s17, s15, $0xb8;
	[tilespmem:$0x1D980] =	vst v63  }
0x1d: {  	s20 =	simm.s32 $0xD000  }
0x1e: {  	[tilespmem:s20], [sflag:$0x2] =	stream.indirect.gather [hbm4b:s3+s15], $0x80, s15, s15, $0xb8;
	[tilespmem:$0x1D980] =	vst v63  }
0x1f: {  	s21 =	simm.s32 $0x2880;
	s22 =	simm.s32 $0x11000  }
0x20: {  	[tilespmem:s22], [sflag:$0x2] =	stream.indirect.gather [hbm4b:s3+s15], $0x80, s21, s15, $0xb8;
	[tilespmem:$0x1D980] =	vst v63  }
0x21: {  	s23 =	simm.s32 $0x100;
	s24 =	simm.s32 $0x15000  }
0x22: {  	[tilespmem:s24], [sflag:$0x3] =	stream.indirect.gather [hbm4b:s3+s15], $0x80, s23, s15, $0xb8;
	[tilespmem:$0x1D980] =	vst v63  }
0x23: {  	s28 =	simm.s32 $0x2900;
	s30 =	simm.s32 $0x19000;
	s14 =	simm.s32 $0x0  }
0x24: {  	[tilespmem:s30], [sflag:$0x3] =	stream.indirect.gather [hbm4b:s3+s15], $0x80, s28, s15, $0xb8;
	[tilespmem:$0x1D980] =	vst v63  }
.LBB2_2:
0x25: {  	_ =	swait.ge [sflag:s25], $0x4000  }
0x26: {  	[sflag:s25] =	ssyncset.done $0x0  }
0x27: {  	[sflag:s25] =	ssyncadd.s32 $0xFFFFC000  }
0x28: {  	_ =	swait.ge [sflag:s25], $0x4000  }
0x29: {  	p0 =	seq.s32 s14, $0x0;
	[sflag:s25] =	ssyncset.done $0x0  }
0x2a: {  	s0 =	simm.s32 @!p0 $0x4;
	[sflag:s25] =	ssyncadd.s32 $0xFFFFC000  }
0x2b: {  	_ =	swait.ge @!p0 [sflag:s0], $0x80  }
0x2c: {  	s5 =	simm.s32 $0x0;
	s6 =	simm.s32 $0x9100;
	[sflag:s0] =	ssyncset.done @!p0 $0x0  }
0x2d: {  	s10 =	simm.s32 $0x5100;
	s11 =	simm.s32 $0x0;
	[sflag:s0] =	ssyncadd.s32 @!p0 $0xFFFFFF80  }
.LBB2_3:
0x2e: {  	v17 =	vld [tilespmem:s10+$0xE0]  }
0x2f: {  	v18 =	vld [tilespmem:s6+$0xE0]  }
0x30: {  	v19 =	vld [tilespmem:s10+$0xC0]  }
0x31: {  	v20 =	vld [tilespmem:s6+$0xC0]  }
0x32: {  	v21 =	vld [tilespmem:s10+$0x80]  }
0x33: {  	v22 =	vld [tilespmem:s6+$0x80]  }
0x34: {  	v23 =	vld [tilespmem:s10+$0x90]  }
0x35: {  	v24 =	vld [tilespmem:s6+$0x90]  }
0x36: {  	v25 =	vld [tilespmem:s10+$0xA0]  }
0x37: {  	v26 =	vld [tilespmem:s6+$0xA0]  }
0x38: {  	v27 =	vld [tilespmem:s10+$0xB0]  }
0x39: {  	v28 =	vld [tilespmem:s6+$0xB0]  }
0x3a: {  	v29 =	vld [tilespmem:s10+$0xD0]  }
0x3b: {  	v30 =	vld [tilespmem:s6+$0xD0]  }
0x3c: {  	v31 =	vld [tilespmem:s10+$0xF0]  }
0x3d: {  	v32 =	vld [tilespmem:s6+$0xF0]  }
0x3e: {  	v33 =	vld [tilespmem:s6+$0xFFFFFF00]  }
0x3f: {  	v34 =	vld [tilespmem:s10+$0xFFFFFF10]  }
0x40: {  	v35 =	vld [tilespmem:s6+$0xFFFFFF10]  }
0x41: {  	v36 =	vld [tilespmem:s10+$0xFFFFFF20]  }
0x42: {  	v37 =	vld [tilespmem:s6+$0xFFFFFF20]  }
0x43: {  	v38 =	vld [tilespmem:s10+$0xFFFFFF30]  }
0x44: {  	v39 =	vld [tilespmem:s6+$0xFFFFFF30]  }
0x45: {  	v40 =	vld [tilespmem:s10+$0xFFFFFF80]  }
0x46: {  	v41 =	vld [tilespmem:s6+$0xFFFFFF80]  }
0x47: {  	v42 =	vld [tilespmem:s10+$0xFFFFFF90]  }
0x48: {  	v43 =	vld [tilespmem:s6+$0xFFFFFF90]  }
0x49: {  	v44 =	vld [tilespmem:s10+$0xFFFFFFA0]  }
0x4a: {  	v45 =	vld [tilespmem:s6+$0xFFFFFFA0]  }
0x4b: {  	v46 =	vld [tilespmem:s10+$0xFFFFFFB0]  }
0x4c: {  	v47 =	vld [tilespmem:s6+$0xFFFFFFB0]  }
0x4d: {  	v48 =	vld [tilespmem:s10+$0x0]  }
0x4e: {  	v49 =	vld [tilespmem:s6+$0x0]  }
0x4f: {  	v50 =	vld [tilespmem:s10+$0x10]  }
0x50: {  	v51 =	vld [tilespmem:s6+$0x10]  }
0x51: {  	v52 =	vld [tilespmem:s10+$0x20]  }
0x52: {  	v53 =	vld [tilespmem:s6+$0x20]  }
0x53: {  	v54 =	vld [tilespmem:s10+$0x30]  }
0x54: {  	v55 =	vld [tilespmem:s6+$0x30]  }
0x55: {  	v56 =	vld [tilespmem:s10+$0xFFFFFF00]  }
0x56: {  	v57 =	vld [tilespmem:s10+$0xFFFFFF40]  }
0x57: {  	v58 =	vld [tilespmem:s6+$0xFFFFFF40]  }
0x58: {  	v59 =	vld [tilespmem:s10+$0xFFFFFF50]  }
0x59: {  	v60 =	vld [tilespmem:s6+$0xFFFFFF50]  }
0x5a: {  	v21 =	vmul.f32 v22, v21;
	v22 =	vmul.f32 v26, v25;
	v25 =	vld [tilespmem:s10+$0xFFFFFFC0]  }
0x5b: {  	v23 =	vmul.f32 v24, v23;
	v24 =	vmul.f32 v28, v27;
	v26 =	vld [tilespmem:s6+$0xFFFFFFC0]  }
0x5c: {  	v19 =	vmul.f32 v20, v19;
	v28 =	vld [tilespmem:s6+$0x50];
	v48 =	vmul.f32 v49, v48  }
0x5d: {  	v49 =	vld [tilespmem:s10+$0xFFFFFF70];
	v20 =	vadd.f32 v22, v21;
	v21 =	vadd.f32 v24, v23;
	v23 =	vmul.f32 v30, v29  }
0x5e: {  	v17 =	vmul.f32 v18, v17;
	v22 =	vld [tilespmem:s10+$0xFFFFFFD0]  }
0x5f: {  	v24 =	vld [tilespmem:s6+$0xFFFFFFD0];
	v18 =	vadd.f32 v19, v20;
	v20 =	vadd.f32 v23, v21;
	v21 =	vmul.f32 v32, v31  }
0x60: {  	v27 =	vmul.f32 v37, v36;
	v33 =	vmul.f32 v33, v56;
	v19 =	vld [tilespmem:s10+$0x40]  }
0x61: {  	v61 =	vmul.f32 v58, v57;
	v23 =	vld [tilespmem:s6+$0x40];
	v17 =	vadd.f32 v17, v18;
	v20 =	vadd.f32 v21, v20  }
0x62: {  	v29 =	vmul.f32 v39, v38;
	v31 =	vld [tilespmem:s10+$0xFFFFFF60];
	v21 =	vmul.f32 v35, v34  }
0x63: {  	v30 =	vmul.f32 v41, v40;
	v18 =	vld [tilespmem:s10+$0x50];
	v32 =	vadd.f32 v20, v17;
	v20 =	vmul.f32 v45, v44  }
0x64: {  	v17 =	vmul.f32 v43, v42;
	v45 =	vld [tilespmem:s6+$0xFFFFFF60];
	v29 =	vadd.f32 v29, v21;
	v21 =	vmul.f32 v47, v46  }
0x65: {  	s12 =	sshll.u32 s11, $0x8;
	s1 =	simm.s32 $0x0;
	v62 =	vmul.f32 v60, v59;
	v20 =	vadd.f32 v20, v30;
	v30 =	vmul.f32 v51, v50;
	v50 =	vld [tilespmem:s6+$0xFFFFFF70]  }
0x66: {  	s28 =	simm.s32 $0x10;
	s16 =	simm.s32 $0x20;
	s17 =	simm.s32 $0x30;
	v63 =	vld [tilespmem:s6+$0xFFFFFFE0];
	v24 =	vmul.f32 v24, v22;
	v51 =	vadd.f32 v21, v17;
	v17 =	vmul.f32 v53, v52  }
0x67: {  	s23 =	sand.u32 $0x80, s5;
	s24 =	sand.u32 $0x40, s5;
	s0 =	sand.u32 $0x3FFFFF00, s12;
	v56 =	vld [tilespmem:s10+$0xFFFFFFE0];
	v27 =	vadd.f32 v27, v33;
	v19 =	vmul.f32 v23, v19;
	v21 =	vmul.f32 v55, v54  }
0x68: {  	s19 =	sand.u32 $0x80, s28;
	s21 =	sand.u32 $0x80, s16;
	s22 =	sand.u32 $0x80, s17;
	v22 =	vld [tilespmem:s6+$0xFFFFFFF0];
	v29 =	vadd.f32 v62, v29;
	v35 =	vadd.f32 v17, v48;
	v17 =	vmul.f32 v26, v25  }
0x69: {  	s17 =	sand.u32 $0x70, s17;
	s16 =	sand.u32 $0x60, s16;
	s13 =	sadd.s32 $0x1D180, s0;
	v30 =	vadd.f32 v21, v30;
	v21 =	vld [tilespmem:s10+$0xFFFFFFF0];
	v26 =	vadd.f32 v61, v27;
	v27 =	vmul.f32 v45, v31  }
0x6a: {  	s0 =	sand.u32 $0x50, s28;
	s22 =	sadd.s32 s22, s13;
	s19 =	sadd.s32 s19, s13;
	v23 =	vld [tilespmem:s10+$0x60];
	v17 =	vadd.f32 v17, v20;
	v20 =	vmul.f32 v28, v18;
	v28 =	vmul.f32 v50, v49  }
0x6b: {  	s21 =	sadd.s32 s21, s13;
	s30 =	sadd.s32 s23, s13;
	s17 =	sadd.s32 s17, s22;
	v18 =	vadd.f32 v24, v51;
	v24 =	vld [tilespmem:s6+$0x60]  }
0x6c: {  	s0 =	sadd.s32 s0, s19;
	s23 =	sadd.s32 s16, s21;
	s16 =	sadd.s32 s24, s30;
	v25 =	vld [tilespmem:s10+$0x70];
	v27 =	vadd.f32 v27, v26;
	v29 =	vadd.f32 v28, v29;
	v28 =	vmul.f32 v63, v56  }
0x6d: {  	s19 =	sadd.s32 $0x200, s10;
	s21 =	smov.u32 s6;
	s22 =	simm.s32 $0x0;
	[tilespmem:s17+$0x0] =	vst v32;
	v19 =	vadd.f32 v19, v35;
	v26 =	vld [tilespmem:s6+$0x70];
	v20 =	vadd.f32 v20, v30  }
.LBB2_4:
0x6e: {  	v30 =	vld [tilespmem:s19+$0xE0];
	v27 =	vadd.f32 v29, v27;
	v17 =	vadd.f32 v28, v17;
	v21 =	vmul.f32 v22, v21;
	s21 =	sadd.s32 $0x200, s21  }
0x6f: {  	v22 =	vld [tilespmem:s21+$0xE0]  }
0x70: {  	v28 =	vld [tilespmem:s19+$0xC0];
	[tilespmem:s16+$0x0] =	vst v27;
	v18 =	vadd.f32 v21, v18;
	v21 =	vmul.f32 v24, v23  }
0x71: {  	v23 =	vld [tilespmem:s21+$0xC0]  }
0x72: {  	v24 =	vld [tilespmem:s19+$0x80];
	v17 =	vadd.f32 v18, v17;
	v18 =	vadd.f32 v21, v19;
	v19 =	vmul.f32 v26, v25  }
0x73: {  	v21 =	vld [tilespmem:s21+$0x80]  }
0x74: {  	v25 =	vld [tilespmem:s19+$0x90];
	[tilespmem:s0+$0x0] =	vst v17;
	v17 =	vadd.f32 v19, v20  }
0x75: {  	v19 =	vld [tilespmem:s21+$0x90]  }
0x76: {  	v20 =	vld [tilespmem:s19+$0xA0];
	v17 =	vadd.f32 v17, v18  }
0x77: {  	v18 =	vld [tilespmem:s21+$0xA0]  }
0x78: {  	v26 =	vld [tilespmem:s19+$0xB0];
	[tilespmem:s23+$0x0] =	vst v17  }
0x79: {  	s1 =	sadd.s32 $0x4, s1;
	v17 =	vld [tilespmem:s21+$0xB0]  }
0x7a: {  	p1 =	slt.u32 s1, $0xC;
	v27 =	vld [tilespmem:s19+$0xD0]  }
0x7b: {  	v29 =	vld [tilespmem:s21+$0xD0]  }
0x7c: {  	v31 =	vld [tilespmem:s19+$0xF0]  }
0x7d: {  	v21 =	vmul.f32 v21, v24;
	v19 =	vmul.f32 v19, v25;
	v24 =	vld [tilespmem:s21+$0xF0]  }
0x7e: {  	v18 =	vmul.f32 v18, v20;
	v25 =	vld [tilespmem:s21+$0xFFFFFF00];
	v17 =	vmul.f32 v17, v26  }
0x7f: {  	v23 =	vmul.f32 v23, v28;
	v20 =	vld [tilespmem:s19+$0xFFFFFF10]  }
0x80: {  	v18 =	vadd.f32 v18, v21;
	v26 =	vld [tilespmem:s21+$0xFFFFFF10];
	v17 =	vadd.f32 v17, v19;
	v19 =	vmul.f32 v29, v27  }
0x81: {  	v22 =	vmul.f32 v22, v30;
	v21 =	vld [tilespmem:s19+$0xFFFFFF20]  }
0x82: {  	v18 =	vadd.f32 v23, v18;
	v27 =	vld [tilespmem:s21+$0xFFFFFF20];
	v17 =	vadd.f32 v19, v17;
	v19 =	vmul.f32 v24, v31  }
0x83: {  	s22 =	sadd.s32 $0x40, s22;
	v23 =	vld [tilespmem:s19+$0xFFFFFF30]  }
0x84: {  	s17 =	sadd.s32 $0x30, s22;
	s16 =	sadd.s32 $0x20, s22;
	s0 =	sadd.s32 $0x10, s22;
	v18 =	vadd.f32 v22, v18;
	v24 =	vld [tilespmem:s21+$0xFFFFFF30];
	v17 =	vadd.f32 v19, v17  }
0x85: {  	s18 =	sand.u32 $0x80, s17;
	s24 =	sand.u32 $0x80, s16;
	s23 =	sand.u32 $0x80, s0;
	v19 =	vmul.f32 v26, v20;
	v20 =	vld [tilespmem:s19+$0xFFFFFF80]  }
0x86: {  	s20 =	sand.u32 $0x80, s22;
	s17 =	sand.u32 $0x70, s17;
	s18 =	sadd.s32 s18, s13;
	v22 =	vld [tilespmem:s21+$0xFFFFFF80];
	v17 =	vadd.f32 v17, v18  }
0x87: {  	s24 =	sadd.s32 s24, s13;
	s17 =	sadd.s32 s17, s18;
	s23 =	sadd.s32 s23, s13;
	v18 =	vmul.f32 v27, v21;
	v21 =	vld [tilespmem:s19+$0xFFFFFF90]  }
0x88: {  	s16 =	sand.u32 $0x60, s16;
	s18 =	sadd.s32 s20, s13;
	s0 =	sand.u32 $0x50, s0;
	v26 =	vld [tilespmem:s21+$0xFFFFFF90];
	[tilespmem:s17+$0x0] =	vst v17  }
0x89: {  	s0 =	sadd.s32 s0, s23;
	s23 =	sadd.s32 s16, s24;
	s17 =	sand.u32 $0x40, s22;
	v17 =	vmul.f32 v24, v23;
	v23 =	vld [tilespmem:s19+$0xFFFFFFA0]  }
0x8a: {  	s16 =	sadd.s32 s17, s18;
	v24 =	vld [tilespmem:s21+$0xFFFFFFA0]  }
0x8b: {  	v17 =	vadd.f32 v17, v19;
	v19 =	vmul.f32 v22, v20;
	v20 =	vld [tilespmem:s19+$0xFFFFFFB0]  }
0x8c: {  	v22 =	vld [tilespmem:s21+$0xFFFFFFB0]  }
0x8d: {  	v21 =	vmul.f32 v26, v21;
	v26 =	vld [tilespmem:s19+$0x0]  }
0x8e: {  	v27 =	vld [tilespmem:s21+$0x0]  }
0x8f: {  	v23 =	vmul.f32 v24, v23;
	v24 =	vld [tilespmem:s19+$0x10]  }
0x90: {  	v28 =	vld [tilespmem:s21+$0x10]  }
0x91: {  	v19 =	vadd.f32 v23, v19;
	v20 =	vmul.f32 v22, v20;
	v22 =	vld [tilespmem:s19+$0x20]  }
0x92: {  	v23 =	vld [tilespmem:s21+$0x20]  }
0x93: {  	v20 =	vadd.f32 v20, v21;
	v21 =	vmul.f32 v27, v26;
	v26 =	vld [tilespmem:s19+$0x30]  }
0x94: {  	v27 =	vld [tilespmem:s21+$0x30]  }
0x95: {  	v29 =	vld [tilespmem:s19+$0xFFFFFF00];
	v24 =	vmul.f32 v28, v24  }
0x96: {  	v28 =	vld [tilespmem:s19+$0xFFFFFF40]  }
0x97: {  	v30 =	vld [tilespmem:s21+$0xFFFFFF40];
	v22 =	vmul.f32 v23, v22  }
0x98: {  	v23 =	vld [tilespmem:s19+$0xFFFFFF50]  }
0x99: {  	v31 =	vld [tilespmem:s21+$0xFFFFFF50];
	v21 =	vadd.f32 v22, v21;
	v22 =	vmul.f32 v27, v26  }
0x9a: {  	v25 =	vmul.f32 v25, v29;
	v26 =	vld [tilespmem:s19+$0xFFFFFFC0]  }
0x9b: {  	v27 =	vld [tilespmem:s21+$0xFFFFFFC0];
	v22 =	vadd.f32 v22, v24  }
0x9c: {  	v18 =	vadd.f32 v18, v25;
	v24 =	vmul.f32 v30, v28;
	v25 =	vld [tilespmem:s19+$0xFFFFFFD0]  }
0x9d: {  	v28 =	vld [tilespmem:s21+$0xFFFFFFD0]  }
0x9e: {  	v24 =	vadd.f32 v24, v18;
	v18 =	vmul.f32 v31, v23;
	v23 =	vld [tilespmem:s19+$0x40]  }
0x9f: {  	v29 =	vld [tilespmem:s21+$0x40]  }
0xa0: {  	v30 =	vadd.f32 v18, v17;
	v17 =	vmul.f32 v27, v26;
	v26 =	vld [tilespmem:s19+$0x50]  }
0xa1: {  	v27 =	vld [tilespmem:s21+$0x50]  }
0xa2: {  	v31 =	vld [tilespmem:s19+$0xFFFFFF60];
	v17 =	vadd.f32 v17, v19;
	v18 =	vmul.f32 v28, v25  }
0xa3: {  	v25 =	vld [tilespmem:s21+$0xFFFFFF60]  }
0xa4: {  	v28 =	vld [tilespmem:s19+$0xFFFFFF70];
	v18 =	vadd.f32 v18, v20;
	v19 =	vmul.f32 v29, v23  }
0xa5: {  	v23 =	vld [tilespmem:s21+$0xFFFFFF70]  }
0xa6: {  	v32 =	vld [tilespmem:s19+$0xFFFFFFE0];
	v19 =	vadd.f32 v19, v21;
	v20 =	vmul.f32 v27, v26  }
0xa7: {  	v26 =	vld [tilespmem:s21+$0xFFFFFFE0]  }
0xa8: {  	v25 =	vmul.f32 v25, v31;
	v21 =	vld [tilespmem:s19+$0xFFFFFFF0];
	v20 =	vadd.f32 v20, v22  }
.Ltmp0:
0xa9: {  	v22 =	vld [tilespmem:s21+$0xFFFFFFF0];
	(pc) =	sbr.rel @p1 .LBB2_4-.Ltmp0, $4  }
0xaa: {  	v27 =	vadd.f32 v25, v24;
	v25 =	vmul.f32 v23, v28;
	v23 =	vld [tilespmem:s19+$0x60]  }
0xab: {  	v24 =	vld [tilespmem:s21+$0x60]  }
0xac: {  	v29 =	vadd.f32 v25, v30;
	v28 =	vmul.f32 v26, v32;
	v25 =	vld [tilespmem:s19+$0x70]  }
0xad: {  	s19 =	sadd.s32 $0x200, s19;
	v26 =	vld [tilespmem:s21+$0x70]  }
0xae: {  	_ =	sdelay $0x2  }
0xaf: {  	v21 =	vmul.f32 v22, v21  }
0xb0: {  	v45 =	vadd.f32 v29, v27;
	v23 =	vmul.f32 v24, v23;
	v46 =	vmul.f32 v26, v25  }
0xb1: {  	v17 =	vadd.f32 v28, v17;
	v47 =	vor.u32 s12, v0;
	v18 =	vadd.f32 v21, v18  }
0xb2: {  	v21 =	vand.u32 v1, v47;
	v19 =	vadd.f32 v23, v19;
	v20 =	vadd.f32 v46, v20  }
0xb3: {  	v17 =	vadd.f32 v18, v17;
	v18 =	vor.u32 s12, v2  }
0xb4: {  	v48 =	vor.u32 s12, v3;
	[tilespmem:s16+$0x0] =	vst v45;
	v19 =	vadd.f32 v20, v19  }
0xb5: {  	[tilespmem:s0+$0x0] =	vst v17;
	v17 =	vor.u32 s12, v4  }
0xb6: {  	v49 =	vor.u32 s12, v6;
	[tilespmem:s23+$0x0] =	vst v19  }
0xb7: {  	v19 =	vor.u32 s12, v5;
	v21 =	vld.idx.msk [tilespmem:v21+s26+$0x0], $0xffff  }
0xb8: {  	v50 =	vor.u32 s12, v7;
	v18 =	vld.idx.msk [tilespmem:v18+s26+$0x0], $0xffff  }
0xb9: {  	v51 =	vor.u32 s12, v8;
	v20 =	vld.idx.msk [tilespmem:v48+s26+$0x0], $0xffff  }
0xba: {  	v53 =	vor.u32 s12, v10;
	v17 =	vld.idx.msk [tilespmem:v17+s26+$0x0], $0xffff  }
0xbb: {  	v52 =	vor.u32 s12, v9;
	v22 =	vld.idx.msk [tilespmem:v49+s26+$0x0], $0xffff  }
0xbc: {  	v54 =	vor.u32 s12, v11;
	v19 =	vld.idx.msk [tilespmem:v19+s26+$0x0], $0xffff  }
0xbd: {  	v55 =	vor.u32 s12, v12;
	v23 =	vld.idx.msk [tilespmem:v50+s26+$0x0], $0xffff  }
0xbe: {  	v56 =	vor.u32 s12, v13;
	v24 =	vld.idx.msk [tilespmem:v51+s26+$0x0], $0xffff  }
0xbf: {  	v57 =	vor.u32 s12, v14;
	v58 =	vld.idx.msk [tilespmem:v53+s26+$0x0], $0xffff;
	v20 =	vadd.f32 v20, v21;
	v17 =	vadd.f32 v17, v18  }
0xc0: {  	v61 =	vor.u32 s12, v16;
	v18 =	vld.idx.msk [tilespmem:v52+s26+$0x0], $0xffff  }
0xc1: {  	v59 =	vor.u32 s12, v15;
	v60 =	vld.idx.msk [tilespmem:v54+s26+$0x0], $0xffff;
	v17 =	vadd.f32 v22, v17;
	v19 =	vadd.f32 v19, v20  }
0xc2: {  	v62 =	vld.idx.msk [tilespmem:v55+s26+$0x0], $0xffff  }
0xc3: {  	v63 =	vld.idx.msk [tilespmem:v56+s26+$0x0], $0xffff;
	v17 =	vadd.f32 v24, v17;
	v19 =	vadd.f32 v23, v19  }
0xc4: {  	v21 =	vld.idx.msk [tilespmem:v57+s26+$0x0], $0xffff  }
0xc5: {  	v22 =	vld.idx.msk [tilespmem:v61+s26+$0x0], $0xffff;
	v17 =	vadd.f32 v58, v17;
	v18 =	vadd.f32 v18, v19  }
0xc6: {  	v19 =	vld.idx.msk [tilespmem:v59+s26+$0x0], $0xffff  }
0xc7: {  	v17 =	vadd.f32 v62, v17;
	v18 =	vadd.f32 v60, v18;
	_ =	sdelay $0x1  }
0xc8: {  	s30 =	sshll.u32 s11, $0x4;
	s11 =	sadd.s32 $0x1, s11;
	v17 =	vadd.f32 v21, v17;
	v18 =	vadd.f32 v63, v18  }
0xc9: {  	p1 =	sne.s32 s11, $0x8  }
.Ltmp1:
0xca: {  	v17 =	vadd.f32 v22, v17;
	v18 =	vadd.f32 v19, v18;
	(pc) =	sbr.rel @p1 .LBB2_3-.Ltmp1, $4  }
0xcb: {  	_ = 	snop  }
0xcc: {  	v17 =	vadd.f32 v17, v18  }
0xcd: {  	s0 =	sand.u32 $0x3FFFFFF0, s30  }
0xce: {  	s6 =	sadd.s32 $0x800, s6;
	s10 =	sadd.s32 $0x800, s10;
	[tilespmem:s0+$0x1D000] =	vst v17  }
0xcf: {  	s6 =	smul.u32 $0xC00, s14;
	_ =	sdelay $0x1  }
0xd0: {  	s0 =	sadd.s32 s7, s6  }
0xd1: {  	s0 =	sshrl.u32 s0, $0x3  }
0xd2: {  	s5 =	smul.u32 $0x180, s14;
	s1 =	simm.s32 $0x1D000;
	s0 =	sadd.s32 s4, s0  }
0xd3: {  	[hbm4b:s0+s2] =	stream.linear.scatter [tilespmem:s1], [sflag:$0x4], $0x80, $0x38;
	[tilespmem:$0x1D980] =	vst v63  }
0xd4: {  	s24 =	simm.s32 $0x5000;
	s23 =	sadd.s32 $0x180, s5  }
0xd5: {  	[tilespmem:s24], [sflag:$0x1] =	stream.indirect.gather [hbm4b:s3+s15], $0x80, s23, s15, $0xb8;
	[tilespmem:$0x1D980] =	vst v63  }
0xd6: {  	s30 =	simm.s32 $0x9000;
	s28 =	sadd.s32 $0x2980, s5  }
0xd7: {  	[tilespmem:s30], [sflag:$0x1] =	stream.indirect.gather [hbm4b:s3+s15], $0x80, s28, s15, $0xb8;
	[tilespmem:$0x1D980] =	vst v63  }
0xd8: {  	_ =	swait.ge [sflag:s29], $0x4000  }
0xd9: {  	[sflag:s29] =	ssyncset.done $0x0  }
0xda: {  	[sflag:s29] =	ssyncadd.s32 $0xFFFFC000  }
0xdb: {  	_ =	swait.ge [sflag:s29], $0x4000  }
0xdc: {  	[sflag:s29] =	ssyncset.done $0x0  }
0xdd: {  	s0 =	simm.s32 @!p0 $0x5;
	[sflag:s29] =	ssyncadd.s32 $0xFFFFC000  }
0xde: {  	_ =	swait.ge @!p0 [sflag:s0], $0x80  }
0xdf: {  	s10 =	simm.s32 $0x0;
	s22 =	simm.s32 $0x11100;
	[sflag:s0] =	ssyncset.done @!p0 $0x0  }
0xe0: {  	s12 =	simm.s32 $0xD100;
	s21 =	simm.s32 $0x0;
	[sflag:s0] =	ssyncadd.s32 @!p0 $0xFFFFFF80  }
.LBB2_7:
0xe1: {  	v17 =	vld [tilespmem:s12+$0xE0]  }
0xe2: {  	v18 =	vld [tilespmem:s22+$0xE0]  }
0xe3: {  	v19 =	vld [tilespmem:s12+$0xC0]  }
0xe4: {  	v20 =	vld [tilespmem:s22+$0xC0]  }
0xe5: {  	v21 =	vld [tilespmem:s12+$0x80]  }
0xe6: {  	v22 =	vld [tilespmem:s22+$0x80]  }
0xe7: {  	v23 =	vld [tilespmem:s12+$0x90]  }
0xe8: {  	v24 =	vld [tilespmem:s22+$0x90]  }
0xe9: {  	v25 =	vld [tilespmem:s12+$0xA0]  }
0xea: {  	v26 =	vld [tilespmem:s22+$0xA0]  }
0xeb: {  	v27 =	vld [tilespmem:s12+$0xB0]  }
0xec: {  	v28 =	vld [tilespmem:s22+$0xB0]  }
0xed: {  	v29 =	vld [tilespmem:s12+$0xD0]  }
0xee: {  	v30 =	vld [tilespmem:s22+$0xD0]  }
0xef: {  	v31 =	vld [tilespmem:s12+$0xF0]  }
0xf0: {  	v32 =	vld [tilespmem:s22+$0xF0]  }
0xf1: {  	v33 =	vld [tilespmem:s22+$0xFFFFFF00]  }
0xf2: {  	v34 =	vld [tilespmem:s12+$0xFFFFFF10]  }
0xf3: {  	v35 =	vld [tilespmem:s22+$0xFFFFFF10]  }
0xf4: {  	v36 =	vld [tilespmem:s12+$0xFFFFFF20]  }
0xf5: {  	v37 =	vld [tilespmem:s22+$0xFFFFFF20]  }
0xf6: {  	v38 =	vld [tilespmem:s12+$0xFFFFFF30]  }
0xf7: {  	v39 =	vld [tilespmem:s22+$0xFFFFFF30]  }
0xf8: {  	v40 =	vld [tilespmem:s12+$0xFFFFFF80]  }
0xf9: {  	v41 =	vld [tilespmem:s22+$0xFFFFFF80]  }
0xfa: {  	v42 =	vld [tilespmem:s12+$0xFFFFFF90]  }
0xfb: {  	v43 =	vld [tilespmem:s22+$0xFFFFFF90]  }
0xfc: {  	v44 =	vld [tilespmem:s12+$0xFFFFFFA0]  }
0xfd: {  	v45 =	vld [tilespmem:s22+$0xFFFFFFA0]  }
0xfe: {  	v46 =	vld [tilespmem:s12+$0xFFFFFFB0]  }
0xff: {  	v47 =	vld [tilespmem:s22+$0xFFFFFFB0]  }
0x100: {  	v48 =	vld [tilespmem:s12+$0x0]  }
0x101: {  	v49 =	vld [tilespmem:s22+$0x0]  }
0x102: {  	v50 =	vld [tilespmem:s12+$0x10]  }
0x103: {  	v51 =	vld [tilespmem:s22+$0x10]  }
0x104: {  	v52 =	vld [tilespmem:s12+$0x20]  }
0x105: {  	v53 =	vld [tilespmem:s22+$0x20]  }
0x106: {  	v54 =	vld [tilespmem:s12+$0x30]  }
0x107: {  	v55 =	vld [tilespmem:s22+$0x30]  }
0x108: {  	v56 =	vld [tilespmem:s12+$0xFFFFFF00]  }
0x109: {  	v57 =	vld [tilespmem:s12+$0xFFFFFF40]  }
0x10a: {  	v58 =	vld [tilespmem:s22+$0xFFFFFF40]  }
0x10b: {  	v59 =	vld [tilespmem:s12+$0xFFFFFF50]  }
0x10c: {  	v60 =	vld [tilespmem:s22+$0xFFFFFF50]  }
0x10d: {  	v21 =	vmul.f32 v22, v21;
	v22 =	vmul.f32 v26, v25;
	v25 =	vld [tilespmem:s12+$0xFFFFFFC0]  }
0x10e: {  	v23 =	vmul.f32 v24, v23;
	v24 =	vmul.f32 v28, v27;
	v26 =	vld [tilespmem:s22+$0xFFFFFFC0]  }
0x10f: {  	v19 =	vmul.f32 v20, v19;
	v28 =	vld [tilespmem:s22+$0x50];
	v48 =	vmul.f32 v49, v48  }
0x110: {  	v49 =	vld [tilespmem:s12+$0xFFFFFF70];
	v20 =	vadd.f32 v22, v21;
	v21 =	vadd.f32 v24, v23;
	v23 =	vmul.f32 v30, v29  }
0x111: {  	v17 =	vmul.f32 v18, v17;
	v22 =	vld [tilespmem:s12+$0xFFFFFFD0]  }
0x112: {  	v24 =	vld [tilespmem:s22+$0xFFFFFFD0];
	v18 =	vadd.f32 v19, v20;
	v20 =	vadd.f32 v23, v21;
	v21 =	vmul.f32 v32, v31  }
0x113: {  	v27 =	vmul.f32 v37, v36;
	v33 =	vmul.f32 v33, v56;
	v19 =	vld [tilespmem:s12+$0x40]  }
0x114: {  	v61 =	vmul.f32 v58, v57;
	v23 =	vld [tilespmem:s22+$0x40];
	v17 =	vadd.f32 v17, v18;
	v20 =	vadd.f32 v21, v20  }
0x115: {  	v29 =	vmul.f32 v39, v38;
	v31 =	vld [tilespmem:s12+$0xFFFFFF60];
	v21 =	vmul.f32 v35, v34  }
0x116: {  	v30 =	vmul.f32 v41, v40;
	v18 =	vld [tilespmem:s12+$0x50];
	v32 =	vadd.f32 v20, v17;
	v20 =	vmul.f32 v45, v44  }
0x117: {  	v17 =	vmul.f32 v43, v42;
	v45 =	vld [tilespmem:s22+$0xFFFFFF60];
	v29 =	vadd.f32 v29, v21;
	v21 =	vmul.f32 v47, v46  }
0x118: {  	s13 =	sshll.u32 s21, $0x8;
	s19 =	simm.s32 $0x0;
	v62 =	vmul.f32 v60, v59;
	v20 =	vadd.f32 v20, v30;
	v30 =	vmul.f32 v51, v50;
	v50 =	vld [tilespmem:s22+$0xFFFFFF70]  }
0x119: {  	s30 =	simm.s32 $0x10;
	s11 =	simm.s32 $0x20;
	s16 =	simm.s32 $0x30;
	v63 =	vld [tilespmem:s22+$0xFFFFFFE0];
	v24 =	vmul.f32 v24, v22;
	v51 =	vadd.f32 v21, v17;
	v17 =	vmul.f32 v53, v52  }
0x11a: {  	s23 =	sand.u32 $0x80, s10;
	s24 =	sand.u32 $0x40, s10;
	s0 =	sand.u32 $0x3FFFFF00, s13;
	v56 =	vld [tilespmem:s12+$0xFFFFFFE0];
	v27 =	vadd.f32 v27, v33;
	v19 =	vmul.f32 v23, v19;
	v21 =	vmul.f32 v55, v54  }
0x11b: {  	s17 =	sand.u32 $0x80, s30;
	s18 =	sand.u32 $0x80, s11;
	s20 =	sand.u32 $0x80, s16;
	v22 =	vld [tilespmem:s22+$0xFFFFFFF0];
	v29 =	vadd.f32 v62, v29;
	v35 =	vadd.f32 v17, v48;
	v17 =	vmul.f32 v26, v25  }
0x11c: {  	s16 =	sand.u32 $0x70, s16;
	s11 =	sand.u32 $0x60, s11;
	s1 =	sadd.s32 $0x1D180, s0;
	v30 =	vadd.f32 v21, v30;
	v21 =	vld [tilespmem:s12+$0xFFFFFFF0];
	v26 =	vadd.f32 v61, v27;
	v27 =	vmul.f32 v45, v31  }
0x11d: {  	s0 =	sand.u32 $0x50, s30;
	s20 =	sadd.s32 s20, s1;
	s17 =	sadd.s32 s17, s1;
	v23 =	vld [tilespmem:s12+$0x60];
	v17 =	vadd.f32 v17, v20;
	v20 =	vmul.f32 v28, v18;
	v28 =	vmul.f32 v50, v49  }
0x11e: {  	s18 =	sadd.s32 s18, s1;
	s23 =	sadd.s32 s23, s1;
	s20 =	sadd.s32 s16, s20;
	v18 =	vadd.f32 v24, v51;
	v24 =	vld [tilespmem:s22+$0x60]  }
0x11f: {  	s16 =	sadd.s32 s0, s17;
	s0 =	sadd.s32 s11, s18;
	s17 =	sadd.s32 s24, s23;
	v25 =	vld [tilespmem:s12+$0x70];
	v27 =	vadd.f32 v27, v26;
	v29 =	vadd.f32 v28, v29;
	v28 =	vmul.f32 v63, v56  }
0x120: {  	s23 =	sadd.s32 $0x200, s12;
	s11 =	smov.u32 s22;
	s24 =	simm.s32 $0x0;
	[tilespmem:s20+$0x0] =	vst v32;
	v19 =	vadd.f32 v19, v35;
	v26 =	vld [tilespmem:s22+$0x70];
	v20 =	vadd.f32 v20, v30  }
.LBB2_8:
0x121: {  	v30 =	vld [tilespmem:s23+$0xE0];
	v27 =	vadd.f32 v29, v27;
	v17 =	vadd.f32 v28, v17;
	v21 =	vmul.f32 v22, v21;
	s11 =	sadd.s32 $0x200, s11  }
0x122: {  	v22 =	vld [tilespmem:s11+$0xE0]  }
0x123: {  	v28 =	vld [tilespmem:s23+$0xC0];
	[tilespmem:s17+$0x0] =	vst v27;
	v18 =	vadd.f32 v21, v18;
	v21 =	vmul.f32 v24, v23  }
0x124: {  	v23 =	vld [tilespmem:s11+$0xC0]  }
0x125: {  	v24 =	vld [tilespmem:s23+$0x80];
	v17 =	vadd.f32 v18, v17;
	v18 =	vadd.f32 v21, v19;
	v19 =	vmul.f32 v26, v25  }
0x126: {  	v21 =	vld [tilespmem:s11+$0x80]  }
0x127: {  	v25 =	vld [tilespmem:s23+$0x90];
	[tilespmem:s16+$0x0] =	vst v17;
	v17 =	vadd.f32 v19, v20  }
0x128: {  	v19 =	vld [tilespmem:s11+$0x90]  }
0x129: {  	v20 =	vld [tilespmem:s23+$0xA0];
	v17 =	vadd.f32 v17, v18  }
0x12a: {  	v18 =	vld [tilespmem:s11+$0xA0]  }
0x12b: {  	v26 =	vld [tilespmem:s23+$0xB0];
	[tilespmem:s0+$0x0] =	vst v17  }
0x12c: {  	s19 =	sadd.s32 $0x4, s19;
	v17 =	vld [tilespmem:s11+$0xB0]  }
0x12d: {  	p1 =	slt.u32 s19, $0xC;
	v27 =	vld [tilespmem:s23+$0xD0]  }
0x12e: {  	v29 =	vld [tilespmem:s11+$0xD0]  }
0x12f: {  	v31 =	vld [tilespmem:s23+$0xF0]  }
0x130: {  	v21 =	vmul.f32 v21, v24;
	v19 =	vmul.f32 v19, v25;
	v24 =	vld [tilespmem:s11+$0xF0]  }
0x131: {  	v18 =	vmul.f32 v18, v20;
	v25 =	vld [tilespmem:s11+$0xFFFFFF00];
	v17 =	vmul.f32 v17, v26  }
0x132: {  	v23 =	vmul.f32 v23, v28;
	v20 =	vld [tilespmem:s23+$0xFFFFFF10]  }
0x133: {  	v18 =	vadd.f32 v18, v21;
	v26 =	vld [tilespmem:s11+$0xFFFFFF10];
	v17 =	vadd.f32 v17, v19;
	v19 =	vmul.f32 v29, v27  }
0x134: {  	v22 =	vmul.f32 v22, v30;
	v21 =	vld [tilespmem:s23+$0xFFFFFF20]  }
0x135: {  	v18 =	vadd.f32 v23, v18;
	v27 =	vld [tilespmem:s11+$0xFFFFFF20];
	v17 =	vadd.f32 v19, v17;
	v19 =	vmul.f32 v24, v31  }
0x136: {  	s24 =	sadd.s32 $0x40, s24;
	v23 =	vld [tilespmem:s23+$0xFFFFFF30]  }
0x137: {  	s17 =	sadd.s32 $0x30, s24;
	s16 =	sadd.s32 $0x20, s24;
	s0 =	sadd.s32 $0x10, s24;
	v18 =	vadd.f32 v22, v18;
	v24 =	vld [tilespmem:s11+$0xFFFFFF30];
	v17 =	vadd.f32 v19, v17  }
0x138: {  	s28 =	sand.u32 $0x80, s17;
	s20 =	sand.u32 $0x80, s16;
	s18 =	sand.u32 $0x80, s0;
	v19 =	vmul.f32 v26, v20;
	v20 =	vld [tilespmem:s23+$0xFFFFFF80]  }
0x139: {  	s30 =	sand.u32 $0x80, s24;
	s17 =	sand.u32 $0x70, s17;
	s28 =	sadd.s32 s28, s1;
	v22 =	vld [tilespmem:s11+$0xFFFFFF80];
	v17 =	vadd.f32 v17, v18  }
0x13a: {  	s17 =	sadd.s32 s17, s28;
	s20 =	sadd.s32 s20, s1;
	s18 =	sadd.s32 s18, s1;
	v18 =	vmul.f32 v27, v21;
	v21 =	vld [tilespmem:s23+$0xFFFFFF90]  }
0x13b: {  	s28 =	sadd.s32 s30, s1;
	s30 =	sand.u32 $0x60, s16;
	s0 =	sand.u32 $0x50, s0;
	v26 =	vld [tilespmem:s11+$0xFFFFFF90];
	[tilespmem:s17+$0x0] =	vst v17  }
0x13c: {  	s16 =	sadd.s32 s0, s18;
	s0 =	sadd.s32 s30, s20;
	s17 =	sand.u32 $0x40, s24;
	v17 =	vmul.f32 v24, v23;
	v23 =	vld [tilespmem:s23+$0xFFFFFFA0]  }
0x13d: {  	s17 =	sadd.s32 s17, s28;
	v24 =	vld [tilespmem:s11+$0xFFFFFFA0]  }
0x13e: {  	v17 =	vadd.f32 v17, v19;
	v19 =	vmul.f32 v22, v20;
	v20 =	vld [tilespmem:s23+$0xFFFFFFB0]  }
0x13f: {  	v22 =	vld [tilespmem:s11+$0xFFFFFFB0]  }
0x140: {  	v21 =	vmul.f32 v26, v21;
	v26 =	vld [tilespmem:s23+$0x0]  }
0x141: {  	v27 =	vld [tilespmem:s11+$0x0]  }
0x142: {  	v23 =	vmul.f32 v24, v23;
	v24 =	vld [tilespmem:s23+$0x10]  }
0x143: {  	v28 =	vld [tilespmem:s11+$0x10]  }
0x144: {  	v19 =	vadd.f32 v23, v19;
	v20 =	vmul.f32 v22, v20;
	v22 =	vld [tilespmem:s23+$0x20]  }
0x145: {  	v23 =	vld [tilespmem:s11+$0x20]  }
0x146: {  	v20 =	vadd.f32 v20, v21;
	v21 =	vmul.f32 v27, v26;
	v26 =	vld [tilespmem:s23+$0x30]  }
0x147: {  	v27 =	vld [tilespmem:s11+$0x30]  }
0x148: {  	v29 =	vld [tilespmem:s23+$0xFFFFFF00];
	v24 =	vmul.f32 v28, v24  }
0x149: {  	v28 =	vld [tilespmem:s23+$0xFFFFFF40]  }
0x14a: {  	v30 =	vld [tilespmem:s11+$0xFFFFFF40];
	v22 =	vmul.f32 v23, v22  }
0x14b: {  	v23 =	vld [tilespmem:s23+$0xFFFFFF50]  }
0x14c: {  	v31 =	vld [tilespmem:s11+$0xFFFFFF50];
	v21 =	vadd.f32 v22, v21;
	v22 =	vmul.f32 v27, v26  }
0x14d: {  	v25 =	vmul.f32 v25, v29;
	v26 =	vld [tilespmem:s23+$0xFFFFFFC0]  }
0x14e: {  	v27 =	vld [tilespmem:s11+$0xFFFFFFC0];
	v22 =	vadd.f32 v22, v24  }
0x14f: {  	v18 =	vadd.f32 v18, v25;
	v24 =	vmul.f32 v30, v28;
	v25 =	vld [tilespmem:s23+$0xFFFFFFD0]  }
0x150: {  	v28 =	vld [tilespmem:s11+$0xFFFFFFD0]  }
0x151: {  	v24 =	vadd.f32 v24, v18;
	v18 =	vmul.f32 v31, v23;
	v23 =	vld [tilespmem:s23+$0x40]  }
0x152: {  	v29 =	vld [tilespmem:s11+$0x40]  }
0x153: {  	v30 =	vadd.f32 v18, v17;
	v17 =	vmul.f32 v27, v26;
	v26 =	vld [tilespmem:s23+$0x50]  }
0x154: {  	v27 =	vld [tilespmem:s11+$0x50]  }
0x155: {  	v31 =	vld [tilespmem:s23+$0xFFFFFF60];
	v17 =	vadd.f32 v17, v19;
	v18 =	vmul.f32 v28, v25  }
0x156: {  	v25 =	vld [tilespmem:s11+$0xFFFFFF60]  }
0x157: {  	v28 =	vld [tilespmem:s23+$0xFFFFFF70];
	v18 =	vadd.f32 v18, v20;
	v19 =	vmul.f32 v29, v23  }
0x158: {  	v23 =	vld [tilespmem:s11+$0xFFFFFF70]  }
0x159: {  	v32 =	vld [tilespmem:s23+$0xFFFFFFE0];
	v19 =	vadd.f32 v19, v21;
	v20 =	vmul.f32 v27, v26  }
0x15a: {  	v26 =	vld [tilespmem:s11+$0xFFFFFFE0]  }
0x15b: {  	v25 =	vmul.f32 v25, v31;
	v21 =	vld [tilespmem:s23+$0xFFFFFFF0];
	v20 =	vadd.f32 v20, v22  }
.Ltmp2:
0x15c: {  	v22 =	vld [tilespmem:s11+$0xFFFFFFF0];
	(pc) =	sbr.rel @p1 .LBB2_8-.Ltmp2, $4  }
0x15d: {  	v27 =	vadd.f32 v25, v24;
	v25 =	vmul.f32 v23, v28;
	v23 =	vld [tilespmem:s23+$0x60]  }
0x15e: {  	v24 =	vld [tilespmem:s11+$0x60]  }
0x15f: {  	v29 =	vadd.f32 v25, v30;
	v28 =	vmul.f32 v26, v32;
	v25 =	vld [tilespmem:s23+$0x70]  }
0x160: {  	s23 =	sadd.s32 $0x200, s23;
	v26 =	vld [tilespmem:s11+$0x70]  }
0x161: {  	_ =	sdelay $0x2  }
0x162: {  	v21 =	vmul.f32 v22, v21  }
0x163: {  	v45 =	vadd.f32 v29, v27;
	v23 =	vmul.f32 v24, v23;
	v46 =	vmul.f32 v26, v25  }
0x164: {  	v17 =	vadd.f32 v28, v17;
	v47 =	vor.u32 s13, v0;
	v18 =	vadd.f32 v21, v18  }
0x165: {  	v21 =	vand.u32 v1, v47;
	v19 =	vadd.f32 v23, v19;
	v20 =	vadd.f32 v46, v20  }
0x166: {  	v17 =	vadd.f32 v18, v17;
	v18 =	vor.u32 s13, v2  }
0x167: {  	v48 =	vor.u32 s13, v3;
	[tilespmem:s17+$0x0] =	vst v45;
	v19 =	vadd.f32 v20, v19  }
0x168: {  	[tilespmem:s16+$0x0] =	vst v17;
	v17 =	vor.u32 s13, v4  }
0x169: {  	v49 =	vor.u32 s13, v6;
	[tilespmem:s0+$0x0] =	vst v19  }
0x16a: {  	v19 =	vor.u32 s13, v5;
	v21 =	vld.idx.msk [tilespmem:v21+s26+$0x0], $0xffff  }
0x16b: {  	v50 =	vor.u32 s13, v7;
	v18 =	vld.idx.msk [tilespmem:v18+s26+$0x0], $0xffff  }
0x16c: {  	v51 =	vor.u32 s13, v8;
	v20 =	vld.idx.msk [tilespmem:v48+s26+$0x0], $0xffff  }
0x16d: {  	v53 =	vor.u32 s13, v10;
	v17 =	vld.idx.msk [tilespmem:v17+s26+$0x0], $0xffff  }
0x16e: {  	v52 =	vor.u32 s13, v9;
	v22 =	vld.idx.msk [tilespmem:v49+s26+$0x0], $0xffff  }
0x16f: {  	v54 =	vor.u32 s13, v11;
	v19 =	vld.idx.msk [tilespmem:v19+s26+$0x0], $0xffff  }
0x170: {  	v55 =	vor.u32 s13, v12;
	v23 =	vld.idx.msk [tilespmem:v50+s26+$0x0], $0xffff  }
0x171: {  	v56 =	vor.u32 s13, v13;
	v24 =	vld.idx.msk [tilespmem:v51+s26+$0x0], $0xffff  }
0x172: {  	v57 =	vor.u32 s13, v14;
	v58 =	vld.idx.msk [tilespmem:v53+s26+$0x0], $0xffff;
	v20 =	vadd.f32 v20, v21;
	v17 =	vadd.f32 v17, v18  }
0x173: {  	v61 =	vor.u32 s13, v16;
	v18 =	vld.idx.msk [tilespmem:v52+s26+$0x0], $0xffff  }
0x174: {  	v59 =	vor.u32 s13, v15;
	v60 =	vld.idx.msk [tilespmem:v54+s26+$0x0], $0xffff;
	v17 =	vadd.f32 v22, v17;
	v19 =	vadd.f32 v19, v20  }
0x175: {  	v62 =	vld.idx.msk [tilespmem:v55+s26+$0x0], $0xffff  }
0x176: {  	v63 =	vld.idx.msk [tilespmem:v56+s26+$0x0], $0xffff;
	v17 =	vadd.f32 v24, v17;
	v19 =	vadd.f32 v23, v19  }
0x177: {  	v21 =	vld.idx.msk [tilespmem:v57+s26+$0x0], $0xffff  }
0x178: {  	v22 =	vld.idx.msk [tilespmem:v61+s26+$0x0], $0xffff;
	v17 =	vadd.f32 v58, v17;
	v18 =	vadd.f32 v18, v19  }
0x179: {  	v19 =	vld.idx.msk [tilespmem:v59+s26+$0x0], $0xffff  }
0x17a: {  	v17 =	vadd.f32 v62, v17;
	v18 =	vadd.f32 v60, v18;
	_ =	sdelay $0x1  }
0x17b: {  	s30 =	sshll.u32 s21, $0x4;
	s21 =	sadd.s32 $0x1, s21;
	v17 =	vadd.f32 v21, v17;
	v18 =	vadd.f32 v63, v18  }
0x17c: {  	p1 =	sne.s32 s21, $0x8  }
.Ltmp3:
0x17d: {  	v17 =	vadd.f32 v22, v17;
	v18 =	vadd.f32 v19, v18;
	(pc) =	sbr.rel @p1 .LBB2_7-.Ltmp3, $4  }
0x17e: {  	_ = 	snop  }
0x17f: {  	v17 =	vadd.f32 v17, v18  }
0x180: {  	s0 =	sand.u32 $0x3FFFFFF0, s30  }
0x181: {  	s22 =	sadd.s32 $0x800, s22;
	s12 =	sadd.s32 $0x800, s12;
	[tilespmem:s0+$0x1D080] =	vst v17  }
0x182: {  	s0 =	sadd.s32 s8, s6  }
0x183: {  	s0 =	sshrl.u32 s0, $0x3  }
0x184: {  	s1 =	simm.s32 $0x1D080;
	s0 =	sadd.s32 s4, s0  }
0x185: {  	[hbm4b:s0+s2] =	stream.linear.scatter [tilespmem:s1], [sflag:$0x5], $0x80, $0x38;
	[tilespmem:$0x1D980] =	vst v63  }
0x186: {  	s23 =	sadd.s32 $0x200, s5;
	s24 =	simm.s32 $0xD000  }
0x187: {  	[tilespmem:s24], [sflag:$0x2] =	stream.indirect.gather [hbm4b:s3+s15], $0x80, s23, s15, $0xb8;
	[tilespmem:$0x1D980] =	vst v63  }
0x188: {  	s28 =	sadd.s32 $0x2A00, s5;
	s30 =	simm.s32 $0x11000  }
0x189: {  	[tilespmem:s30], [sflag:$0x2] =	stream.indirect.gather [hbm4b:s3+s15], $0x80, s28, s15, $0xb8;
	[tilespmem:$0x1D980] =	vst v63  }
0x18a: {  	_ =	swait.ge [sflag:s31], $0x4000  }
0x18b: {  	[sflag:s31] =	ssyncset.done $0x0  }
0x18c: {  	[sflag:s31] =	ssyncadd.s32 $0xFFFFC000  }
0x18d: {  	_ =	swait.ge [sflag:s31], $0x4000  }
0x18e: {  	[sflag:s31] =	ssyncset.done $0x0  }
0x18f: {  	s0 =	simm.s32 @!p0 $0x6;
	[sflag:s31] =	ssyncadd.s32 $0xFFFFC000  }
0x190: {  	_ =	swait.ge @!p0 [sflag:s0], $0x80  }
0x191: {  	s10 =	simm.s32 $0x0;
	s11 =	simm.s32 $0x19100;
	[sflag:s0] =	ssyncset.done @!p0 $0x0  }
0x192: {  	s12 =	simm.s32 $0x15100;
	s21 =	simm.s32 $0x0;
	[sflag:s0] =	ssyncadd.s32 @!p0 $0xFFFFFF80  }
.LBB2_11:
0x193: {  	v17 =	vld [tilespmem:s12+$0xE0]  }
0x194: {  	v18 =	vld [tilespmem:s11+$0xE0]  }
0x195: {  	v19 =	vld [tilespmem:s12+$0xC0]  }
0x196: {  	v20 =	vld [tilespmem:s11+$0xC0]  }
0x197: {  	v21 =	vld [tilespmem:s12+$0x80]  }
0x198: {  	v22 =	vld [tilespmem:s11+$0x80]  }
0x199: {  	v23 =	vld [tilespmem:s12+$0x90]  }
0x19a: {  	v24 =	vld [tilespmem:s11+$0x90]  }
0x19b: {  	v25 =	vld [tilespmem:s12+$0xA0]  }
0x19c: {  	v26 =	vld [tilespmem:s11+$0xA0]  }
0x19d: {  	v27 =	vld [tilespmem:s12+$0xB0]  }
0x19e: {  	v28 =	vld [tilespmem:s11+$0xB0]  }
0x19f: {  	v29 =	vld [tilespmem:s12+$0xD0]  }
0x1a0: {  	v30 =	vld [tilespmem:s11+$0xD0]  }
0x1a1: {  	v31 =	vld [tilespmem:s12+$0xF0]  }
0x1a2: {  	v32 =	vld [tilespmem:s11+$0xF0]  }
0x1a3: {  	v33 =	vld [tilespmem:s11+$0xFFFFFF00]  }
0x1a4: {  	v34 =	vld [tilespmem:s12+$0xFFFFFF10]  }
0x1a5: {  	v35 =	vld [tilespmem:s11+$0xFFFFFF10]  }
0x1a6: {  	v36 =	vld [tilespmem:s12+$0xFFFFFF20]  }
0x1a7: {  	v37 =	vld [tilespmem:s11+$0xFFFFFF20]  }
0x1a8: {  	v38 =	vld [tilespmem:s12+$0xFFFFFF30]  }
0x1a9: {  	v39 =	vld [tilespmem:s11+$0xFFFFFF30]  }
0x1aa: {  	v40 =	vld [tilespmem:s12+$0xFFFFFF80]  }
0x1ab: {  	v41 =	vld [tilespmem:s11+$0xFFFFFF80]  }
0x1ac: {  	v42 =	vld [tilespmem:s12+$0xFFFFFF90]  }
0x1ad: {  	v43 =	vld [tilespmem:s11+$0xFFFFFF90]  }
0x1ae: {  	v44 =	vld [tilespmem:s12+$0xFFFFFFA0]  }
0x1af: {  	v45 =	vld [tilespmem:s11+$0xFFFFFFA0]  }
0x1b0: {  	v46 =	vld [tilespmem:s12+$0xFFFFFFB0]  }
0x1b1: {  	v47 =	vld [tilespmem:s11+$0xFFFFFFB0]  }
0x1b2: {  	v48 =	vld [tilespmem:s12+$0x0]  }
0x1b3: {  	v49 =	vld [tilespmem:s11+$0x0]  }
0x1b4: {  	v50 =	vld [tilespmem:s12+$0x10]  }
0x1b5: {  	v51 =	vld [tilespmem:s11+$0x10]  }
0x1b6: {  	v52 =	vld [tilespmem:s12+$0x20]  }
0x1b7: {  	v53 =	vld [tilespmem:s11+$0x20]  }
0x1b8: {  	v54 =	vld [tilespmem:s12+$0x30]  }
0x1b9: {  	v55 =	vld [tilespmem:s11+$0x30]  }
0x1ba: {  	v56 =	vld [tilespmem:s12+$0xFFFFFF00]  }
0x1bb: {  	v57 =	vld [tilespmem:s12+$0xFFFFFF40]  }
0x1bc: {  	v58 =	vld [tilespmem:s11+$0xFFFFFF40]  }
0x1bd: {  	v59 =	vld [tilespmem:s12+$0xFFFFFF50]  }
0x1be: {  	v60 =	vld [tilespmem:s11+$0xFFFFFF50]  }
0x1bf: {  	v21 =	vmul.f32 v22, v21;
	v22 =	vmul.f32 v26, v25;
	v25 =	vld [tilespmem:s12+$0xFFFFFFC0]  }
0x1c0: {  	v23 =	vmul.f32 v24, v23;
	v24 =	vmul.f32 v28, v27;
	v26 =	vld [tilespmem:s11+$0xFFFFFFC0]  }
0x1c1: {  	v19 =	vmul.f32 v20, v19;
	v28 =	vld [tilespmem:s11+$0x50];
	v48 =	vmul.f32 v49, v48  }
0x1c2: {  	v49 =	vld [tilespmem:s12+$0xFFFFFF70];
	v20 =	vadd.f32 v22, v21;
	v21 =	vadd.f32 v24, v23;
	v23 =	vmul.f32 v30, v29  }
0x1c3: {  	v17 =	vmul.f32 v18, v17;
	v22 =	vld [tilespmem:s12+$0xFFFFFFD0]  }
0x1c4: {  	v24 =	vld [tilespmem:s11+$0xFFFFFFD0];
	v18 =	vadd.f32 v19, v20;
	v20 =	vadd.f32 v23, v21;
	v21 =	vmul.f32 v32, v31  }
0x1c5: {  	v27 =	vmul.f32 v37, v36;
	v33 =	vmul.f32 v33, v56;
	v19 =	vld [tilespmem:s12+$0x40]  }
0x1c6: {  	v61 =	vmul.f32 v58, v57;
	v23 =	vld [tilespmem:s11+$0x40];
	v17 =	vadd.f32 v17, v18;
	v20 =	vadd.f32 v21, v20  }
0x1c7: {  	v29 =	vmul.f32 v39, v38;
	v31 =	vld [tilespmem:s12+$0xFFFFFF60];
	v21 =	vmul.f32 v35, v34  }
0x1c8: {  	v30 =	vmul.f32 v41, v40;
	v18 =	vld [tilespmem:s12+$0x50];
	v32 =	vadd.f32 v20, v17;
	v20 =	vmul.f32 v45, v44  }
0x1c9: {  	v17 =	vmul.f32 v43, v42;
	v45 =	vld [tilespmem:s11+$0xFFFFFF60];
	v29 =	vadd.f32 v29, v21;
	v21 =	vmul.f32 v47, v46  }
0x1ca: {  	s13 =	sshll.u32 s21, $0x8;
	s19 =	simm.s32 $0x0;
	v62 =	vmul.f32 v60, v59;
	v20 =	vadd.f32 v20, v30;
	v30 =	vmul.f32 v51, v50;
	v50 =	vld [tilespmem:s11+$0xFFFFFF70]  }
0x1cb: {  	s24 =	simm.s32 $0x10;
	s16 =	simm.s32 $0x20;
	s17 =	simm.s32 $0x30;
	v63 =	vld [tilespmem:s11+$0xFFFFFFE0];
	v24 =	vmul.f32 v24, v22;
	v51 =	vadd.f32 v21, v17;
	v17 =	vmul.f32 v53, v52  }
0x1cc: {  	s23 =	sand.u32 $0x80, s10;
	s0 =	sand.u32 $0x3FFFFF00, s13;
	s18 =	sand.u32 $0x80, s24;
	v56 =	vld [tilespmem:s12+$0xFFFFFFE0];
	v27 =	vadd.f32 v27, v33;
	v19 =	vmul.f32 v23, v19;
	v21 =	vmul.f32 v55, v54  }
0x1cd: {  	s20 =	sand.u32 $0x80, s16;
	s22 =	sand.u32 $0x80, s17;
	s17 =	sand.u32 $0x70, s17;
	v22 =	vld [tilespmem:s11+$0xFFFFFFF0];
	v29 =	vadd.f32 v62, v29;
	v35 =	vadd.f32 v17, v48;
	v17 =	vmul.f32 v26, v25  }
0x1ce: {  	s30 =	sand.u32 $0x60, s16;
	s1 =	sadd.s32 $0x1D180, s0;
	s0 =	sand.u32 $0x50, s24;
	v30 =	vadd.f32 v21, v30;
	v21 =	vld [tilespmem:s12+$0xFFFFFFF0];
	v26 =	vadd.f32 v61, v27;
	v27 =	vmul.f32 v45, v31  }
0x1cf: {  	s24 =	sand.u32 $0x40, s10;
	s22 =	sadd.s32 s22, s1;
	s18 =	sadd.s32 s18, s1;
	v23 =	vld [tilespmem:s12+$0x60];
	v17 =	vadd.f32 v17, v20;
	v20 =	vmul.f32 v28, v18;
	v28 =	vmul.f32 v50, v49  }
0x1d0: {  	s20 =	sadd.s32 s20, s1;
	s28 =	sadd.s32 s23, s1;
	s23 =	sadd.s32 $0x200, s12;
	v18 =	vadd.f32 v24, v51;
	v24 =	vld [tilespmem:s11+$0x60]  }
0x1d1: {  	s17 =	sadd.s32 s17, s22;
	s16 =	sadd.s32 s0, s18;
	s0 =	sadd.s32 s30, s20;
	v25 =	vld [tilespmem:s12+$0x70];
	v27 =	vadd.f32 v27, v26;
	v29 =	vadd.f32 v28, v29;
	v28 =	vmul.f32 v63, v56  }
0x1d2: {  	s22 =	smov.u32 s11;
	[tilespmem:s17+$0x0] =	vst v32;
	s17 =	sadd.s32 s24, s28;
	s24 =	simm.s32 $0x0;
	v19 =	vadd.f32 v19, v35;
	v26 =	vld [tilespmem:s11+$0x70];
	v20 =	vadd.f32 v20, v30  }
.LBB2_12:
0x1d3: {  	v30 =	vld [tilespmem:s23+$0xE0];
	v27 =	vadd.f32 v29, v27;
	v17 =	vadd.f32 v28, v17;
	v21 =	vmul.f32 v22, v21;
	s22 =	sadd.s32 $0x200, s22  }
0x1d4: {  	v22 =	vld [tilespmem:s22+$0xE0]  }
0x1d5: {  	v28 =	vld [tilespmem:s23+$0xC0];
	[tilespmem:s17+$0x0] =	vst v27;
	v18 =	vadd.f32 v21, v18;
	v21 =	vmul.f32 v24, v23  }
0x1d6: {  	v23 =	vld [tilespmem:s22+$0xC0]  }
0x1d7: {  	v24 =	vld [tilespmem:s23+$0x80];
	v17 =	vadd.f32 v18, v17;
	v18 =	vadd.f32 v21, v19;
	v19 =	vmul.f32 v26, v25  }
0x1d8: {  	v21 =	vld [tilespmem:s22+$0x80]  }
0x1d9: {  	v25 =	vld [tilespmem:s23+$0x90];
	[tilespmem:s16+$0x0] =	vst v17;
	v17 =	vadd.f32 v19, v20  }
0x1da: {  	v19 =	vld [tilespmem:s22+$0x90]  }
0x1db: {  	v20 =	vld [tilespmem:s23+$0xA0];
	v17 =	vadd.f32 v17, v18  }
0x1dc: {  	v18 =	vld [tilespmem:s22+$0xA0]  }
0x1dd: {  	v26 =	vld [tilespmem:s23+$0xB0];
	[tilespmem:s0+$0x0] =	vst v17  }
0x1de: {  	s19 =	sadd.s32 $0x4, s19;
	v17 =	vld [tilespmem:s22+$0xB0]  }
0x1df: {  	p0 =	slt.u32 s19, $0xC;
	v27 =	vld [tilespmem:s23+$0xD0]  }
0x1e0: {  	v29 =	vld [tilespmem:s22+$0xD0]  }
0x1e1: {  	v31 =	vld [tilespmem:s23+$0xF0]  }
0x1e2: {  	v21 =	vmul.f32 v21, v24;
	v19 =	vmul.f32 v19, v25;
	v24 =	vld [tilespmem:s22+$0xF0]  }
0x1e3: {  	v18 =	vmul.f32 v18, v20;
	v25 =	vld [tilespmem:s22+$0xFFFFFF00];
	v17 =	vmul.f32 v17, v26  }
0x1e4: {  	v23 =	vmul.f32 v23, v28;
	v20 =	vld [tilespmem:s23+$0xFFFFFF10]  }
0x1e5: {  	v18 =	vadd.f32 v18, v21;
	v26 =	vld [tilespmem:s22+$0xFFFFFF10];
	v17 =	vadd.f32 v17, v19;
	v19 =	vmul.f32 v29, v27  }
0x1e6: {  	v22 =	vmul.f32 v22, v30;
	v21 =	vld [tilespmem:s23+$0xFFFFFF20]  }
0x1e7: {  	v18 =	vadd.f32 v23, v18;
	v27 =	vld [tilespmem:s22+$0xFFFFFF20];
	v17 =	vadd.f32 v19, v17;
	v19 =	vmul.f32 v24, v31  }
0x1e8: {  	s24 =	sadd.s32 $0x40, s24;
	v23 =	vld [tilespmem:s23+$0xFFFFFF30]  }
0x1e9: {  	s17 =	sadd.s32 $0x30, s24;
	s16 =	sadd.s32 $0x20, s24;
	s0 =	sadd.s32 $0x10, s24;
	v18 =	vadd.f32 v22, v18;
	v24 =	vld [tilespmem:s22+$0xFFFFFF30];
	v17 =	vadd.f32 v19, v17  }
0x1ea: {  	s28 =	sand.u32 $0x80, s17;
	s20 =	sand.u32 $0x80, s16;
	s18 =	sand.u32 $0x80, s0;
	v19 =	vmul.f32 v26, v20;
	v20 =	vld [tilespmem:s23+$0xFFFFFF80]  }
0x1eb: {  	s30 =	sand.u32 $0x80, s24;
	s17 =	sand.u32 $0x70, s17;
	s28 =	sadd.s32 s28, s1;
	v22 =	vld [tilespmem:s22+$0xFFFFFF80];
	v17 =	vadd.f32 v17, v18  }
0x1ec: {  	s17 =	sadd.s32 s17, s28;
	s20 =	sadd.s32 s20, s1;
	s18 =	sadd.s32 s18, s1;
	v18 =	vmul.f32 v27, v21;
	v21 =	vld [tilespmem:s23+$0xFFFFFF90]  }
0x1ed: {  	s28 =	sadd.s32 s30, s1;
	s30 =	sand.u32 $0x60, s16;
	s0 =	sand.u32 $0x50, s0;
	v26 =	vld [tilespmem:s22+$0xFFFFFF90];
	[tilespmem:s17+$0x0] =	vst v17  }
0x1ee: {  	s16 =	sadd.s32 s0, s18;
	s0 =	sadd.s32 s30, s20;
	s17 =	sand.u32 $0x40, s24;
	v17 =	vmul.f32 v24, v23;
	v23 =	vld [tilespmem:s23+$0xFFFFFFA0]  }
0x1ef: {  	s17 =	sadd.s32 s17, s28;
	v24 =	vld [tilespmem:s22+$0xFFFFFFA0]  }
0x1f0: {  	v17 =	vadd.f32 v17, v19;
	v19 =	vmul.f32 v22, v20;
	v20 =	vld [tilespmem:s23+$0xFFFFFFB0]  }
0x1f1: {  	v22 =	vld [tilespmem:s22+$0xFFFFFFB0]  }
0x1f2: {  	v21 =	vmul.f32 v26, v21;
	v26 =	vld [tilespmem:s23+$0x0]  }
0x1f3: {  	v27 =	vld [tilespmem:s22+$0x0]  }
0x1f4: {  	v23 =	vmul.f32 v24, v23;
	v24 =	vld [tilespmem:s23+$0x10]  }
0x1f5: {  	v28 =	vld [tilespmem:s22+$0x10]  }
0x1f6: {  	v19 =	vadd.f32 v23, v19;
	v20 =	vmul.f32 v22, v20;
	v22 =	vld [tilespmem:s23+$0x20]  }
0x1f7: {  	v23 =	vld [tilespmem:s22+$0x20]  }
0x1f8: {  	v20 =	vadd.f32 v20, v21;
	v21 =	vmul.f32 v27, v26;
	v26 =	vld [tilespmem:s23+$0x30]  }
0x1f9: {  	v27 =	vld [tilespmem:s22+$0x30]  }
0x1fa: {  	v29 =	vld [tilespmem:s23+$0xFFFFFF00];
	v24 =	vmul.f32 v28, v24  }
0x1fb: {  	v28 =	vld [tilespmem:s23+$0xFFFFFF40]  }
0x1fc: {  	v30 =	vld [tilespmem:s22+$0xFFFFFF40];
	v22 =	vmul.f32 v23, v22  }
0x1fd: {  	v23 =	vld [tilespmem:s23+$0xFFFFFF50]  }
0x1fe: {  	v31 =	vld [tilespmem:s22+$0xFFFFFF50];
	v21 =	vadd.f32 v22, v21;
	v22 =	vmul.f32 v27, v26  }
0x1ff: {  	v25 =	vmul.f32 v25, v29;
	v26 =	vld [tilespmem:s23+$0xFFFFFFC0]  }
0x200: {  	v27 =	vld [tilespmem:s22+$0xFFFFFFC0];
	v22 =	vadd.f32 v22, v24  }
0x201: {  	v18 =	vadd.f32 v18, v25;
	v24 =	vmul.f32 v30, v28;
	v25 =	vld [tilespmem:s23+$0xFFFFFFD0]  }
0x202: {  	v28 =	vld [tilespmem:s22+$0xFFFFFFD0]  }
0x203: {  	v24 =	vadd.f32 v24, v18;
	v18 =	vmul.f32 v31, v23;
	v23 =	vld [tilespmem:s23+$0x40]  }
0x204: {  	v29 =	vld [tilespmem:s22+$0x40]  }
0x205: {  	v30 =	vadd.f32 v18, v17;
	v17 =	vmul.f32 v27, v26;
	v26 =	vld [tilespmem:s23+$0x50]  }
0x206: {  	v27 =	vld [tilespmem:s22+$0x50]  }
0x207: {  	v31 =	vld [tilespmem:s23+$0xFFFFFF60];
	v17 =	vadd.f32 v17, v19;
	v18 =	vmul.f32 v28, v25  }
0x208: {  	v25 =	vld [tilespmem:s22+$0xFFFFFF60]  }
0x209: {  	v28 =	vld [tilespmem:s23+$0xFFFFFF70];
	v18 =	vadd.f32 v18, v20;
	v19 =	vmul.f32 v29, v23  }
0x20a: {  	v23 =	vld [tilespmem:s22+$0xFFFFFF70]  }
0x20b: {  	v32 =	vld [tilespmem:s23+$0xFFFFFFE0];
	v19 =	vadd.f32 v19, v21;
	v20 =	vmul.f32 v27, v26  }
0x20c: {  	v26 =	vld [tilespmem:s22+$0xFFFFFFE0]  }
0x20d: {  	v25 =	vmul.f32 v25, v31;
	v21 =	vld [tilespmem:s23+$0xFFFFFFF0];
	v20 =	vadd.f32 v20, v22  }
.Ltmp4:
0x20e: {  	v22 =	vld [tilespmem:s22+$0xFFFFFFF0];
	(pc) =	sbr.rel @p0 .LBB2_12-.Ltmp4, $4  }
0x20f: {  	v27 =	vadd.f32 v25, v24;
	v25 =	vmul.f32 v23, v28;
	v23 =	vld [tilespmem:s23+$0x60]  }
0x210: {  	v24 =	vld [tilespmem:s22+$0x60]  }
0x211: {  	v29 =	vadd.f32 v25, v30;
	v28 =	vmul.f32 v26, v32;
	v25 =	vld [tilespmem:s23+$0x70]  }
0x212: {  	s23 =	sadd.s32 $0x200, s23;
	v26 =	vld [tilespmem:s22+$0x70]  }
0x213: {  	_ =	sdelay $0x2  }
0x214: {  	v21 =	vmul.f32 v22, v21  }
0x215: {  	v45 =	vadd.f32 v29, v27;
	v23 =	vmul.f32 v24, v23;
	v46 =	vmul.f32 v26, v25  }
0x216: {  	v17 =	vadd.f32 v28, v17;
	v47 =	vor.u32 s13, v0;
	v18 =	vadd.f32 v21, v18  }
0x217: {  	v21 =	vand.u32 v1, v47;
	v19 =	vadd.f32 v23, v19;
	v20 =	vadd.f32 v46, v20  }
0x218: {  	v17 =	vadd.f32 v18, v17;
	v18 =	vor.u32 s13, v2  }
0x219: {  	v48 =	vor.u32 s13, v3;
	[tilespmem:s17+$0x0] =	vst v45;
	v19 =	vadd.f32 v20, v19  }
0x21a: {  	[tilespmem:s16+$0x0] =	vst v17;
	v17 =	vor.u32 s13, v4  }
0x21b: {  	v49 =	vor.u32 s13, v6;
	[tilespmem:s0+$0x0] =	vst v19  }
0x21c: {  	v19 =	vor.u32 s13, v5;
	v21 =	vld.idx.msk [tilespmem:v21+s26+$0x0], $0xffff  }
0x21d: {  	v50 =	vor.u32 s13, v7;
	v18 =	vld.idx.msk [tilespmem:v18+s26+$0x0], $0xffff  }
0x21e: {  	v51 =	vor.u32 s13, v8;
	v20 =	vld.idx.msk [tilespmem:v48+s26+$0x0], $0xffff  }
0x21f: {  	v53 =	vor.u32 s13, v10;
	v17 =	vld.idx.msk [tilespmem:v17+s26+$0x0], $0xffff  }
0x220: {  	v52 =	vor.u32 s13, v9;
	v22 =	vld.idx.msk [tilespmem:v49+s26+$0x0], $0xffff  }
0x221: {  	v54 =	vor.u32 s13, v11;
	v19 =	vld.idx.msk [tilespmem:v19+s26+$0x0], $0xffff  }
0x222: {  	v55 =	vor.u32 s13, v12;
	v23 =	vld.idx.msk [tilespmem:v50+s26+$0x0], $0xffff  }
0x223: {  	v56 =	vor.u32 s13, v13;
	v24 =	vld.idx.msk [tilespmem:v51+s26+$0x0], $0xffff  }
0x224: {  	v57 =	vor.u32 s13, v14;
	v58 =	vld.idx.msk [tilespmem:v53+s26+$0x0], $0xffff;
	v20 =	vadd.f32 v20, v21;
	v17 =	vadd.f32 v17, v18  }
0x225: {  	v61 =	vor.u32 s13, v16;
	v18 =	vld.idx.msk [tilespmem:v52+s26+$0x0], $0xffff  }
0x226: {  	v59 =	vor.u32 s13, v15;
	v60 =	vld.idx.msk [tilespmem:v54+s26+$0x0], $0xffff;
	v17 =	vadd.f32 v22, v17;
	v19 =	vadd.f32 v19, v20  }
0x227: {  	v62 =	vld.idx.msk [tilespmem:v55+s26+$0x0], $0xffff  }
0x228: {  	v63 =	vld.idx.msk [tilespmem:v56+s26+$0x0], $0xffff;
	v17 =	vadd.f32 v24, v17;
	v19 =	vadd.f32 v23, v19  }
0x229: {  	v21 =	vld.idx.msk [tilespmem:v57+s26+$0x0], $0xffff  }
0x22a: {  	v22 =	vld.idx.msk [tilespmem:v61+s26+$0x0], $0xffff;
	v17 =	vadd.f32 v58, v17;
	v18 =	vadd.f32 v18, v19  }
0x22b: {  	v19 =	vld.idx.msk [tilespmem:v59+s26+$0x0], $0xffff  }
0x22c: {  	v17 =	vadd.f32 v62, v17;
	v18 =	vadd.f32 v60, v18;
	_ =	sdelay $0x1  }
0x22d: {  	s30 =	sshll.u32 s21, $0x4;
	s21 =	sadd.s32 $0x1, s21;
	v17 =	vadd.f32 v21, v17;
	v18 =	vadd.f32 v63, v18  }
0x22e: {  	p0 =	sne.s32 s21, $0x8  }
.Ltmp5:
0x22f: {  	v17 =	vadd.f32 v22, v17;
	v18 =	vadd.f32 v19, v18;
	(pc) =	sbr.rel @p0 .LBB2_11-.Ltmp5, $4  }
0x230: {  	_ = 	snop  }
0x231: {  	v17 =	vadd.f32 v17, v18  }
0x232: {  	s0 =	sand.u32 $0x3FFFFFF0, s30  }
0x233: {  	s11 =	sadd.s32 $0x800, s11;
	s12 =	sadd.s32 $0x800, s12;
	[tilespmem:s0+$0x1D100] =	vst v17  }
0x234: {  	p0 =	seq.s32 s14, $0x19  }
.Ltmp6:
0x235: {  	_ = 	snop;
	(pc) =	sbr.rel @p0 .LBB2_16-.Ltmp6, $4  }
0x236: {  	s0 =	sadd.s32 s9, s6  }
0x237: {  	s0 =	sshrl.u32 s0, $0x3  }
0x238: {  	s1 =	simm.s32 $0x1D100;
	s0 =	sadd.s32 s4, s0  }
0x239: {  	[hbm4b:s0+s2] =	stream.linear.scatter [tilespmem:s1], [sflag:$0x6], $0x80, $0x38;
	[tilespmem:$0x1D980] =	vst v63  }
.Ltmp7:
0x23a: {  	(pc) =	sbr.rel .LBB2_2-.Ltmp7, $4  }
0x23b: {  	s0 =	sadd.s32 $0x280, s5;
	s1 =	simm.s32 $0x15000  }
0x23c: {  	[tilespmem:s1], [sflag:$0x3] =	stream.indirect.gather [hbm4b:s3+s15], $0x80, s0, s15, $0xb8;
	[tilespmem:$0x1D980] =	vst v63  }
0x23d: {  	s28 =	sadd.s32 $0x2A80, s5;
	s30 =	simm.s32 $0x19000;
	s14 =	sadd.s32 $0x1, s14  }
0x23e: {  	[tilespmem:s30], [sflag:$0x3] =	stream.indirect.gather [hbm4b:s3+s15], $0x80, s28, s15, $0xb8;
	[tilespmem:$0x1D980] =	vst v63  }
.LBB2_16:
0x23f: {  	_ =	swait.ge [sflag:s25], $0x4000  }
0x240: {  	[sflag:s25] =	ssyncset.done $0x0  }
0x241: {  	[sflag:s25] =	ssyncadd.s32 $0xFFFFC000  }
0x242: {  	_ =	swait.ge [sflag:s25], $0x4000  }
0x243: {  	[sflag:s25] =	ssyncset.done $0x0  }
0x244: {  	s24 =	simm.s32 $0x4;
	[sflag:s25] =	ssyncadd.s32 $0xFFFFC000  }
0x245: {  	_ =	swait.ge [sflag:s24], $0x80  }
0x246: {  	s5 =	simm.s32 $0x0;
	s6 =	simm.s32 $0x9100;
	[sflag:s24] =	ssyncset.done $0x0  }
0x247: {  	s10 =	simm.s32 $0x5100;
	s11 =	simm.s32 $0x0;
	[sflag:s24] =	ssyncadd.s32 $0xFFFFFF80  }
.LBB2_17:
0x248: {  	v17 =	vld [tilespmem:s10+$0xE0]  }
0x249: {  	v18 =	vld [tilespmem:s6+$0xE0]  }
0x24a: {  	v19 =	vld [tilespmem:s10+$0xC0]  }
0x24b: {  	v20 =	vld [tilespmem:s6+$0xC0]  }
0x24c: {  	v21 =	vld [tilespmem:s10+$0x80]  }
0x24d: {  	v22 =	vld [tilespmem:s6+$0x80]  }
0x24e: {  	v23 =	vld [tilespmem:s10+$0x90]  }
0x24f: {  	v24 =	vld [tilespmem:s6+$0x90]  }
0x250: {  	v25 =	vld [tilespmem:s10+$0xA0]  }
0x251: {  	v26 =	vld [tilespmem:s6+$0xA0]  }
0x252: {  	v27 =	vld [tilespmem:s10+$0xB0]  }
0x253: {  	v28 =	vld [tilespmem:s6+$0xB0]  }
0x254: {  	v29 =	vld [tilespmem:s10+$0xD0]  }
0x255: {  	v30 =	vld [tilespmem:s6+$0xD0]  }
0x256: {  	v31 =	vld [tilespmem:s10+$0xF0]  }
0x257: {  	v32 =	vld [tilespmem:s6+$0xF0]  }
0x258: {  	v33 =	vld [tilespmem:s6+$0xFFFFFF00]  }
0x259: {  	v34 =	vld [tilespmem:s10+$0xFFFFFF10]  }
0x25a: {  	v35 =	vld [tilespmem:s6+$0xFFFFFF10]  }
0x25b: {  	v36 =	vld [tilespmem:s10+$0xFFFFFF20]  }
0x25c: {  	v37 =	vld [tilespmem:s6+$0xFFFFFF20]  }
0x25d: {  	v38 =	vld [tilespmem:s10+$0xFFFFFF30]  }
0x25e: {  	v39 =	vld [tilespmem:s6+$0xFFFFFF30]  }
0x25f: {  	v40 =	vld [tilespmem:s10+$0xFFFFFF80]  }
0x260: {  	v41 =	vld [tilespmem:s6+$0xFFFFFF80]  }
0x261: {  	v42 =	vld [tilespmem:s10+$0xFFFFFF90]  }
0x262: {  	v43 =	vld [tilespmem:s6+$0xFFFFFF90]  }
0x263: {  	v44 =	vld [tilespmem:s10+$0xFFFFFFA0]  }
0x264: {  	v45 =	vld [tilespmem:s6+$0xFFFFFFA0]  }
0x265: {  	v46 =	vld [tilespmem:s10+$0xFFFFFFB0]  }
0x266: {  	v47 =	vld [tilespmem:s6+$0xFFFFFFB0]  }
0x267: {  	v48 =	vld [tilespmem:s10+$0x0]  }
0x268: {  	v49 =	vld [tilespmem:s6+$0x0]  }
0x269: {  	v50 =	vld [tilespmem:s10+$0x10]  }
0x26a: {  	v51 =	vld [tilespmem:s6+$0x10]  }
0x26b: {  	v52 =	vld [tilespmem:s10+$0x20]  }
0x26c: {  	v53 =	vld [tilespmem:s6+$0x20]  }
0x26d: {  	v54 =	vld [tilespmem:s10+$0x30]  }
0x26e: {  	v55 =	vld [tilespmem:s6+$0x30]  }
0x26f: {  	v56 =	vld [tilespmem:s10+$0xFFFFFF00]  }
0x270: {  	v57 =	vld [tilespmem:s10+$0xFFFFFF40]  }
0x271: {  	v58 =	vld [tilespmem:s6+$0xFFFFFF40]  }
0x272: {  	v59 =	vld [tilespmem:s10+$0xFFFFFF50]  }
0x273: {  	v60 =	vld [tilespmem:s6+$0xFFFFFF50]  }
0x274: {  	v21 =	vmul.f32 v22, v21;
	v22 =	vmul.f32 v26, v25;
	v25 =	vld [tilespmem:s10+$0xFFFFFFC0]  }
0x275: {  	v23 =	vmul.f32 v24, v23;
	v24 =	vmul.f32 v28, v27;
	v26 =	vld [tilespmem:s6+$0xFFFFFFC0]  }
0x276: {  	v19 =	vmul.f32 v20, v19;
	v28 =	vld [tilespmem:s6+$0x50];
	v48 =	vmul.f32 v49, v48  }
0x277: {  	v49 =	vld [tilespmem:s10+$0xFFFFFF70];
	v20 =	vadd.f32 v22, v21;
	v21 =	vadd.f32 v24, v23;
	v23 =	vmul.f32 v30, v29  }
0x278: {  	v17 =	vmul.f32 v18, v17;
	v22 =	vld [tilespmem:s10+$0xFFFFFFD0]  }
0x279: {  	v24 =	vld [tilespmem:s6+$0xFFFFFFD0];
	v18 =	vadd.f32 v19, v20;
	v20 =	vadd.f32 v23, v21;
	v21 =	vmul.f32 v32, v31  }
0x27a: {  	v27 =	vmul.f32 v37, v36;
	v33 =	vmul.f32 v33, v56;
	v19 =	vld [tilespmem:s10+$0x40]  }
0x27b: {  	v61 =	vmul.f32 v58, v57;
	v23 =	vld [tilespmem:s6+$0x40];
	v17 =	vadd.f32 v17, v18;
	v20 =	vadd.f32 v21, v20  }
0x27c: {  	v29 =	vmul.f32 v39, v38;
	v31 =	vld [tilespmem:s10+$0xFFFFFF60];
	v21 =	vmul.f32 v35, v34  }
0x27d: {  	v30 =	vmul.f32 v41, v40;
	v18 =	vld [tilespmem:s10+$0x50];
	v32 =	vadd.f32 v20, v17;
	v20 =	vmul.f32 v45, v44  }
0x27e: {  	v17 =	vmul.f32 v43, v42;
	v45 =	vld [tilespmem:s6+$0xFFFFFF60];
	v29 =	vadd.f32 v29, v21;
	v21 =	vmul.f32 v47, v46  }
0x27f: {  	s12 =	sshll.u32 s11, $0x8;
	s13 =	simm.s32 $0x0;
	v62 =	vmul.f32 v60, v59;
	v20 =	vadd.f32 v20, v30;
	v30 =	vmul.f32 v51, v50;
	v50 =	vld [tilespmem:s6+$0xFFFFFF70]  }
0x280: {  	s30 =	simm.s32 $0x10;
	s14 =	simm.s32 $0x20;
	s16 =	simm.s32 $0x30;
	v63 =	vld [tilespmem:s6+$0xFFFFFFE0];
	v24 =	vmul.f32 v24, v22;
	v51 =	vadd.f32 v21, v17;
	v17 =	vmul.f32 v53, v52  }
0x281: {  	s20 =	sand.u32 $0x80, s5;
	s21 =	sand.u32 $0x40, s5;
	s0 =	sand.u32 $0x3FFFFF00, s12;
	v56 =	vld [tilespmem:s10+$0xFFFFFFE0];
	v27 =	vadd.f32 v27, v33;
	v19 =	vmul.f32 v23, v19;
	v21 =	vmul.f32 v55, v54  }
0x282: {  	s17 =	sand.u32 $0x80, s30;
	s18 =	sand.u32 $0x80, s14;
	s19 =	sand.u32 $0x80, s16;
	v22 =	vld [tilespmem:s6+$0xFFFFFFF0];
	v29 =	vadd.f32 v62, v29;
	v35 =	vadd.f32 v17, v48;
	v17 =	vmul.f32 v26, v25  }
0x283: {  	s16 =	sand.u32 $0x70, s16;
	s14 =	sand.u32 $0x60, s14;
	s1 =	sadd.s32 $0x1D180, s0;
	v30 =	vadd.f32 v21, v30;
	v21 =	vld [tilespmem:s10+$0xFFFFFFF0];
	v26 =	vadd.f32 v61, v27;
	v27 =	vmul.f32 v45, v31  }
0x284: {  	s0 =	sand.u32 $0x50, s30;
	s19 =	sadd.s32 s19, s1;
	s17 =	sadd.s32 s17, s1;
	v23 =	vld [tilespmem:s10+$0x60];
	v17 =	vadd.f32 v17, v20;
	v20 =	vmul.f32 v28, v18;
	v28 =	vmul.f32 v50, v49  }
0x285: {  	s18 =	sadd.s32 s18, s1;
	s20 =	sadd.s32 s20, s1;
	s19 =	sadd.s32 s16, s19;
	v18 =	vadd.f32 v24, v51;
	v24 =	vld [tilespmem:s6+$0x60]  }
0x286: {  	s16 =	sadd.s32 s0, s17;
	s0 =	sadd.s32 s14, s18;
	s17 =	sadd.s32 s21, s20;
	v25 =	vld [tilespmem:s10+$0x70];
	v27 =	vadd.f32 v27, v26;
	v29 =	vadd.f32 v28, v29;
	v28 =	vmul.f32 v63, v56  }
0x287: {  	s14 =	sadd.s32 $0x200, s10;
	s21 =	simm.s32 $0x0;
	[tilespmem:s19+$0x0] =	vst v32;
	s19 =	smov.u32 s6;
	v19 =	vadd.f32 v19, v35;
	v26 =	vld [tilespmem:s6+$0x70];
	v20 =	vadd.f32 v20, v30  }
.LBB2_18:
0x288: {  	v30 =	vld [tilespmem:s14+$0xE0];
	v27 =	vadd.f32 v29, v27;
	v17 =	vadd.f32 v28, v17;
	v21 =	vmul.f32 v22, v21;
	s19 =	sadd.s32 $0x200, s19  }
0x289: {  	v22 =	vld [tilespmem:s19+$0xE0]  }
0x28a: {  	v28 =	vld [tilespmem:s14+$0xC0];
	[tilespmem:s17+$0x0] =	vst v27;
	v18 =	vadd.f32 v21, v18;
	v21 =	vmul.f32 v24, v23  }
0x28b: {  	v23 =	vld [tilespmem:s19+$0xC0]  }
0x28c: {  	v24 =	vld [tilespmem:s14+$0x80];
	v17 =	vadd.f32 v18, v17;
	v18 =	vadd.f32 v21, v19;
	v19 =	vmul.f32 v26, v25  }
0x28d: {  	v21 =	vld [tilespmem:s19+$0x80]  }
0x28e: {  	v25 =	vld [tilespmem:s14+$0x90];
	[tilespmem:s16+$0x0] =	vst v17;
	v17 =	vadd.f32 v19, v20  }
0x28f: {  	v19 =	vld [tilespmem:s19+$0x90]  }
0x290: {  	v20 =	vld [tilespmem:s14+$0xA0];
	v17 =	vadd.f32 v17, v18  }
0x291: {  	v18 =	vld [tilespmem:s19+$0xA0]  }
0x292: {  	v26 =	vld [tilespmem:s14+$0xB0];
	[tilespmem:s0+$0x0] =	vst v17  }
0x293: {  	s13 =	sadd.s32 $0x4, s13;
	v17 =	vld [tilespmem:s19+$0xB0]  }
0x294: {  	p0 =	slt.u32 s13, $0xC;
	v27 =	vld [tilespmem:s14+$0xD0]  }
0x295: {  	v29 =	vld [tilespmem:s19+$0xD0]  }
0x296: {  	v31 =	vld [tilespmem:s14+$0xF0]  }
0x297: {  	v21 =	vmul.f32 v21, v24;
	v19 =	vmul.f32 v19, v25;
	v24 =	vld [tilespmem:s19+$0xF0]  }
0x298: {  	v18 =	vmul.f32 v18, v20;
	v25 =	vld [tilespmem:s19+$0xFFFFFF00];
	v17 =	vmul.f32 v17, v26  }
0x299: {  	v23 =	vmul.f32 v23, v28;
	v20 =	vld [tilespmem:s14+$0xFFFFFF10]  }
0x29a: {  	v18 =	vadd.f32 v18, v21;
	v26 =	vld [tilespmem:s19+$0xFFFFFF10];
	v17 =	vadd.f32 v17, v19;
	v19 =	vmul.f32 v29, v27  }
0x29b: {  	v22 =	vmul.f32 v22, v30;
	v21 =	vld [tilespmem:s14+$0xFFFFFF20]  }
0x29c: {  	v18 =	vadd.f32 v23, v18;
	v27 =	vld [tilespmem:s19+$0xFFFFFF20];
	v17 =	vadd.f32 v19, v17;
	v19 =	vmul.f32 v24, v31  }
0x29d: {  	s21 =	sadd.s32 $0x40, s21;
	v23 =	vld [tilespmem:s14+$0xFFFFFF30]  }
0x29e: {  	s17 =	sadd.s32 $0x30, s21;
	s16 =	sadd.s32 $0x20, s21;
	s0 =	sadd.s32 $0x10, s21;
	v18 =	vadd.f32 v22, v18;
	v24 =	vld [tilespmem:s19+$0xFFFFFF30];
	v17 =	vadd.f32 v19, v17  }
0x29f: {  	s22 =	sand.u32 $0x80, s17;
	s20 =	sand.u32 $0x80, s16;
	s18 =	sand.u32 $0x80, s0;
	v19 =	vmul.f32 v26, v20;
	v20 =	vld [tilespmem:s14+$0xFFFFFF80]  }
0x2a0: {  	s23 =	sand.u32 $0x80, s21;
	s17 =	sand.u32 $0x70, s17;
	s22 =	sadd.s32 s22, s1;
	v22 =	vld [tilespmem:s19+$0xFFFFFF80];
	v17 =	vadd.f32 v17, v18  }
0x2a1: {  	s17 =	sadd.s32 s17, s22;
	s20 =	sadd.s32 s20, s1;
	s18 =	sadd.s32 s18, s1;
	v18 =	vmul.f32 v27, v21;
	v21 =	vld [tilespmem:s14+$0xFFFFFF90]  }
0x2a2: {  	s22 =	sadd.s32 s23, s1;
	s23 =	sand.u32 $0x60, s16;
	s0 =	sand.u32 $0x50, s0;
	v26 =	vld [tilespmem:s19+$0xFFFFFF90];
	[tilespmem:s17+$0x0] =	vst v17  }
0x2a3: {  	s16 =	sadd.s32 s0, s18;
	s0 =	sadd.s32 s23, s20;
	s17 =	sand.u32 $0x40, s21;
	v17 =	vmul.f32 v24, v23;
	v23 =	vld [tilespmem:s14+$0xFFFFFFA0]  }
0x2a4: {  	s17 =	sadd.s32 s17, s22;
	v24 =	vld [tilespmem:s19+$0xFFFFFFA0]  }
0x2a5: {  	v17 =	vadd.f32 v17, v19;
	v19 =	vmul.f32 v22, v20;
	v20 =	vld [tilespmem:s14+$0xFFFFFFB0]  }
0x2a6: {  	v22 =	vld [tilespmem:s19+$0xFFFFFFB0]  }
0x2a7: {  	v21 =	vmul.f32 v26, v21;
	v26 =	vld [tilespmem:s14+$0x0]  }
0x2a8: {  	v27 =	vld [tilespmem:s19+$0x0]  }
0x2a9: {  	v23 =	vmul.f32 v24, v23;
	v24 =	vld [tilespmem:s14+$0x10]  }
0x2aa: {  	v28 =	vld [tilespmem:s19+$0x10]  }
0x2ab: {  	v19 =	vadd.f32 v23, v19;
	v20 =	vmul.f32 v22, v20;
	v22 =	vld [tilespmem:s14+$0x20]  }
0x2ac: {  	v23 =	vld [tilespmem:s19+$0x20]  }
0x2ad: {  	v20 =	vadd.f32 v20, v21;
	v21 =	vmul.f32 v27, v26;
	v26 =	vld [tilespmem:s14+$0x30]  }
0x2ae: {  	v27 =	vld [tilespmem:s19+$0x30]  }
0x2af: {  	v29 =	vld [tilespmem:s14+$0xFFFFFF00];
	v24 =	vmul.f32 v28, v24  }
0x2b0: {  	v28 =	vld [tilespmem:s14+$0xFFFFFF40]  }
0x2b1: {  	v30 =	vld [tilespmem:s19+$0xFFFFFF40];
	v22 =	vmul.f32 v23, v22  }
0x2b2: {  	v23 =	vld [tilespmem:s14+$0xFFFFFF50]  }
0x2b3: {  	v31 =	vld [tilespmem:s19+$0xFFFFFF50];
	v21 =	vadd.f32 v22, v21;
	v22 =	vmul.f32 v27, v26  }
0x2b4: {  	v25 =	vmul.f32 v25, v29;
	v26 =	vld [tilespmem:s14+$0xFFFFFFC0]  }
0x2b5: {  	v27 =	vld [tilespmem:s19+$0xFFFFFFC0];
	v22 =	vadd.f32 v22, v24  }
0x2b6: {  	v18 =	vadd.f32 v18, v25;
	v24 =	vmul.f32 v30, v28;
	v25 =	vld [tilespmem:s14+$0xFFFFFFD0]  }
0x2b7: {  	v28 =	vld [tilespmem:s19+$0xFFFFFFD0]  }
0x2b8: {  	v24 =	vadd.f32 v24, v18;
	v18 =	vmul.f32 v31, v23;
	v23 =	vld [tilespmem:s14+$0x40]  }
0x2b9: {  	v29 =	vld [tilespmem:s19+$0x40]  }
0x2ba: {  	v30 =	vadd.f32 v18, v17;
	v17 =	vmul.f32 v27, v26;
	v26 =	vld [tilespmem:s14+$0x50]  }
0x2bb: {  	v27 =	vld [tilespmem:s19+$0x50]  }
0x2bc: {  	v31 =	vld [tilespmem:s14+$0xFFFFFF60];
	v17 =	vadd.f32 v17, v19;
	v18 =	vmul.f32 v28, v25  }
0x2bd: {  	v25 =	vld [tilespmem:s19+$0xFFFFFF60]  }
0x2be: {  	v28 =	vld [tilespmem:s14+$0xFFFFFF70];
	v18 =	vadd.f32 v18, v20;
	v19 =	vmul.f32 v29, v23  }
0x2bf: {  	v23 =	vld [tilespmem:s19+$0xFFFFFF70]  }
0x2c0: {  	v32 =	vld [tilespmem:s14+$0xFFFFFFE0];
	v19 =	vadd.f32 v19, v21;
	v20 =	vmul.f32 v27, v26  }
0x2c1: {  	v26 =	vld [tilespmem:s19+$0xFFFFFFE0]  }
0x2c2: {  	v25 =	vmul.f32 v25, v31;
	v21 =	vld [tilespmem:s14+$0xFFFFFFF0];
	v20 =	vadd.f32 v20, v22  }
.Ltmp8:
0x2c3: {  	v22 =	vld [tilespmem:s19+$0xFFFFFFF0];
	(pc) =	sbr.rel @p0 .LBB2_18-.Ltmp8, $4  }
0x2c4: {  	v27 =	vadd.f32 v25, v24;
	v25 =	vmul.f32 v23, v28;
	v23 =	vld [tilespmem:s14+$0x60]  }
0x2c5: {  	v24 =	vld [tilespmem:s19+$0x60]  }
0x2c6: {  	v29 =	vadd.f32 v25, v30;
	v28 =	vmul.f32 v26, v32;
	v25 =	vld [tilespmem:s14+$0x70]  }
0x2c7: {  	s14 =	sadd.s32 $0x200, s14;
	v26 =	vld [tilespmem:s19+$0x70]  }
0x2c8: {  	_ =	sdelay $0x2  }
0x2c9: {  	v21 =	vmul.f32 v22, v21  }
0x2ca: {  	v45 =	vadd.f32 v29, v27;
	v23 =	vmul.f32 v24, v23;
	v46 =	vmul.f32 v26, v25  }
0x2cb: {  	v17 =	vadd.f32 v28, v17;
	v47 =	vor.u32 s12, v0;
	v18 =	vadd.f32 v21, v18  }
0x2cc: {  	v21 =	vand.u32 v1, v47;
	v19 =	vadd.f32 v23, v19;
	v20 =	vadd.f32 v46, v20  }
0x2cd: {  	v17 =	vadd.f32 v18, v17;
	v18 =	vor.u32 s12, v2  }
0x2ce: {  	v48 =	vor.u32 s12, v3;
	[tilespmem:s17+$0x0] =	vst v45;
	v19 =	vadd.f32 v20, v19  }
0x2cf: {  	[tilespmem:s16+$0x0] =	vst v17;
	v17 =	vor.u32 s12, v4  }
0x2d0: {  	v49 =	vor.u32 s12, v6;
	[tilespmem:s0+$0x0] =	vst v19  }
0x2d1: {  	v19 =	vor.u32 s12, v5;
	v21 =	vld.idx.msk [tilespmem:v21+s26+$0x0], $0xffff  }
0x2d2: {  	v50 =	vor.u32 s12, v7;
	v18 =	vld.idx.msk [tilespmem:v18+s26+$0x0], $0xffff  }
0x2d3: {  	v51 =	vor.u32 s12, v8;
	v20 =	vld.idx.msk [tilespmem:v48+s26+$0x0], $0xffff  }
0x2d4: {  	v53 =	vor.u32 s12, v10;
	v17 =	vld.idx.msk [tilespmem:v17+s26+$0x0], $0xffff  }
0x2d5: {  	v52 =	vor.u32 s12, v9;
	v22 =	vld.idx.msk [tilespmem:v49+s26+$0x0], $0xffff  }
0x2d6: {  	v54 =	vor.u32 s12, v11;
	v19 =	vld.idx.msk [tilespmem:v19+s26+$0x0], $0xffff  }
0x2d7: {  	v55 =	vor.u32 s12, v12;
	v23 =	vld.idx.msk [tilespmem:v50+s26+$0x0], $0xffff  }
0x2d8: {  	v56 =	vor.u32 s12, v13;
	v24 =	vld.idx.msk [tilespmem:v51+s26+$0x0], $0xffff  }
0x2d9: {  	v57 =	vor.u32 s12, v14;
	v58 =	vld.idx.msk [tilespmem:v53+s26+$0x0], $0xffff;
	v20 =	vadd.f32 v20, v21;
	v17 =	vadd.f32 v17, v18  }
0x2da: {  	v61 =	vor.u32 s12, v16;
	v18 =	vld.idx.msk [tilespmem:v52+s26+$0x0], $0xffff  }
0x2db: {  	v59 =	vor.u32 s12, v15;
	v60 =	vld.idx.msk [tilespmem:v54+s26+$0x0], $0xffff;
	v17 =	vadd.f32 v22, v17;
	v19 =	vadd.f32 v19, v20  }
0x2dc: {  	v62 =	vld.idx.msk [tilespmem:v55+s26+$0x0], $0xffff  }
0x2dd: {  	v63 =	vld.idx.msk [tilespmem:v56+s26+$0x0], $0xffff;
	v17 =	vadd.f32 v24, v17;
	v19 =	vadd.f32 v23, v19  }
0x2de: {  	v21 =	vld.idx.msk [tilespmem:v57+s26+$0x0], $0xffff  }
0x2df: {  	v22 =	vld.idx.msk [tilespmem:v61+s26+$0x0], $0xffff;
	v17 =	vadd.f32 v58, v17;
	v18 =	vadd.f32 v18, v19  }
0x2e0: {  	v19 =	vld.idx.msk [tilespmem:v59+s26+$0x0], $0xffff  }
0x2e1: {  	v17 =	vadd.f32 v62, v17;
	v18 =	vadd.f32 v60, v18;
	_ =	sdelay $0x1  }
0x2e2: {  	s30 =	sshll.u32 s11, $0x4;
	s11 =	sadd.s32 $0x1, s11;
	v17 =	vadd.f32 v21, v17;
	v18 =	vadd.f32 v63, v18  }
0x2e3: {  	p0 =	sne.s32 s11, $0x8  }
.Ltmp9:
0x2e4: {  	v17 =	vadd.f32 v22, v17;
	v18 =	vadd.f32 v19, v18;
	(pc) =	sbr.rel @p0 .LBB2_17-.Ltmp9, $4  }
0x2e5: {  	_ = 	snop  }
0x2e6: {  	v17 =	vadd.f32 v17, v18  }
0x2e7: {  	s0 =	sand.u32 $0x3FFFFFF0, s30  }
0x2e8: {  	s6 =	sadd.s32 $0x800, s6;
	s10 =	sadd.s32 $0x800, s10;
	[tilespmem:s0+$0x1D000] =	vst v17  }
0x2e9: {  	s5 =	simm.s32 $0x0;
	s0 =	rddreg [dreg:$0x4];
	s1 =	simm.s32 $0x1D000  }
0x2ea: {  	[hbm4b:s0+s5] =	stream.linear.scatter [tilespmem:s1], [sflag:$0x4], $0x80, $0x38;
	[tilespmem:$0x1D980] =	vst v63  }
0x2eb: {  	_ =	swait.ge [sflag:s29], $0x4000  }
0x2ec: {  	[sflag:s29] =	ssyncset.done $0x0  }
0x2ed: {  	[sflag:s29] =	ssyncadd.s32 $0xFFFFC000  }
0x2ee: {  	_ =	swait.ge [sflag:s29], $0x4000  }
0x2ef: {  	[sflag:s29] =	ssyncset.done $0x0  }
0x2f0: {  	s30 =	simm.s32 $0x5;
	[sflag:s29] =	ssyncadd.s32 $0xFFFFC000  }
0x2f1: {  	_ =	swait.ge [sflag:s30], $0x80  }
0x2f2: {  	s6 =	simm.s32 $0x11100;
	[sflag:s30] =	ssyncset.done $0x0  }
0x2f3: {  	s10 =	simm.s32 $0xD100;
	s11 =	simm.s32 $0x0;
	[sflag:s30] =	ssyncadd.s32 $0xFFFFFF80  }
.LBB2_21:
0x2f4: {  	v17 =	vld [tilespmem:s10+$0xE0]  }
0x2f5: {  	v18 =	vld [tilespmem:s6+$0xE0]  }
0x2f6: {  	v19 =	vld [tilespmem:s10+$0xC0]  }
0x2f7: {  	v20 =	vld [tilespmem:s6+$0xC0]  }
0x2f8: {  	v21 =	vld [tilespmem:s10+$0x80]  }
0x2f9: {  	v22 =	vld [tilespmem:s6+$0x80]  }
0x2fa: {  	v23 =	vld [tilespmem:s10+$0x90]  }
0x2fb: {  	v24 =	vld [tilespmem:s6+$0x90]  }
0x2fc: {  	v25 =	vld [tilespmem:s10+$0xA0]  }
0x2fd: {  	v26 =	vld [tilespmem:s6+$0xA0]  }
0x2fe: {  	v27 =	vld [tilespmem:s10+$0xB0]  }
0x2ff: {  	v28 =	vld [tilespmem:s6+$0xB0]  }
0x300: {  	v29 =	vld [tilespmem:s10+$0xD0]  }
0x301: {  	v30 =	vld [tilespmem:s6+$0xD0]  }
0x302: {  	v31 =	vld [tilespmem:s10+$0xF0]  }
0x303: {  	v32 =	vld [tilespmem:s6+$0xF0]  }
0x304: {  	v33 =	vld [tilespmem:s6+$0xFFFFFF00]  }
0x305: {  	v34 =	vld [tilespmem:s10+$0xFFFFFF10]  }
0x306: {  	v35 =	vld [tilespmem:s6+$0xFFFFFF10]  }
0x307: {  	v36 =	vld [tilespmem:s10+$0xFFFFFF20]  }
0x308: {  	v37 =	vld [tilespmem:s6+$0xFFFFFF20]  }
0x309: {  	v38 =	vld [tilespmem:s10+$0xFFFFFF30]  }
0x30a: {  	v39 =	vld [tilespmem:s6+$0xFFFFFF30]  }
0x30b: {  	v40 =	vld [tilespmem:s10+$0xFFFFFF80]  }
0x30c: {  	v41 =	vld [tilespmem:s6+$0xFFFFFF80]  }
0x30d: {  	v42 =	vld [tilespmem:s10+$0xFFFFFF90]  }
0x30e: {  	v43 =	vld [tilespmem:s6+$0xFFFFFF90]  }
0x30f: {  	v44 =	vld [tilespmem:s10+$0xFFFFFFA0]  }
0x310: {  	v45 =	vld [tilespmem:s6+$0xFFFFFFA0]  }
0x311: {  	v46 =	vld [tilespmem:s10+$0xFFFFFFB0]  }
0x312: {  	v47 =	vld [tilespmem:s6+$0xFFFFFFB0]  }
0x313: {  	v48 =	vld [tilespmem:s10+$0x0]  }
0x314: {  	v49 =	vld [tilespmem:s6+$0x0]  }
0x315: {  	v50 =	vld [tilespmem:s10+$0x10]  }
0x316: {  	v51 =	vld [tilespmem:s6+$0x10]  }
0x317: {  	v52 =	vld [tilespmem:s10+$0x20]  }
0x318: {  	v53 =	vld [tilespmem:s6+$0x20]  }
0x319: {  	v54 =	vld [tilespmem:s10+$0x30]  }
0x31a: {  	v55 =	vld [tilespmem:s6+$0x30]  }
0x31b: {  	v56 =	vld [tilespmem:s10+$0xFFFFFF00]  }
0x31c: {  	v57 =	vld [tilespmem:s10+$0xFFFFFF40]  }
0x31d: {  	v58 =	vld [tilespmem:s6+$0xFFFFFF40]  }
0x31e: {  	v59 =	vld [tilespmem:s10+$0xFFFFFF50]  }
0x31f: {  	v60 =	vld [tilespmem:s6+$0xFFFFFF50]  }
0x320: {  	v21 =	vmul.f32 v22, v21;
	v22 =	vmul.f32 v26, v25;
	v25 =	vld [tilespmem:s10+$0xFFFFFFC0]  }
0x321: {  	v23 =	vmul.f32 v24, v23;
	v24 =	vmul.f32 v28, v27;
	v26 =	vld [tilespmem:s6+$0xFFFFFFC0]  }
0x322: {  	v19 =	vmul.f32 v20, v19;
	v28 =	vld [tilespmem:s6+$0x50];
	v48 =	vmul.f32 v49, v48  }
0x323: {  	v49 =	vld [tilespmem:s10+$0xFFFFFF70];
	v20 =	vadd.f32 v22, v21;
	v21 =	vadd.f32 v24, v23;
	v23 =	vmul.f32 v30, v29  }
0x324: {  	v17 =	vmul.f32 v18, v17;
	v22 =	vld [tilespmem:s10+$0xFFFFFFD0]  }
0x325: {  	v24 =	vld [tilespmem:s6+$0xFFFFFFD0];
	v18 =	vadd.f32 v19, v20;
	v20 =	vadd.f32 v23, v21;
	v21 =	vmul.f32 v32, v31  }
0x326: {  	v27 =	vmul.f32 v37, v36;
	v33 =	vmul.f32 v33, v56;
	v19 =	vld [tilespmem:s10+$0x40]  }
0x327: {  	v61 =	vmul.f32 v58, v57;
	v23 =	vld [tilespmem:s6+$0x40];
	v17 =	vadd.f32 v17, v18;
	v20 =	vadd.f32 v21, v20  }
0x328: {  	v29 =	vmul.f32 v39, v38;
	v31 =	vld [tilespmem:s10+$0xFFFFFF60];
	v21 =	vmul.f32 v35, v34  }
0x329: {  	v30 =	vmul.f32 v41, v40;
	v18 =	vld [tilespmem:s10+$0x50];
	v32 =	vadd.f32 v20, v17;
	v20 =	vmul.f32 v45, v44  }
0x32a: {  	v17 =	vmul.f32 v43, v42;
	v45 =	vld [tilespmem:s6+$0xFFFFFF60];
	v29 =	vadd.f32 v29, v21;
	v21 =	vmul.f32 v47, v46  }
0x32b: {  	s12 =	sshll.u32 s11, $0x8;
	s13 =	simm.s32 $0x0;
	v62 =	vmul.f32 v60, v59;
	v20 =	vadd.f32 v20, v30;
	v30 =	vmul.f32 v51, v50;
	v50 =	vld [tilespmem:s6+$0xFFFFFF70]  }
0x32c: {  	s30 =	simm.s32 $0x10;
	s14 =	simm.s32 $0x20;
	s16 =	simm.s32 $0x30;
	v63 =	vld [tilespmem:s6+$0xFFFFFFE0];
	v24 =	vmul.f32 v24, v22;
	v51 =	vadd.f32 v21, v17;
	v17 =	vmul.f32 v53, v52  }
0x32d: {  	s20 =	sand.u32 $0x80, s5;
	s21 =	sand.u32 $0x40, s5;
	s0 =	sand.u32 $0x3FFFFF00, s12;
	v56 =	vld [tilespmem:s10+$0xFFFFFFE0];
	v27 =	vadd.f32 v27, v33;
	v19 =	vmul.f32 v23, v19;
	v21 =	vmul.f32 v55, v54  }
0x32e: {  	s17 =	sand.u32 $0x80, s30;
	s18 =	sand.u32 $0x80, s14;
	s19 =	sand.u32 $0x80, s16;
	v22 =	vld [tilespmem:s6+$0xFFFFFFF0];
	v29 =	vadd.f32 v62, v29;
	v35 =	vadd.f32 v17, v48;
	v17 =	vmul.f32 v26, v25  }
0x32f: {  	s16 =	sand.u32 $0x70, s16;
	s14 =	sand.u32 $0x60, s14;
	s1 =	sadd.s32 $0x1D180, s0;
	v30 =	vadd.f32 v21, v30;
	v21 =	vld [tilespmem:s10+$0xFFFFFFF0];
	v26 =	vadd.f32 v61, v27;
	v27 =	vmul.f32 v45, v31  }
0x330: {  	s0 =	sand.u32 $0x50, s30;
	s19 =	sadd.s32 s19, s1;
	s17 =	sadd.s32 s17, s1;
	v23 =	vld [tilespmem:s10+$0x60];
	v17 =	vadd.f32 v17, v20;
	v20 =	vmul.f32 v28, v18;
	v28 =	vmul.f32 v50, v49  }
0x331: {  	s18 =	sadd.s32 s18, s1;
	s20 =	sadd.s32 s20, s1;
	s19 =	sadd.s32 s16, s19;
	v18 =	vadd.f32 v24, v51;
	v24 =	vld [tilespmem:s6+$0x60]  }
0x332: {  	s16 =	sadd.s32 s0, s17;
	s0 =	sadd.s32 s14, s18;
	s17 =	sadd.s32 s21, s20;
	v25 =	vld [tilespmem:s10+$0x70];
	v27 =	vadd.f32 v27, v26;
	v29 =	vadd.f32 v28, v29;
	v28 =	vmul.f32 v63, v56  }
0x333: {  	s14 =	sadd.s32 $0x200, s10;
	s21 =	simm.s32 $0x0;
	[tilespmem:s19+$0x0] =	vst v32;
	s19 =	smov.u32 s6;
	v19 =	vadd.f32 v19, v35;
	v26 =	vld [tilespmem:s6+$0x70];
	v20 =	vadd.f32 v20, v30  }
.LBB2_22:
0x334: {  	v30 =	vld [tilespmem:s14+$0xE0];
	v27 =	vadd.f32 v29, v27;
	v17 =	vadd.f32 v28, v17;
	v21 =	vmul.f32 v22, v21;
	s19 =	sadd.s32 $0x200, s19  }
0x335: {  	v22 =	vld [tilespmem:s19+$0xE0]  }
0x336: {  	v28 =	vld [tilespmem:s14+$0xC0];
	[tilespmem:s17+$0x0] =	vst v27;
	v18 =	vadd.f32 v21, v18;
	v21 =	vmul.f32 v24, v23  }
0x337: {  	v23 =	vld [tilespmem:s19+$0xC0]  }
0x338: {  	v24 =	vld [tilespmem:s14+$0x80];
	v17 =	vadd.f32 v18, v17;
	v18 =	vadd.f32 v21, v19;
	v19 =	vmul.f32 v26, v25  }
0x339: {  	v21 =	vld [tilespmem:s19+$0x80]  }
0x33a: {  	v25 =	vld [tilespmem:s14+$0x90];
	[tilespmem:s16+$0x0] =	vst v17;
	v17 =	vadd.f32 v19, v20  }
0x33b: {  	v19 =	vld [tilespmem:s19+$0x90]  }
0x33c: {  	v20 =	vld [tilespmem:s14+$0xA0];
	v17 =	vadd.f32 v17, v18  }
0x33d: {  	v18 =	vld [tilespmem:s19+$0xA0]  }
0x33e: {  	v26 =	vld [tilespmem:s14+$0xB0];
	[tilespmem:s0+$0x0] =	vst v17  }
0x33f: {  	s13 =	sadd.s32 $0x4, s13;
	v17 =	vld [tilespmem:s19+$0xB0]  }
0x340: {  	p0 =	slt.u32 s13, $0xC;
	v27 =	vld [tilespmem:s14+$0xD0]  }
0x341: {  	v29 =	vld [tilespmem:s19+$0xD0]  }
0x342: {  	v31 =	vld [tilespmem:s14+$0xF0]  }
0x343: {  	v21 =	vmul.f32 v21, v24;
	v19 =	vmul.f32 v19, v25;
	v24 =	vld [tilespmem:s19+$0xF0]  }
0x344: {  	v18 =	vmul.f32 v18, v20;
	v25 =	vld [tilespmem:s19+$0xFFFFFF00];
	v17 =	vmul.f32 v17, v26  }
0x345: {  	v23 =	vmul.f32 v23, v28;
	v20 =	vld [tilespmem:s14+$0xFFFFFF10]  }
0x346: {  	v18 =	vadd.f32 v18, v21;
	v26 =	vld [tilespmem:s19+$0xFFFFFF10];
	v17 =	vadd.f32 v17, v19;
	v19 =	vmul.f32 v29, v27  }
0x347: {  	v22 =	vmul.f32 v22, v30;
	v21 =	vld [tilespmem:s14+$0xFFFFFF20]  }
0x348: {  	v18 =	vadd.f32 v23, v18;
	v27 =	vld [tilespmem:s19+$0xFFFFFF20];
	v17 =	vadd.f32 v19, v17;
	v19 =	vmul.f32 v24, v31  }
0x349: {  	s21 =	sadd.s32 $0x40, s21;
	v23 =	vld [tilespmem:s14+$0xFFFFFF30]  }
0x34a: {  	s17 =	sadd.s32 $0x30, s21;
	s16 =	sadd.s32 $0x20, s21;
	s0 =	sadd.s32 $0x10, s21;
	v18 =	vadd.f32 v22, v18;
	v24 =	vld [tilespmem:s19+$0xFFFFFF30];
	v17 =	vadd.f32 v19, v17  }
0x34b: {  	s22 =	sand.u32 $0x80, s17;
	s20 =	sand.u32 $0x80, s16;
	s18 =	sand.u32 $0x80, s0;
	v19 =	vmul.f32 v26, v20;
	v20 =	vld [tilespmem:s14+$0xFFFFFF80]  }
0x34c: {  	s23 =	sand.u32 $0x80, s21;
	s17 =	sand.u32 $0x70, s17;
	s22 =	sadd.s32 s22, s1;
	v22 =	vld [tilespmem:s19+$0xFFFFFF80];
	v17 =	vadd.f32 v17, v18  }
0x34d: {  	s17 =	sadd.s32 s17, s22;
	s20 =	sadd.s32 s20, s1;
	s18 =	sadd.s32 s18, s1;
	v18 =	vmul.f32 v27, v21;
	v21 =	vld [tilespmem:s14+$0xFFFFFF90]  }
0x34e: {  	s22 =	sadd.s32 s23, s1;
	s23 =	sand.u32 $0x60, s16;
	s0 =	sand.u32 $0x50, s0;
	v26 =	vld [tilespmem:s19+$0xFFFFFF90];
	[tilespmem:s17+$0x0] =	vst v17  }
0x34f: {  	s16 =	sadd.s32 s0, s18;
	s0 =	sadd.s32 s23, s20;
	s17 =	sand.u32 $0x40, s21;
	v17 =	vmul.f32 v24, v23;
	v23 =	vld [tilespmem:s14+$0xFFFFFFA0]  }
0x350: {  	s17 =	sadd.s32 s17, s22;
	v24 =	vld [tilespmem:s19+$0xFFFFFFA0]  }
0x351: {  	v17 =	vadd.f32 v17, v19;
	v19 =	vmul.f32 v22, v20;
	v20 =	vld [tilespmem:s14+$0xFFFFFFB0]  }
0x352: {  	v22 =	vld [tilespmem:s19+$0xFFFFFFB0]  }
0x353: {  	v21 =	vmul.f32 v26, v21;
	v26 =	vld [tilespmem:s14+$0x0]  }
0x354: {  	v27 =	vld [tilespmem:s19+$0x0]  }
0x355: {  	v23 =	vmul.f32 v24, v23;
	v24 =	vld [tilespmem:s14+$0x10]  }
0x356: {  	v28 =	vld [tilespmem:s19+$0x10]  }
0x357: {  	v19 =	vadd.f32 v23, v19;
	v20 =	vmul.f32 v22, v20;
	v22 =	vld [tilespmem:s14+$0x20]  }
0x358: {  	v23 =	vld [tilespmem:s19+$0x20]  }
0x359: {  	v20 =	vadd.f32 v20, v21;
	v21 =	vmul.f32 v27, v26;
	v26 =	vld [tilespmem:s14+$0x30]  }
0x35a: {  	v27 =	vld [tilespmem:s19+$0x30]  }
0x35b: {  	v29 =	vld [tilespmem:s14+$0xFFFFFF00];
	v24 =	vmul.f32 v28, v24  }
0x35c: {  	v28 =	vld [tilespmem:s14+$0xFFFFFF40]  }
0x35d: {  	v30 =	vld [tilespmem:s19+$0xFFFFFF40];
	v22 =	vmul.f32 v23, v22  }
0x35e: {  	v23 =	vld [tilespmem:s14+$0xFFFFFF50]  }
0x35f: {  	v31 =	vld [tilespmem:s19+$0xFFFFFF50];
	v21 =	vadd.f32 v22, v21;
	v22 =	vmul.f32 v27, v26  }
0x360: {  	v25 =	vmul.f32 v25, v29;
	v26 =	vld [tilespmem:s14+$0xFFFFFFC0]  }
0x361: {  	v27 =	vld [tilespmem:s19+$0xFFFFFFC0];
	v22 =	vadd.f32 v22, v24  }
0x362: {  	v18 =	vadd.f32 v18, v25;
	v24 =	vmul.f32 v30, v28;
	v25 =	vld [tilespmem:s14+$0xFFFFFFD0]  }
0x363: {  	v28 =	vld [tilespmem:s19+$0xFFFFFFD0]  }
0x364: {  	v24 =	vadd.f32 v24, v18;
	v18 =	vmul.f32 v31, v23;
	v23 =	vld [tilespmem:s14+$0x40]  }
0x365: {  	v29 =	vld [tilespmem:s19+$0x40]  }
0x366: {  	v30 =	vadd.f32 v18, v17;
	v17 =	vmul.f32 v27, v26;
	v26 =	vld [tilespmem:s14+$0x50]  }
0x367: {  	v27 =	vld [tilespmem:s19+$0x50]  }
0x368: {  	v31 =	vld [tilespmem:s14+$0xFFFFFF60];
	v17 =	vadd.f32 v17, v19;
	v18 =	vmul.f32 v28, v25  }
0x369: {  	v25 =	vld [tilespmem:s19+$0xFFFFFF60]  }
0x36a: {  	v28 =	vld [tilespmem:s14+$0xFFFFFF70];
	v18 =	vadd.f32 v18, v20;
	v19 =	vmul.f32 v29, v23  }
0x36b: {  	v23 =	vld [tilespmem:s19+$0xFFFFFF70]  }
0x36c: {  	v32 =	vld [tilespmem:s14+$0xFFFFFFE0];
	v19 =	vadd.f32 v19, v21;
	v20 =	vmul.f32 v27, v26  }
0x36d: {  	v26 =	vld [tilespmem:s19+$0xFFFFFFE0]  }
0x36e: {  	v25 =	vmul.f32 v25, v31;
	v21 =	vld [tilespmem:s14+$0xFFFFFFF0];
	v20 =	vadd.f32 v20, v22  }
.Ltmp10:
0x36f: {  	v22 =	vld [tilespmem:s19+$0xFFFFFFF0];
	(pc) =	sbr.rel @p0 .LBB2_22-.Ltmp10, $4  }
0x370: {  	v27 =	vadd.f32 v25, v24;
	v25 =	vmul.f32 v23, v28;
	v23 =	vld [tilespmem:s14+$0x60]  }
0x371: {  	v24 =	vld [tilespmem:s19+$0x60]  }
0x372: {  	v29 =	vadd.f32 v25, v30;
	v28 =	vmul.f32 v26, v32;
	v25 =	vld [tilespmem:s14+$0x70]  }
0x373: {  	s14 =	sadd.s32 $0x200, s14;
	v26 =	vld [tilespmem:s19+$0x70]  }
0x374: {  	_ =	sdelay $0x2  }
0x375: {  	v21 =	vmul.f32 v22, v21  }
0x376: {  	v45 =	vadd.f32 v29, v27;
	v23 =	vmul.f32 v24, v23;
	v46 =	vmul.f32 v26, v25  }
0x377: {  	v17 =	vadd.f32 v28, v17;
	v47 =	vor.u32 s12, v0;
	v18 =	vadd.f32 v21, v18  }
0x378: {  	v21 =	vand.u32 v1, v47;
	v19 =	vadd.f32 v23, v19;
	v20 =	vadd.f32 v46, v20  }
0x379: {  	v17 =	vadd.f32 v18, v17;
	v18 =	vor.u32 s12, v2  }
0x37a: {  	v48 =	vor.u32 s12, v3;
	[tilespmem:s17+$0x0] =	vst v45;
	v19 =	vadd.f32 v20, v19  }
0x37b: {  	[tilespmem:s16+$0x0] =	vst v17;
	v17 =	vor.u32 s12, v4  }
0x37c: {  	v49 =	vor.u32 s12, v6;
	[tilespmem:s0+$0x0] =	vst v19  }
0x37d: {  	v19 =	vor.u32 s12, v5;
	v21 =	vld.idx.msk [tilespmem:v21+s26+$0x0], $0xffff  }
0x37e: {  	v50 =	vor.u32 s12, v7;
	v18 =	vld.idx.msk [tilespmem:v18+s26+$0x0], $0xffff  }
0x37f: {  	v51 =	vor.u32 s12, v8;
	v20 =	vld.idx.msk [tilespmem:v48+s26+$0x0], $0xffff  }
0x380: {  	v53 =	vor.u32 s12, v10;
	v17 =	vld.idx.msk [tilespmem:v17+s26+$0x0], $0xffff  }
0x381: {  	v52 =	vor.u32 s12, v9;
	v22 =	vld.idx.msk [tilespmem:v49+s26+$0x0], $0xffff  }
0x382: {  	v54 =	vor.u32 s12, v11;
	v19 =	vld.idx.msk [tilespmem:v19+s26+$0x0], $0xffff  }
0x383: {  	v55 =	vor.u32 s12, v12;
	v23 =	vld.idx.msk [tilespmem:v50+s26+$0x0], $0xffff  }
0x384: {  	v56 =	vor.u32 s12, v13;
	v24 =	vld.idx.msk [tilespmem:v51+s26+$0x0], $0xffff  }
0x385: {  	v57 =	vor.u32 s12, v14;
	v58 =	vld.idx.msk [tilespmem:v53+s26+$0x0], $0xffff;
	v20 =	vadd.f32 v20, v21;
	v17 =	vadd.f32 v17, v18  }
0x386: {  	v61 =	vor.u32 s12, v16;
	v18 =	vld.idx.msk [tilespmem:v52+s26+$0x0], $0xffff  }
0x387: {  	v59 =	vor.u32 s12, v15;
	v60 =	vld.idx.msk [tilespmem:v54+s26+$0x0], $0xffff;
	v17 =	vadd.f32 v22, v17;
	v19 =	vadd.f32 v19, v20  }
0x388: {  	v62 =	vld.idx.msk [tilespmem:v55+s26+$0x0], $0xffff  }
0x389: {  	v63 =	vld.idx.msk [tilespmem:v56+s26+$0x0], $0xffff;
	v17 =	vadd.f32 v24, v17;
	v19 =	vadd.f32 v23, v19  }
0x38a: {  	v21 =	vld.idx.msk [tilespmem:v57+s26+$0x0], $0xffff  }
0x38b: {  	v22 =	vld.idx.msk [tilespmem:v61+s26+$0x0], $0xffff;
	v17 =	vadd.f32 v58, v17;
	v18 =	vadd.f32 v18, v19  }
0x38c: {  	v19 =	vld.idx.msk [tilespmem:v59+s26+$0x0], $0xffff  }
0x38d: {  	v17 =	vadd.f32 v62, v17;
	v18 =	vadd.f32 v60, v18;
	_ =	sdelay $0x1  }
0x38e: {  	s30 =	sshll.u32 s11, $0x4;
	s11 =	sadd.s32 $0x1, s11;
	v17 =	vadd.f32 v21, v17;
	v18 =	vadd.f32 v63, v18  }
0x38f: {  	p0 =	sne.s32 s11, $0x8  }
.Ltmp11:
0x390: {  	v17 =	vadd.f32 v22, v17;
	v18 =	vadd.f32 v19, v18;
	(pc) =	sbr.rel @p0 .LBB2_21-.Ltmp11, $4  }
0x391: {  	_ = 	snop  }
0x392: {  	v17 =	vadd.f32 v17, v18  }
0x393: {  	s0 =	sand.u32 $0x3FFFFFF0, s30  }
0x394: {  	s6 =	sadd.s32 $0x800, s6;
	s10 =	sadd.s32 $0x800, s10;
	[tilespmem:s0+$0x1D080] =	vst v17  }
0x395: {  	s0 =	rddreg [dreg:$0x5];
	s1 =	simm.s32 $0x1D080;
	s23 =	simm.s32 $0x6  }
0x396: {  	[hbm4b:s0+s2] =	stream.linear.scatter [tilespmem:s1], [sflag:$0x5], $0x80, $0x38;
	[tilespmem:$0x1D980] =	vst v63  }
0x397: {  	_ =	swait.ge [sflag:s23], $0x80  }
0x398: {  	[sflag:s23] =	ssyncset.done $0x0  }
0x399: {  	[sflag:s23] =	ssyncadd.s32 $0xFFFFFF80  }
0x39a: {  	_ =	swait.ge [sflag:s24], $0x80  }
0x39b: {  	[sflag:s24] =	ssyncset.done $0x0  }
0x39c: {  	s28 =	simm.s32 $0x5;
	[sflag:s24] =	ssyncadd.s32 $0xFFFFFF80  }
0x39d: {  	_ =	swait.ge [sflag:s28], $0x80  }
0x39e: {  	s5 =	rddreg [dreg:$0x7]  }
0x39f: {  	s30 =	rddreg [dreg:$0x6];
	s5 =	sadd.s32 $0x1, s5  }
0x3a0: {  	p0 =	sne.s32 s5, s30  }
.Ltmp12:
0x3a1: {  	_ = 	snop;
	(pc) =	sbr.rel @p0 .LBB2_1-.Ltmp12, $3  }
0x3a2: {  	_ =	sdelay $0x1  }
0x3a3: {  	[sflag:s28] =	ssyncset.done $0x0  }
0x3a4: {  	[sflag:s28] =	ssyncadd.s32 $0xFFFFFF80  }
0x3a5: {  	_ =	sfence.sel $0x180000  }
0x3a6: {  	[bflag:$0x0] =	sbarrier.arrive $0xFFFF  }
0x3a7: {  	_ =	strace $0x90000050  }
0x3a8: {  	s0 =	stileid.u32;
	[bflag:$0x2] =	sbarrier.arrive $0xFFFF  }
0x3a9: {  	p0 =	sne.s32 s0, $0x0;
	s0 =	rddreg [dreg:$0x1]  }
0x3aa: {  	s0 =	sadd.s32 @!p0 $0x100000, s0  }
0x3ab: {  	[sflag:s0] =	ssyncadd.tile.s32 @!p0 $0x1;
	_ =	shalt  }
.Lfunc_end2:
_tile_overlayer_lowered:
.L_overlay_start_2:
0x3ac: {  	(tag) =	ssettag $0x2  }
0x3ad: {  	s0 =	rddreg [dreg:$0x0];
	s2 =	stileid.u32  }
0x3ae: {  	s1 =	rddreg [dreg:$0x1];
	p0 =	sne.s32 s2, $0x0  }
0x3af: {  	s3 =	rddreg [dreg:$0x2];
	[bflag:$0x3] =	sbarrier.arrive $0xFFFF;
	s2 =	simm.s32 @!p0 $0x1C07  }
0x3b0: {  	[timem:s3], [sflag:s2] =	dma.local @!p0 [hbm:s0], s1  }
0x3b1: {  	s0 =	simm.s32 @!p0 $0x7  }
0x3b2: {  	_ =	swait.ge @!p0 [sflag:s0], s1  }
0x3b3: {  	s1 =	ssub.s32 @!p0 $0x0, s1;
	[sflag:s0] =	ssyncset.done @!p0 $0x0  }
0x3b4: {  	[sflag:s0] =	ssyncadd.s32 @!p0 s1  }
0x3b5: {  	[bflag:$0x3] =	sbarrier.arrive $0xFFFF  }
0x3b6: {  	_ =	shalt  }

// kernel: kernel.9.cloned.1.call-start
scs
__scs_entry_jumppad:
0x0: {  	(pc) =	sbr.rel $0x88, $3  }
0x1: {  	(tag) =	ssettag $0x0;
	lr =	simm.s32 $0x1  }
0x2: {  	[smem:$0x3F9B] =	sst lr;
	_ =	strace $0xD0000000  }
0x3: {  	_ = 	snop  }
0x4: {  	_ = 	snop  }
0x5: {  	_ = 	snop  }
0x6: {  	_ = 	snop  }
0x7: {  	_ = 	snop  }
__scs_overlays_trampoline_lowered:
0x8: {  	[smem:$0x3FAA] =	sst s0  }
0x9: {  	[smem:$0x3FAB] =	sst s1  }
0xa: {  	[smem:$0x3FAC] =	sst s2  }
0xb: {  	[smem:$0x3FAD] =	sst s3  }
0xc: {  	[smem:$0x3FAE] =	sst s4  }
0xd: {  	[smem:$0x3FAF] =	sst s5  }
0xe: {  	[smem:$0x3FB0] =	sst s6  }
0xf: {  	[smem:$0x3FB1] =	sst s7  }
0x10: {  	[smem:$0x3FB2] =	sst s8  }
0x11: {  	[smem:$0x3FB3] =	sst s9;
	s0 =	simm.s32 @!p0 $0x0  }
0x12: {  	s1 =	sld [smem:$0x3F99];
	s0 =	simm.s32 @p0 $0x1  }
0x13: {  	[smem:$0x3FB4] =	sst s0;
	s0 =	simm.s32 @!p1 $0x0  }
0x14: {  	s2 =	sld [smem:$0x3F98];
	s0 =	simm.s32 @p1 $0x1  }
0x15: {  	[smem:$0x3FB5] =	sst s0;
	s0 =	simm.s32 @!p2 $0x0  }
0x16: {  	s3 =	sld [smem:$0x3FDB];
	s0 =	simm.s32 @p2 $0x1  }
0x17: {  	s4 =	simm.s32 $0x1BF5;
	[smem:$0x3FB7] =	sst s0  }
0x18: {  	s0 =	sld [smem:$0x3F9A];
	_ =	swait.ge [sflag:s4], $0x0  }
0x19: {  	s7 =	sld [smem:$0x3F9B]  }
0x1a: {  	s8 =	sadd.s32 $0xFFFFE003, lr  }
0x1b: {  	s9 =	sadd.s32 $0xFFFFFEF7, lr;
	s5 =	simm.s32 $0xFFFFFFFF;
	p2 =	slt.u32 s8, $0xFFFFF086  }
0x1c: {  	p1 =	slt.u32 s9, $0xF7A;
	s5 =	simm.s32 @!p2 $0x0  }
0x1d: {  	s5 =	simm.s32 @p1 $0x1;
	p0 =	seq.s32 s7, s2  }
0x1e: {  	s7 =	smul.u32 @!p0 $0xF7A, s2;
	p2 =	seq.s32 @!p0 s5, $0x0  }
0x1f: {  	s9 =	smul.u32 $0xF7A, s1;
	s8 =	simm.s32 @!p0 $0x1BF5;
	p2 =	por !p2, p0  }
0x20: {  	[sflag:s8] =	ssyncset.s32 @!p0 $0xFFFFF086;
	s6 =	sadd.s32 @!p0 s3, s7;
	s7 =	simm.s32 @!p0 $0x108  }
0x21: {  	s3 =	sadd.s32 s3, s9;
	s6 =	sadd.s32 @!p0 $0x88, s6;
	s7 =	simm.s32 @p2 $0x1082  }
0x22: {  	[simem:s7], [sflag:s8] =	dma.local @!p0 [hbm:s6], $0xF7A  }
0x23: {  	s9 =	sor.u32 $0xD0000000, s2;
	s6 =	simm.s32 $0x108;
	_ =	swait.ge @!p0 [sflag:s8], $0x0  }
0x24: {  	s3 =	sadd.s32 $0x88, s3;
	s6 =	simm.s32 @!p1 $0x1082;
	[sflag:s4] =	ssyncset.s32 $0xFFFFF086  }
0x25: {  	[simem:s6], [sflag:s4] =	dma.local [hbm:s3], $0xF7A  }
0x26: {  	[smem:$0x3F9B] =	sst s1;
	(tag) =	ssettag s2;
	_ =	strace s9  }
0x27: {  	s1 =	sld [smem:$0x3FAB]  }
0x28: {  	s2 =	sld [smem:$0x3FAC]  }
0x29: {  	s4 =	sld [smem:$0x3FAE]  }
0x2a: {  	p0 =	seq.s32 s5, $0x0;
	s5 =	sld [smem:$0x3FAF]  }
0x2b: {  	s6 =	sld [smem:$0x3FB0]  }
0x2c: {  	s7 =	sld [smem:$0x3FB1]  }
0x2d: {  	s3 =	simm.s32 $0x108;
	s8 =	sld [smem:$0x3FB2]  }
0x2e: {  	s3 =	simm.s32 @!p0 $0x1082;
	s9 =	sld [smem:$0x3FB3]  }
0x2f: {  	lr =	sadd.s32 s0, s3;
	s0 =	sld [smem:$0x3FAA]  }
0x30: {  	s3 =	sld [smem:$0x3FAD]  }
0x31: {  	[smem:$0x3FB6] =	sst s10  }
0x32: {  	s10 =	sld [smem:$0x3FB4];
	_ =	sdelay $0x3  }
0x33: {  	p0 =	seq.s32 s10, $0x1;
	s10 =	sld [smem:$0x3FB6];
	_ =	sdelay $0x3  }
0x34: {  	[smem:$0x3FB6] =	sst s10  }
0x35: {  	s10 =	sld [smem:$0x3FB5];
	_ =	sdelay $0x3  }
0x36: {  	p1 =	seq.s32 s10, $0x1;
	s10 =	sld [smem:$0x3FB6];
	_ =	sdelay $0x3  }
0x37: {  	[smem:$0x3FB6] =	sst s10  }
0x38: {  	s10 =	sld [smem:$0x3FB7]  }
0x39: {  	_ = 	snop;
	(pc) =	sbr.ind lr, $3  }
0x3a: {  	_ = 	snop  }
0x3b: {  	_ = 	snop  }
0x3c: {  	p2 =	seq.s32 s10, $0x1;
	s10 =	sld [smem:$0x3FB6]  }
0x3d: {  	_ =	shalt  }
0x3e: {  	_ =	shalt  }
0x3f: {  	_ =	shalt  }
0x40: {  	_ =	shalt  }
0x41: {  	_ =	shalt  }
0x42: {  	_ =	shalt  }
0x43: {  	_ =	shalt  }
0x44: {  	_ =	shalt  }
0x45: {  	_ =	shalt  }
0x46: {  	_ =	shalt  }
0x47: {  	_ =	shalt  }
0x48: {  	_ =	shalt  }
0x49: {  	_ =	shalt  }
0x4a: {  	_ =	shalt  }
0x4b: {  	_ =	shalt  }
0x4c: {  	_ =	shalt  }
0x4d: {  	_ =	shalt  }
0x4e: {  	_ =	shalt  }
0x4f: {  	_ =	shalt  }
0x50: {  	_ =	shalt  }
0x51: {  	_ =	shalt  }
0x52: {  	_ =	shalt  }
0x53: {  	_ =	shalt  }
0x54: {  	_ =	shalt  }
0x55: {  	_ =	shalt  }
0x56: {  	_ =	shalt  }
0x57: {  	_ =	shalt  }
0x58: {  	_ =	shalt  }
0x59: {  	_ =	shalt  }
0x5a: {  	_ =	shalt  }
0x5b: {  	_ =	shalt  }
0x5c: {  	_ =	shalt  }
0x5d: {  	_ =	shalt  }
0x5e: {  	_ =	shalt  }
0x5f: {  	_ =	shalt  }
0x60: {  	_ =	shalt  }
0x61: {  	_ =	shalt  }
0x62: {  	_ =	shalt  }
0x63: {  	_ =	shalt  }
0x64: {  	_ =	shalt  }
0x65: {  	_ =	shalt  }
0x66: {  	_ =	shalt  }
0x67: {  	_ =	shalt  }
0x68: {  	_ =	shalt  }
0x69: {  	_ =	shalt  }
0x6a: {  	_ =	shalt  }
0x6b: {  	_ =	shalt  }
0x6c: {  	_ =	shalt  }
0x6d: {  	_ =	shalt  }
0x6e: {  	_ =	shalt  }
0x6f: {  	_ =	shalt  }
0x70: {  	_ =	shalt  }
0x71: {  	_ =	shalt  }
0x72: {  	_ =	shalt  }
0x73: {  	_ =	shalt  }
0x74: {  	_ =	shalt  }
0x75: {  	_ =	shalt  }
0x76: {  	_ =	shalt  }
0x77: {  	_ =	shalt  }
0x78: {  	_ =	shalt  }
0x79: {  	_ =	shalt  }
0x7a: {  	_ =	shalt  }
0x7b: {  	_ =	shalt  }
0x7c: {  	_ =	shalt  }
0x7d: {  	_ =	shalt  }
0x7e: {  	_ =	shalt  }
0x7f: {  	_ =	shalt  }
0x80: {  	_ =	shalt  }
0x81: {  	_ =	shalt  }
0x82: {  	_ =	shalt  }
0x83: {  	_ =	shalt  }
0x84: {  	_ =	shalt  }
0x85: {  	_ =	shalt  }
0x86: {  	_ =	shalt  }
0x87: {  	_ =	shalt  }
.Lfunc_end0:
.L_simem_size_0:
called_computation_lowered:
.L_overlay_start_0:
0x88: {  	s2 =	sld [smem:$0x3FD9]  }
0x89: {  	s3 =	sld [smem:$0x3FFE];
	_ =	sdelay $0x1  }
0x8a: {  	s1 =	srdreg.scid  }
0x8b: {  	s0 =	sand.u32 $0x1, s1  }
0x8c: {  	s17 =	sshll.u32 s0, $0xA;
	s2 =	sadd.s32 s3, s2  }
0x8d: {  	s2 =	sadd.s32 s2, s17  }
0x8e: {  	[smem:$0x3FC2] =	sst s2  }
0x8f: {  	_ = 	snop  }
0x90: {  	s2 =	sld [smem:$0x3FD0];
	(tm) =	ssettm $0x1  }
0x91: {  	s18 =	sld [smem:$0x3FFB];
	_ =	sdelay $0x3  }
0x92: {  	_ =	strace s18  }
0x93: {  	s3 =	sld [smem:$0x3FFC];
	_ =	sdelay $0x3  }
0x94: {  	_ =	strace s3  }
0x95: {  	s3 =	sld [smem:$0x3FFD];
	_ =	sdelay $0x3  }
0x96: {  	_ =	strace s3  }
0x97: {  	_ =	strace $0x8FFFFFFF  }
0x98: {  	s19 =	sld [smem:$0x3FDB];
	_ =	sdelay $0x1  }
0x99: {  	s4 =	simm.s32 $_scs_section_size  }
0x9a: {  	s5 =	simm.s32 $_size__tile_overlayer_lowered;
	s6 =	simm.s32 $_tile_overlayer_lowered  }
0x9b: {  	s22 =	simm.s32 $0x1BFF;
	s21 =	sshll.u32 s6, $0x1;
	s3 =	sadd.s32 s4, s19  }
0x9c: {  	s7 =	simm.s32 $0x0;
	s20 =	sshll.u32 s5, $0x1;
	s5 =	sadd.s32 s21, s3  }
0x9d: {  	[timem:s7], [sflag:s22] =	dma.local [hbm:s5], s20  }
0x9e: {  	_ =	swait.ge [sflag:s22], s20  }
0x9f: {  	s4 =	ssub.s32 $0x0, s20;
	[sflag:s22] =	ssyncset.done $0x0  }
0xa0: {  	[sflag:s22] =	ssyncadd.s32 s4;
	_ =	sdelay $0x1  }
0xa1: {  	s23 =	simm.s32 $0x1B8B  }
0xa2: {  	_ =	swait.ge [sflag:s23], $0x1  }
0xa3: {  	[sflag:s23] =	ssyncset.done $0x0  }
0xa4: {  	s25 =	simm.s32 $0x1B8E;
	s24 =	sld [smem:$0x3FFE];
	[sflag:s23] =	ssyncadd.s32 $0xFFFFFFFF  }
0xa5: {  	s26 =	simm.s32 $execute0_lowered;
	[smem:$0x3FD2] =	sst s25  }
0xa6: {  	s5 =	sshll.u32 s26, $0x1;
	_ =	strace $0x80000046;
	[dreg:$0x1] =	wrdreg $0xFFFFFFFF  }
0xa7: {  	s28 =	simm.s32 $_size_execute0_lowered;
	s3 =	sadd.s32 s3, s5;
	[dreg:$0x0] =	wrdreg $0x0  }
0xa8: {  	s5 =	sshll.u32 s28, $0x1;
	[dreg:$0x2] =	wrdreg s3  }
0xa9: {  	[dreg:$0x3] =	wrdreg s5  }
0xaa: {  	[dreg:$0x4] =	wrdreg $0xC0  }
0xab: {  	_ =	task [dreg:s7], $0x5FFFF  }
0xac: {  	[dreg:$0x1] =	wrdreg $0xFFFFFFFF  }
0xad: {  	[dreg:$0x0] =	wrdreg $0x60  }
0xae: {  	[dreg:$0x2] =	wrdreg s24  }
0xaf: {  	[dreg:$0x3] =	wrdreg s2  }
0xb0: {  	[dreg:$0x4] =	wrdreg $0x2B000  }
0xb1: {  	[dreg:$0x5] =	wrdreg $0x9  }
0xb2: {  	_ =	task.clear_ibuf [dreg:s7], $0x6FFFF;
	_ =	strace $0x90000046  }
0xb3: {  	s29 =	simm.s32 $0x9;
	_ =	strace $0x80000048  }
0xb4: {  	_ =	swait.ge [sflag:s29], $0x1  }
0xb5: {  	[sflag:s29] =	ssyncadd.s32 $0xFFFFFFFF  }
0xb6: {  	_ =	strace $0x90000048  }
0xb7: {  	_ =	sfence  }
0xb8: {  	s30 =	sld [smem:$0x0];
	_ =	sdelay $0x2  }
0xb9: {  	s31 =	sshll.u32 s1, $0xD;
	s1 =	sshrl.u32 s1, $0x2  }
0xba: {  	s3 =	sand.u32 $0x4000, s31;
	s1 =	sadd.s32 s1, s30  }
0xbb: {  	s0 =	sor.u32 s3, s0;
	s1 =	sshll.u32 s1, $0x11  }
0xbc: {  	s0 =	sor.u32 s1, s0  }
0xbd: {  	s0 =	sadd.s32 $0x8F2B, s0  }
0xbe: {  	[sflag:s0] =	ssyncadd.remote.s32 $0x1  }
0xbf: {  	_ =	sfence.sel $0xFFFF  }
0xc0: {  	[dreg:$0x0] =	wrdreg $0xFFFFFFFF;
	(pc) =	sbr.abs _section_cstart, $3  }
0xc1: {  	[dreg:$0x1] =	wrdreg $0xFFFFFFFF  }
0xc2: {  	_ =	task.clear_ibuf [dreg:s7], $0x2FFFF;
	_ =	strace $0x9FFFFFFF  }
0xc3: {  	(tm) =	ssettm $0x7FFFFFFF  }
tec
execute0_lowered:
.L_overlay_start_1:
0x0: {  	(tag) =	ssettag $0x1  }
0x1: {  	s5 =	rddreg [dreg:$0x0]  }
0x2: {  	s6 =	rddreg [dreg:$0x1]  }
0x3: {  	s0 =	srdreg.scid;
	s2 =	rddreg [dreg:$0x2];
	s3 =	simm.s32 $0x0  }
0x4: {  	s13 =	simm.s32 $0x0;
	s4 =	sand.u32 $0x1, s0;
	s0 =	stileid.u32  }
0x5: {  	[smem:$0x7FF] =	sst s3;
	s1 =	sshll.u32 s4, $0x4;
	s8 =	smul.u32 $0x280, s0  }
0x6: {  	s9 =	ssub.s32 $0x2, s4;
	s4 =	smul.u32 $0x2800, s4;
	s11 =	sshll.u32 s0, $0x6  }
0x7: {  	s1 =	sor.u32 s0, s1;
	s10 =	sshrl.u32 s9, $0x1;
	s11 =	sor.u32 $0x1C01, s11  }
0x8: {  	s7 =	smul.u32 $0x500, s1;
	s1 =	rddreg [dreg:$0x3];
	_ =	strace $0x80000047  }
0x9: {  	s29 =	ssub.s32 s9, s10;
	s30 =	sadd.s32 s8, s4;
	s4 =	sadd.s32 s8, s2  }
0xa: {  	s8 =	simm.s32 $0x2880;
	s9 =	simm.s32 $0x1;
	s10 =	simm.s32 $0x80  }
0xb: {  	s31 =	sshrl.u32 s30, $0x3;
	s12 =	sshrl.u32 s4, $0x3;
	s5 =	sadd.s32 s7, s5  }
0xc: {  	v0 =	vimm.f32 $1.000000000e+00;
	v1 =	vimm.f32 $0.0e+00;
	s6 =	sadd.s32 s6, s31;
	s7 =	smax.u32 s29, $0x1;
	s5 =	sadd.s32 $0xC800, s5  }
.LBB2_1:
0xd: {  	[tilespmem:$0x0] =	vst v0  }
0xe: {  	[tilespmem:$0x10] =	vst v0  }
0xf: {  	[tilespmem:$0x20] =	vst v0  }
0x10: {  	[tilespmem:$0x30] =	vst v0  }
0x11: {  	[tilespmem:$0x40] =	vst v0  }
0x12: {  	[tilespmem:$0x50] =	vst v0  }
0x13: {  	[tilespmem:$0x60] =	vst v0  }
0x14: {  	[tilespmem:$0x70] =	vst v0  }
0x15: {  	[tilespmem:$0x2880] =	vst v1  }
0x16: {  	[tilespmem:$0x2890] =	vst v1  }
0x17: {  	[tilespmem:$0x28A0] =	vst v1  }
0x18: {  	[tilespmem:$0x28B0] =	vst v1  }
0x19: {  	[tilespmem:$0x28C0] =	vst v1  }
0x1a: {  	[tilespmem:$0x28D0] =	vst v1  }
0x1b: {  	[tilespmem:$0x28E0] =	vst v1  }
0x1c: {  	[tilespmem:$0x28F0] =	vst v1  }
0x1d: {  	[tilespmem:$0x2900] =	vst v1  }
0x1e: {  	[tilespmem:$0x2910] =	vst v1  }
0x1f: {  	[tilespmem:$0x2920] =	vst v1  }
0x20: {  	[tilespmem:$0x2930] =	vst v1  }
0x21: {  	[tilespmem:$0x2940] =	vst v1  }
0x22: {  	[tilespmem:$0x2950] =	vst v1  }
0x23: {  	[tilespmem:$0x2960] =	vst v1  }
0x24: {  	[tilespmem:$0x2970] =	vst v1  }
0x25: {  	[tilespmem:$0x2980] =	vst v1  }
0x26: {  	[tilespmem:$0x2990] =	vst v1  }
0x27: {  	[tilespmem:$0x29A0] =	vst v1  }
0x28: {  	[tilespmem:$0x29B0] =	vst v1  }
0x29: {  	[tilespmem:$0x29C0] =	vst v1  }
0x2a: {  	[tilespmem:$0x29D0] =	vst v1  }
0x2b: {  	[tilespmem:$0x29E0] =	vst v1  }
0x2c: {  	[tilespmem:$0x29F0] =	vst v1  }
0x2d: {  	[tilespmem:$0x2A00] =	vst v1  }
0x2e: {  	[tilespmem:$0x2A10] =	vst v1  }
0x2f: {  	[tilespmem:$0x2A20] =	vst v1  }
0x30: {  	[tilespmem:$0x2A30] =	vst v1  }
0x31: {  	[tilespmem:$0x2A40] =	vst v1  }
0x32: {  	[tilespmem:$0x2A50] =	vst v1  }
0x33: {  	[tilespmem:$0x2A60] =	vst v1  }
0x34: {  	[tilespmem:$0x2A70] =	vst v1  }
0x35: {  	[tilespmem:$0x2A80] =	vst v1  }
0x36: {  	[tilespmem:$0x2A90] =	vst v1  }
0x37: {  	[tilespmem:$0x2AA0] =	vst v1  }
0x38: {  	[tilespmem:$0x2AB0] =	vst v1  }
0x39: {  	[tilespmem:$0x2AC0] =	vst v1  }
0x3a: {  	[tilespmem:$0x2AD0] =	vst v1  }
0x3b: {  	[tilespmem:$0x2AE0] =	vst v1  }
0x3c: {  	[tilespmem:$0x2AF0] =	vst v1  }
0x3d: {  	[spmem:s4] =	stream.linear.scatter [tilespmem:s8], [sflag:$0x1], $0x280, $0x38;
	[tilespmem:$0x2D80] =	vst v63  }
0x3e: {  	_ =	swait.ge [sflag:s9], $0x280  }
0x3f: {  	[sflag:s9] =	ssyncset.done $0x0  }
0x40: {  	[sflag:s9] =	ssyncadd.s32 $0xFFFFFD80  }
0x41: {  	[tilespmem:s10], [sflag:$0x1] =	stream.linear.gather [hbm4b:s5+s3], $0x2800, $0x38;
	[tilespmem:$0x2D80] =	vst v63  }
0x42: {  	_ =	swait.ge [sflag:s9], $0x2800  }
0x43: {  	[sflag:s9] =	ssyncset.done $0x0  }
0x44: {  	[sflag:s9] =	ssyncadd.s32 $0xFFFFD800  }
0x45: {  	s14 =	simm.s32 $0x80;
	[bflag:$0x0] =	sbarrier.arrive $0xFFFF  }
0x46: {  	[spmem:s2] =	stream.indirect.scatter.add.f32 [tilespmem:s3], [sflag:$0x1], $0x1, s14, s10, $0xb8;
	[tilespmem:$0x2D80] =	vst v63  }
0x47: {  	s14 =	simm.s32 $0x200;
	_ =	swait.ge [sflag:s9], $0x80  }
.LBB2_2:
0x48: {  	s15 =	sshra.s32 s14, $0x2;
	[sflag:s9] =	ssyncset.done $0x0;
	p0 =	sne.s32 s14, $0x9E00  }
.Ltmp0:
0x49: {  	s15 =	sadd.s32 $0x80, s15;
	[sflag:s9] =	ssyncadd.s32 $0xFFFFFF80;
	(pc) =	sbr.rel @p0 .LBB2_2-.Ltmp0, $3  }
0x4a: {  	[spmem:s2] =	stream.indirect.scatter.add.f32 [tilespmem:s3], [sflag:$0x1], $0x1, s15, s10, $0xb8;
	[tilespmem:$0x2D80] =	vst v63  }
0x4b: {  	s14 =	sadd.s32 $0x200, s14;
	_ =	sdelay $0x1  }
0x4c: {  	_ =	swait.ge [sflag:s9], $0x80  }
0x4d: {  	[sflag:s9] =	ssyncset.done $0x0;
	s13 =	sadd.s32 $0x1, s13  }
0x4e: {  	[sflag:s9] =	ssyncadd.s32 $0xFFFFFF80;
	p0 =	sne.s32 s13, s7  }
.Ltmp1:
0x4f: {  	[bflag:$0x0] =	sbarrier.arrive $0xFFFF;
	(pc) =	sbr.rel @p0 .LBB2_1-.Ltmp1, $4  }
0x50: {  	[hbm:s6], [sflag:s11] =	dma.local [spmem:s12], $0x50  }
0x51: {  	_ =	swait.ge [sflag:s9], $0x50  }
0x52: {  	[sflag:s9] =	ssyncset.done $0x0  }
0x53: {  	[sflag:s9] =	ssyncadd.s32 $0xFFFFFFB0  }
0x54: {  	_ =	sfence.sel $0x180000  }
0x55: {  	[bflag:$0x0] =	sbarrier.arrive $0xFFFF  }
0x56: {  	p0 =	sne.s32 s0, $0x0;
	_ =	strace $0x90000047  }
0x57: {  	s0 =	sadd.s32 @!p0 $0x100000, s1;
	[bflag:$0x2] =	sbarrier.arrive $0xFFFF  }
0x58: {  	[sflag:s0] =	ssyncadd.tile.s32 @!p0 $0x1;
	_ =	shalt  }
.Lfunc_end2:
_tile_overlayer_lowered:
.L_overlay_start_2:
0x59: {  	(tag) =	ssettag $0x2  }
0x5a: {  	s0 =	rddreg [dreg:$0x0];
	s2 =	stileid.u32  }
0x5b: {  	s1 =	rddreg [dreg:$0x1];
	p0 =	sne.s32 s2, $0x0  }
0x5c: {  	s3 =	rddreg [dreg:$0x2];
	[bflag:$0x3] =	sbarrier.arrive $0xFFFF;
	s2 =	simm.s32 @!p0 $0x1C01  }
0x5d: {  	[timem:s3], [sflag:s2] =	dma.local @!p0 [hbm:s0], s1  }
0x5e: {  	s0 =	simm.s32 @!p0 $0x1  }
0x5f: {  	_ =	swait.ge @!p0 [sflag:s0], s1  }
0x60: {  	s1 =	ssub.s32 @!p0 $0x0, s1;
	[sflag:s0] =	ssyncset.done @!p0 $0x0  }
0x61: {  	[sflag:s0] =	ssyncadd.s32 @!p0 s1  }
0x62: {  	[bflag:$0x3] =	sbarrier.arrive $0xFFFF  }
0x63: {  	_ =	shalt  }

</sc_bundles>
